<compile_context>
chip_gen: v7x
topology: tpu7x:2x2x1
jax: 0.10.2.dev20260603
libtpu: 0.0.44.dev20260713+nightly
codegen_flags: <defaults>
</compile_context>

<pallas_src>
import functools

import jax
import jax.numpy as jnp
from jax import lax
from jax.experimental import pallas as pl
from jax.experimental.pallas import tpu as pltpu
from jax.experimental.pallas import tpu_sc as plsc

_B, _N, _C = 4, 16384, 4
_G = 256
_K = 256
_GS = 64
_R = 128
_NV = _N // 16
_NBUCKET = 1024
_BCAP = 2048
_BIGI = 2**24
_BIGF = float(2**24)


def _fps_body(x_ref, y_ref, z_ref, len_ref, ctr_ref, d_ref, dists_ref, cur_ref):
    t = pl.program_id(0)
    x = x_ref[...]
    y = y_ref[...]
    z = z_ref[...]
    lenv = len_ref[...]
    length = lenv[:, 0:1, None]
    row = lax.broadcasted_iota(jnp.int32, (_R, _R), 0)
    col = lax.broadcasted_iota(jnp.int32, (_R, _R), 1)
    flat = (row * _R + col)[None]
    valid = flat < length
    neg = jnp.float32(-jnp.inf)
    lane = lax.broadcasted_iota(jnp.int32, (_B, 1, _R), 2)

    @pl.when(t == 0)
    def _():
        dists_ref[...] = jnp.where(valid, jnp.float32(jnp.inf), neg)
        cur_ref[...] = jnp.zeros((_B, _R), jnp.int32)

    cur = cur_ref[...][:, 0:1, None]
    curmask = flat == cur
    px = jnp.sum(jnp.where(curmask, x, 0.0), axis=(1, 2), keepdims=True)
    py = jnp.sum(jnp.where(curmask, y, 0.0), axis=(1, 2), keepdims=True)
    pz = jnp.sum(jnp.where(curmask, z, 0.0), axis=(1, 2), keepdims=True)
    ctr_ref[:, pl.ds(t, 1), :] = jnp.where(
        lane == 0, px, jnp.where(lane == 1, py, jnp.where(lane == 2, pz, 0.0)))
    dx = x - px
    dy = y - py
    dz = z - pz
    d = (dx * dx + dy * dy) + dz * dz
    d_ref[:, 0] = jnp.where(valid, d, jnp.float32(jnp.inf))
    dists = jnp.minimum(dists_ref[...], jnp.where(valid, d, neg))
    dists_ref[...] = dists
    m = jnp.max(dists, axis=(1, 2), keepdims=True)
    nxt = jnp.min(jnp.where(dists == m, flat, _BIGI), axis=(1, 2),
                  keepdims=True)
    cur_ref[...] = jnp.broadcast_to(nxt[:, :, 0], (_B, _R))


def _fps(x, y, z, len2d):
    return pl.pallas_call(
        _fps_body,
        grid=(_G,),
        in_specs=[
            pl.BlockSpec((_B, _R, _R), lambda t: (0, 0, 0)),
            pl.BlockSpec((_B, _R, _R), lambda t: (0, 0, 0)),
            pl.BlockSpec((_B, _R, _R), lambda t: (0, 0, 0)),
            pl.BlockSpec((_B, _R), lambda t: (0, 0)),
        ],
        out_specs=[
            pl.BlockSpec((_B, _G, _R), lambda t: (0, 0, 0)),
            pl.BlockSpec((_B, 1, _R, _R), lambda t: (0, t, 0, 0)),
        ],
        out_shape=[
            jax.ShapeDtypeStruct((_B, _G, _R), jnp.float32),
            jax.ShapeDtypeStruct((_B, _G, _R, _R), jnp.float32),
        ],
        scratch_shapes=[
            pltpu.VMEM((_B, _R, _R), jnp.float32),
            pltpu.VMEM((_B, _R), jnp.int32),
        ],
    )(x, y, z, len2d)


def _perm(vec, perm):
    return lax.gather(
        vec, perm[:, None],
        lax.GatherDimensionNumbers(offset_dims=(), collapsed_slice_dims=(0,),
                                   start_index_map=(0,)),
        slice_sizes=(1,),
        mode=lax.GatherScatterMode.PROMISE_IN_BOUNDS)


def _bmax(v, iota):
    for sh in (1, 2, 4, 8):
        v = jnp.maximum(v, _perm(v, jnp.bitwise_xor(iota, sh)))
    return v


def _bmin(v, iota):
    for sh in (1, 2, 4, 8):
        v = jnp.minimum(v, _perm(v, jnp.bitwise_xor(iota, sh)))
    return v


def _bsum(v, iota):
    for sh in (1, 2, 4, 8):
        v = v + _perm(v, jnp.bitwise_xor(iota, sh))
    return v


def _scalar(v):
    if v.dtype == jnp.int32:
        return jnp.max(v.astype(jnp.float32)).astype(jnp.int32)
    return jnp.max(v)


def _run_champ(e, dd, iif, iota, finf):
    fiota = iota.astype(jnp.float32)
    m = _bmax(e, iota)
    me = e == m
    dmin = _bmin(jnp.where(me, dd, finf), iota)
    m2 = jnp.logical_and(me, dd == dmin)
    imin = _bmin(jnp.where(m2, iif, jnp.float32(_BIGF)), iota)
    m3 = jnp.logical_and(m2, iif == imin)
    lane = _bmin(jnp.where(m3, fiota, jnp.float32(_BIGF)), iota)
    return m, dmin, imin, lane


def _grouping_sc(pts_t, ctr16, dmat):
    mesh = plsc.VectorSubcoreMesh(core_axis_name="c", subcore_axis_name="s")

    @functools.partial(
        pl.kernel,
        out_type=jax.ShapeDtypeStruct((_B, _G, _GS * _C), jnp.float32),
        mesh=mesh,
        compiler_params=pltpu.CompilerParams(needs_layout_passes=False),
        scratch_types=[
            pltpu.VMEM((_N,), jnp.float32),
            pltpu.VMEM((_N,), jnp.float32),
            pltpu.VMEM((_N,), jnp.float32),
            pltpu.VMEM((_N,), jnp.float32),
            pltpu.VMEM((_N,), jnp.float32),
            pltpu.VMEM((16 * _NBUCKET,), jnp.int32),
            pltpu.VMEM((_NBUCKET,), jnp.int32),
            pltpu.VMEM((_G * 16,), jnp.float32),
            pltpu.VMEM((_BCAP + 16,), jnp.float32),
            pltpu.VMEM((_BCAP + 16,), jnp.float32),
            pltpu.VMEM((_BCAP + 16,), jnp.int32),
            pltpu.VMEM((_K + 16,), jnp.int32),
            pltpu.VMEM((_K + 16,), jnp.float32),
            pltpu.VMEM((_K + 16,), jnp.float32),
            pltpu.VMEM((_K + 16,), jnp.float32),
            pltpu.VMEM((_GS,), jnp.int32),
            pltpu.VMEM((_GS * _C,), jnp.float32),
            pltpu.SemaphoreType.DMA,
            pltpu.SemaphoreType.DMA,
        ],
    )
    def k(pts_hbm, ctr_hbm, d_hbm, out_hbm,
          xs, ys, zs, es, dsv, hist, rhist, ctrv, bvo, bvw, bix,
          ci, cif, cev, cdv, tki, ob, semd, semo):
        cidx = lax.axis_index("c")
        sidx = lax.axis_index("s")
        wid = sidx * 2 + cidx
        b = wid // 8
        slot = wid - b * 8
        iota = lax.iota(jnp.int32, 16)
        finf = jnp.float32(jnp.inf)
        ninf = jnp.float32(-jnp.inf)
        ones16 = jnp.ones((16,), jnp.int32)

        pltpu.sync_copy(pts_hbm.at[b, 0], xs)
        pltpu.sync_copy(pts_hbm.at[b, 1], ys)
        pltpu.sync_copy(pts_hbm.at[b, 2], zs)
        pltpu.sync_copy(pts_hbm.at[b, 3], es)
        pltpu.sync_copy(ctr_hbm.at[b], ctrv)

        g0 = slot * 32
        pltpu.async_copy(d_hbm.at[b, g0], dsv, semd)

        def row_body(r, _):
            g = g0 + r
            pltpu.make_async_copy(d_hbm.at[b, g], dsv, semd).wait()
            crow = ctrv[pl.ds(g * 16, 16)]
            cx = jnp.max(jnp.where(iota == 0, crow, ninf))
            cy = jnp.max(jnp.where(iota == 1, crow, ninf))
            cz = jnp.max(jnp.where(iota == 2, crow, ninf))

            z16 = jnp.zeros((16,), jnp.int32)

            @plsc.parallel_loop(0, _NBUCKET // 4, unroll=4)
            def _clr(j):
                base = j * 64
                for u in range(4):
                    hist[pl.ds(base + u * 16, 16)] = z16

            @plsc.parallel_loop(0, _NV // 4, unroll=2)
            def _pass_a(i):
                for u in range(4):
                    base = i * 64 + u * 16
                    d = dsv[pl.ds(base, 16)]
                    bk = lax.shift_right_logical(plsc.bitcast(d, jnp.int32), 21)
                    plsc.addupdate_scatter(hist, [iota * _NBUCKET + bk], ones16)

            def cfind1(bb, carry):
                found, blk, prev, tot = carry
                acc = hist[pl.ds(bb * 16, 16)]
                for j in range(1, 16):
                    acc = acc + hist[pl.ds(j * _NBUCKET + bb * 16, 16)]
                rhist[pl.ds(bb * 16, 16)] = acc
                bsum = _bsum(acc, iota)
                ntot = tot + bsum
                hit = jnp.logical_and(jnp.logical_not(found), ntot >= _K)
                blk = jnp.where(hit, jnp.full((16,), bb, jnp.int32), blk)
                prev = jnp.where(hit, tot, prev)
                return (jnp.logical_or(found, hit), blk, prev, ntot)

            _, blk, prev, _ = plsc.parallel_loop(
                0, _NBUCKET // 16, unroll=2,
                carry=(jnp.zeros((16,), jnp.bool_), z16, z16, z16))(cfind1)

            acc = plsc.load_gather(rhist, [blk * 16 + iota])
            cum = plsc.cumsum(acc) + prev
            crossed = cum >= _K
            excl = cum - acc
            n_below = _bmin(jnp.where(crossed, excl.astype(jnp.float32),
                                      jnp.float32(_BIGF)), iota)
            bstar_f = _bmin(jnp.where(crossed, iota.astype(jnp.float32),
                                      jnp.float32(_BIGF)), iota)
            bstar = blk * 16 + bstar_f.astype(jnp.int32)
            m_rank = _scalar(jnp.float32(_K) - n_below)
            m_rank = m_rank.astype(jnp.int32)
            n_below_i = n_below.astype(jnp.int32)

            def pass_b(i, carry):
                off_lo, off_b = carry
                base = i * 16
                d = dsv[pl.ds(base, 16)]
                bk = lax.shift_right_logical(plsc.bitcast(d, jnp.int32), 21)
                idxv = base + iota
                mlow = bk < bstar
                pclo = plsc.cumsum(mlow.astype(jnp.int32))
                plsc.store_scatter(ci, [jnp.maximum(off_lo + pclo - 1, 0)], idxv, mask=mlow)
                off_lo = off_lo + plsc.all_reduce_population_count(mlow)
                mb = bk == bstar
                pcb = plsc.cumsum(mb.astype(jnp.int32))
                addr_b = jnp.clip(off_b + pcb - 1, 0, _BCAP + 15)
                plsc.store_scatter(bvo, [addr_b], d, mask=mb)
                plsc.store_scatter(bix, [addr_b], idxv, mask=mb)
                off_b = jnp.minimum(
                    off_b + plsc.all_reduce_population_count(mb), _BCAP)
                return off_lo, off_b

            _, off_b_v = plsc.parallel_loop(
                0, _NV, unroll=2, carry=(z16, z16))(pass_b)
            off_b = _scalar(off_b_v)
            nbv = (off_b + 15) // 16
            off_lo_s = _scalar(n_below_i)

            def wcopy(j, _):
                lanem = (j * 16 + iota) < off_b
                bvw[pl.ds(j * 16, 16)] = jnp.where(
                    lanem, bvo[pl.ds(j * 16, 16)], finf)
                return 0

            plsc.parallel_loop(0, nbv, carry=jnp.int32(0))(wcopy)

            def wcond(c):
                return c[0] < m_rank

            def wstep(c):
                kacc, _ = c

                def mstep(j, mv):
                    return jnp.minimum(mv, bvw[pl.ds(j * 16, 16)])

                v = _bmin(lax.fori_loop(0, nbv, mstep,
                                        jnp.full((16,), finf)), iota)

                def cstep(j, cnt):
                    w = bvw[pl.ds(j * 16, 16)]
                    mm = w == v
                    bvw[pl.ds(j * 16, 16)] = jnp.where(mm, finf, w)
                    return cnt + plsc.all_reduce_population_count(mm)

                cnt = lax.fori_loop(0, nbv, cstep, z16)
                return kacc + _scalar(cnt), jnp.max(v)

            _, tthr = lax.while_loop(wcond, wstep,
                                     (jnp.int32(0), jnp.float32(0.0)))

            def app1(j, off):
                lanem = (j * 16 + iota) < off_b
                v = jnp.where(lanem, bvo[pl.ds(j * 16, 16)], finf)
                m = v < tthr
                pc = plsc.cumsum(m.astype(jnp.int32))
                plsc.store_scatter(ci, [jnp.maximum(off + pc - 1, 0)],
                                   bix[pl.ds(j * 16, 16)], mask=m)
                return off + plsc.all_reduce_population_count(m)

            off = plsc.parallel_loop(0, nbv, carry=n_below_i)(app1)

            def app2(j, carry):
                off2, rem = carry
                lanem = (j * 16 + iota) < off_b
                v = jnp.where(lanem, bvo[pl.ds(j * 16, 16)], finf)
                m = v == tthr
                pc = plsc.cumsum(m.astype(jnp.int32))
                take = jnp.logical_and(m, pc <= rem)
                plsc.store_scatter(ci, [jnp.maximum(off2 + pc - 1, 0)],
                                   bix[pl.ds(j * 16, 16)], mask=take)
                nt = plsc.all_reduce_population_count(take)
                return off2 + nt, rem - nt

            plsc.parallel_loop(0, nbv, carry=(off, _K - off))(app2)

            for j in range(16):
                iv = ci[pl.ds(j * 16, 16)]
                cif[pl.ds(j * 16, 16)] = iv.astype(jnp.float32)
                cev[pl.ds(j * 16, 16)] = plsc.load_gather(es, [iv])
                cdv[pl.ds(j * 16, 16)] = plsc.load_gather(dsv, [iv])

            @pl.when(r + 1 < _G // 8)
            def _():
                pltpu.async_copy(d_hbm.at[b, g + 1], dsv, semd)

            re = jnp.full((16,), ninf)
            rd = jnp.full((16,), finf)
            rif = jnp.full((16,), jnp.float32(_BIGF))
            rpf = jnp.full((16,), jnp.float32(_BIGF))
            for j in range(16):
                e = cev[pl.ds(j * 16, 16)]
                dd = cdv[pl.ds(j * 16, 16)]
                iif = cif[pl.ds(j * 16, 16)]
                m, dmin, imin, lane = _run_champ(e, dd, iif, iota, finf)
                sel = iota == j
                re = jnp.where(sel, m, re)
                rd = jnp.where(sel, dmin, rd)
                rif = jnp.where(sel, imin, rif)
                rpf = jnp.where(sel, jnp.float32(j * 16) + lane, rpf)

            def tstep(t, carry):
                re, rd, rif, rpf = carry
                m = _bmax(re, iota)
                mm = re == m
                dmin = _bmin(jnp.where(mm, rd, finf), iota)
                mm2 = jnp.logical_and(mm, rd == dmin)
                imin = _bmin(jnp.where(mm2, rif, jnp.float32(_BIGF)), iota)
                mm3 = jnp.logical_and(mm2, rif == imin)
                fiota = iota.astype(jnp.float32)
                wlf = _bmin(jnp.where(mm3, fiota, jnp.float32(_BIGF)), iota)
                wpf = _bmin(jnp.where(mm3, rpf, jnp.float32(_BIGF)), iota)
                wl = wlf.astype(jnp.int32)
                wp = wpf.astype(jnp.int32)
                lane0 = iota == 0
                plsc.store_scatter(tki, [jnp.full((16,), t, jnp.int32)],
                                   imin.astype(jnp.int32), mask=lane0)
                plsc.store_scatter(cev, [wp], jnp.full((16,), ninf),
                                   mask=lane0)
                addrs = wl * 16 + iota
                e = plsc.load_gather(cev, [addrs])
                dd = plsc.load_gather(cdv, [addrs])
                iif = plsc.load_gather(cif, [addrs])
                m2, dmin2, imin2, lane2 = _run_champ(e, dd, iif, iota, finf)
                sel = iota == wl
                re = jnp.where(sel, m2, re)
                rd = jnp.where(sel, dmin2, rd)
                rif = jnp.where(sel, imin2, rif)
                rpf = jnp.where(sel, wlf * 16.0 + lane2, rpf)
                return re, rd, rif, rpf

            lax.fori_loop(0, _GS, tstep, (re, rd, rif, rpf))

            @pl.when(r > 0)
            def _():
                pltpu.make_async_copy(ob, out_hbm.at[b, g - 1], semo).wait()

            for q in range(_GS // 16):
                iv = tki[pl.ds(q * 16, 16)]
                xg = plsc.load_gather(xs, [iv]) - cx
                yg = plsc.load_gather(ys, [iv]) - cy
                zg = plsc.load_gather(zs, [iv]) - cz
                eg = plsc.load_gather(es, [iv])
                p0 = q * 64 + iota * 4
                plsc.store_scatter(ob, [p0], xg)
                plsc.store_scatter(ob, [p0 + 1], yg)
                plsc.store_scatter(ob, [p0 + 2], zg)
                plsc.store_scatter(ob, [p0 + 3], eg)
            pltpu.async_copy(ob, out_hbm.at[b, g], semo)
            return 0

        lax.fori_loop(0, _G // 8, row_body, 0)
        pltpu.make_async_copy(ob, out_hbm.at[b, g0 + _G // 8 - 1], semo).wait()

    return k(pts_t, ctr16, dmat)


def kernel(points, lengths):
    lengths = lengths.astype(jnp.int32)
    x = points[:, :, 0].reshape(_B, _R, _R)
    y = points[:, :, 1].reshape(_B, _R, _R)
    z = points[:, :, 2].reshape(_B, _R, _R)
    len2d = jnp.broadcast_to(lengths[:, None], (_B, _R))
    ctr_pad, dmat4 = _fps(x, y, z, len2d)
    centers = ctr_pad[:, :, :3]
    dmat = dmat4.reshape(_B, _G, _N)

    pts_t = jnp.transpose(points, (0, 2, 1))
    ctr16 = jnp.concatenate(
        [centers, jnp.zeros((_B, _G, 13), jnp.float32)], axis=-1
    ).reshape(_B, _G * 16)

    flat = _grouping_sc(pts_t, ctr16, dmat)
    groups = flat.reshape(_B, _G, _GS, _C)

    embedding_mask = jnp.ones((_B, _G), jnp.bool_)
    point_mask = jnp.ones((_B, _G, _GS), jnp.bool_)
    return groups, centers, embedding_mask, point_mask

# --- scband reference (transcript-rebuilt; emitter-appended) ---
"""Pipeline reference for scband-pointcloud-grouping-14078902796515 (READ-ONLY COPY).

The authoritative reference and input builder live on the scoring server;
editing this copy changes nothing except your own understanding.
"""

import jax, jax.numpy as jnp
import numpy as np
from jax import lax

B, N, C = 4, 16384, 4
NUM_GROUPS = 512
GROUP_SIZE = 64
UPSCALE_K = 256
CONTEXT_LENGTH = 256


def setup_inputs(seed: int = 0):
    key = jax.random.key(seed)
    k1, k2 = jax.random.split(key)
    points = jax.random.normal(k1, (B, N, C), dtype=jnp.float32)
    # lengths kept >= 8192 so every cloud has more valid points than NUM_GROUPS and UPSCALE_K
    lengths = jax.random.randint(k2, (B,), 8192, N + 1).astype(jnp.int32)
    return {"points": points, "lengths": lengths}


def _fps_single(pts, length):
    # sample_farthest_points for one cloud; deterministic start at index 0
    n = pts.shape[0]
    valid = jnp.arange(n) < length
    dists0 = jnp.where(valid, jnp.inf, -jnp.inf)
    start = jnp.array(0, dtype=jnp.int32)

    def body(carry, _):
        dists, last = carry
        p = pts[last]
        d = jnp.sum((pts - p) ** 2, axis=-1)
        dists = jnp.minimum(dists, jnp.where(valid, d, -jnp.inf))
        nxt = jnp.argmax(dists).astype(jnp.int32)
        return (dists, nxt), last

    (_, _), idxs = lax.scan(body, (dists0, start), None, length=NUM_GROUPS)
    return pts[idxs], idxs


def _knn_single(centers, pts, length):
    # knn_points: brute-force squared distances, top-K nearest (return_sorted irrelevant)
    d = jnp.sum((centers[:, None, :] - pts[None, :, :]) ** 2, axis=-1)  # (G, N)
    valid = jnp.arange(pts.shape[0]) < length
    d = jnp.where(valid[None, :], d, jnp.inf)
    _, idx = lax.top_k(-d, UPSCALE_K)
    return idx  # (G, K)


def _forward(points, lengths):
    xyz = points[:, :, :3]
    group_centers, _ = jax.vmap(_fps_single)(xyz, lengths)  # (B, G, 3)
    idx = jax.vmap(_knn_single)(group_centers, xyz, lengths)  # (B, G, UPSCALE_K)
    invalid_idx_mask = idx == -1  # all False on kNN path with lengths > K

    # select_topk_by_energy (energies_idx = 3)
    energies = points[..., 3]  # (B, N)
    idx_clamped = jnp.maximum(idx, 0)
    e = jax.vmap(lambda ev, i: ev[i])(energies, idx_clamped)  # (B, G, UPSCALE_K)
    e = jnp.where(invalid_idx_mask, -jnp.inf, e)
    topk_e, topk_i = lax.top_k(e, GROUP_SIZE)
    topk_idx = jnp.take_along_axis(idx, topk_i, axis=2)
    topk_idx = jnp.where(topk_e == -jnp.inf, -1, topk_idx)  # (B, G, GROUP_SIZE)

    point_lengths = (topk_idx != -1).sum(axis=2)  # (B, G)

    # fill_empty_indices + masked_gather
    first = topk_idx[:, :, 0:1]
    filled = jnp.where(topk_idx == -1, first, topk_idx)
    filled = jnp.maximum(filled, 0)
    groups = jax.vmap(lambda p, i: p[i])(points, filled)  # (B, G, GROUP_SIZE, C)

    point_mask = jnp.arange(GROUP_SIZE)[None, None, :] < point_lengths[:, :CONTEXT_LENGTH, None]
    group_lengths = jnp.all(topk_idx != -1, axis=2).sum(axis=1)
    embedding_mask = jnp.arange(NUM_GROUPS)[None, :] < group_lengths[:, None]

    groups = jnp.concatenate(
        [groups[..., :3] - group_centers[:, :, None, :], groups[..., 3:]], axis=-1
    )
    # group_radius is None -> no radius normalization
    groups = groups[:, :CONTEXT_LENGTH]
    group_centers_out = group_centers[:, :CONTEXT_LENGTH]
    embedding_mask = embedding_mask[:, :CONTEXT_LENGTH]
    return groups, group_centers_out, embedding_mask, point_mask


def reference(points, lengths):
    return _forward(points, lengths)

if __name__ == "__main__":
    import jax
    _d = setup_inputs()
    print(jax.jit(kernel)(*tuple(_d.values())))

</pallas_src>

<mosaic_0001>
#map = affine_map<(d0, d1) -> (0, 0, 0)>
#map1 = affine_map<(d0, d1) -> (0, 0)>
module attributes {stable_mosaic.version = 14 : i64} {
  func.func @k(%arg0: i32, %arg1: i32, %arg2: memref<4x4x16384xf32, #tpu.memory_space<hbm>>, %arg3: memref<4x4096xf32, #tpu.memory_space<hbm>>, %arg4: memref<4x256x16384xf32, #tpu.memory_space<hbm>>, %arg5: memref<4x256x256xf32, #tpu.memory_space<hbm>>, %arg6: memref<16384xf32, #tpu.memory_space<vmem>>, %arg7: memref<16384xf32, #tpu.memory_space<vmem>>, %arg8: memref<16384xf32, #tpu.memory_space<vmem>>, %arg9: memref<16384xf32, #tpu.memory_space<vmem>>, %arg10: memref<16384xf32, #tpu.memory_space<vmem>>, %arg11: memref<16384xi32, #tpu.memory_space<vmem>>, %arg12: memref<1024xi32, #tpu.memory_space<vmem>>, %arg13: memref<4096xf32, #tpu.memory_space<vmem>>, %arg14: memref<2064xf32, #tpu.memory_space<vmem>>, %arg15: memref<2064xf32, #tpu.memory_space<vmem>>, %arg16: memref<2064xi32, #tpu.memory_space<vmem>>, %arg17: memref<272xi32, #tpu.memory_space<vmem>>, %arg18: memref<272xf32, #tpu.memory_space<vmem>>, %arg19: memref<272xf32, #tpu.memory_space<vmem>>, %arg20: memref<272xf32, #tpu.memory_space<vmem>>, %arg21: memref<64xi32, #tpu.memory_space<vmem>>, %arg22: memref<256xf32, #tpu.memory_space<vmem>>, %arg23: memref<!tpu.dma_semaphore, #tpu.memory_space<semaphore_mem>>, %arg24: memref<!tpu.dma_semaphore, #tpu.memory_space<semaphore_mem>>) attributes {dimension_semantics = [#tpu.dimension_semantics<core_parallel>, #tpu.dimension_semantics<subcore_parallel>], iteration_bounds = array<i64: 2, 16>, scalar_prefetch = 0 : i64, scratch_operands = 19 : i64, tpu.core_type = #tpu.core_type<sc_vector_subcore>, window_params = [{transform_indices = #map}, {transform_indices = #map1}, {transform_indices = #map}, {transform_indices = #map}]} {
    %mul3A = arith.constant 2 : i32
    %mul3A_0 = arith.muli %arg1, %mul3A : i32
    %add3A = arith.addi %mul3A_0, %arg0 : i32
    %jit3A = arith.constant 8 : i32
    %div3A = arith.divsi %add3A, %jit3A : i32
    %sign3A = arith.constant 0 : i32
    %sign3A_1 = arith.cmpi sgt, %add3A, %sign3A : i32
    %sign3A_2 = arith.extui %sign3A_1 : i1 to i32
    %sign3A_3 = arith.constant 0 : i32
    %sign3A_4 = arith.cmpi slt, %add3A, %sign3A_3 : i32
    %sign3A_5 = arith.extui %sign3A_4 : i1 to i32
    %sign3A_6 = arith.subi %sign3A_2, %sign3A_5 : i32
    %sign3A_7 = arith.constant 0 : i32
    %sign3A_8 = arith.cmpi sgt, %jit3A, %sign3A_7 : i32
    %sign3A_9 = arith.extui %sign3A_8 : i1 to i32
    %sign3A_10 = arith.constant 0 : i32
    %sign3A_11 = arith.cmpi slt, %jit3A, %sign3A_10 : i32
    %sign3A_12 = arith.extui %sign3A_11 : i1 to i32
    %sign3A_13 = arith.subi %sign3A_9, %sign3A_12 : i32
    %ne3A = arith.cmpi ne, %sign3A_6, %sign3A_13 : i32
    %rem3A = arith.remsi %add3A, %jit3A : i32
    %ne3A_14 = arith.constant 0 : i32
    %ne3A_15 = arith.cmpi ne, %rem3A, %ne3A_14 : i32
    %and3A = arith.andi %ne3A, %ne3A_15 : i1
    %sub3A = arith.constant 1 : i32
    %sub3A_16 = arith.subi %div3A, %sub3A : i32
    %select_n3A = arith.select %and3A, %sub3A_16, %div3A : i32
    %mul3A_17 = arith.constant 8 : i32
    %mul3A_18 = arith.muli %select_n3A, %mul3A_17 : i32
    %sub3A_19 = arith.subi %add3A, %mul3A_18 : i32
    %iota3A = tpu.iota {dimensions = array<i32: 0>} : vector<16xi32>
    %broadcast_in_dim3A = arith.constant 1 : i32
    %broadcast_in_dim3A_20 = vector.broadcast %broadcast_in_dim3A : i32 to vector<16xi32>
    %run_scoped3A = arith.constant 0 : i32
    "tpu.region"() ({
      %run_scoped3A_48 = tpu.sem_alloc : memref<!tpu.dma_semaphore, #tpu.memory_space<semaphore_mem>>
      %dma_start3A_49 = arith.constant 0 : i32
      %dma_start3A_50 = tpu.memref_slice %arg2[%select_n3A, %run_scoped3A, %dma_start3A_49] : memref<4x4x16384xf32, #tpu.memory_space<hbm>> -> memref<1x1x16384xf32, #tpu.memory_space<hbm>>
      %dma_start3A_51 = tpu.memref_squeeze %dma_start3A_50 : memref<1x1x16384xf32, #tpu.memory_space<hbm>> -> memref<16384xf32, #tpu.memory_space<hbm>>
      %dma_start3A_52 = arith.constant 0 : i32
      %dma_start3A_53 = tpu.memref_slice %arg2[%select_n3A, %run_scoped3A, %dma_start3A_52] : memref<4x4x16384xf32, #tpu.memory_space<hbm>> -> memref<1x1x16384xf32, #tpu.memory_space<hbm>>
      %dma_start3A_54 = tpu.memref_squeeze %dma_start3A_53 : memref<1x1x16384xf32, #tpu.memory_space<hbm>> -> memref<16384xf32, #tpu.memory_space<hbm>>
      tpu.enqueue_dma source(%dma_start3A_54 : memref<16384xf32, #tpu.memory_space<hbm>>) target(%arg6 : memref<16384xf32, #tpu.memory_space<vmem>>) target_semaphore(%run_scoped3A_48 : memref<!tpu.dma_semaphore, #tpu.memory_space<semaphore_mem>>)
      %dma_wait3A_55 = arith.constant 0 : i32
      %dma_wait3A_56 = tpu.memref_slice %arg2[%select_n3A, %run_scoped3A, %dma_wait3A_55] : memref<4x4x16384xf32, #tpu.memory_space<hbm>> -> memref<1x1x16384xf32, #tpu.memory_space<hbm>>
      %dma_wait3A_57 = tpu.memref_squeeze %dma_wait3A_56 : memref<1x1x16384xf32, #tpu.memory_space<hbm>> -> memref<16384xf32, #tpu.memory_space<hbm>>
      %dma_wait3A_58 = arith.constant 0 : i32
      %dma_wait3A_59 = tpu.memref_slice %arg2[%select_n3A, %run_scoped3A, %dma_wait3A_58] : memref<4x4x16384xf32, #tpu.memory_space<hbm>> -> memref<1x1x16384xf32, #tpu.memory_space<hbm>>
      %dma_wait3A_60 = tpu.memref_squeeze %dma_wait3A_59 : memref<1x1x16384xf32, #tpu.memory_space<hbm>> -> memref<16384xf32, #tpu.memory_space<hbm>>
      tpu.wait_dma2 semaphore(%run_scoped3A_48 : memref<!tpu.dma_semaphore, #tpu.memory_space<semaphore_mem>>) src(%dma_wait3A_60 : memref<16384xf32, #tpu.memory_space<hbm>>) dst(%arg6 : memref<16384xf32, #tpu.memory_space<vmem>>)
      tpu.yield
    }) : () -> ()
    %run_scoped3A_21 = arith.constant 1 : i32
    "tpu.region"() ({
      %run_scoped3A_48 = tpu.sem_alloc : memref<!tpu.dma_semaphore, #tpu.memory_space<semaphore_mem>>
      %dma_start3A_49 = arith.constant 0 : i32
      %dma_start3A_50 = tpu.memref_slice %arg2[%select_n3A, %run_scoped3A_21, %dma_start3A_49] : memref<4x4x16384xf32, #tpu.memory_space<hbm>> -> memref<1x1x16384xf32, #tpu.memory_space<hbm>>
      %dma_start3A_51 = tpu.memref_squeeze %dma_start3A_50 : memref<1x1x16384xf32, #tpu.memory_space<hbm>> -> memref<16384xf32, #tpu.memory_space<hbm>>
      %dma_start3A_52 = arith.constant 0 : i32
      %dma_start3A_53 = tpu.memref_slice %arg2[%select_n3A, %run_scoped3A_21, %dma_start3A_52] : memref<4x4x16384xf32, #tpu.memory_space<hbm>> -> memref<1x1x16384xf32, #tpu.memory_space<hbm>>
      %dma_start3A_54 = tpu.memref_squeeze %dma_start3A_53 : memref<1x1x16384xf32, #tpu.memory_space<hbm>> -> memref<16384xf32, #tpu.memory_space<hbm>>
      tpu.enqueue_dma source(%dma_start3A_54 : memref<16384xf32, #tpu.memory_space<hbm>>) target(%arg7 : memref<16384xf32, #tpu.memory_space<vmem>>) target_semaphore(%run_scoped3A_48 : memref<!tpu.dma_semaphore, #tpu.memory_space<semaphore_mem>>)
      %dma_wait3A_55 = arith.constant 0 : i32
      %dma_wait3A_56 = tpu.memref_slice %arg2[%select_n3A, %run_scoped3A_21, %dma_wait3A_55] : memref<4x4x16384xf32, #tpu.memory_space<hbm>> -> memref<1x1x16384xf32, #tpu.memory_space<hbm>>
      %dma_wait3A_57 = tpu.memref_squeeze %dma_wait3A_56 : memref<1x1x16384xf32, #tpu.memory_space<hbm>> -> memref<16384xf32, #tpu.memory_space<hbm>>
      %dma_wait3A_58 = arith.constant 0 : i32
      %dma_wait3A_59 = tpu.memref_slice %arg2[%select_n3A, %run_scoped3A_21, %dma_wait3A_58] : memref<4x4x16384xf32, #tpu.memory_space<hbm>> -> memref<1x1x16384xf32, #tpu.memory_space<hbm>>
      %dma_wait3A_60 = tpu.memref_squeeze %dma_wait3A_59 : memref<1x1x16384xf32, #tpu.memory_space<hbm>> -> memref<16384xf32, #tpu.memory_space<hbm>>
      tpu.wait_dma2 semaphore(%run_scoped3A_48 : memref<!tpu.dma_semaphore, #tpu.memory_space<semaphore_mem>>) src(%dma_wait3A_60 : memref<16384xf32, #tpu.memory_space<hbm>>) dst(%arg7 : memref<16384xf32, #tpu.memory_space<vmem>>)
      tpu.yield
    }) : () -> ()
    %run_scoped3A_22 = arith.constant 2 : i32
    "tpu.region"() ({
      %run_scoped3A_48 = tpu.sem_alloc : memref<!tpu.dma_semaphore, #tpu.memory_space<semaphore_mem>>
      %dma_start3A_49 = arith.constant 0 : i32
      %dma_start3A_50 = tpu.memref_slice %arg2[%select_n3A, %run_scoped3A_22, %dma_start3A_49] : memref<4x4x16384xf32, #tpu.memory_space<hbm>> -> memref<1x1x16384xf32, #tpu.memory_space<hbm>>
      %dma_start3A_51 = tpu.memref_squeeze %dma_start3A_50 : memref<1x1x16384xf32, #tpu.memory_space<hbm>> -> memref<16384xf32, #tpu.memory_space<hbm>>
      %dma_start3A_52 = arith.constant 0 : i32
      %dma_start3A_53 = tpu.memref_slice %arg2[%select_n3A, %run_scoped3A_22, %dma_start3A_52] : memref<4x4x16384xf32, #tpu.memory_space<hbm>> -> memref<1x1x16384xf32, #tpu.memory_space<hbm>>
      %dma_start3A_54 = tpu.memref_squeeze %dma_start3A_53 : memref<1x1x16384xf32, #tpu.memory_space<hbm>> -> memref<16384xf32, #tpu.memory_space<hbm>>
      tpu.enqueue_dma source(%dma_start3A_54 : memref<16384xf32, #tpu.memory_space<hbm>>) target(%arg8 : memref<16384xf32, #tpu.memory_space<vmem>>) target_semaphore(%run_scoped3A_48 : memref<!tpu.dma_semaphore, #tpu.memory_space<semaphore_mem>>)
      %dma_wait3A_55 = arith.constant 0 : i32
      %dma_wait3A_56 = tpu.memref_slice %arg2[%select_n3A, %run_scoped3A_22, %dma_wait3A_55] : memref<4x4x16384xf32, #tpu.memory_space<hbm>> -> memref<1x1x16384xf32, #tpu.memory_space<hbm>>
      %dma_wait3A_57 = tpu.memref_squeeze %dma_wait3A_56 : memref<1x1x16384xf32, #tpu.memory_space<hbm>> -> memref<16384xf32, #tpu.memory_space<hbm>>
      %dma_wait3A_58 = arith.constant 0 : i32
      %dma_wait3A_59 = tpu.memref_slice %arg2[%select_n3A, %run_scoped3A_22, %dma_wait3A_58] : memref<4x4x16384xf32, #tpu.memory_space<hbm>> -> memref<1x1x16384xf32, #tpu.memory_space<hbm>>
      %dma_wait3A_60 = tpu.memref_squeeze %dma_wait3A_59 : memref<1x1x16384xf32, #tpu.memory_space<hbm>> -> memref<16384xf32, #tpu.memory_space<hbm>>
      tpu.wait_dma2 semaphore(%run_scoped3A_48 : memref<!tpu.dma_semaphore, #tpu.memory_space<semaphore_mem>>) src(%dma_wait3A_60 : memref<16384xf32, #tpu.memory_space<hbm>>) dst(%arg8 : memref<16384xf32, #tpu.memory_space<vmem>>)
      tpu.yield
    }) : () -> ()
    %run_scoped3A_23 = arith.constant 3 : i32
    "tpu.region"() ({
      %run_scoped3A_48 = tpu.sem_alloc : memref<!tpu.dma_semaphore, #tpu.memory_space<semaphore_mem>>
      %dma_start3A_49 = arith.constant 0 : i32
      %dma_start3A_50 = tpu.memref_slice %arg2[%select_n3A, %run_scoped3A_23, %dma_start3A_49] : memref<4x4x16384xf32, #tpu.memory_space<hbm>> -> memref<1x1x16384xf32, #tpu.memory_space<hbm>>
      %dma_start3A_51 = tpu.memref_squeeze %dma_start3A_50 : memref<1x1x16384xf32, #tpu.memory_space<hbm>> -> memref<16384xf32, #tpu.memory_space<hbm>>
      %dma_start3A_52 = arith.constant 0 : i32
      %dma_start3A_53 = tpu.memref_slice %arg2[%select_n3A, %run_scoped3A_23, %dma_start3A_52] : memref<4x4x16384xf32, #tpu.memory_space<hbm>> -> memref<1x1x16384xf32, #tpu.memory_space<hbm>>
      %dma_start3A_54 = tpu.memref_squeeze %dma_start3A_53 : memref<1x1x16384xf32, #tpu.memory_space<hbm>> -> memref<16384xf32, #tpu.memory_space<hbm>>
      tpu.enqueue_dma source(%dma_start3A_54 : memref<16384xf32, #tpu.memory_space<hbm>>) target(%arg9 : memref<16384xf32, #tpu.memory_space<vmem>>) target_semaphore(%run_scoped3A_48 : memref<!tpu.dma_semaphore, #tpu.memory_space<semaphore_mem>>)
      %dma_wait3A_55 = arith.constant 0 : i32
      %dma_wait3A_56 = tpu.memref_slice %arg2[%select_n3A, %run_scoped3A_23, %dma_wait3A_55] : memref<4x4x16384xf32, #tpu.memory_space<hbm>> -> memref<1x1x16384xf32, #tpu.memory_space<hbm>>
      %dma_wait3A_57 = tpu.memref_squeeze %dma_wait3A_56 : memref<1x1x16384xf32, #tpu.memory_space<hbm>> -> memref<16384xf32, #tpu.memory_space<hbm>>
      %dma_wait3A_58 = arith.constant 0 : i32
      %dma_wait3A_59 = tpu.memref_slice %arg2[%select_n3A, %run_scoped3A_23, %dma_wait3A_58] : memref<4x4x16384xf32, #tpu.memory_space<hbm>> -> memref<1x1x16384xf32, #tpu.memory_space<hbm>>
      %dma_wait3A_60 = tpu.memref_squeeze %dma_wait3A_59 : memref<1x1x16384xf32, #tpu.memory_space<hbm>> -> memref<16384xf32, #tpu.memory_space<hbm>>
      tpu.wait_dma2 semaphore(%run_scoped3A_48 : memref<!tpu.dma_semaphore, #tpu.memory_space<semaphore_mem>>) src(%dma_wait3A_60 : memref<16384xf32, #tpu.memory_space<hbm>>) dst(%arg9 : memref<16384xf32, #tpu.memory_space<vmem>>)
      tpu.yield
    }) : () -> ()
    "tpu.region"() ({
      %run_scoped3A_48 = tpu.sem_alloc : memref<!tpu.dma_semaphore, #tpu.memory_space<semaphore_mem>>
      %dma_start3A_49 = arith.constant 0 : i32
      %dma_start3A_50 = tpu.memref_slice %arg3[%select_n3A, %dma_start3A_49] : memref<4x4096xf32, #tpu.memory_space<hbm>> -> memref<1x4096xf32, #tpu.memory_space<hbm>>
      %dma_start3A_51 = tpu.memref_squeeze %dma_start3A_50 : memref<1x4096xf32, #tpu.memory_space<hbm>> -> memref<4096xf32, #tpu.memory_space<hbm>>
      %dma_start3A_52 = arith.constant 0 : i32
      %dma_start3A_53 = tpu.memref_slice %arg3[%select_n3A, %dma_start3A_52] : memref<4x4096xf32, #tpu.memory_space<hbm>> -> memref<1x4096xf32, #tpu.memory_space<hbm>>
      %dma_start3A_54 = tpu.memref_squeeze %dma_start3A_53 : memref<1x4096xf32, #tpu.memory_space<hbm>> -> memref<4096xf32, #tpu.memory_space<hbm>>
      tpu.enqueue_dma source(%dma_start3A_54 : memref<4096xf32, #tpu.memory_space<hbm>>) target(%arg13 : memref<4096xf32, #tpu.memory_space<vmem>>) target_semaphore(%run_scoped3A_48 : memref<!tpu.dma_semaphore, #tpu.memory_space<semaphore_mem>>)
      %dma_wait3A_55 = arith.constant 0 : i32
      %dma_wait3A_56 = tpu.memref_slice %arg3[%select_n3A, %dma_wait3A_55] : memref<4x4096xf32, #tpu.memory_space<hbm>> -> memref<1x4096xf32, #tpu.memory_space<hbm>>
      %dma_wait3A_57 = tpu.memref_squeeze %dma_wait3A_56 : memref<1x4096xf32, #tpu.memory_space<hbm>> -> memref<4096xf32, #tpu.memory_space<hbm>>
      %dma_wait3A_58 = arith.constant 0 : i32
      %dma_wait3A_59 = tpu.memref_slice %arg3[%select_n3A, %dma_wait3A_58] : memref<4x4096xf32, #tpu.memory_space<hbm>> -> memref<1x4096xf32, #tpu.memory_space<hbm>>
      %dma_wait3A_60 = tpu.memref_squeeze %dma_wait3A_59 : memref<1x4096xf32, #tpu.memory_space<hbm>> -> memref<4096xf32, #tpu.memory_space<hbm>>
      tpu.wait_dma2 semaphore(%run_scoped3A_48 : memref<!tpu.dma_semaphore, #tpu.memory_space<semaphore_mem>>) src(%dma_wait3A_60 : memref<4096xf32, #tpu.memory_space<hbm>>) dst(%arg13 : memref<4096xf32, #tpu.memory_space<vmem>>)
      tpu.yield
    }) : () -> ()
    %mul3A_24 = arith.constant 32 : i32
    %mul3A_25 = arith.muli %sub3A_19, %mul3A_24 : i32
    %dma_start3A = arith.constant 0 : i32
    %dma_start3A_26 = tpu.memref_slice %arg4[%select_n3A, %mul3A_25, %dma_start3A] : memref<4x256x16384xf32, #tpu.memory_space<hbm>> -> memref<1x1x16384xf32, #tpu.memory_space<hbm>>
    %dma_start3A_27 = tpu.memref_squeeze %dma_start3A_26 : memref<1x1x16384xf32, #tpu.memory_space<hbm>> -> memref<16384xf32, #tpu.memory_space<hbm>>
    %dma_start3A_28 = arith.constant 0 : i32
    %dma_start3A_29 = tpu.memref_slice %arg4[%select_n3A, %mul3A_25, %dma_start3A_28] : memref<4x256x16384xf32, #tpu.memory_space<hbm>> -> memref<1x1x16384xf32, #tpu.memory_space<hbm>>
    %dma_start3A_30 = tpu.memref_squeeze %dma_start3A_29 : memref<1x1x16384xf32, #tpu.memory_space<hbm>> -> memref<16384xf32, #tpu.memory_space<hbm>>
    tpu.enqueue_dma source(%dma_start3A_30 : memref<16384xf32, #tpu.memory_space<hbm>>) target(%arg10 : memref<16384xf32, #tpu.memory_space<vmem>>) target_semaphore(%arg23 : memref<!tpu.dma_semaphore, #tpu.memory_space<semaphore_mem>>)
    %scan3A = arith.constant 0xFF800000 : f32
    %scan3A_31 = arith.constant 0x7F800000 : f32
    %scan3A_32 = arith.constant 0 : i32
    %scan3A_33 = arith.constant 0 : i32
    %scan3A_34 = arith.constant 32 : i32
    %scan3A_35 = arith.addi %scan3A_33, %scan3A_34 : i32
    %scan3A_36 = arith.constant 1 : i32
    %scan3A_37 = scf.for %scan3A_48 = %scan3A_33 to %scan3A_35 step %scan3A_36 iter_args(%scan3A_49 = %scan3A_32) -> (i32)  : i32 {
      %add3A_50 = arith.addi %mul3A_25, %scan3A_48 : i32
      %dma_wait3A_51 = arith.constant 0 : i32
      %dma_wait3A_52 = tpu.memref_slice %arg4[%select_n3A, %add3A_50, %dma_wait3A_51] : memref<4x256x16384xf32, #tpu.memory_space<hbm>> -> memref<1x1x16384xf32, #tpu.memory_space<hbm>>
      %dma_wait3A_53 = tpu.memref_squeeze %dma_wait3A_52 : memref<1x1x16384xf32, #tpu.memory_space<hbm>> -> memref<16384xf32, #tpu.memory_space<hbm>>
      %dma_wait3A_54 = arith.constant 0 : i32
      %dma_wait3A_55 = tpu.memref_slice %arg4[%select_n3A, %add3A_50, %dma_wait3A_54] : memref<4x256x16384xf32, #tpu.memory_space<hbm>> -> memref<1x1x16384xf32, #tpu.memory_space<hbm>>
      %dma_wait3A_56 = tpu.memref_squeeze %dma_wait3A_55 : memref<1x1x16384xf32, #tpu.memory_space<hbm>> -> memref<16384xf32, #tpu.memory_space<hbm>>
      tpu.wait_dma2 semaphore(%arg23 : memref<!tpu.dma_semaphore, #tpu.memory_space<semaphore_mem>>) src(%dma_wait3A_56 : memref<16384xf32, #tpu.memory_space<hbm>>) dst(%arg10 : memref<16384xf32, #tpu.memory_space<vmem>>)
      %mul3A_57 = arith.constant 16 : i32
      %mul3A_58 = arith.muli %add3A_50, %mul3A_57 : i32
      %get3A = arith.index_cast %mul3A_58 : i32 to index
      %get3A_59 = tpu.vector_load %arg13[%get3A] {strides = array<i32>} : memref<4096xf32, #tpu.memory_space<vmem>>, vector<16xf32>,
      %eq3A = arith.constant 0 : i32
      %eq3A_60 = vector.broadcast %eq3A : i32 to vector<16xi32>
      %eq3A_61 = arith.cmpi eq, %iota3A, %eq3A_60 : vector<16xi32>
      %broadcast_in_dim3A_62 = vector.broadcast %scan3A : f32 to vector<16xf32>
      %select_n3A_63 = arith.select %eq3A_61, %get3A_59, %broadcast_in_dim3A_62 : vector<16xi1>, vector<16xf32>
      %reduce_max3A = arith.constant true
      %reduce_max3A_64 = vector.broadcast %reduce_max3A : i1 to vector<16xi1>
      %reduce_max3A_65 = tpu.scan <max>, %select_n3A_63 masked %reduce_max3A_64 : vector<16xf32>, vector<16xi1> -> vector<16xf32>
      %reduce_max3A_66 = vector.extract %reduce_max3A_65[15] : f32 from vector<16xf32>
      %eq3A_67 = arith.constant 1 : i32
      %eq3A_68 = vector.broadcast %eq3A_67 : i32 to vector<16xi32>
      %eq3A_69 = arith.cmpi eq, %iota3A, %eq3A_68 : vector<16xi32>
      %broadcast_in_dim3A_70 = vector.broadcast %scan3A : f32 to vector<16xf32>
      %select_n3A_71 = arith.select %eq3A_69, %get3A_59, %broadcast_in_dim3A_70 : vector<16xi1>, vector<16xf32>
      %reduce_max3A_72 = arith.constant true
      %reduce_max3A_73 = vector.broadcast %reduce_max3A_72 : i1 to vector<16xi1>
      %reduce_max3A_74 = tpu.scan <max>, %select_n3A_71 masked %reduce_max3A_73 : vector<16xf32>, vector<16xi1> -> vector<16xf32>
      %reduce_max3A_75 = vector.extract %reduce_max3A_74[15] : f32 from vector<16xf32>
      %eq3A_76 = arith.constant 2 : i32
      %eq3A_77 = vector.broadcast %eq3A_76 : i32 to vector<16xi32>
      %eq3A_78 = arith.cmpi eq, %iota3A, %eq3A_77 : vector<16xi32>
      %broadcast_in_dim3A_79 = vector.broadcast %scan3A : f32 to vector<16xf32>
      %select_n3A_80 = arith.select %eq3A_78, %get3A_59, %broadcast_in_dim3A_79 : vector<16xi1>, vector<16xf32>
      %reduce_max3A_81 = arith.constant true
      %reduce_max3A_82 = vector.broadcast %reduce_max3A_81 : i1 to vector<16xi1>
      %reduce_max3A_83 = tpu.scan <max>, %select_n3A_80 masked %reduce_max3A_82 : vector<16xf32>, vector<16xi1> -> vector<16xf32>
      %reduce_max3A_84 = vector.extract %reduce_max3A_83[15] : f32 from vector<16xf32>
      %broadcast_in_dim3A_85 = arith.constant 0 : i32
      %broadcast_in_dim3A_86 = vector.broadcast %broadcast_in_dim3A_85 : i32 to vector<16xi32>
      %parallel_loop3A = arith.constant 0 : i32
      %parallel_loop3A_87 = arith.constant 256 : i32
      %parallel_loop3A_88 = arith.constant 1 : i32
      scf.for %parallel_loop3A_2822 = %parallel_loop3A to %parallel_loop3A_87 step %parallel_loop3A_88  : i32 {
        %parallel_loop3A_2823 = arith.constant 64 : i32
        %parallel_loop3A_2824 = arith.muli %parallel_loop3A_2822, %parallel_loop3A_2823 : i32
        %parallel_loop3A_2825 = arith.constant 0 : i32
        %parallel_loop3A_2826 = arith.addi %parallel_loop3A_2824, %parallel_loop3A_2825 : i32
        %parallel_loop3A_2827 = arith.index_cast %parallel_loop3A_2826 : i32 to index
        %parallel_loop3A_2828 = tpu.vector_load %arg11[%parallel_loop3A_2827] {strides = array<i32>} : memref<16384xi32, #tpu.memory_space<vmem>>, vector<16xi32>,
        tpu.vector_store %arg11[%parallel_loop3A_2827], %broadcast_in_dim3A_86 {strides = array<i32>} : memref<16384xi32, #tpu.memory_space<vmem>>, vector<16xi32>,
        %parallel_loop3A_2829 = arith.constant 16 : i32
        %parallel_loop3A_2830 = arith.addi %parallel_loop3A_2824, %parallel_loop3A_2829 : i32
        %parallel_loop3A_2831 = arith.index_cast %parallel_loop3A_2830 : i32 to index
        %parallel_loop3A_2832 = tpu.vector_load %arg11[%parallel_loop3A_2831] {strides = array<i32>} : memref<16384xi32, #tpu.memory_space<vmem>>, vector<16xi32>,
        tpu.vector_store %arg11[%parallel_loop3A_2831], %broadcast_in_dim3A_86 {strides = array<i32>} : memref<16384xi32, #tpu.memory_space<vmem>>, vector<16xi32>,
        %parallel_loop3A_2833 = arith.constant 32 : i32
        %parallel_loop3A_2834 = arith.addi %parallel_loop3A_2824, %parallel_loop3A_2833 : i32
        %parallel_loop3A_2835 = arith.index_cast %parallel_loop3A_2834 : i32 to index
        %parallel_loop3A_2836 = tpu.vector_load %arg11[%parallel_loop3A_2835] {strides = array<i32>} : memref<16384xi32, #tpu.memory_space<vmem>>, vector<16xi32>,
        tpu.vector_store %arg11[%parallel_loop3A_2835], %broadcast_in_dim3A_86 {strides = array<i32>} : memref<16384xi32, #tpu.memory_space<vmem>>, vector<16xi32>,
        %parallel_loop3A_2837 = arith.constant 48 : i32
        %parallel_loop3A_2838 = arith.addi %parallel_loop3A_2824, %parallel_loop3A_2837 : i32
        %parallel_loop3A_2839 = arith.index_cast %parallel_loop3A_2838 : i32 to index
        %parallel_loop3A_2840 = tpu.vector_load %arg11[%parallel_loop3A_2839] {strides = array<i32>} : memref<16384xi32, #tpu.memory_space<vmem>>, vector<16xi32>,
        tpu.vector_store %arg11[%parallel_loop3A_2839], %broadcast_in_dim3A_86 {strides = array<i32>} : memref<16384xi32, #tpu.memory_space<vmem>>, vector<16xi32>,
      } {sc.loop_unroll_factor = 4 : i64, sc.parallel_access}
      %parallel_loop3A_89 = arith.constant 0 : i32
      %parallel_loop3A_90 = arith.constant 256 : i32
      %parallel_loop3A_91 = arith.constant 1 : i32
      scf.for %parallel_loop3A_2822 = %parallel_loop3A_89 to %parallel_loop3A_90 step %parallel_loop3A_91  : i32 {
        %parallel_loop3A_2823 = arith.constant 64 : i32
        %parallel_loop3A_2824 = arith.muli %parallel_loop3A_2822, %parallel_loop3A_2823 : i32
        %parallel_loop3A_2825 = arith.constant 0 : i32
        %parallel_loop3A_2826 = arith.addi %parallel_loop3A_2824, %parallel_loop3A_2825 : i32
        %parallel_loop3A_2827 = arith.index_cast %parallel_loop3A_2826 : i32 to index
        %parallel_loop3A_2828 = tpu.vector_load %arg10[%parallel_loop3A_2827] {strides = array<i32>} : memref<16384xf32, #tpu.memory_space<vmem>>, vector<16xf32>,
        %parallel_loop3A_2829 = vector.bitcast %parallel_loop3A_2828 : vector<16xf32> to vector<16xi32>
        %parallel_loop3A_2830 = arith.constant 21 : i32
        %parallel_loop3A_2831 = vector.broadcast %parallel_loop3A_2830 : i32 to vector<16xi32>
        %parallel_loop3A_2832 = arith.shrui %parallel_loop3A_2829, %parallel_loop3A_2831 : vector<16xi32>
        %parallel_loop3A_2833 = arith.constant 1024 : i32
        %parallel_loop3A_2834 = vector.broadcast %parallel_loop3A_2833 : i32 to vector<16xi32>
        %parallel_loop3A_2835 = arith.muli %iota3A, %parallel_loop3A_2834 : vector<16xi32>
        %parallel_loop3A_2836 = arith.addi %parallel_loop3A_2835, %parallel_loop3A_2832 : vector<16xi32>
        tpu.vector_store_idx %arg11[%parallel_loop3A_2836], %broadcast_in_dim3A_20 {add = true} : memref<16384xi32, #tpu.memory_space<vmem>>[vector<16xi32>], vector<16xi32>,
        %parallel_loop3A_2837 = arith.constant 64 : i32
        %parallel_loop3A_2838 = arith.muli %parallel_loop3A_2822, %parallel_loop3A_2837 : i32
        %parallel_loop3A_2839 = arith.constant 16 : i32
        %parallel_loop3A_2840 = arith.addi %parallel_loop3A_2838, %parallel_loop3A_2839 : i32
        %parallel_loop3A_2841 = arith.index_cast %parallel_loop3A_2840 : i32 to index
        %parallel_loop3A_2842 = tpu.vector_load %arg10[%parallel_loop3A_2841] {strides = array<i32>} : memref<16384xf32, #tpu.memory_space<vmem>>, vector<16xf32>,
        %parallel_loop3A_2843 = vector.bitcast %parallel_loop3A_2842 : vector<16xf32> to vector<16xi32>
        %parallel_loop3A_2844 = arith.constant 21 : i32
        %parallel_loop3A_2845 = vector.broadcast %parallel_loop3A_2844 : i32 to vector<16xi32>
        %parallel_loop3A_2846 = arith.shrui %parallel_loop3A_2843, %parallel_loop3A_2845 : vector<16xi32>
        %parallel_loop3A_2847 = arith.constant 1024 : i32
        %parallel_loop3A_2848 = vector.broadcast %parallel_loop3A_2847 : i32 to vector<16xi32>
        %parallel_loop3A_2849 = arith.muli %iota3A, %parallel_loop3A_2848 : vector<16xi32>
        %parallel_loop3A_2850 = arith.addi %parallel_loop3A_2849, %parallel_loop3A_2846 : vector<16xi32>
        tpu.vector_store_idx %arg11[%parallel_loop3A_2850], %broadcast_in_dim3A_20 {add = true} : memref<16384xi32, #tpu.memory_space<vmem>>[vector<16xi32>], vector<16xi32>,
        %parallel_loop3A_2851 = arith.constant 64 : i32
        %parallel_loop3A_2852 = arith.muli %parallel_loop3A_2822, %parallel_loop3A_2851 : i32
        %parallel_loop3A_2853 = arith.constant 32 : i32
        %parallel_loop3A_2854 = arith.addi %parallel_loop3A_2852, %parallel_loop3A_2853 : i32
        %parallel_loop3A_2855 = arith.index_cast %parallel_loop3A_2854 : i32 to index
        %parallel_loop3A_2856 = tpu.vector_load %arg10[%parallel_loop3A_2855] {strides = array<i32>} : memref<16384xf32, #tpu.memory_space<vmem>>, vector<16xf32>,
        %parallel_loop3A_2857 = vector.bitcast %parallel_loop3A_2856 : vector<16xf32> to vector<16xi32>
        %parallel_loop3A_2858 = arith.constant 21 : i32
        %parallel_loop3A_2859 = vector.broadcast %parallel_loop3A_2858 : i32 to vector<16xi32>
        %parallel_loop3A_2860 = arith.shrui %parallel_loop3A_2857, %parallel_loop3A_2859 : vector<16xi32>
        %parallel_loop3A_2861 = arith.constant 1024 : i32
        %parallel_loop3A_2862 = vector.broadcast %parallel_loop3A_2861 : i32 to vector<16xi32>
        %parallel_loop3A_2863 = arith.muli %iota3A, %parallel_loop3A_2862 : vector<16xi32>
        %parallel_loop3A_2864 = arith.addi %parallel_loop3A_2863, %parallel_loop3A_2860 : vector<16xi32>
        tpu.vector_store_idx %arg11[%parallel_loop3A_2864], %broadcast_in_dim3A_20 {add = true} : memref<16384xi32, #tpu.memory_space<vmem>>[vector<16xi32>], vector<16xi32>,
        %parallel_loop3A_2865 = arith.constant 64 : i32
        %parallel_loop3A_2866 = arith.muli %parallel_loop3A_2822, %parallel_loop3A_2865 : i32
        %parallel_loop3A_2867 = arith.constant 48 : i32
        %parallel_loop3A_2868 = arith.addi %parallel_loop3A_2866, %parallel_loop3A_2867 : i32
        %parallel_loop3A_2869 = arith.index_cast %parallel_loop3A_2868 : i32 to index
        %parallel_loop3A_2870 = tpu.vector_load %arg10[%parallel_loop3A_2869] {strides = array<i32>} : memref<16384xf32, #tpu.memory_space<vmem>>, vector<16xf32>,
        %parallel_loop3A_2871 = vector.bitcast %parallel_loop3A_2870 : vector<16xf32> to vector<16xi32>
        %parallel_loop3A_2872 = arith.constant 21 : i32
        %parallel_loop3A_2873 = vector.broadcast %parallel_loop3A_2872 : i32 to vector<16xi32>
        %parallel_loop3A_2874 = arith.shrui %parallel_loop3A_2871, %parallel_loop3A_2873 : vector<16xi32>
        %parallel_loop3A_2875 = arith.constant 1024 : i32
        %parallel_loop3A_2876 = vector.broadcast %parallel_loop3A_2875 : i32 to vector<16xi32>
        %parallel_loop3A_2877 = arith.muli %iota3A, %parallel_loop3A_2876 : vector<16xi32>
        %parallel_loop3A_2878 = arith.addi %parallel_loop3A_2877, %parallel_loop3A_2874 : vector<16xi32>
        tpu.vector_store_idx %arg11[%parallel_loop3A_2878], %broadcast_in_dim3A_20 {add = true} : memref<16384xi32, #tpu.memory_space<vmem>>[vector<16xi32>], vector<16xi32>,
      } {sc.loop_unroll_factor = 2 : i64, sc.parallel_access}
      %broadcast_in_dim3A_92 = arith.constant false
      %broadcast_in_dim3A_93 = vector.broadcast %broadcast_in_dim3A_92 : i1 to vector<16xi1>
      %parallel_loop3A_94 = arith.constant 0 : i32
      %parallel_loop3A_95 = arith.constant 64 : i32
      %parallel_loop3A_96 = arith.constant 1 : i32
      %parallel_loop3A_97:4 = scf.for %parallel_loop3A_2822 = %parallel_loop3A_94 to %parallel_loop3A_95 step %parallel_loop3A_96 iter_args(%parallel_loop3A_2823 = %broadcast_in_dim3A_93, %parallel_loop3A_2824 = %broadcast_in_dim3A_86, %parallel_loop3A_2825 = %broadcast_in_dim3A_86, %parallel_loop3A_2826 = %broadcast_in_dim3A_86) -> (vector<16xi1>, vector<16xi32>, vector<16xi32>, vector<16xi32>)  : i32 {
        %parallel_loop3A_2827 = arith.constant 16 : i32
        %parallel_loop3A_2828 = arith.muli %parallel_loop3A_2822, %parallel_loop3A_2827 : i32
        %parallel_loop3A_2829 = arith.index_cast %parallel_loop3A_2828 : i32 to index
        %parallel_loop3A_2830 = tpu.vector_load %arg11[%parallel_loop3A_2829] {strides = array<i32>} : memref<16384xi32, #tpu.memory_space<vmem>>, vector<16xi32>,
        %parallel_loop3A_2831 = arith.constant 16 : i32
        %parallel_loop3A_2832 = arith.muli %parallel_loop3A_2822, %parallel_loop3A_2831 : i32
        %parallel_loop3A_2833 = arith.constant 1024 : i32
        %parallel_loop3A_2834 = arith.addi %parallel_loop3A_2833, %parallel_loop3A_2832 : i32
        %parallel_loop3A_2835 = arith.index_cast %parallel_loop3A_2834 : i32 to index
        %parallel_loop3A_2836 = tpu.vector_load %arg11[%parallel_loop3A_2835] {strides = array<i32>} : memref<16384xi32, #tpu.memory_space<vmem>>, vector<16xi32>,
        %parallel_loop3A_2837 = arith.addi %parallel_loop3A_2830, %parallel_loop3A_2836 : vector<16xi32>
        %parallel_loop3A_2838 = arith.constant 16 : i32
        %parallel_loop3A_2839 = arith.muli %parallel_loop3A_2822, %parallel_loop3A_2838 : i32
        %parallel_loop3A_2840 = arith.constant 2048 : i32
        %parallel_loop3A_2841 = arith.addi %parallel_loop3A_2840, %parallel_loop3A_2839 : i32
        %parallel_loop3A_2842 = arith.index_cast %parallel_loop3A_2841 : i32 to index
        %parallel_loop3A_2843 = tpu.vector_load %arg11[%parallel_loop3A_2842] {strides = array<i32>} : memref<16384xi32, #tpu.memory_space<vmem>>, vector<16xi32>,
        %parallel_loop3A_2844 = arith.addi %parallel_loop3A_2837, %parallel_loop3A_2843 : vector<16xi32>
        %parallel_loop3A_2845 = arith.constant 16 : i32
        %parallel_loop3A_2846 = arith.muli %parallel_loop3A_2822, %parallel_loop3A_2845 : i32
        %parallel_loop3A_2847 = arith.constant 3072 : i32
        %parallel_loop3A_2848 = arith.addi %parallel_loop3A_2847, %parallel_loop3A_2846 : i32
        %parallel_loop3A_2849 = arith.index_cast %parallel_loop3A_2848 : i32 to index
        %parallel_loop3A_2850 = tpu.vector_load %arg11[%parallel_loop3A_2849] {strides = array<i32>} : memref<16384xi32, #tpu.memory_space<vmem>>, vector<16xi32>,
        %parallel_loop3A_2851 = arith.addi %parallel_loop3A_2844, %parallel_loop3A_2850 : vector<16xi32>
        %parallel_loop3A_2852 = arith.constant 16 : i32
        %parallel_loop3A_2853 = arith.muli %parallel_loop3A_2822, %parallel_loop3A_2852 : i32
        %parallel_loop3A_2854 = arith.constant 4096 : i32
        %parallel_loop3A_2855 = arith.addi %parallel_loop3A_2854, %parallel_loop3A_2853 : i32
        %parallel_loop3A_2856 = arith.index_cast %parallel_loop3A_2855 : i32 to index
        %parallel_loop3A_2857 = tpu.vector_load %arg11[%parallel_loop3A_2856] {strides = array<i32>} : memref<16384xi32, #tpu.memory_space<vmem>>, vector<16xi32>,
        %parallel_loop3A_2858 = arith.addi %parallel_loop3A_2851, %parallel_loop3A_2857 : vector<16xi32>
        %parallel_loop3A_2859 = arith.constant 16 : i32
        %parallel_loop3A_2860 = arith.muli %parallel_loop3A_2822, %parallel_loop3A_2859 : i32
        %parallel_loop3A_2861 = arith.constant 5120 : i32
        %parallel_loop3A_2862 = arith.addi %parallel_loop3A_2861, %parallel_loop3A_2860 : i32
        %parallel_loop3A_2863 = arith.index_cast %parallel_loop3A_2862 : i32 to index
        %parallel_loop3A_2864 = tpu.vector_load %arg11[%parallel_loop3A_2863] {strides = array<i32>} : memref<16384xi32, #tpu.memory_space<vmem>>, vector<16xi32>,
        %parallel_loop3A_2865 = arith.addi %parallel_loop3A_2858, %parallel_loop3A_2864 : vector<16xi32>
        %parallel_loop3A_2866 = arith.constant 16 : i32
        %parallel_loop3A_2867 = arith.muli %parallel_loop3A_2822, %parallel_loop3A_2866 : i32
        %parallel_loop3A_2868 = arith.constant 6144 : i32
        %parallel_loop3A_2869 = arith.addi %parallel_loop3A_2868, %parallel_loop3A_2867 : i32
        %parallel_loop3A_2870 = arith.index_cast %parallel_loop3A_2869 : i32 to index
        %parallel_loop3A_2871 = tpu.vector_load %arg11[%parallel_loop3A_2870] {strides = array<i32>} : memref<16384xi32, #tpu.memory_space<vmem>>, vector<16xi32>,
        %parallel_loop3A_2872 = arith.addi %parallel_loop3A_2865, %parallel_loop3A_2871 : vector<16xi32>
        %parallel_loop3A_2873 = arith.constant 16 : i32
        %parallel_loop3A_2874 = arith.muli %parallel_loop3A_2822, %parallel_loop3A_2873 : i32
        %parallel_loop3A_2875 = arith.constant 7168 : i32
        %parallel_loop3A_2876 = arith.addi %parallel_loop3A_2875, %parallel_loop3A_2874 : i32
        %parallel_loop3A_2877 = arith.index_cast %parallel_loop3A_2876 : i32 to index
        %parallel_loop3A_2878 = tpu.vector_load %arg11[%parallel_loop3A_2877] {strides = array<i32>} : memref<16384xi32, #tpu.memory_space<vmem>>, vector<16xi32>,
        %parallel_loop3A_2879 = arith.addi %parallel_loop3A_2872, %parallel_loop3A_2878 : vector<16xi32>
        %parallel_loop3A_2880 = arith.constant 16 : i32
        %parallel_loop3A_2881 = arith.muli %parallel_loop3A_2822, %parallel_loop3A_2880 : i32
        %parallel_loop3A_2882 = arith.constant 8192 : i32
        %parallel_loop3A_2883 = arith.addi %parallel_loop3A_2882, %parallel_loop3A_2881 : i32
        %parallel_loop3A_2884 = arith.index_cast %parallel_loop3A_2883 : i32 to index
        %parallel_loop3A_2885 = tpu.vector_load %arg11[%parallel_loop3A_2884] {strides = array<i32>} : memref<16384xi32, #tpu.memory_space<vmem>>, vector<16xi32>,
        %parallel_loop3A_2886 = arith.addi %parallel_loop3A_2879, %parallel_loop3A_2885 : vector<16xi32>
        %parallel_loop3A_2887 = arith.constant 16 : i32
        %parallel_loop3A_2888 = arith.muli %parallel_loop3A_2822, %parallel_loop3A_2887 : i32
        %parallel_loop3A_2889 = arith.constant 9216 : i32
        %parallel_loop3A_2890 = arith.addi %parallel_loop3A_2889, %parallel_loop3A_2888 : i32
        %parallel_loop3A_2891 = arith.index_cast %parallel_loop3A_2890 : i32 to index
        %parallel_loop3A_2892 = tpu.vector_load %arg11[%parallel_loop3A_2891] {strides = array<i32>} : memref<16384xi32, #tpu.memory_space<vmem>>, vector<16xi32>,
        %parallel_loop3A_2893 = arith.addi %parallel_loop3A_2886, %parallel_loop3A_2892 : vector<16xi32>
        %parallel_loop3A_2894 = arith.constant 16 : i32
        %parallel_loop3A_2895 = arith.muli %parallel_loop3A_2822, %parallel_loop3A_2894 : i32
        %parallel_loop3A_2896 = arith.constant 10240 : i32
        %parallel_loop3A_2897 = arith.addi %parallel_loop3A_2896, %parallel_loop3A_2895 : i32
        %parallel_loop3A_2898 = arith.index_cast %parallel_loop3A_2897 : i32 to index
        %parallel_loop3A_2899 = tpu.vector_load %arg11[%parallel_loop3A_2898] {strides = array<i32>} : memref<16384xi32, #tpu.memory_space<vmem>>, vector<16xi32>,
        %parallel_loop3A_2900 = arith.addi %parallel_loop3A_2893, %parallel_loop3A_2899 : vector<16xi32>
        %parallel_loop3A_2901 = arith.constant 16 : i32
        %parallel_loop3A_2902 = arith.muli %parallel_loop3A_2822, %parallel_loop3A_2901 : i32
        %parallel_loop3A_2903 = arith.constant 11264 : i32
        %parallel_loop3A_2904 = arith.addi %parallel_loop3A_2903, %parallel_loop3A_2902 : i32
        %parallel_loop3A_2905 = arith.index_cast %parallel_loop3A_2904 : i32 to index
        %parallel_loop3A_2906 = tpu.vector_load %arg11[%parallel_loop3A_2905] {strides = array<i32>} : memref<16384xi32, #tpu.memory_space<vmem>>, vector<16xi32>,
        %parallel_loop3A_2907 = arith.addi %parallel_loop3A_2900, %parallel_loop3A_2906 : vector<16xi32>
        %parallel_loop3A_2908 = arith.constant 16 : i32
        %parallel_loop3A_2909 = arith.muli %parallel_loop3A_2822, %parallel_loop3A_2908 : i32
        %parallel_loop3A_2910 = arith.constant 12288 : i32
        %parallel_loop3A_2911 = arith.addi %parallel_loop3A_2910, %parallel_loop3A_2909 : i32
        %parallel_loop3A_2912 = arith.index_cast %parallel_loop3A_2911 : i32 to index
        %parallel_loop3A_2913 = tpu.vector_load %arg11[%parallel_loop3A_2912] {strides = array<i32>} : memref<16384xi32, #tpu.memory_space<vmem>>, vector<16xi32>,
        %parallel_loop3A_2914 = arith.addi %parallel_loop3A_2907, %parallel_loop3A_2913 : vector<16xi32>
        %parallel_loop3A_2915 = arith.constant 16 : i32
        %parallel_loop3A_2916 = arith.muli %parallel_loop3A_2822, %parallel_loop3A_2915 : i32
        %parallel_loop3A_2917 = arith.constant 13312 : i32
        %parallel_loop3A_2918 = arith.addi %parallel_loop3A_2917, %parallel_loop3A_2916 : i32
        %parallel_loop3A_2919 = arith.index_cast %parallel_loop3A_2918 : i32 to index
        %parallel_loop3A_2920 = tpu.vector_load %arg11[%parallel_loop3A_2919] {strides = array<i32>} : memref<16384xi32, #tpu.memory_space<vmem>>, vector<16xi32>,
        %parallel_loop3A_2921 = arith.addi %parallel_loop3A_2914, %parallel_loop3A_2920 : vector<16xi32>
        %parallel_loop3A_2922 = arith.constant 16 : i32
        %parallel_loop3A_2923 = arith.muli %parallel_loop3A_2822, %parallel_loop3A_2922 : i32
        %parallel_loop3A_2924 = arith.constant 14336 : i32
        %parallel_loop3A_2925 = arith.addi %parallel_loop3A_2924, %parallel_loop3A_2923 : i32
        %parallel_loop3A_2926 = arith.index_cast %parallel_loop3A_2925 : i32 to index
        %parallel_loop3A_2927 = tpu.vector_load %arg11[%parallel_loop3A_2926] {strides = array<i32>} : memref<16384xi32, #tpu.memory_space<vmem>>, vector<16xi32>,
        %parallel_loop3A_2928 = arith.addi %parallel_loop3A_2921, %parallel_loop3A_2927 : vector<16xi32>
        %parallel_loop3A_2929 = arith.constant 16 : i32
        %parallel_loop3A_2930 = arith.muli %parallel_loop3A_2822, %parallel_loop3A_2929 : i32
        %parallel_loop3A_2931 = arith.constant 15360 : i32
        %parallel_loop3A_2932 = arith.addi %parallel_loop3A_2931, %parallel_loop3A_2930 : i32
        %parallel_loop3A_2933 = arith.index_cast %parallel_loop3A_2932 : i32 to index
        %parallel_loop3A_2934 = tpu.vector_load %arg11[%parallel_loop3A_2933] {strides = array<i32>} : memref<16384xi32, #tpu.memory_space<vmem>>, vector<16xi32>,
        %parallel_loop3A_2935 = arith.addi %parallel_loop3A_2928, %parallel_loop3A_2934 : vector<16xi32>
        %parallel_loop3A_2936 = arith.constant 16 : i32
        %parallel_loop3A_2937 = arith.muli %parallel_loop3A_2822, %parallel_loop3A_2936 : i32
        %parallel_loop3A_2938 = arith.index_cast %parallel_loop3A_2937 : i32 to index
        %parallel_loop3A_2939 = tpu.vector_load %arg12[%parallel_loop3A_2938] {strides = array<i32>} : memref<1024xi32, #tpu.memory_space<vmem>>, vector<16xi32>,
        tpu.vector_store %arg12[%parallel_loop3A_2938], %parallel_loop3A_2935 {strides = array<i32>} : memref<1024xi32, #tpu.memory_space<vmem>>, vector<16xi32>,
        %parallel_loop3A_2940 = arith.constant 1 : i32
        %parallel_loop3A_2941 = vector.broadcast %parallel_loop3A_2940 : i32 to vector<16xi32>
        %parallel_loop3A_2942 = arith.xori %iota3A, %parallel_loop3A_2941 : vector<16xi32>
        %parallel_loop3A_2943 = vector.shape_cast %parallel_loop3A_2942 : vector<16xi32> to vector<16x1xi32>
        %parallel_loop3A_2944 = vector.shape_cast %parallel_loop3A_2943 : vector<16x1xi32> to vector<16xi32>
        %parallel_loop3A_2945 = tpu.dynamic_gather %parallel_loop3A_2935[%parallel_loop3A_2944] in [0] : vector<16xi32>, vector<16xi32> -> vector<16xi32>
        %parallel_loop3A_2946 = arith.addi %parallel_loop3A_2935, %parallel_loop3A_2945 : vector<16xi32>
        %parallel_loop3A_2947 = arith.constant 2 : i32
        %parallel_loop3A_2948 = vector.broadcast %parallel_loop3A_2947 : i32 to vector<16xi32>
        %parallel_loop3A_2949 = arith.xori %iota3A, %parallel_loop3A_2948 : vector<16xi32>
        %parallel_loop3A_2950 = vector.shape_cast %parallel_loop3A_2949 : vector<16xi32> to vector<16x1xi32>
        %parallel_loop3A_2951 = vector.shape_cast %parallel_loop3A_2950 : vector<16x1xi32> to vector<16xi32>
        %parallel_loop3A_2952 = tpu.dynamic_gather %parallel_loop3A_2946[%parallel_loop3A_2951] in [0] : vector<16xi32>, vector<16xi32> -> vector<16xi32>
        %parallel_loop3A_2953 = arith.addi %parallel_loop3A_2946, %parallel_loop3A_2952 : vector<16xi32>
        %parallel_loop3A_2954 = arith.constant 4 : i32
        %parallel_loop3A_2955 = vector.broadcast %parallel_loop3A_2954 : i32 to vector<16xi32>
        %parallel_loop3A_2956 = arith.xori %iota3A, %parallel_loop3A_2955 : vector<16xi32>
        %parallel_loop3A_2957 = vector.shape_cast %parallel_loop3A_2956 : vector<16xi32> to vector<16x1xi32>
        %parallel_loop3A_2958 = vector.shape_cast %parallel_loop3A_2957 : vector<16x1xi32> to vector<16xi32>
        %parallel_loop3A_2959 = tpu.dynamic_gather %parallel_loop3A_2953[%parallel_loop3A_2958] in [0] : vector<16xi32>, vector<16xi32> -> vector<16xi32>
        %parallel_loop3A_2960 = arith.addi %parallel_loop3A_2953, %parallel_loop3A_2959 : vector<16xi32>
        %parallel_loop3A_2961 = arith.constant 8 : i32
        %parallel_loop3A_2962 = vector.broadcast %parallel_loop3A_2961 : i32 to vector<16xi32>
        %parallel_loop3A_2963 = arith.xori %iota3A, %parallel_loop3A_2962 : vector<16xi32>
        %parallel_loop3A_2964 = vector.shape_cast %parallel_loop3A_2963 : vector<16xi32> to vector<16x1xi32>
        %parallel_loop3A_2965 = vector.shape_cast %parallel_loop3A_2964 : vector<16x1xi32> to vector<16xi32>
        %parallel_loop3A_2966 = tpu.dynamic_gather %parallel_loop3A_2960[%parallel_loop3A_2965] in [0] : vector<16xi32>, vector<16xi32> -> vector<16xi32>
        %parallel_loop3A_2967 = arith.addi %parallel_loop3A_2960, %parallel_loop3A_2966 : vector<16xi32>
        %parallel_loop3A_2968 = arith.addi %parallel_loop3A_2826, %parallel_loop3A_2967 : vector<16xi32>
        %parallel_loop3A_2969 = arith.constant dense<true> : vector<16xi1>
        %parallel_loop3A_2970 = arith.xori %parallel_loop3A_2823, %parallel_loop3A_2969 : vector<16xi1>
        %parallel_loop3A_2971 = arith.constant 256 : i32
        %parallel_loop3A_2972 = vector.broadcast %parallel_loop3A_2971 : i32 to vector<16xi32>
        %parallel_loop3A_2973 = arith.cmpi sge, %parallel_loop3A_2968, %parallel_loop3A_2972 : vector<16xi32>
        %parallel_loop3A_2974 = arith.andi %parallel_loop3A_2970, %parallel_loop3A_2973 : vector<16xi1>
        %parallel_loop3A_2975 = vector.broadcast %parallel_loop3A_2822 : i32 to vector<16xi32>
        %parallel_loop3A_2976 = arith.select %parallel_loop3A_2974, %parallel_loop3A_2975, %parallel_loop3A_2824 : vector<16xi1>, vector<16xi32>
        %parallel_loop3A_2977 = arith.select %parallel_loop3A_2974, %parallel_loop3A_2826, %parallel_loop3A_2825 : vector<16xi1>, vector<16xi32>
        %parallel_loop3A_2978 = arith.ori %parallel_loop3A_2823, %parallel_loop3A_2974 : vector<16xi1>
        scf.yield %parallel_loop3A_2978, %parallel_loop3A_2976, %parallel_loop3A_2977, %parallel_loop3A_2968 : vector<16xi1>, vector<16xi32>, vector<16xi32>, vector<16xi32>
      } {sc.loop_unroll_factor = 2 : i64, sc.parallel_access}
      %mul3A_98 = arith.constant 16 : i32
      %mul3A_99 = vector.broadcast %mul3A_98 : i32 to vector<16xi32>
      %mul3A_100 = arith.muli %parallel_loop3A_97#1, %mul3A_99 : vector<16xi32>
      %add3A_101 = arith.addi %mul3A_100, %iota3A : vector<16xi32>
      %gather3A = tpu.vector_load_idx %arg12[%add3A_101] : memref<1024xi32, #tpu.memory_space<vmem>>[vector<16xi32>], vector<16xi32>,
      %broadcast_in_dim3A_102 = arith.constant true
      %broadcast_in_dim3A_103 = vector.broadcast %broadcast_in_dim3A_102 : i1 to vector<16xi1>
      %masked_cumsum3A = tpu.scan <sum>, %gather3A masked %broadcast_in_dim3A_103 : vector<16xi32>, vector<16xi1> -> vector<16xi32>
      %add3A_104 = arith.addi %masked_cumsum3A, %parallel_loop3A_97#2 : vector<16xi32>
      %ge3A = arith.constant 256 : i32
      %ge3A_105 = vector.broadcast %ge3A : i32 to vector<16xi32>
      %ge3A_106 = arith.cmpi sge, %add3A_104, %ge3A_105 : vector<16xi32>
      %sub3A_107 = arith.subi %add3A_104, %gather3A : vector<16xi32>
      %convert_element_type3A = arith.sitofp %sub3A_107 : vector<16xi32> to vector<16xf32>
      %jit3A_108 = arith.constant 0x4B800000 : f32
      %broadcast_in_dim3A_109 = vector.broadcast %jit3A_108 : f32 to vector<16xf32>
      %select_n3A_110 = arith.select %ge3A_106, %convert_element_type3A, %broadcast_in_dim3A_109 : vector<16xi1>, vector<16xf32>
      %xor3A = arith.constant 1 : i32
      %xor3A_111 = vector.broadcast %xor3A : i32 to vector<16xi32>
      %xor3A_112 = arith.xori %iota3A, %xor3A_111 : vector<16xi32>
      %broadcast_in_dim3A_113 = vector.shape_cast %xor3A_112 : vector<16xi32> to vector<16x1xi32>
      %gather3A_114 = vector.shape_cast %broadcast_in_dim3A_113 : vector<16x1xi32> to vector<16xi32>
      %gather3A_115 = tpu.dynamic_gather %select_n3A_110[%gather3A_114] in [0] : vector<16xf32>, vector<16xi32> -> vector<16xf32>
      %min3A = arith.minimumf %select_n3A_110, %gather3A_115 : vector<16xf32>
      %xor3A_116 = arith.constant 2 : i32
      %xor3A_117 = vector.broadcast %xor3A_116 : i32 to vector<16xi32>
      %xor3A_118 = arith.xori %iota3A, %xor3A_117 : vector<16xi32>
      %broadcast_in_dim3A_119 = vector.shape_cast %xor3A_118 : vector<16xi32> to vector<16x1xi32>
      %gather3A_120 = vector.shape_cast %broadcast_in_dim3A_119 : vector<16x1xi32> to vector<16xi32>
      %gather3A_121 = tpu.dynamic_gather %min3A[%gather3A_120] in [0] : vector<16xf32>, vector<16xi32> -> vector<16xf32>
      %min3A_122 = arith.minimumf %min3A, %gather3A_121 : vector<16xf32>
      %xor3A_123 = arith.constant 4 : i32
      %xor3A_124 = vector.broadcast %xor3A_123 : i32 to vector<16xi32>
      %xor3A_125 = arith.xori %iota3A, %xor3A_124 : vector<16xi32>
      %broadcast_in_dim3A_126 = vector.shape_cast %xor3A_125 : vector<16xi32> to vector<16x1xi32>
      %gather3A_127 = vector.shape_cast %broadcast_in_dim3A_126 : vector<16x1xi32> to vector<16xi32>
      %gather3A_128 = tpu.dynamic_gather %min3A_122[%gather3A_127] in [0] : vector<16xf32>, vector<16xi32> -> vector<16xf32>
      %min3A_129 = arith.minimumf %min3A_122, %gather3A_128 : vector<16xf32>
      %xor3A_130 = arith.constant 8 : i32
      %xor3A_131 = vector.broadcast %xor3A_130 : i32 to vector<16xi32>
      %xor3A_132 = arith.xori %iota3A, %xor3A_131 : vector<16xi32>
      %broadcast_in_dim3A_133 = vector.shape_cast %xor3A_132 : vector<16xi32> to vector<16x1xi32>
      %gather3A_134 = vector.shape_cast %broadcast_in_dim3A_133 : vector<16x1xi32> to vector<16xi32>
      %gather3A_135 = tpu.dynamic_gather %min3A_129[%gather3A_134] in [0] : vector<16xf32>, vector<16xi32> -> vector<16xf32>
      %min3A_136 = arith.minimumf %min3A_129, %gather3A_135 : vector<16xf32>
      %convert_element_type3A_137 = arith.sitofp %iota3A : vector<16xi32> to vector<16xf32>
      %jit3A_138 = arith.constant 0x4B800000 : f32
      %broadcast_in_dim3A_139 = vector.broadcast %jit3A_138 : f32 to vector<16xf32>
      %select_n3A_140 = arith.select %ge3A_106, %convert_element_type3A_137, %broadcast_in_dim3A_139 : vector<16xi1>, vector<16xf32>
      %xor3A_141 = arith.constant 1 : i32
      %xor3A_142 = vector.broadcast %xor3A_141 : i32 to vector<16xi32>
      %xor3A_143 = arith.xori %iota3A, %xor3A_142 : vector<16xi32>
      %broadcast_in_dim3A_144 = vector.shape_cast %xor3A_143 : vector<16xi32> to vector<16x1xi32>
      %gather3A_145 = vector.shape_cast %broadcast_in_dim3A_144 : vector<16x1xi32> to vector<16xi32>
      %gather3A_146 = tpu.dynamic_gather %select_n3A_140[%gather3A_145] in [0] : vector<16xf32>, vector<16xi32> -> vector<16xf32>
      %min3A_147 = arith.minimumf %select_n3A_140, %gather3A_146 : vector<16xf32>
      %xor3A_148 = arith.constant 2 : i32
      %xor3A_149 = vector.broadcast %xor3A_148 : i32 to vector<16xi32>
      %xor3A_150 = arith.xori %iota3A, %xor3A_149 : vector<16xi32>
      %broadcast_in_dim3A_151 = vector.shape_cast %xor3A_150 : vector<16xi32> to vector<16x1xi32>
      %gather3A_152 = vector.shape_cast %broadcast_in_dim3A_151 : vector<16x1xi32> to vector<16xi32>
      %gather3A_153 = tpu.dynamic_gather %min3A_147[%gather3A_152] in [0] : vector<16xf32>, vector<16xi32> -> vector<16xf32>
      %min3A_154 = arith.minimumf %min3A_147, %gather3A_153 : vector<16xf32>
      %xor3A_155 = arith.constant 4 : i32
      %xor3A_156 = vector.broadcast %xor3A_155 : i32 to vector<16xi32>
      %xor3A_157 = arith.xori %iota3A, %xor3A_156 : vector<16xi32>
      %broadcast_in_dim3A_158 = vector.shape_cast %xor3A_157 : vector<16xi32> to vector<16x1xi32>
      %gather3A_159 = vector.shape_cast %broadcast_in_dim3A_158 : vector<16x1xi32> to vector<16xi32>
      %gather3A_160 = tpu.dynamic_gather %min3A_154[%gather3A_159] in [0] : vector<16xf32>, vector<16xi32> -> vector<16xf32>
      %min3A_161 = arith.minimumf %min3A_154, %gather3A_160 : vector<16xf32>
      %xor3A_162 = arith.constant 8 : i32
      %xor3A_163 = vector.broadcast %xor3A_162 : i32 to vector<16xi32>
      %xor3A_164 = arith.xori %iota3A, %xor3A_163 : vector<16xi32>
      %broadcast_in_dim3A_165 = vector.shape_cast %xor3A_164 : vector<16xi32> to vector<16x1xi32>
      %gather3A_166 = vector.shape_cast %broadcast_in_dim3A_165 : vector<16x1xi32> to vector<16xi32>
      %gather3A_167 = tpu.dynamic_gather %min3A_161[%gather3A_166] in [0] : vector<16xf32>, vector<16xi32> -> vector<16xf32>
      %min3A_168 = arith.minimumf %min3A_161, %gather3A_167 : vector<16xf32>
      %mul3A_169 = arith.constant 16 : i32
      %mul3A_170 = vector.broadcast %mul3A_169 : i32 to vector<16xi32>
      %mul3A_171 = arith.muli %parallel_loop3A_97#1, %mul3A_170 : vector<16xi32>
      %convert_element_type3A_172 = arith.fptosi %min3A_168 : vector<16xf32> to vector<16xi32>
      %add3A_173 = arith.addi %mul3A_171, %convert_element_type3A_172 : vector<16xi32>
      %sub3A_174 = arith.constant 2.560000e+02 : f32
      %sub3A_175 = vector.broadcast %sub3A_174 : f32 to vector<16xf32>
      %sub3A_176 = arith.subf %sub3A_175, %min3A_136 : vector<16xf32>
      %reduce_max3A_177 = arith.constant true
      %reduce_max3A_178 = vector.broadcast %reduce_max3A_177 : i1 to vector<16xi1>
      %reduce_max3A_179 = tpu.scan <max>, %sub3A_176 masked %reduce_max3A_178 : vector<16xf32>, vector<16xi1> -> vector<16xf32>
      %reduce_max3A_180 = vector.extract %reduce_max3A_179[15] : f32 from vector<16xf32>
      %convert_element_type3A_181 = arith.fptosi %reduce_max3A_180 : f32 to i32
      %convert_element_type3A_182 = arith.fptosi %min3A_136 : vector<16xf32> to vector<16xi32>
      %parallel_loop3A_183 = arith.constant 0 : i32
      %parallel_loop3A_184 = arith.constant 1024 : i32
      %parallel_loop3A_185 = arith.constant 1 : i32
      %parallel_loop3A_186:2 = scf.for %parallel_loop3A_2822 = %parallel_loop3A_183 to %parallel_loop3A_184 step %parallel_loop3A_185 iter_args(%parallel_loop3A_2823 = %broadcast_in_dim3A_86, %parallel_loop3A_2824 = %broadcast_in_dim3A_86) -> (vector<16xi32>, vector<16xi32>)  : i32 {
        %parallel_loop3A_2825 = arith.constant 16 : i32
        %parallel_loop3A_2826 = arith.muli %parallel_loop3A_2822, %parallel_loop3A_2825 : i32
        %parallel_loop3A_2827 = arith.index_cast %parallel_loop3A_2826 : i32 to index
        %parallel_loop3A_2828 = tpu.vector_load %arg10[%parallel_loop3A_2827] {strides = array<i32>} : memref<16384xf32, #tpu.memory_space<vmem>>, vector<16xf32>,
        %parallel_loop3A_2829 = vector.bitcast %parallel_loop3A_2828 : vector<16xf32> to vector<16xi32>
        %parallel_loop3A_2830 = arith.constant 21 : i32
        %parallel_loop3A_2831 = vector.broadcast %parallel_loop3A_2830 : i32 to vector<16xi32>
        %parallel_loop3A_2832 = arith.shrui %parallel_loop3A_2829, %parallel_loop3A_2831 : vector<16xi32>
        %parallel_loop3A_2833 = vector.broadcast %parallel_loop3A_2826 : i32 to vector<16xi32>
        %parallel_loop3A_2834 = arith.addi %parallel_loop3A_2833, %iota3A : vector<16xi32>
        %parallel_loop3A_2835 = arith.cmpi slt, %parallel_loop3A_2832, %add3A_173 : vector<16xi32>
        %parallel_loop3A_2836 = arith.extui %parallel_loop3A_2835 : vector<16xi1> to vector<16xi32>
        %parallel_loop3A_2837 = arith.constant true
        %parallel_loop3A_2838 = vector.broadcast %parallel_loop3A_2837 : i1 to vector<16xi1>
        %parallel_loop3A_2839 = tpu.scan <sum>, %parallel_loop3A_2836 masked %parallel_loop3A_2838 : vector<16xi32>, vector<16xi1> -> vector<16xi32>
        %parallel_loop3A_2840 = arith.addi %parallel_loop3A_2823, %parallel_loop3A_2839 : vector<16xi32>
        %parallel_loop3A_2841 = arith.constant 1 : i32
        %parallel_loop3A_2842 = vector.broadcast %parallel_loop3A_2841 : i32 to vector<16xi32>
        %parallel_loop3A_2843 = arith.subi %parallel_loop3A_2840, %parallel_loop3A_2842 : vector<16xi32>
        %parallel_loop3A_2844 = arith.constant 0 : i32
        %parallel_loop3A_2845 = vector.broadcast %parallel_loop3A_2844 : i32 to vector<16xi32>
        %parallel_loop3A_2846 = arith.maxsi %parallel_loop3A_2843, %parallel_loop3A_2845 : vector<16xi32>
        tpu.vector_store_idx %arg17[%parallel_loop3A_2846], %parallel_loop3A_2834 masked %parallel_loop3A_2835 : memref<272xi32, #tpu.memory_space<vmem>>[vector<16xi32>], vector<16xi32>, vector<16xi1>
        %parallel_loop3A_2847 = tpu.all_reduce %parallel_loop3A_2835 {dim = 0 : i64, kind = #tpu.reduction_kind<sum>} : vector<16xi1> -> vector<16xi32>
        %parallel_loop3A_2848 = arith.addi %parallel_loop3A_2823, %parallel_loop3A_2847 : vector<16xi32>
        %parallel_loop3A_2849 = arith.cmpi eq, %parallel_loop3A_2832, %add3A_173 : vector<16xi32>
        %parallel_loop3A_2850 = arith.extui %parallel_loop3A_2849 : vector<16xi1> to vector<16xi32>
        %parallel_loop3A_2851 = arith.constant true
        %parallel_loop3A_2852 = vector.broadcast %parallel_loop3A_2851 : i1 to vector<16xi1>
        %parallel_loop3A_2853 = tpu.scan <sum>, %parallel_loop3A_2850 masked %parallel_loop3A_2852 : vector<16xi32>, vector<16xi1> -> vector<16xi32>
        %parallel_loop3A_2854 = arith.addi %parallel_loop3A_2824, %parallel_loop3A_2853 : vector<16xi32>
        %parallel_loop3A_2855 = arith.constant 1 : i32
        %parallel_loop3A_2856 = vector.broadcast %parallel_loop3A_2855 : i32 to vector<16xi32>
        %parallel_loop3A_2857 = arith.subi %parallel_loop3A_2854, %parallel_loop3A_2856 : vector<16xi32>
        %parallel_loop3A_2858 = arith.constant 0 : i32
        %parallel_loop3A_2859 = arith.constant 2063 : i32
        %parallel_loop3A_2860 = vector.broadcast %parallel_loop3A_2858 : i32 to vector<16xi32>
        %parallel_loop3A_2861 = arith.maxsi %parallel_loop3A_2860, %parallel_loop3A_2857 : vector<16xi32>
        %parallel_loop3A_2862 = vector.broadcast %parallel_loop3A_2859 : i32 to vector<16xi32>
        %parallel_loop3A_2863 = arith.minsi %parallel_loop3A_2862, %parallel_loop3A_2861 : vector<16xi32>
        tpu.vector_store_idx %arg14[%parallel_loop3A_2863], %parallel_loop3A_2828 masked %parallel_loop3A_2849 : memref<2064xf32, #tpu.memory_space<vmem>>[vector<16xi32>], vector<16xf32>, vector<16xi1>
        tpu.vector_store_idx %arg16[%parallel_loop3A_2863], %parallel_loop3A_2834 masked %parallel_loop3A_2849 : memref<2064xi32, #tpu.memory_space<vmem>>[vector<16xi32>], vector<16xi32>, vector<16xi1>
        %parallel_loop3A_2864 = tpu.all_reduce %parallel_loop3A_2849 {dim = 0 : i64, kind = #tpu.reduction_kind<sum>} : vector<16xi1> -> vector<16xi32>
        %parallel_loop3A_2865 = arith.addi %parallel_loop3A_2824, %parallel_loop3A_2864 : vector<16xi32>
        %parallel_loop3A_2866 = arith.constant 2048 : i32
        %parallel_loop3A_2867 = vector.broadcast %parallel_loop3A_2866 : i32 to vector<16xi32>
        %parallel_loop3A_2868 = arith.minsi %parallel_loop3A_2865, %parallel_loop3A_2867 : vector<16xi32>
        scf.yield %parallel_loop3A_2848, %parallel_loop3A_2868 : vector<16xi32>, vector<16xi32>
      } {sc.loop_unroll_factor = 2 : i64, sc.parallel_access}
      %convert_element_type3A_187 = arith.sitofp %parallel_loop3A_186#1 : vector<16xi32> to vector<16xf32>
      %reduce_max3A_188 = arith.constant true
      %reduce_max3A_189 = vector.broadcast %reduce_max3A_188 : i1 to vector<16xi1>
      %reduce_max3A_190 = tpu.scan <max>, %convert_element_type3A_187 masked %reduce_max3A_189 : vector<16xf32>, vector<16xi1> -> vector<16xf32>
      %reduce_max3A_191 = vector.extract %reduce_max3A_190[15] : f32 from vector<16xf32>
      %convert_element_type3A_192 = arith.fptosi %reduce_max3A_191 : f32 to i32
      %add3A_193 = arith.constant 15 : i32
      %add3A_194 = arith.addi %convert_element_type3A_192, %add3A_193 : i32
      %jit3A_195 = arith.constant 16 : i32
      %div3A_196 = arith.divsi %add3A_194, %jit3A_195 : i32
      %sign3A_197 = arith.constant 0 : i32
      %sign3A_198 = arith.cmpi sgt, %add3A_194, %sign3A_197 : i32
      %sign3A_199 = arith.extui %sign3A_198 : i1 to i32
      %sign3A_200 = arith.constant 0 : i32
      %sign3A_201 = arith.cmpi slt, %add3A_194, %sign3A_200 : i32
      %sign3A_202 = arith.extui %sign3A_201 : i1 to i32
      %sign3A_203 = arith.subi %sign3A_199, %sign3A_202 : i32
      %sign3A_204 = arith.constant 0 : i32
      %sign3A_205 = arith.cmpi sgt, %jit3A_195, %sign3A_204 : i32
      %sign3A_206 = arith.extui %sign3A_205 : i1 to i32
      %sign3A_207 = arith.constant 0 : i32
      %sign3A_208 = arith.cmpi slt, %jit3A_195, %sign3A_207 : i32
      %sign3A_209 = arith.extui %sign3A_208 : i1 to i32
      %sign3A_210 = arith.subi %sign3A_206, %sign3A_209 : i32
      %ne3A_211 = arith.cmpi ne, %sign3A_203, %sign3A_210 : i32
      %rem3A_212 = arith.remsi %add3A_194, %jit3A_195 : i32
      %ne3A_213 = arith.constant 0 : i32
      %ne3A_214 = arith.cmpi ne, %rem3A_212, %ne3A_213 : i32
      %and3A_215 = arith.andi %ne3A_211, %ne3A_214 : i1
      %sub3A_216 = arith.constant 1 : i32
      %sub3A_217 = arith.subi %div3A_196, %sub3A_216 : i32
      %select_n3A_218 = arith.select %and3A_215, %sub3A_217, %div3A_196 : i32
      %convert_element_type3A_219 = arith.sitofp %convert_element_type3A_182 : vector<16xi32> to vector<16xf32>
      %reduce_max3A_220 = arith.constant true
      %reduce_max3A_221 = vector.broadcast %reduce_max3A_220 : i1 to vector<16xi1>
      %reduce_max3A_222 = tpu.scan <max>, %convert_element_type3A_219 masked %reduce_max3A_221 : vector<16xf32>, vector<16xi1> -> vector<16xf32>
      %reduce_max3A_223 = vector.extract %reduce_max3A_222[15] : f32 from vector<16xf32>
      %convert_element_type3A_224 = arith.fptosi %reduce_max3A_223 : f32 to i32
      %parallel_loop3A_225 = arith.constant 0 : i32
      %parallel_loop3A_226 = arith.constant 1 : i32
      %parallel_loop3A_227 = arith.constant 0 : i32
      %parallel_loop3A_228 = scf.for %parallel_loop3A_2822 = %parallel_loop3A_225 to %select_n3A_218 step %parallel_loop3A_226 iter_args(%parallel_loop3A_2823 = %parallel_loop3A_227) -> (i32)  : i32 {
        %parallel_loop3A_2824 = arith.constant 16 : i32
        %parallel_loop3A_2825 = arith.muli %parallel_loop3A_2822, %parallel_loop3A_2824 : i32
        %parallel_loop3A_2826 = vector.broadcast %parallel_loop3A_2825 : i32 to vector<16xi32>
        %parallel_loop3A_2827 = arith.addi %parallel_loop3A_2826, %iota3A : vector<16xi32>
        %parallel_loop3A_2828 = vector.broadcast %convert_element_type3A_192 : i32 to vector<16xi32>
        %parallel_loop3A_2829 = arith.cmpi slt, %parallel_loop3A_2827, %parallel_loop3A_2828 : vector<16xi32>
        %parallel_loop3A_2830 = arith.constant 16 : i32
        %parallel_loop3A_2831 = arith.muli %parallel_loop3A_2822, %parallel_loop3A_2830 : i32
        %parallel_loop3A_2832 = arith.index_cast %parallel_loop3A_2831 : i32 to index
        %parallel_loop3A_2833 = tpu.vector_load %arg14[%parallel_loop3A_2832] {strides = array<i32>} : memref<2064xf32, #tpu.memory_space<vmem>>, vector<16xf32>,
        %parallel_loop3A_2834 = vector.broadcast %scan3A_31 : f32 to vector<16xf32>
        %parallel_loop3A_2835 = arith.select %parallel_loop3A_2829, %parallel_loop3A_2833, %parallel_loop3A_2834 : vector<16xi1>, vector<16xf32>
        %parallel_loop3A_2836 = arith.constant 16 : i32
        %parallel_loop3A_2837 = arith.muli %parallel_loop3A_2822, %parallel_loop3A_2836 : i32
        %parallel_loop3A_2838 = arith.index_cast %parallel_loop3A_2837 : i32 to index
        %parallel_loop3A_2839 = tpu.vector_load %arg15[%parallel_loop3A_2838] {strides = array<i32>} : memref<2064xf32, #tpu.memory_space<vmem>>, vector<16xf32>,
        tpu.vector_store %arg15[%parallel_loop3A_2838], %parallel_loop3A_2835 {strides = array<i32>} : memref<2064xf32, #tpu.memory_space<vmem>>, vector<16xf32>,
        %parallel_loop3A_2840 = arith.constant 0 : i32
        scf.yield %parallel_loop3A_2840 : i32
      } {sc.loop_unroll_factor = 1 : i64, sc.parallel_access}
      %while3A = arith.constant 0 : i32
      %while3A_229 = arith.constant 0.000000e+00 : f32
      %while3A_230:2 = scf.while (%while3A_2822 = %while3A, %while3A_2823 = %while3A_229) : (i32, f32) -> (i32, f32) {
        %lt3A_2824 = arith.cmpi slt, %while3A_2822, %convert_element_type3A_181 : i32
        scf.condition(%lt3A_2824) %while3A_2822, %while3A_2823 : i32, f32
      } do {
      ^bb0(%while3A_2822: i32, %while3A_2823: f32):
        %broadcast_in_dim3A_2824 = vector.broadcast %scan3A_31 : f32 to vector<16xf32>
        %while3A_2825 = arith.constant 0 : i32
        %while3A_2826 = arith.subi %select_n3A_218, %while3A_2825 : i32
        %while3A_2827 = arith.addi %while3A_2825, %while3A_2826 : i32
        %while3A_2828 = arith.constant 1 : i32
        %while3A_2829 = arith.divsi %while3A_2826, %while3A_2828 : i32
        %while3A_2830 = arith.muli %while3A_2829, %while3A_2828 : i32
        %while3A_2831 = arith.addi %while3A_2825, %while3A_2830 : i32
        %while3A_2832 = arith.constant 1 : i32
        %while3A_2833 = scf.for %while3A_2886 = %while3A_2825 to %while3A_2831 step %while3A_2832 iter_args(%while3A_2887 = %broadcast_in_dim3A_2824) -> (vector<16xf32>)  : i32 {
          %mul3A_2888 = arith.constant 16 : i32
          %mul3A_2889 = arith.muli %while3A_2886, %mul3A_2888 : i32
          %get3A_2890 = arith.index_cast %mul3A_2889 : i32 to index
          %get3A_2891 = tpu.vector_load %arg15[%get3A_2890] {strides = array<i32>} : memref<2064xf32, #tpu.memory_space<vmem>>, vector<16xf32>,
          %min3A_2892 = arith.minimumf %while3A_2887, %get3A_2891 : vector<16xf32>
          scf.yield %min3A_2892 : vector<16xf32>
        }
        %while3A_2834 = arith.constant 1 : i32
        %while3A_2835 = scf.for %while3A_2886 = %while3A_2831 to %while3A_2827 step %while3A_2834 iter_args(%while3A_2887 = %while3A_2833) -> (vector<16xf32>)  : i32 {
          %mul3A_2888 = arith.constant 16 : i32
          %mul3A_2889 = arith.muli %while3A_2886, %mul3A_2888 : i32
          %get3A_2890 = arith.index_cast %mul3A_2889 : i32 to index
          %get3A_2891 = tpu.vector_load %arg15[%get3A_2890] {strides = array<i32>} : memref<2064xf32, #tpu.memory_space<vmem>>, vector<16xf32>,
          %min3A_2892 = arith.minimumf %while3A_2887, %get3A_2891 : vector<16xf32>
          scf.yield %min3A_2892 : vector<16xf32>
        }
        %xor3A_2836 = arith.constant 1 : i32
        %xor3A_2837 = vector.broadcast %xor3A_2836 : i32 to vector<16xi32>
        %xor3A_2838 = arith.xori %iota3A, %xor3A_2837 : vector<16xi32>
        %broadcast_in_dim3A_2839 = vector.shape_cast %xor3A_2838 : vector<16xi32> to vector<16x1xi32>
        %gather3A_2840 = vector.shape_cast %broadcast_in_dim3A_2839 : vector<16x1xi32> to vector<16xi32>
        %gather3A_2841 = tpu.dynamic_gather %while3A_2835[%gather3A_2840] in [0] : vector<16xf32>, vector<16xi32> -> vector<16xf32>
        %min3A_2842 = arith.minimumf %while3A_2835, %gather3A_2841 : vector<16xf32>
        %xor3A_2843 = arith.constant 2 : i32
        %xor3A_2844 = vector.broadcast %xor3A_2843 : i32 to vector<16xi32>
        %xor3A_2845 = arith.xori %iota3A, %xor3A_2844 : vector<16xi32>
        %broadcast_in_dim3A_2846 = vector.shape_cast %xor3A_2845 : vector<16xi32> to vector<16x1xi32>
        %gather3A_2847 = vector.shape_cast %broadcast_in_dim3A_2846 : vector<16x1xi32> to vector<16xi32>
        %gather3A_2848 = tpu.dynamic_gather %min3A_2842[%gather3A_2847] in [0] : vector<16xf32>, vector<16xi32> -> vector<16xf32>
        %min3A_2849 = arith.minimumf %min3A_2842, %gather3A_2848 : vector<16xf32>
        %xor3A_2850 = arith.constant 4 : i32
        %xor3A_2851 = vector.broadcast %xor3A_2850 : i32 to vector<16xi32>
        %xor3A_2852 = arith.xori %iota3A, %xor3A_2851 : vector<16xi32>
        %broadcast_in_dim3A_2853 = vector.shape_cast %xor3A_2852 : vector<16xi32> to vector<16x1xi32>
        %gather3A_2854 = vector.shape_cast %broadcast_in_dim3A_2853 : vector<16x1xi32> to vector<16xi32>
        %gather3A_2855 = tpu.dynamic_gather %min3A_2849[%gather3A_2854] in [0] : vector<16xf32>, vector<16xi32> -> vector<16xf32>
        %min3A_2856 = arith.minimumf %min3A_2849, %gather3A_2855 : vector<16xf32>
        %xor3A_2857 = arith.constant 8 : i32
        %xor3A_2858 = vector.broadcast %xor3A_2857 : i32 to vector<16xi32>
        %xor3A_2859 = arith.xori %iota3A, %xor3A_2858 : vector<16xi32>
        %broadcast_in_dim3A_2860 = vector.shape_cast %xor3A_2859 : vector<16xi32> to vector<16x1xi32>
        %gather3A_2861 = vector.shape_cast %broadcast_in_dim3A_2860 : vector<16x1xi32> to vector<16xi32>
        %gather3A_2862 = tpu.dynamic_gather %min3A_2856[%gather3A_2861] in [0] : vector<16xf32>, vector<16xi32> -> vector<16xf32>
        %min3A_2863 = arith.minimumf %min3A_2856, %gather3A_2862 : vector<16xf32>
        %while3A_2864 = arith.constant 0 : i32
        %while3A_2865 = arith.subi %select_n3A_218, %while3A_2864 : i32
        %while3A_2866 = arith.addi %while3A_2864, %while3A_2865 : i32
        %while3A_2867 = arith.constant 1 : i32
        %while3A_2868 = arith.divsi %while3A_2865, %while3A_2867 : i32
        %while3A_2869 = arith.muli %while3A_2868, %while3A_2867 : i32
        %while3A_2870 = arith.addi %while3A_2864, %while3A_2869 : i32
        %while3A_2871 = arith.constant 1 : i32
        %while3A_2872 = scf.for %while3A_2886 = %while3A_2864 to %while3A_2870 step %while3A_2871 iter_args(%while3A_2887 = %broadcast_in_dim3A_86) -> (vector<16xi32>)  : i32 {
          %mul3A_2888 = arith.constant 16 : i32
          %mul3A_2889 = arith.muli %while3A_2886, %mul3A_2888 : i32
          %get3A_2890 = arith.index_cast %mul3A_2889 : i32 to index
          %get3A_2891 = tpu.vector_load %arg15[%get3A_2890] {strides = array<i32>} : memref<2064xf32, #tpu.memory_space<vmem>>, vector<16xf32>,
          %eq3A_2892 = arith.cmpf oeq, %get3A_2891, %min3A_2863 : vector<16xf32>
          %broadcast_in_dim3A_2893 = vector.broadcast %scan3A_31 : f32 to vector<16xf32>
          %select_n3A_2894 = arith.select %eq3A_2892, %broadcast_in_dim3A_2893, %get3A_2891 : vector<16xi1>, vector<16xf32>
          %mul3A_2895 = arith.constant 16 : i32
          %mul3A_2896 = arith.muli %while3A_2886, %mul3A_2895 : i32
          %swap3A_2897 = arith.index_cast %mul3A_2896 : i32 to index
          %swap3A_2898 = tpu.vector_load %arg15[%swap3A_2897] {strides = array<i32>} : memref<2064xf32, #tpu.memory_space<vmem>>, vector<16xf32>,
          tpu.vector_store %arg15[%swap3A_2897], %select_n3A_2894 {strides = array<i32>} : memref<2064xf32, #tpu.memory_space<vmem>>, vector<16xf32>,
          %all_reduce_population_count3A = tpu.all_reduce %eq3A_2892 {dim = 0 : i64, kind = #tpu.reduction_kind<sum>} : vector<16xi1> -> vector<16xi32>
          %add3A_2899 = arith.addi %while3A_2887, %all_reduce_population_count3A : vector<16xi32>
          scf.yield %add3A_2899 : vector<16xi32>
        }
        %while3A_2873 = arith.constant 1 : i32
        %while3A_2874 = scf.for %while3A_2886 = %while3A_2870 to %while3A_2866 step %while3A_2873 iter_args(%while3A_2887 = %while3A_2872) -> (vector<16xi32>)  : i32 {
          %mul3A_2888 = arith.constant 16 : i32
          %mul3A_2889 = arith.muli %while3A_2886, %mul3A_2888 : i32
          %get3A_2890 = arith.index_cast %mul3A_2889 : i32 to index
          %get3A_2891 = tpu.vector_load %arg15[%get3A_2890] {strides = array<i32>} : memref<2064xf32, #tpu.memory_space<vmem>>, vector<16xf32>,
          %eq3A_2892 = arith.cmpf oeq, %get3A_2891, %min3A_2863 : vector<16xf32>
          %broadcast_in_dim3A_2893 = vector.broadcast %scan3A_31 : f32 to vector<16xf32>
          %select_n3A_2894 = arith.select %eq3A_2892, %broadcast_in_dim3A_2893, %get3A_2891 : vector<16xi1>, vector<16xf32>
          %mul3A_2895 = arith.constant 16 : i32
          %mul3A_2896 = arith.muli %while3A_2886, %mul3A_2895 : i32
          %swap3A_2897 = arith.index_cast %mul3A_2896 : i32 to index
          %swap3A_2898 = tpu.vector_load %arg15[%swap3A_2897] {strides = array<i32>} : memref<2064xf32, #tpu.memory_space<vmem>>, vector<16xf32>,
          tpu.vector_store %arg15[%swap3A_2897], %select_n3A_2894 {strides = array<i32>} : memref<2064xf32, #tpu.memory_space<vmem>>, vector<16xf32>,
          %all_reduce_population_count3A = tpu.all_reduce %eq3A_2892 {dim = 0 : i64, kind = #tpu.reduction_kind<sum>} : vector<16xi1> -> vector<16xi32>
          %add3A_2899 = arith.addi %while3A_2887, %all_reduce_population_count3A : vector<16xi32>
          scf.yield %add3A_2899 : vector<16xi32>
        }
        %convert_element_type3A_2875 = arith.sitofp %while3A_2874 : vector<16xi32> to vector<16xf32>
        %reduce_max3A_2876 = arith.constant true
        %reduce_max3A_2877 = vector.broadcast %reduce_max3A_2876 : i1 to vector<16xi1>
        %reduce_max3A_2878 = tpu.scan <max>, %convert_element_type3A_2875 masked %reduce_max3A_2877 : vector<16xf32>, vector<16xi1> -> vector<16xf32>
        %reduce_max3A_2879 = vector.extract %reduce_max3A_2878[15] : f32 from vector<16xf32>
        %convert_element_type3A_2880 = arith.fptosi %reduce_max3A_2879 : f32 to i32
        %add3A_2881 = arith.addi %while3A_2822, %convert_element_type3A_2880 : i32
        %reduce_max3A_2882 = arith.constant true
        %reduce_max3A_2883 = vector.broadcast %reduce_max3A_2882 : i1 to vector<16xi1>
        %reduce_max3A_2884 = tpu.scan <max>, %min3A_2863 masked %reduce_max3A_2883 : vector<16xf32>, vector<16xi1> -> vector<16xf32>
        %reduce_max3A_2885 = vector.extract %reduce_max3A_2884[15] : f32 from vector<16xf32>
        scf.yield %add3A_2881, %reduce_max3A_2885 : i32, f32
      }
      %parallel_loop3A_231 = arith.constant 0 : i32
      %parallel_loop3A_232 = arith.constant 1 : i32
      %parallel_loop3A_233 = scf.for %parallel_loop3A_2822 = %parallel_loop3A_231 to %select_n3A_218 step %parallel_loop3A_232 iter_args(%parallel_loop3A_2823 = %convert_element_type3A_182) -> (vector<16xi32>)  : i32 {
        %parallel_loop3A_2824 = arith.constant 16 : i32
        %parallel_loop3A_2825 = arith.muli %parallel_loop3A_2822, %parallel_loop3A_2824 : i32
        %parallel_loop3A_2826 = vector.broadcast %parallel_loop3A_2825 : i32 to vector<16xi32>
        %parallel_loop3A_2827 = arith.addi %parallel_loop3A_2826, %iota3A : vector<16xi32>
        %parallel_loop3A_2828 = vector.broadcast %convert_element_type3A_192 : i32 to vector<16xi32>
        %parallel_loop3A_2829 = arith.cmpi slt, %parallel_loop3A_2827, %parallel_loop3A_2828 : vector<16xi32>
        %parallel_loop3A_2830 = arith.constant 16 : i32
        %parallel_loop3A_2831 = arith.muli %parallel_loop3A_2822, %parallel_loop3A_2830 : i32
        %parallel_loop3A_2832 = arith.index_cast %parallel_loop3A_2831 : i32 to index
        %parallel_loop3A_2833 = tpu.vector_load %arg14[%parallel_loop3A_2832] {strides = array<i32>} : memref<2064xf32, #tpu.memory_space<vmem>>, vector<16xf32>,
        %parallel_loop3A_2834 = vector.broadcast %scan3A_31 : f32 to vector<16xf32>
        %parallel_loop3A_2835 = arith.select %parallel_loop3A_2829, %parallel_loop3A_2833, %parallel_loop3A_2834 : vector<16xi1>, vector<16xf32>
        %parallel_loop3A_2836 = vector.broadcast %while3A_230#1 : f32 to vector<16xf32>
        %parallel_loop3A_2837 = arith.cmpf olt, %parallel_loop3A_2835, %parallel_loop3A_2836 : vector<16xf32>
        %parallel_loop3A_2838 = arith.extui %parallel_loop3A_2837 : vector<16xi1> to vector<16xi32>
        %parallel_loop3A_2839 = arith.constant true
        %parallel_loop3A_2840 = vector.broadcast %parallel_loop3A_2839 : i1 to vector<16xi1>
        %parallel_loop3A_2841 = tpu.scan <sum>, %parallel_loop3A_2838 masked %parallel_loop3A_2840 : vector<16xi32>, vector<16xi1> -> vector<16xi32>
        %parallel_loop3A_2842 = arith.addi %parallel_loop3A_2823, %parallel_loop3A_2841 : vector<16xi32>
        %parallel_loop3A_2843 = arith.constant 1 : i32
        %parallel_loop3A_2844 = vector.broadcast %parallel_loop3A_2843 : i32 to vector<16xi32>
        %parallel_loop3A_2845 = arith.subi %parallel_loop3A_2842, %parallel_loop3A_2844 : vector<16xi32>
        %parallel_loop3A_2846 = arith.constant 0 : i32
        %parallel_loop3A_2847 = vector.broadcast %parallel_loop3A_2846 : i32 to vector<16xi32>
        %parallel_loop3A_2848 = arith.maxsi %parallel_loop3A_2845, %parallel_loop3A_2847 : vector<16xi32>
        %parallel_loop3A_2849 = arith.constant 16 : i32
        %parallel_loop3A_2850 = arith.muli %parallel_loop3A_2822, %parallel_loop3A_2849 : i32
        %parallel_loop3A_2851 = arith.index_cast %parallel_loop3A_2850 : i32 to index
        %parallel_loop3A_2852 = tpu.vector_load %arg16[%parallel_loop3A_2851] {strides = array<i32>} : memref<2064xi32, #tpu.memory_space<vmem>>, vector<16xi32>,
        tpu.vector_store_idx %arg17[%parallel_loop3A_2848], %parallel_loop3A_2852 masked %parallel_loop3A_2837 : memref<272xi32, #tpu.memory_space<vmem>>[vector<16xi32>], vector<16xi32>, vector<16xi1>
        %parallel_loop3A_2853 = tpu.all_reduce %parallel_loop3A_2837 {dim = 0 : i64, kind = #tpu.reduction_kind<sum>} : vector<16xi1> -> vector<16xi32>
        %parallel_loop3A_2854 = arith.addi %parallel_loop3A_2823, %parallel_loop3A_2853 : vector<16xi32>
        scf.yield %parallel_loop3A_2854 : vector<16xi32>
      } {sc.loop_unroll_factor = 1 : i64, sc.parallel_access}
      %sub3A_234 = arith.constant 256 : i32
      %sub3A_235 = vector.broadcast %sub3A_234 : i32 to vector<16xi32>
      %sub3A_236 = arith.subi %sub3A_235, %parallel_loop3A_233 : vector<16xi32>
      %parallel_loop3A_237 = arith.constant 0 : i32
      %parallel_loop3A_238 = arith.constant 1 : i32
      %parallel_loop3A_239:2 = scf.for %parallel_loop3A_2822 = %parallel_loop3A_237 to %select_n3A_218 step %parallel_loop3A_238 iter_args(%parallel_loop3A_2823 = %parallel_loop3A_233, %parallel_loop3A_2824 = %sub3A_236) -> (vector<16xi32>, vector<16xi32>)  : i32 {
        %parallel_loop3A_2825 = arith.constant 16 : i32
        %parallel_loop3A_2826 = arith.muli %parallel_loop3A_2822, %parallel_loop3A_2825 : i32
        %parallel_loop3A_2827 = vector.broadcast %parallel_loop3A_2826 : i32 to vector<16xi32>
        %parallel_loop3A_2828 = arith.addi %parallel_loop3A_2827, %iota3A : vector<16xi32>
        %parallel_loop3A_2829 = vector.broadcast %convert_element_type3A_192 : i32 to vector<16xi32>
        %parallel_loop3A_2830 = arith.cmpi slt, %parallel_loop3A_2828, %parallel_loop3A_2829 : vector<16xi32>
        %parallel_loop3A_2831 = arith.constant 16 : i32
        %parallel_loop3A_2832 = arith.muli %parallel_loop3A_2822, %parallel_loop3A_2831 : i32
        %parallel_loop3A_2833 = arith.index_cast %parallel_loop3A_2832 : i32 to index
        %parallel_loop3A_2834 = tpu.vector_load %arg14[%parallel_loop3A_2833] {strides = array<i32>} : memref<2064xf32, #tpu.memory_space<vmem>>, vector<16xf32>,
        %parallel_loop3A_2835 = vector.broadcast %scan3A_31 : f32 to vector<16xf32>
        %parallel_loop3A_2836 = arith.select %parallel_loop3A_2830, %parallel_loop3A_2834, %parallel_loop3A_2835 : vector<16xi1>, vector<16xf32>
        %parallel_loop3A_2837 = vector.broadcast %while3A_230#1 : f32 to vector<16xf32>
        %parallel_loop3A_2838 = arith.cmpf oeq, %parallel_loop3A_2836, %parallel_loop3A_2837 : vector<16xf32>
        %parallel_loop3A_2839 = arith.extui %parallel_loop3A_2838 : vector<16xi1> to vector<16xi32>
        %parallel_loop3A_2840 = arith.constant true
        %parallel_loop3A_2841 = vector.broadcast %parallel_loop3A_2840 : i1 to vector<16xi1>
        %parallel_loop3A_2842 = tpu.scan <sum>, %parallel_loop3A_2839 masked %parallel_loop3A_2841 : vector<16xi32>, vector<16xi1> -> vector<16xi32>
        %parallel_loop3A_2843 = arith.cmpi sle, %parallel_loop3A_2842, %parallel_loop3A_2824 : vector<16xi32>
        %parallel_loop3A_2844 = arith.andi %parallel_loop3A_2838, %parallel_loop3A_2843 : vector<16xi1>
        %parallel_loop3A_2845 = arith.addi %parallel_loop3A_2823, %parallel_loop3A_2842 : vector<16xi32>
        %parallel_loop3A_2846 = arith.constant 1 : i32
        %parallel_loop3A_2847 = vector.broadcast %parallel_loop3A_2846 : i32 to vector<16xi32>
        %parallel_loop3A_2848 = arith.subi %parallel_loop3A_2845, %parallel_loop3A_2847 : vector<16xi32>
        %parallel_loop3A_2849 = arith.constant 0 : i32
        %parallel_loop3A_2850 = vector.broadcast %parallel_loop3A_2849 : i32 to vector<16xi32>
        %parallel_loop3A_2851 = arith.maxsi %parallel_loop3A_2848, %parallel_loop3A_2850 : vector<16xi32>
        %parallel_loop3A_2852 = arith.constant 16 : i32
        %parallel_loop3A_2853 = arith.muli %parallel_loop3A_2822, %parallel_loop3A_2852 : i32
        %parallel_loop3A_2854 = arith.index_cast %parallel_loop3A_2853 : i32 to index
        %parallel_loop3A_2855 = tpu.vector_load %arg16[%parallel_loop3A_2854] {strides = array<i32>} : memref<2064xi32, #tpu.memory_space<vmem>>, vector<16xi32>,
        tpu.vector_store_idx %arg17[%parallel_loop3A_2851], %parallel_loop3A_2855 masked %parallel_loop3A_2844 : memref<272xi32, #tpu.memory_space<vmem>>[vector<16xi32>], vector<16xi32>, vector<16xi1>
        %parallel_loop3A_2856 = tpu.all_reduce %parallel_loop3A_2844 {dim = 0 : i64, kind = #tpu.reduction_kind<sum>} : vector<16xi1> -> vector<16xi32>
        %parallel_loop3A_2857 = arith.addi %parallel_loop3A_2823, %parallel_loop3A_2856 : vector<16xi32>
        %parallel_loop3A_2858 = arith.subi %parallel_loop3A_2824, %parallel_loop3A_2856 : vector<16xi32>
        scf.yield %parallel_loop3A_2857, %parallel_loop3A_2858 : vector<16xi32>, vector<16xi32>
      } {sc.loop_unroll_factor = 1 : i64, sc.parallel_access}
      %get3A_240 = arith.constant 0 : index
      %get3A_241 = tpu.vector_load %arg17[%get3A_240] {strides = array<i32>} : memref<272xi32, #tpu.memory_space<vmem>>, vector<16xi32>,
      %convert_element_type3A_242 = arith.sitofp %get3A_241 : vector<16xi32> to vector<16xf32>
      %swap3A = arith.constant 0 : index
      %swap3A_243 = tpu.vector_load %arg18[%swap3A] {strides = array<i32>} : memref<272xf32, #tpu.memory_space<vmem>>, vector<16xf32>,
      tpu.vector_store %arg18[%swap3A], %convert_element_type3A_242 {strides = array<i32>} : memref<272xf32, #tpu.memory_space<vmem>>, vector<16xf32>,
      %gather3A_244 = tpu.vector_load_idx %arg9[%get3A_241] : memref<16384xf32, #tpu.memory_space<vmem>>[vector<16xi32>], vector<16xf32>,
      %swap3A_245 = arith.constant 0 : index
      %swap3A_246 = tpu.vector_load %arg19[%swap3A_245] {strides = array<i32>} : memref<272xf32, #tpu.memory_space<vmem>>, vector<16xf32>,
      tpu.vector_store %arg19[%swap3A_245], %gather3A_244 {strides = array<i32>} : memref<272xf32, #tpu.memory_space<vmem>>, vector<16xf32>,
      %gather3A_247 = tpu.vector_load_idx %arg10[%get3A_241] : memref<16384xf32, #tpu.memory_space<vmem>>[vector<16xi32>], vector<16xf32>,
      %swap3A_248 = arith.constant 0 : index
      %swap3A_249 = tpu.vector_load %arg20[%swap3A_248] {strides = array<i32>} : memref<272xf32, #tpu.memory_space<vmem>>, vector<16xf32>,
      tpu.vector_store %arg20[%swap3A_248], %gather3A_247 {strides = array<i32>} : memref<272xf32, #tpu.memory_space<vmem>>, vector<16xf32>,
      %get3A_250 = arith.constant 16 : index
      %get3A_251 = tpu.vector_load %arg17[%get3A_250] {strides = array<i32>} : memref<272xi32, #tpu.memory_space<vmem>>, vector<16xi32>,
      %convert_element_type3A_252 = arith.sitofp %get3A_251 : vector<16xi32> to vector<16xf32>
      %swap3A_253 = arith.constant 16 : index
      %swap3A_254 = tpu.vector_load %arg18[%swap3A_253] {strides = array<i32>} : memref<272xf32, #tpu.memory_space<vmem>>, vector<16xf32>,
      tpu.vector_store %arg18[%swap3A_253], %convert_element_type3A_252 {strides = array<i32>} : memref<272xf32, #tpu.memory_space<vmem>>, vector<16xf32>,
      %gather3A_255 = tpu.vector_load_idx %arg9[%get3A_251] : memref<16384xf32, #tpu.memory_space<vmem>>[vector<16xi32>], vector<16xf32>,
      %swap3A_256 = arith.constant 16 : index
      %swap3A_257 = tpu.vector_load %arg19[%swap3A_256] {strides = array<i32>} : memref<272xf32, #tpu.memory_space<vmem>>, vector<16xf32>,
      tpu.vector_store %arg19[%swap3A_256], %gather3A_255 {strides = array<i32>} : memref<272xf32, #tpu.memory_space<vmem>>, vector<16xf32>,
      %gather3A_258 = tpu.vector_load_idx %arg10[%get3A_251] : memref<16384xf32, #tpu.memory_space<vmem>>[vector<16xi32>], vector<16xf32>,
      %swap3A_259 = arith.constant 16 : index
      %swap3A_260 = tpu.vector_load %arg20[%swap3A_259] {strides = array<i32>} : memref<272xf32, #tpu.memory_space<vmem>>, vector<16xf32>,
      tpu.vector_store %arg20[%swap3A_259], %gather3A_258 {strides = array<i32>} : memref<272xf32, #tpu.memory_space<vmem>>, vector<16xf32>,
      %get3A_261 = arith.constant 32 : index
      %get3A_262 = tpu.vector_load %arg17[%get3A_261] {strides = array<i32>} : memref<272xi32, #tpu.memory_space<vmem>>, vector<16xi32>,
      %convert_element_type3A_263 = arith.sitofp %get3A_262 : vector<16xi32> to vector<16xf32>
      %swap3A_264 = arith.constant 32 : index
      %swap3A_265 = tpu.vector_load %arg18[%swap3A_264] {strides = array<i32>} : memref<272xf32, #tpu.memory_space<vmem>>, vector<16xf32>,
      tpu.vector_store %arg18[%swap3A_264], %convert_element_type3A_263 {strides = array<i32>} : memref<272xf32, #tpu.memory_space<vmem>>, vector<16xf32>,
      %gather3A_266 = tpu.vector_load_idx %arg9[%get3A_262] : memref<16384xf32, #tpu.memory_space<vmem>>[vector<16xi32>], vector<16xf32>,
      %swap3A_267 = arith.constant 32 : index
      %swap3A_268 = tpu.vector_load %arg19[%swap3A_267] {strides = array<i32>} : memref<272xf32, #tpu.memory_space<vmem>>, vector<16xf32>,
      tpu.vector_store %arg19[%swap3A_267], %gather3A_266 {strides = array<i32>} : memref<272xf32, #tpu.memory_space<vmem>>, vector<16xf32>,
      %gather3A_269 = tpu.vector_load_idx %arg10[%get3A_262] : memref<16384xf32, #tpu.memory_space<vmem>>[vector<16xi32>], vector<16xf32>,
      %swap3A_270 = arith.constant 32 : index
      %swap3A_271 = tpu.vector_load %arg20[%swap3A_270] {strides = array<i32>} : memref<272xf32, #tpu.memory_space<vmem>>, vector<16xf32>,
      tpu.vector_store %arg20[%swap3A_270], %gather3A_269 {strides = array<i32>} : memref<272xf32, #tpu.memory_space<vmem>>, vector<16xf32>,
      %get3A_272 = arith.constant 48 : index
      %get3A_273 = tpu.vector_load %arg17[%get3A_272] {strides = array<i32>} : memref<272xi32, #tpu.memory_space<vmem>>, vector<16xi32>,
      %convert_element_type3A_274 = arith.sitofp %get3A_273 : vector<16xi32> to vector<16xf32>
      %swap3A_275 = arith.constant 48 : index
      %swap3A_276 = tpu.vector_load %arg18[%swap3A_275] {strides = array<i32>} : memref<272xf32, #tpu.memory_space<vmem>>, vector<16xf32>,
      tpu.vector_store %arg18[%swap3A_275], %convert_element_type3A_274 {strides = array<i32>} : memref<272xf32, #tpu.memory_space<vmem>>, vector<16xf32>,
      %gather3A_277 = tpu.vector_load_idx %arg9[%get3A_273] : memref<16384xf32, #tpu.memory_space<vmem>>[vector<16xi32>], vector<16xf32>,
      %swap3A_278 = arith.constant 48 : index
      %swap3A_279 = tpu.vector_load %arg19[%swap3A_278] {strides = array<i32>} : memref<272xf32, #tpu.memory_space<vmem>>, vector<16xf32>,
      tpu.vector_store %arg19[%swap3A_278], %gather3A_277 {strides = array<i32>} : memref<272xf32, #tpu.memory_space<vmem>>, vector<16xf32>,
      %gather3A_280 = tpu.vector_load_idx %arg10[%get3A_273] : memref<16384xf32, #tpu.memory_space<vmem>>[vector<16xi32>], vector<16xf32>,
      %swap3A_281 = arith.constant 48 : index
      %swap3A_282 = tpu.vector_load %arg20[%swap3A_281] {strides = array<i32>} : memref<272xf32, #tpu.memory_space<vmem>>, vector<16xf32>,
      tpu.vector_store %arg20[%swap3A_281], %gather3A_280 {strides = array<i32>} : memref<272xf32, #tpu.memory_space<vmem>>, vector<16xf32>,
      %get3A_283 = arith.constant 64 : index
      %get3A_284 = tpu.vector_load %arg17[%get3A_283] {strides = array<i32>} : memref<272xi32, #tpu.memory_space<vmem>>, vector<16xi32>,
      %convert_element_type3A_285 = arith.sitofp %get3A_284 : vector<16xi32> to vector<16xf32>
      %swap3A_286 = arith.constant 64 : index
      %swap3A_287 = tpu.vector_load %arg18[%swap3A_286] {strides = array<i32>} : memref<272xf32, #tpu.memory_space<vmem>>, vector<16xf32>,
      tpu.vector_store %arg18[%swap3A_286], %convert_element_type3A_285 {strides = array<i32>} : memref<272xf32, #tpu.memory_space<vmem>>, vector<16xf32>,
      %gather3A_288 = tpu.vector_load_idx %arg9[%get3A_284] : memref<16384xf32, #tpu.memory_space<vmem>>[vector<16xi32>], vector<16xf32>,
      %swap3A_289 = arith.constant 64 : index
      %swap3A_290 = tpu.vector_load %arg19[%swap3A_289] {strides = array<i32>} : memref<272xf32, #tpu.memory_space<vmem>>, vector<16xf32>,
      tpu.vector_store %arg19[%swap3A_289], %gather3A_288 {strides = array<i32>} : memref<272xf32, #tpu.memory_space<vmem>>, vector<16xf32>,
      %gather3A_291 = tpu.vector_load_idx %arg10[%get3A_284] : memref<16384xf32, #tpu.memory_space<vmem>>[vector<16xi32>], vector<16xf32>,
      %swap3A_292 = arith.constant 64 : index
      %swap3A_293 = tpu.vector_load %arg20[%swap3A_292] {strides = array<i32>} : memref<272xf32, #tpu.memory_space<vmem>>, vector<16xf32>,
      tpu.vector_store %arg20[%swap3A_292], %gather3A_291 {strides = array<i32>} : memref<272xf32, #tpu.memory_space<vmem>>, vector<16xf32>,
      %get3A_294 = arith.constant 80 : index
      %get3A_295 = tpu.vector_load %arg17[%get3A_294] {strides = array<i32>} : memref<272xi32, #tpu.memory_space<vmem>>, vector<16xi32>,
      %convert_element_type3A_296 = arith.sitofp %get3A_295 : vector<16xi32> to vector<16xf32>
      %swap3A_297 = arith.constant 80 : index
      %swap3A_298 = tpu.vector_load %arg18[%swap3A_297] {strides = array<i32>} : memref<272xf32, #tpu.memory_space<vmem>>, vector<16xf32>,
      tpu.vector_store %arg18[%swap3A_297], %convert_element_type3A_296 {strides = array<i32>} : memref<272xf32, #tpu.memory_space<vmem>>, vector<16xf32>,
      %gather3A_299 = tpu.vector_load_idx %arg9[%get3A_295] : memref<16384xf32, #tpu.memory_space<vmem>>[vector<16xi32>], vector<16xf32>,
      %swap3A_300 = arith.constant 80 : index
      %swap3A_301 = tpu.vector_load %arg19[%swap3A_300] {strides = array<i32>} : memref<272xf32, #tpu.memory_space<vmem>>, vector<16xf32>,
      tpu.vector_store %arg19[%swap3A_300], %gather3A_299 {strides = array<i32>} : memref<272xf32, #tpu.memory_space<vmem>>, vector<16xf32>,
      %gather3A_302 = tpu.vector_load_idx %arg10[%get3A_295] : memref<16384xf32, #tpu.memory_space<vmem>>[vector<16xi32>], vector<16xf32>,
      %swap3A_303 = arith.constant 80 : index
      %swap3A_304 = tpu.vector_load %arg20[%swap3A_303] {strides = array<i32>} : memref<272xf32, #tpu.memory_space<vmem>>, vector<16xf32>,
      tpu.vector_store %arg20[%swap3A_303], %gather3A_302 {strides = array<i32>} : memref<272xf32, #tpu.memory_space<vmem>>, vector<16xf32>,
      %get3A_305 = arith.constant 96 : index
      %get3A_306 = tpu.vector_load %arg17[%get3A_305] {strides = array<i32>} : memref<272xi32, #tpu.memory_space<vmem>>, vector<16xi32>,
      %convert_element_type3A_307 = arith.sitofp %get3A_306 : vector<16xi32> to vector<16xf32>
      %swap3A_308 = arith.constant 96 : index
      %swap3A_309 = tpu.vector_load %arg18[%swap3A_308] {strides = array<i32>} : memref<272xf32, #tpu.memory_space<vmem>>, vector<16xf32>,
      tpu.vector_store %arg18[%swap3A_308], %convert_element_type3A_307 {strides = array<i32>} : memref<272xf32, #tpu.memory_space<vmem>>, vector<16xf32>,
      %gather3A_310 = tpu.vector_load_idx %arg9[%get3A_306] : memref<16384xf32, #tpu.memory_space<vmem>>[vector<16xi32>], vector<16xf32>,
      %swap3A_311 = arith.constant 96 : index
      %swap3A_312 = tpu.vector_load %arg19[%swap3A_311] {strides = array<i32>} : memref<272xf32, #tpu.memory_space<vmem>>, vector<16xf32>,
      tpu.vector_store %arg19[%swap3A_311], %gather3A_310 {strides = array<i32>} : memref<272xf32, #tpu.memory_space<vmem>>, vector<16xf32>,
      %gather3A_313 = tpu.vector_load_idx %arg10[%get3A_306] : memref<16384xf32, #tpu.memory_space<vmem>>[vector<16xi32>], vector<16xf32>,
      %swap3A_314 = arith.constant 96 : index
      %swap3A_315 = tpu.vector_load %arg20[%swap3A_314] {strides = array<i32>} : memref<272xf32, #tpu.memory_space<vmem>>, vector<16xf32>,
      tpu.vector_store %arg20[%swap3A_314], %gather3A_313 {strides = array<i32>} : memref<272xf32, #tpu.memory_space<vmem>>, vector<16xf32>,
      %get3A_316 = arith.constant 112 : index
      %get3A_317 = tpu.vector_load %arg17[%get3A_316] {strides = array<i32>} : memref<272xi32, #tpu.memory_space<vmem>>, vector<16xi32>,
      %convert_element_type3A_318 = arith.sitofp %get3A_317 : vector<16xi32> to vector<16xf32>
      %swap3A_319 = arith.constant 112 : index
      %swap3A_320 = tpu.vector_load %arg18[%swap3A_319] {strides = array<i32>} : memref<272xf32, #tpu.memory_space<vmem>>, vector<16xf32>,
      tpu.vector_store %arg18[%swap3A_319], %convert_element_type3A_318 {strides = array<i32>} : memref<272xf32, #tpu.memory_space<vmem>>, vector<16xf32>,
      %gather3A_321 = tpu.vector_load_idx %arg9[%get3A_317] : memref<16384xf32, #tpu.memory_space<vmem>>[vector<16xi32>], vector<16xf32>,
      %swap3A_322 = arith.constant 112 : index
      %swap3A_323 = tpu.vector_load %arg19[%swap3A_322] {strides = array<i32>} : memref<272xf32, #tpu.memory_space<vmem>>, vector<16xf32>,
      tpu.vector_store %arg19[%swap3A_322], %gather3A_321 {strides = array<i32>} : memref<272xf32, #tpu.memory_space<vmem>>, vector<16xf32>,
      %gather3A_324 = tpu.vector_load_idx %arg10[%get3A_317] : memref<16384xf32, #tpu.memory_space<vmem>>[vector<16xi32>], vector<16xf32>,
      %swap3A_325 = arith.constant 112 : index
      %swap3A_326 = tpu.vector_load %arg20[%swap3A_325] {strides = array<i32>} : memref<272xf32, #tpu.memory_space<vmem>>, vector<16xf32>,
      tpu.vector_store %arg20[%swap3A_325], %gather3A_324 {strides = array<i32>} : memref<272xf32, #tpu.memory_space<vmem>>, vector<16xf32>,
      %get3A_327 = arith.constant 128 : index
      %get3A_328 = tpu.vector_load %arg17[%get3A_327] {strides = array<i32>} : memref<272xi32, #tpu.memory_space<vmem>>, vector<16xi32>,
      %convert_element_type3A_329 = arith.sitofp %get3A_328 : vector<16xi32> to vector<16xf32>
      %swap3A_330 = arith.constant 128 : index
      %swap3A_331 = tpu.vector_load %arg18[%swap3A_330] {strides = array<i32>} : memref<272xf32, #tpu.memory_space<vmem>>, vector<16xf32>,
      tpu.vector_store %arg18[%swap3A_330], %convert_element_type3A_329 {strides = array<i32>} : memref<272xf32, #tpu.memory_space<vmem>>, vector<16xf32>,
      %gather3A_332 = tpu.vector_load_idx %arg9[%get3A_328] : memref<16384xf32, #tpu.memory_space<vmem>>[vector<16xi32>], vector<16xf32>,
      %swap3A_333 = arith.constant 128 : index
      %swap3A_334 = tpu.vector_load %arg19[%swap3A_333] {strides = array<i32>} : memref<272xf32, #tpu.memory_space<vmem>>, vector<16xf32>,
      tpu.vector_store %arg19[%swap3A_333], %gather3A_332 {strides = array<i32>} : memref<272xf32, #tpu.memory_space<vmem>>, vector<16xf32>,
      %gather3A_335 = tpu.vector_load_idx %arg10[%get3A_328] : memref<16384xf32, #tpu.memory_space<vmem>>[vector<16xi32>], vector<16xf32>,
      %swap3A_336 = arith.constant 128 : index
      %swap3A_337 = tpu.vector_load %arg20[%swap3A_336] {strides = array<i32>} : memref<272xf32, #tpu.memory_space<vmem>>, vector<16xf32>,
      tpu.vector_store %arg20[%swap3A_336], %gather3A_335 {strides = array<i32>} : memref<272xf32, #tpu.memory_space<vmem>>, vector<16xf32>,
      %get3A_338 = arith.constant 144 : index
      %get3A_339 = tpu.vector_load %arg17[%get3A_338] {strides = array<i32>} : memref<272xi32, #tpu.memory_space<vmem>>, vector<16xi32>,
      %convert_element_type3A_340 = arith.sitofp %get3A_339 : vector<16xi32> to vector<16xf32>
      %swap3A_341 = arith.constant 144 : index
      %swap3A_342 = tpu.vector_load %arg18[%swap3A_341] {strides = array<i32>} : memref<272xf32, #tpu.memory_space<vmem>>, vector<16xf32>,
      tpu.vector_store %arg18[%swap3A_341], %convert_element_type3A_340 {strides = array<i32>} : memref<272xf32, #tpu.memory_space<vmem>>, vector<16xf32>,
      %gather3A_343 = tpu.vector_load_idx %arg9[%get3A_339] : memref<16384xf32, #tpu.memory_space<vmem>>[vector<16xi32>], vector<16xf32>,
      %swap3A_344 = arith.constant 144 : index
      %swap3A_345 = tpu.vector_load %arg19[%swap3A_344] {strides = array<i32>} : memref<272xf32, #tpu.memory_space<vmem>>, vector<16xf32>,
      tpu.vector_store %arg19[%swap3A_344], %gather3A_343 {strides = array<i32>} : memref<272xf32, #tpu.memory_space<vmem>>, vector<16xf32>,
      %gather3A_346 = tpu.vector_load_idx %arg10[%get3A_339] : memref<16384xf32, #tpu.memory_space<vmem>>[vector<16xi32>], vector<16xf32>,
      %swap3A_347 = arith.constant 144 : index
      %swap3A_348 = tpu.vector_load %arg20[%swap3A_347] {strides = array<i32>} : memref<272xf32, #tpu.memory_space<vmem>>, vector<16xf32>,
      tpu.vector_store %arg20[%swap3A_347], %gather3A_346 {strides = array<i32>} : memref<272xf32, #tpu.memory_space<vmem>>, vector<16xf32>,
      %get3A_349 = arith.constant 160 : index
      %get3A_350 = tpu.vector_load %arg17[%get3A_349] {strides = array<i32>} : memref<272xi32, #tpu.memory_space<vmem>>, vector<16xi32>,
      %convert_element_type3A_351 = arith.sitofp %get3A_350 : vector<16xi32> to vector<16xf32>
      %swap3A_352 = arith.constant 160 : index
      %swap3A_353 = tpu.vector_load %arg18[%swap3A_352] {strides = array<i32>} : memref<272xf32, #tpu.memory_space<vmem>>, vector<16xf32>,
      tpu.vector_store %arg18[%swap3A_352], %convert_element_type3A_351 {strides = array<i32>} : memref<272xf32, #tpu.memory_space<vmem>>, vector<16xf32>,
      %gather3A_354 = tpu.vector_load_idx %arg9[%get3A_350] : memref<16384xf32, #tpu.memory_space<vmem>>[vector<16xi32>], vector<16xf32>,
      %swap3A_355 = arith.constant 160 : index
      %swap3A_356 = tpu.vector_load %arg19[%swap3A_355] {strides = array<i32>} : memref<272xf32, #tpu.memory_space<vmem>>, vector<16xf32>,
      tpu.vector_store %arg19[%swap3A_355], %gather3A_354 {strides = array<i32>} : memref<272xf32, #tpu.memory_space<vmem>>, vector<16xf32>,
      %gather3A_357 = tpu.vector_load_idx %arg10[%get3A_350] : memref<16384xf32, #tpu.memory_space<vmem>>[vector<16xi32>], vector<16xf32>,
      %swap3A_358 = arith.constant 160 : index
      %swap3A_359 = tpu.vector_load %arg20[%swap3A_358] {strides = array<i32>} : memref<272xf32, #tpu.memory_space<vmem>>, vector<16xf32>,
      tpu.vector_store %arg20[%swap3A_358], %gather3A_357 {strides = array<i32>} : memref<272xf32, #tpu.memory_space<vmem>>, vector<16xf32>,
      %get3A_360 = arith.constant 176 : index
      %get3A_361 = tpu.vector_load %arg17[%get3A_360] {strides = array<i32>} : memref<272xi32, #tpu.memory_space<vmem>>, vector<16xi32>,
      %convert_element_type3A_362 = arith.sitofp %get3A_361 : vector<16xi32> to vector<16xf32>
      %swap3A_363 = arith.constant 176 : index
      %swap3A_364 = tpu.vector_load %arg18[%swap3A_363] {strides = array<i32>} : memref<272xf32, #tpu.memory_space<vmem>>, vector<16xf32>,
      tpu.vector_store %arg18[%swap3A_363], %convert_element_type3A_362 {strides = array<i32>} : memref<272xf32, #tpu.memory_space<vmem>>, vector<16xf32>,
      %gather3A_365 = tpu.vector_load_idx %arg9[%get3A_361] : memref<16384xf32, #tpu.memory_space<vmem>>[vector<16xi32>], vector<16xf32>,
      %swap3A_366 = arith.constant 176 : index
      %swap3A_367 = tpu.vector_load %arg19[%swap3A_366] {strides = array<i32>} : memref<272xf32, #tpu.memory_space<vmem>>, vector<16xf32>,
      tpu.vector_store %arg19[%swap3A_366], %gather3A_365 {strides = array<i32>} : memref<272xf32, #tpu.memory_space<vmem>>, vector<16xf32>,
      %gather3A_368 = tpu.vector_load_idx %arg10[%get3A_361] : memref<16384xf32, #tpu.memory_space<vmem>>[vector<16xi32>], vector<16xf32>,
      %swap3A_369 = arith.constant 176 : index
      %swap3A_370 = tpu.vector_load %arg20[%swap3A_369] {strides = array<i32>} : memref<272xf32, #tpu.memory_space<vmem>>, vector<16xf32>,
      tpu.vector_store %arg20[%swap3A_369], %gather3A_368 {strides = array<i32>} : memref<272xf32, #tpu.memory_space<vmem>>, vector<16xf32>,
      %get3A_371 = arith.constant 192 : index
      %get3A_372 = tpu.vector_load %arg17[%get3A_371] {strides = array<i32>} : memref<272xi32, #tpu.memory_space<vmem>>, vector<16xi32>,
      %convert_element_type3A_373 = arith.sitofp %get3A_372 : vector<16xi32> to vector<16xf32>
      %swap3A_374 = arith.constant 192 : index
      %swap3A_375 = tpu.vector_load %arg18[%swap3A_374] {strides = array<i32>} : memref<272xf32, #tpu.memory_space<vmem>>, vector<16xf32>,
      tpu.vector_store %arg18[%swap3A_374], %convert_element_type3A_373 {strides = array<i32>} : memref<272xf32, #tpu.memory_space<vmem>>, vector<16xf32>,
      %gather3A_376 = tpu.vector_load_idx %arg9[%get3A_372] : memref<16384xf32, #tpu.memory_space<vmem>>[vector<16xi32>], vector<16xf32>,
      %swap3A_377 = arith.constant 192 : index
      %swap3A_378 = tpu.vector_load %arg19[%swap3A_377] {strides = array<i32>} : memref<272xf32, #tpu.memory_space<vmem>>, vector<16xf32>,
      tpu.vector_store %arg19[%swap3A_377], %gather3A_376 {strides = array<i32>} : memref<272xf32, #tpu.memory_space<vmem>>, vector<16xf32>,
      %gather3A_379 = tpu.vector_load_idx %arg10[%get3A_372] : memref<16384xf32, #tpu.memory_space<vmem>>[vector<16xi32>], vector<16xf32>,
      %swap3A_380 = arith.constant 192 : index
      %swap3A_381 = tpu.vector_load %arg20[%swap3A_380] {strides = array<i32>} : memref<272xf32, #tpu.memory_space<vmem>>, vector<16xf32>,
      tpu.vector_store %arg20[%swap3A_380], %gather3A_379 {strides = array<i32>} : memref<272xf32, #tpu.memory_space<vmem>>, vector<16xf32>,
      %get3A_382 = arith.constant 208 : index
      %get3A_383 = tpu.vector_load %arg17[%get3A_382] {strides = array<i32>} : memref<272xi32, #tpu.memory_space<vmem>>, vector<16xi32>,
      %convert_element_type3A_384 = arith.sitofp %get3A_383 : vector<16xi32> to vector<16xf32>
      %swap3A_385 = arith.constant 208 : index
      %swap3A_386 = tpu.vector_load %arg18[%swap3A_385] {strides = array<i32>} : memref<272xf32, #tpu.memory_space<vmem>>, vector<16xf32>,
      tpu.vector_store %arg18[%swap3A_385], %convert_element_type3A_384 {strides = array<i32>} : memref<272xf32, #tpu.memory_space<vmem>>, vector<16xf32>,
      %gather3A_387 = tpu.vector_load_idx %arg9[%get3A_383] : memref<16384xf32, #tpu.memory_space<vmem>>[vector<16xi32>], vector<16xf32>,
      %swap3A_388 = arith.constant 208 : index
      %swap3A_389 = tpu.vector_load %arg19[%swap3A_388] {strides = array<i32>} : memref<272xf32, #tpu.memory_space<vmem>>, vector<16xf32>,
      tpu.vector_store %arg19[%swap3A_388], %gather3A_387 {strides = array<i32>} : memref<272xf32, #tpu.memory_space<vmem>>, vector<16xf32>,
      %gather3A_390 = tpu.vector_load_idx %arg10[%get3A_383] : memref<16384xf32, #tpu.memory_space<vmem>>[vector<16xi32>], vector<16xf32>,
      %swap3A_391 = arith.constant 208 : index
      %swap3A_392 = tpu.vector_load %arg20[%swap3A_391] {strides = array<i32>} : memref<272xf32, #tpu.memory_space<vmem>>, vector<16xf32>,
      tpu.vector_store %arg20[%swap3A_391], %gather3A_390 {strides = array<i32>} : memref<272xf32, #tpu.memory_space<vmem>>, vector<16xf32>,
      %get3A_393 = arith.constant 224 : index
      %get3A_394 = tpu.vector_load %arg17[%get3A_393] {strides = array<i32>} : memref<272xi32, #tpu.memory_space<vmem>>, vector<16xi32>,
      %convert_element_type3A_395 = arith.sitofp %get3A_394 : vector<16xi32> to vector<16xf32>
      %swap3A_396 = arith.constant 224 : index
      %swap3A_397 = tpu.vector_load %arg18[%swap3A_396] {strides = array<i32>} : memref<272xf32, #tpu.memory_space<vmem>>, vector<16xf32>,
      tpu.vector_store %arg18[%swap3A_396], %convert_element_type3A_395 {strides = array<i32>} : memref<272xf32, #tpu.memory_space<vmem>>, vector<16xf32>,
      %gather3A_398 = tpu.vector_load_idx %arg9[%get3A_394] : memref<16384xf32, #tpu.memory_space<vmem>>[vector<16xi32>], vector<16xf32>,
      %swap3A_399 = arith.constant 224 : index
      %swap3A_400 = tpu.vector_load %arg19[%swap3A_399] {strides = array<i32>} : memref<272xf32, #tpu.memory_space<vmem>>, vector<16xf32>,
      tpu.vector_store %arg19[%swap3A_399], %gather3A_398 {strides = array<i32>} : memref<272xf32, #tpu.memory_space<vmem>>, vector<16xf32>,
      %gather3A_401 = tpu.vector_load_idx %arg10[%get3A_394] : memref<16384xf32, #tpu.memory_space<vmem>>[vector<16xi32>], vector<16xf32>,
      %swap3A_402 = arith.constant 224 : index
      %swap3A_403 = tpu.vector_load %arg20[%swap3A_402] {strides = array<i32>} : memref<272xf32, #tpu.memory_space<vmem>>, vector<16xf32>,
      tpu.vector_store %arg20[%swap3A_402], %gather3A_401 {strides = array<i32>} : memref<272xf32, #tpu.memory_space<vmem>>, vector<16xf32>,
      %get3A_404 = arith.constant 240 : index
      %get3A_405 = tpu.vector_load %arg17[%get3A_404] {strides = array<i32>} : memref<272xi32, #tpu.memory_space<vmem>>, vector<16xi32>,
      %convert_element_type3A_406 = arith.sitofp %get3A_405 : vector<16xi32> to vector<16xf32>
      %swap3A_407 = arith.constant 240 : index
      %swap3A_408 = tpu.vector_load %arg18[%swap3A_407] {strides = array<i32>} : memref<272xf32, #tpu.memory_space<vmem>>, vector<16xf32>,
      tpu.vector_store %arg18[%swap3A_407], %convert_element_type3A_406 {strides = array<i32>} : memref<272xf32, #tpu.memory_space<vmem>>, vector<16xf32>,
      %gather3A_409 = tpu.vector_load_idx %arg9[%get3A_405] : memref<16384xf32, #tpu.memory_space<vmem>>[vector<16xi32>], vector<16xf32>,
      %swap3A_410 = arith.constant 240 : index
      %swap3A_411 = tpu.vector_load %arg19[%swap3A_410] {strides = array<i32>} : memref<272xf32, #tpu.memory_space<vmem>>, vector<16xf32>,
      tpu.vector_store %arg19[%swap3A_410], %gather3A_409 {strides = array<i32>} : memref<272xf32, #tpu.memory_space<vmem>>, vector<16xf32>,
      %gather3A_412 = tpu.vector_load_idx %arg10[%get3A_405] : memref<16384xf32, #tpu.memory_space<vmem>>[vector<16xi32>], vector<16xf32>,
      %swap3A_413 = arith.constant 240 : index
      %swap3A_414 = tpu.vector_load %arg20[%swap3A_413] {strides = array<i32>} : memref<272xf32, #tpu.memory_space<vmem>>, vector<16xf32>,
      tpu.vector_store %arg20[%swap3A_413], %gather3A_412 {strides = array<i32>} : memref<272xf32, #tpu.memory_space<vmem>>, vector<16xf32>,
      %add3A_415 = arith.constant 1 : i32
      %add3A_416 = arith.addi %scan3A_48, %add3A_415 : i32
      %lt3A = arith.constant 32 : i32
      %lt3A_417 = arith.cmpi slt, %add3A_416, %lt3A : i32
      %convert_element_type3A_418 = arith.extui %lt3A_417 : i1 to i32
      %cond3A = arith.constant 0 : i32
      %cond3A_419 = arith.cmpi ne, %convert_element_type3A_418, %cond3A : i32
      scf.if %cond3A_419 {
        %add3A_2822 = arith.constant 1 : i32
        %add3A_2823 = arith.addi %add3A_50, %add3A_2822 : i32
        %dma_start3A_2824 = arith.constant 0 : i32
        %dma_start3A_2825 = tpu.memref_slice %arg4[%select_n3A, %add3A_2823, %dma_start3A_2824] : memref<4x256x16384xf32, #tpu.memory_space<hbm>> -> memref<1x1x16384xf32, #tpu.memory_space<hbm>>
        %dma_start3A_2826 = tpu.memref_squeeze %dma_start3A_2825 : memref<1x1x16384xf32, #tpu.memory_space<hbm>> -> memref<16384xf32, #tpu.memory_space<hbm>>
        %dma_start3A_2827 = arith.constant 0 : i32
        %dma_start3A_2828 = tpu.memref_slice %arg4[%select_n3A, %add3A_2823, %dma_start3A_2827] : memref<4x256x16384xf32, #tpu.memory_space<hbm>> -> memref<1x1x16384xf32, #tpu.memory_space<hbm>>
        %dma_start3A_2829 = tpu.memref_squeeze %dma_start3A_2828 : memref<1x1x16384xf32, #tpu.memory_space<hbm>> -> memref<16384xf32, #tpu.memory_space<hbm>>
        tpu.enqueue_dma source(%dma_start3A_2829 : memref<16384xf32, #tpu.memory_space<hbm>>) target(%arg10 : memref<16384xf32, #tpu.memory_space<vmem>>) target_semaphore(%arg23 : memref<!tpu.dma_semaphore, #tpu.memory_space<semaphore_mem>>)
      } else {
      }
      %broadcast_in_dim3A_420 = vector.broadcast %scan3A : f32 to vector<16xf32>
      %broadcast_in_dim3A_421 = vector.broadcast %scan3A_31 : f32 to vector<16xf32>
      %broadcast_in_dim3A_422 = arith.constant 0x4B800000 : f32
      %broadcast_in_dim3A_423 = vector.broadcast %broadcast_in_dim3A_422 : f32 to vector<16xf32>
      %broadcast_in_dim3A_424 = arith.constant 0x4B800000 : f32
      %broadcast_in_dim3A_425 = vector.broadcast %broadcast_in_dim3A_424 : f32 to vector<16xf32>
      %get3A_426 = arith.constant 0 : index
      %get3A_427 = tpu.vector_load %arg19[%get3A_426] {strides = array<i32>} : memref<272xf32, #tpu.memory_space<vmem>>, vector<16xf32>,
      %get3A_428 = arith.constant 0 : index
      %get3A_429 = tpu.vector_load %arg20[%get3A_428] {strides = array<i32>} : memref<272xf32, #tpu.memory_space<vmem>>, vector<16xf32>,
      %get3A_430 = arith.constant 0 : index
      %get3A_431 = tpu.vector_load %arg18[%get3A_430] {strides = array<i32>} : memref<272xf32, #tpu.memory_space<vmem>>, vector<16xf32>,
      %convert_element_type3A_432 = arith.sitofp %iota3A : vector<16xi32> to vector<16xf32>
      %xor3A_433 = arith.constant 1 : i32
      %xor3A_434 = vector.broadcast %xor3A_433 : i32 to vector<16xi32>
      %xor3A_435 = arith.xori %iota3A, %xor3A_434 : vector<16xi32>
      %broadcast_in_dim3A_436 = vector.shape_cast %xor3A_435 : vector<16xi32> to vector<16x1xi32>
      %gather3A_437 = vector.shape_cast %broadcast_in_dim3A_436 : vector<16x1xi32> to vector<16xi32>
      %gather3A_438 = tpu.dynamic_gather %get3A_427[%gather3A_437] in [0] : vector<16xf32>, vector<16xi32> -> vector<16xf32>
      %max3A = arith.maximumf %get3A_427, %gather3A_438 : vector<16xf32>
      %xor3A_439 = arith.constant 2 : i32
      %xor3A_440 = vector.broadcast %xor3A_439 : i32 to vector<16xi32>
      %xor3A_441 = arith.xori %iota3A, %xor3A_440 : vector<16xi32>
      %broadcast_in_dim3A_442 = vector.shape_cast %xor3A_441 : vector<16xi32> to vector<16x1xi32>
      %gather3A_443 = vector.shape_cast %broadcast_in_dim3A_442 : vector<16x1xi32> to vector<16xi32>
      %gather3A_444 = tpu.dynamic_gather %max3A[%gather3A_443] in [0] : vector<16xf32>, vector<16xi32> -> vector<16xf32>
      %max3A_445 = arith.maximumf %max3A, %gather3A_444 : vector<16xf32>
      %xor3A_446 = arith.constant 4 : i32
      %xor3A_447 = vector.broadcast %xor3A_446 : i32 to vector<16xi32>
      %xor3A_448 = arith.xori %iota3A, %xor3A_447 : vector<16xi32>
      %broadcast_in_dim3A_449 = vector.shape_cast %xor3A_448 : vector<16xi32> to vector<16x1xi32>
      %gather3A_450 = vector.shape_cast %broadcast_in_dim3A_449 : vector<16x1xi32> to vector<16xi32>
      %gather3A_451 = tpu.dynamic_gather %max3A_445[%gather3A_450] in [0] : vector<16xf32>, vector<16xi32> -> vector<16xf32>
      %max3A_452 = arith.maximumf %max3A_445, %gather3A_451 : vector<16xf32>
      %xor3A_453 = arith.constant 8 : i32
      %xor3A_454 = vector.broadcast %xor3A_453 : i32 to vector<16xi32>
      %xor3A_455 = arith.xori %iota3A, %xor3A_454 : vector<16xi32>
      %broadcast_in_dim3A_456 = vector.shape_cast %xor3A_455 : vector<16xi32> to vector<16x1xi32>
      %gather3A_457 = vector.shape_cast %broadcast_in_dim3A_456 : vector<16x1xi32> to vector<16xi32>
      %gather3A_458 = tpu.dynamic_gather %max3A_452[%gather3A_457] in [0] : vector<16xf32>, vector<16xi32> -> vector<16xf32>
      %max3A_459 = arith.maximumf %max3A_452, %gather3A_458 : vector<16xf32>
      %eq3A_460 = arith.cmpf oeq, %get3A_427, %max3A_459 : vector<16xf32>
      %broadcast_in_dim3A_461 = vector.broadcast %scan3A_31 : f32 to vector<16xf32>
      %select_n3A_462 = arith.select %eq3A_460, %get3A_429, %broadcast_in_dim3A_461 : vector<16xi1>, vector<16xf32>
      %xor3A_463 = arith.constant 1 : i32
      %xor3A_464 = vector.broadcast %xor3A_463 : i32 to vector<16xi32>
      %xor3A_465 = arith.xori %iota3A, %xor3A_464 : vector<16xi32>
      %broadcast_in_dim3A_466 = vector.shape_cast %xor3A_465 : vector<16xi32> to vector<16x1xi32>
      %gather3A_467 = vector.shape_cast %broadcast_in_dim3A_466 : vector<16x1xi32> to vector<16xi32>
      %gather3A_468 = tpu.dynamic_gather %select_n3A_462[%gather3A_467] in [0] : vector<16xf32>, vector<16xi32> -> vector<16xf32>
      %min3A_469 = arith.minimumf %select_n3A_462, %gather3A_468 : vector<16xf32>
      %xor3A_470 = arith.constant 2 : i32
      %xor3A_471 = vector.broadcast %xor3A_470 : i32 to vector<16xi32>
      %xor3A_472 = arith.xori %iota3A, %xor3A_471 : vector<16xi32>
      %broadcast_in_dim3A_473 = vector.shape_cast %xor3A_472 : vector<16xi32> to vector<16x1xi32>
      %gather3A_474 = vector.shape_cast %broadcast_in_dim3A_473 : vector<16x1xi32> to vector<16xi32>
      %gather3A_475 = tpu.dynamic_gather %min3A_469[%gather3A_474] in [0] : vector<16xf32>, vector<16xi32> -> vector<16xf32>
      %min3A_476 = arith.minimumf %min3A_469, %gather3A_475 : vector<16xf32>
      %xor3A_477 = arith.constant 4 : i32
      %xor3A_478 = vector.broadcast %xor3A_477 : i32 to vector<16xi32>
      %xor3A_479 = arith.xori %iota3A, %xor3A_478 : vector<16xi32>
      %broadcast_in_dim3A_480 = vector.shape_cast %xor3A_479 : vector<16xi32> to vector<16x1xi32>
      %gather3A_481 = vector.shape_cast %broadcast_in_dim3A_480 : vector<16x1xi32> to vector<16xi32>
      %gather3A_482 = tpu.dynamic_gather %min3A_476[%gather3A_481] in [0] : vector<16xf32>, vector<16xi32> -> vector<16xf32>
      %min3A_483 = arith.minimumf %min3A_476, %gather3A_482 : vector<16xf32>
      %xor3A_484 = arith.constant 8 : i32
      %xor3A_485 = vector.broadcast %xor3A_484 : i32 to vector<16xi32>
      %xor3A_486 = arith.xori %iota3A, %xor3A_485 : vector<16xi32>
      %broadcast_in_dim3A_487 = vector.shape_cast %xor3A_486 : vector<16xi32> to vector<16x1xi32>
      %gather3A_488 = vector.shape_cast %broadcast_in_dim3A_487 : vector<16x1xi32> to vector<16xi32>
      %gather3A_489 = tpu.dynamic_gather %min3A_483[%gather3A_488] in [0] : vector<16xf32>, vector<16xi32> -> vector<16xf32>
      %min3A_490 = arith.minimumf %min3A_483, %gather3A_489 : vector<16xf32>
      %eq3A_491 = arith.cmpf oeq, %get3A_429, %min3A_490 : vector<16xf32>
      %and3A_492 = arith.andi %eq3A_460, %eq3A_491 : vector<16xi1>
      %jit3A_493 = arith.constant 0x4B800000 : f32
      %broadcast_in_dim3A_494 = vector.broadcast %jit3A_493 : f32 to vector<16xf32>
      %select_n3A_495 = arith.select %and3A_492, %get3A_431, %broadcast_in_dim3A_494 : vector<16xi1>, vector<16xf32>
      %xor3A_496 = arith.constant 1 : i32
      %xor3A_497 = vector.broadcast %xor3A_496 : i32 to vector<16xi32>
      %xor3A_498 = arith.xori %iota3A, %xor3A_497 : vector<16xi32>
      %broadcast_in_dim3A_499 = vector.shape_cast %xor3A_498 : vector<16xi32> to vector<16x1xi32>
      %gather3A_500 = vector.shape_cast %broadcast_in_dim3A_499 : vector<16x1xi32> to vector<16xi32>
      %gather3A_501 = tpu.dynamic_gather %select_n3A_495[%gather3A_500] in [0] : vector<16xf32>, vector<16xi32> -> vector<16xf32>
      %min3A_502 = arith.minimumf %select_n3A_495, %gather3A_501 : vector<16xf32>
      %xor3A_503 = arith.constant 2 : i32
      %xor3A_504 = vector.broadcast %xor3A_503 : i32 to vector<16xi32>
      %xor3A_505 = arith.xori %iota3A, %xor3A_504 : vector<16xi32>
      %broadcast_in_dim3A_506 = vector.shape_cast %xor3A_505 : vector<16xi32> to vector<16x1xi32>
      %gather3A_507 = vector.shape_cast %broadcast_in_dim3A_506 : vector<16x1xi32> to vector<16xi32>
      %gather3A_508 = tpu.dynamic_gather %min3A_502[%gather3A_507] in [0] : vector<16xf32>, vector<16xi32> -> vector<16xf32>
      %min3A_509 = arith.minimumf %min3A_502, %gather3A_508 : vector<16xf32>
      %xor3A_510 = arith.constant 4 : i32
      %xor3A_511 = vector.broadcast %xor3A_510 : i32 to vector<16xi32>
      %xor3A_512 = arith.xori %iota3A, %xor3A_511 : vector<16xi32>
      %broadcast_in_dim3A_513 = vector.shape_cast %xor3A_512 : vector<16xi32> to vector<16x1xi32>
      %gather3A_514 = vector.shape_cast %broadcast_in_dim3A_513 : vector<16x1xi32> to vector<16xi32>
      %gather3A_515 = tpu.dynamic_gather %min3A_509[%gather3A_514] in [0] : vector<16xf32>, vector<16xi32> -> vector<16xf32>
      %min3A_516 = arith.minimumf %min3A_509, %gather3A_515 : vector<16xf32>
      %xor3A_517 = arith.constant 8 : i32
      %xor3A_518 = vector.broadcast %xor3A_517 : i32 to vector<16xi32>
      %xor3A_519 = arith.xori %iota3A, %xor3A_518 : vector<16xi32>
      %broadcast_in_dim3A_520 = vector.shape_cast %xor3A_519 : vector<16xi32> to vector<16x1xi32>
      %gather3A_521 = vector.shape_cast %broadcast_in_dim3A_520 : vector<16x1xi32> to vector<16xi32>
      %gather3A_522 = tpu.dynamic_gather %min3A_516[%gather3A_521] in [0] : vector<16xf32>, vector<16xi32> -> vector<16xf32>
      %min3A_523 = arith.minimumf %min3A_516, %gather3A_522 : vector<16xf32>
      %eq3A_524 = arith.cmpf oeq, %get3A_431, %min3A_523 : vector<16xf32>
      %and3A_525 = arith.andi %and3A_492, %eq3A_524 : vector<16xi1>
      %jit3A_526 = arith.constant 0x4B800000 : f32
      %broadcast_in_dim3A_527 = vector.broadcast %jit3A_526 : f32 to vector<16xf32>
      %select_n3A_528 = arith.select %and3A_525, %convert_element_type3A_432, %broadcast_in_dim3A_527 : vector<16xi1>, vector<16xf32>
      %xor3A_529 = arith.constant 1 : i32
      %xor3A_530 = vector.broadcast %xor3A_529 : i32 to vector<16xi32>
      %xor3A_531 = arith.xori %iota3A, %xor3A_530 : vector<16xi32>
      %broadcast_in_dim3A_532 = vector.shape_cast %xor3A_531 : vector<16xi32> to vector<16x1xi32>
      %gather3A_533 = vector.shape_cast %broadcast_in_dim3A_532 : vector<16x1xi32> to vector<16xi32>
      %gather3A_534 = tpu.dynamic_gather %select_n3A_528[%gather3A_533] in [0] : vector<16xf32>, vector<16xi32> -> vector<16xf32>
      %min3A_535 = arith.minimumf %select_n3A_528, %gather3A_534 : vector<16xf32>
      %xor3A_536 = arith.constant 2 : i32
      %xor3A_537 = vector.broadcast %xor3A_536 : i32 to vector<16xi32>
      %xor3A_538 = arith.xori %iota3A, %xor3A_537 : vector<16xi32>
      %broadcast_in_dim3A_539 = vector.shape_cast %xor3A_538 : vector<16xi32> to vector<16x1xi32>
      %gather3A_540 = vector.shape_cast %broadcast_in_dim3A_539 : vector<16x1xi32> to vector<16xi32>
      %gather3A_541 = tpu.dynamic_gather %min3A_535[%gather3A_540] in [0] : vector<16xf32>, vector<16xi32> -> vector<16xf32>
      %min3A_542 = arith.minimumf %min3A_535, %gather3A_541 : vector<16xf32>
      %xor3A_543 = arith.constant 4 : i32
      %xor3A_544 = vector.broadcast %xor3A_543 : i32 to vector<16xi32>
      %xor3A_545 = arith.xori %iota3A, %xor3A_544 : vector<16xi32>
      %broadcast_in_dim3A_546 = vector.shape_cast %xor3A_545 : vector<16xi32> to vector<16x1xi32>
      %gather3A_547 = vector.shape_cast %broadcast_in_dim3A_546 : vector<16x1xi32> to vector<16xi32>
      %gather3A_548 = tpu.dynamic_gather %min3A_542[%gather3A_547] in [0] : vector<16xf32>, vector<16xi32> -> vector<16xf32>
      %min3A_549 = arith.minimumf %min3A_542, %gather3A_548 : vector<16xf32>
      %xor3A_550 = arith.constant 8 : i32
      %xor3A_551 = vector.broadcast %xor3A_550 : i32 to vector<16xi32>
      %xor3A_552 = arith.xori %iota3A, %xor3A_551 : vector<16xi32>
      %broadcast_in_dim3A_553 = vector.shape_cast %xor3A_552 : vector<16xi32> to vector<16x1xi32>
      %gather3A_554 = vector.shape_cast %broadcast_in_dim3A_553 : vector<16x1xi32> to vector<16xi32>
      %gather3A_555 = tpu.dynamic_gather %min3A_549[%gather3A_554] in [0] : vector<16xf32>, vector<16xi32> -> vector<16xf32>
      %min3A_556 = arith.minimumf %min3A_549, %gather3A_555 : vector<16xf32>
      %eq3A_557 = arith.constant 0 : i32
      %eq3A_558 = vector.broadcast %eq3A_557 : i32 to vector<16xi32>
      %eq3A_559 = arith.cmpi eq, %iota3A, %eq3A_558 : vector<16xi32>
      %select_n3A_560 = arith.select %eq3A_559, %max3A_459, %broadcast_in_dim3A_420 : vector<16xi1>, vector<16xf32>
      %select_n3A_561 = arith.select %eq3A_559, %min3A_490, %broadcast_in_dim3A_421 : vector<16xi1>, vector<16xf32>
      %select_n3A_562 = arith.select %eq3A_559, %min3A_523, %broadcast_in_dim3A_423 : vector<16xi1>, vector<16xf32>
      %add3A_563 = arith.constant 0.000000e+00 : f32
      %add3A_564 = vector.broadcast %add3A_563 : f32 to vector<16xf32>
      %add3A_565 = arith.addf %add3A_564, %min3A_556 : vector<16xf32>
      %select_n3A_566 = arith.select %eq3A_559, %add3A_565, %broadcast_in_dim3A_425 : vector<16xi1>, vector<16xf32>
      %get3A_567 = arith.constant 16 : index
      %get3A_568 = tpu.vector_load %arg19[%get3A_567] {strides = array<i32>} : memref<272xf32, #tpu.memory_space<vmem>>, vector<16xf32>,
      %get3A_569 = arith.constant 16 : index
      %get3A_570 = tpu.vector_load %arg20[%get3A_569] {strides = array<i32>} : memref<272xf32, #tpu.memory_space<vmem>>, vector<16xf32>,
      %get3A_571 = arith.constant 16 : index
      %get3A_572 = tpu.vector_load %arg18[%get3A_571] {strides = array<i32>} : memref<272xf32, #tpu.memory_space<vmem>>, vector<16xf32>,
      %convert_element_type3A_573 = arith.sitofp %iota3A : vector<16xi32> to vector<16xf32>
      %xor3A_574 = arith.constant 1 : i32
      %xor3A_575 = vector.broadcast %xor3A_574 : i32 to vector<16xi32>
      %xor3A_576 = arith.xori %iota3A, %xor3A_575 : vector<16xi32>
      %broadcast_in_dim3A_577 = vector.shape_cast %xor3A_576 : vector<16xi32> to vector<16x1xi32>
      %gather3A_578 = vector.shape_cast %broadcast_in_dim3A_577 : vector<16x1xi32> to vector<16xi32>
      %gather3A_579 = tpu.dynamic_gather %get3A_568[%gather3A_578] in [0] : vector<16xf32>, vector<16xi32> -> vector<16xf32>
      %max3A_580 = arith.maximumf %get3A_568, %gather3A_579 : vector<16xf32>
      %xor3A_581 = arith.constant 2 : i32
      %xor3A_582 = vector.broadcast %xor3A_581 : i32 to vector<16xi32>
      %xor3A_583 = arith.xori %iota3A, %xor3A_582 : vector<16xi32>
      %broadcast_in_dim3A_584 = vector.shape_cast %xor3A_583 : vector<16xi32> to vector<16x1xi32>
      %gather3A_585 = vector.shape_cast %broadcast_in_dim3A_584 : vector<16x1xi32> to vector<16xi32>
      %gather3A_586 = tpu.dynamic_gather %max3A_580[%gather3A_585] in [0] : vector<16xf32>, vector<16xi32> -> vector<16xf32>
      %max3A_587 = arith.maximumf %max3A_580, %gather3A_586 : vector<16xf32>
      %xor3A_588 = arith.constant 4 : i32
      %xor3A_589 = vector.broadcast %xor3A_588 : i32 to vector<16xi32>
      %xor3A_590 = arith.xori %iota3A, %xor3A_589 : vector<16xi32>
      %broadcast_in_dim3A_591 = vector.shape_cast %xor3A_590 : vector<16xi32> to vector<16x1xi32>
      %gather3A_592 = vector.shape_cast %broadcast_in_dim3A_591 : vector<16x1xi32> to vector<16xi32>
      %gather3A_593 = tpu.dynamic_gather %max3A_587[%gather3A_592] in [0] : vector<16xf32>, vector<16xi32> -> vector<16xf32>
      %max3A_594 = arith.maximumf %max3A_587, %gather3A_593 : vector<16xf32>
      %xor3A_595 = arith.constant 8 : i32
      %xor3A_596 = vector.broadcast %xor3A_595 : i32 to vector<16xi32>
      %xor3A_597 = arith.xori %iota3A, %xor3A_596 : vector<16xi32>
      %broadcast_in_dim3A_598 = vector.shape_cast %xor3A_597 : vector<16xi32> to vector<16x1xi32>
      %gather3A_599 = vector.shape_cast %broadcast_in_dim3A_598 : vector<16x1xi32> to vector<16xi32>
      %gather3A_600 = tpu.dynamic_gather %max3A_594[%gather3A_599] in [0] : vector<16xf32>, vector<16xi32> -> vector<16xf32>
      %max3A_601 = arith.maximumf %max3A_594, %gather3A_600 : vector<16xf32>
      %eq3A_602 = arith.cmpf oeq, %get3A_568, %max3A_601 : vector<16xf32>
      %broadcast_in_dim3A_603 = vector.broadcast %scan3A_31 : f32 to vector<16xf32>
      %select_n3A_604 = arith.select %eq3A_602, %get3A_570, %broadcast_in_dim3A_603 : vector<16xi1>, vector<16xf32>
      %xor3A_605 = arith.constant 1 : i32
      %xor3A_606 = vector.broadcast %xor3A_605 : i32 to vector<16xi32>
      %xor3A_607 = arith.xori %iota3A, %xor3A_606 : vector<16xi32>
      %broadcast_in_dim3A_608 = vector.shape_cast %xor3A_607 : vector<16xi32> to vector<16x1xi32>
      %gather3A_609 = vector.shape_cast %broadcast_in_dim3A_608 : vector<16x1xi32> to vector<16xi32>
      %gather3A_610 = tpu.dynamic_gather %select_n3A_604[%gather3A_609] in [0] : vector<16xf32>, vector<16xi32> -> vector<16xf32>
      %min3A_611 = arith.minimumf %select_n3A_604, %gather3A_610 : vector<16xf32>
      %xor3A_612 = arith.constant 2 : i32
      %xor3A_613 = vector.broadcast %xor3A_612 : i32 to vector<16xi32>
      %xor3A_614 = arith.xori %iota3A, %xor3A_613 : vector<16xi32>
      %broadcast_in_dim3A_615 = vector.shape_cast %xor3A_614 : vector<16xi32> to vector<16x1xi32>
      %gather3A_616 = vector.shape_cast %broadcast_in_dim3A_615 : vector<16x1xi32> to vector<16xi32>
      %gather3A_617 = tpu.dynamic_gather %min3A_611[%gather3A_616] in [0] : vector<16xf32>, vector<16xi32> -> vector<16xf32>
      %min3A_618 = arith.minimumf %min3A_611, %gather3A_617 : vector<16xf32>
      %xor3A_619 = arith.constant 4 : i32
      %xor3A_620 = vector.broadcast %xor3A_619 : i32 to vector<16xi32>
      %xor3A_621 = arith.xori %iota3A, %xor3A_620 : vector<16xi32>
      %broadcast_in_dim3A_622 = vector.shape_cast %xor3A_621 : vector<16xi32> to vector<16x1xi32>
      %gather3A_623 = vector.shape_cast %broadcast_in_dim3A_622 : vector<16x1xi32> to vector<16xi32>
      %gather3A_624 = tpu.dynamic_gather %min3A_618[%gather3A_623] in [0] : vector<16xf32>, vector<16xi32> -> vector<16xf32>
      %min3A_625 = arith.minimumf %min3A_618, %gather3A_624 : vector<16xf32>
      %xor3A_626 = arith.constant 8 : i32
      %xor3A_627 = vector.broadcast %xor3A_626 : i32 to vector<16xi32>
      %xor3A_628 = arith.xori %iota3A, %xor3A_627 : vector<16xi32>
      %broadcast_in_dim3A_629 = vector.shape_cast %xor3A_628 : vector<16xi32> to vector<16x1xi32>
      %gather3A_630 = vector.shape_cast %broadcast_in_dim3A_629 : vector<16x1xi32> to vector<16xi32>
      %gather3A_631 = tpu.dynamic_gather %min3A_625[%gather3A_630] in [0] : vector<16xf32>, vector<16xi32> -> vector<16xf32>
      %min3A_632 = arith.minimumf %min3A_625, %gather3A_631 : vector<16xf32>
      %eq3A_633 = arith.cmpf oeq, %get3A_570, %min3A_632 : vector<16xf32>
      %and3A_634 = arith.andi %eq3A_602, %eq3A_633 : vector<16xi1>
      %jit3A_635 = arith.constant 0x4B800000 : f32
      %broadcast_in_dim3A_636 = vector.broadcast %jit3A_635 : f32 to vector<16xf32>
      %select_n3A_637 = arith.select %and3A_634, %get3A_572, %broadcast_in_dim3A_636 : vector<16xi1>, vector<16xf32>
      %xor3A_638 = arith.constant 1 : i32
      %xor3A_639 = vector.broadcast %xor3A_638 : i32 to vector<16xi32>
      %xor3A_640 = arith.xori %iota3A, %xor3A_639 : vector<16xi32>
      %broadcast_in_dim3A_641 = vector.shape_cast %xor3A_640 : vector<16xi32> to vector<16x1xi32>
      %gather3A_642 = vector.shape_cast %broadcast_in_dim3A_641 : vector<16x1xi32> to vector<16xi32>
      %gather3A_643 = tpu.dynamic_gather %select_n3A_637[%gather3A_642] in [0] : vector<16xf32>, vector<16xi32> -> vector<16xf32>
      %min3A_644 = arith.minimumf %select_n3A_637, %gather3A_643 : vector<16xf32>
      %xor3A_645 = arith.constant 2 : i32
      %xor3A_646 = vector.broadcast %xor3A_645 : i32 to vector<16xi32>
      %xor3A_647 = arith.xori %iota3A, %xor3A_646 : vector<16xi32>
      %broadcast_in_dim3A_648 = vector.shape_cast %xor3A_647 : vector<16xi32> to vector<16x1xi32>
      %gather3A_649 = vector.shape_cast %broadcast_in_dim3A_648 : vector<16x1xi32> to vector<16xi32>
      %gather3A_650 = tpu.dynamic_gather %min3A_644[%gather3A_649] in [0] : vector<16xf32>, vector<16xi32> -> vector<16xf32>
      %min3A_651 = arith.minimumf %min3A_644, %gather3A_650 : vector<16xf32>
      %xor3A_652 = arith.constant 4 : i32
      %xor3A_653 = vector.broadcast %xor3A_652 : i32 to vector<16xi32>
      %xor3A_654 = arith.xori %iota3A, %xor3A_653 : vector<16xi32>
      %broadcast_in_dim3A_655 = vector.shape_cast %xor3A_654 : vector<16xi32> to vector<16x1xi32>
      %gather3A_656 = vector.shape_cast %broadcast_in_dim3A_655 : vector<16x1xi32> to vector<16xi32>
      %gather3A_657 = tpu.dynamic_gather %min3A_651[%gather3A_656] in [0] : vector<16xf32>, vector<16xi32> -> vector<16xf32>
      %min3A_658 = arith.minimumf %min3A_651, %gather3A_657 : vector<16xf32>
      %xor3A_659 = arith.constant 8 : i32
      %xor3A_660 = vector.broadcast %xor3A_659 : i32 to vector<16xi32>
      %xor3A_661 = arith.xori %iota3A, %xor3A_660 : vector<16xi32>
      %broadcast_in_dim3A_662 = vector.shape_cast %xor3A_661 : vector<16xi32> to vector<16x1xi32>
      %gather3A_663 = vector.shape_cast %broadcast_in_dim3A_662 : vector<16x1xi32> to vector<16xi32>
      %gather3A_664 = tpu.dynamic_gather %min3A_658[%gather3A_663] in [0] : vector<16xf32>, vector<16xi32> -> vector<16xf32>
      %min3A_665 = arith.minimumf %min3A_658, %gather3A_664 : vector<16xf32>
      %eq3A_666 = arith.cmpf oeq, %get3A_572, %min3A_665 : vector<16xf32>
      %and3A_667 = arith.andi %and3A_634, %eq3A_666 : vector<16xi1>
      %jit3A_668 = arith.constant 0x4B800000 : f32
      %broadcast_in_dim3A_669 = vector.broadcast %jit3A_668 : f32 to vector<16xf32>
      %select_n3A_670 = arith.select %and3A_667, %convert_element_type3A_573, %broadcast_in_dim3A_669 : vector<16xi1>, vector<16xf32>
      %xor3A_671 = arith.constant 1 : i32
      %xor3A_672 = vector.broadcast %xor3A_671 : i32 to vector<16xi32>
      %xor3A_673 = arith.xori %iota3A, %xor3A_672 : vector<16xi32>
      %broadcast_in_dim3A_674 = vector.shape_cast %xor3A_673 : vector<16xi32> to vector<16x1xi32>
      %gather3A_675 = vector.shape_cast %broadcast_in_dim3A_674 : vector<16x1xi32> to vector<16xi32>
      %gather3A_676 = tpu.dynamic_gather %select_n3A_670[%gather3A_675] in [0] : vector<16xf32>, vector<16xi32> -> vector<16xf32>
      %min3A_677 = arith.minimumf %select_n3A_670, %gather3A_676 : vector<16xf32>
      %xor3A_678 = arith.constant 2 : i32
      %xor3A_679 = vector.broadcast %xor3A_678 : i32 to vector<16xi32>
      %xor3A_680 = arith.xori %iota3A, %xor3A_679 : vector<16xi32>
      %broadcast_in_dim3A_681 = vector.shape_cast %xor3A_680 : vector<16xi32> to vector<16x1xi32>
      %gather3A_682 = vector.shape_cast %broadcast_in_dim3A_681 : vector<16x1xi32> to vector<16xi32>
      %gather3A_683 = tpu.dynamic_gather %min3A_677[%gather3A_682] in [0] : vector<16xf32>, vector<16xi32> -> vector<16xf32>
      %min3A_684 = arith.minimumf %min3A_677, %gather3A_683 : vector<16xf32>
      %xor3A_685 = arith.constant 4 : i32
      %xor3A_686 = vector.broadcast %xor3A_685 : i32 to vector<16xi32>
      %xor3A_687 = arith.xori %iota3A, %xor3A_686 : vector<16xi32>
      %broadcast_in_dim3A_688 = vector.shape_cast %xor3A_687 : vector<16xi32> to vector<16x1xi32>
      %gather3A_689 = vector.shape_cast %broadcast_in_dim3A_688 : vector<16x1xi32> to vector<16xi32>
      %gather3A_690 = tpu.dynamic_gather %min3A_684[%gather3A_689] in [0] : vector<16xf32>, vector<16xi32> -> vector<16xf32>
      %min3A_691 = arith.minimumf %min3A_684, %gather3A_690 : vector<16xf32>
      %xor3A_692 = arith.constant 8 : i32
      %xor3A_693 = vector.broadcast %xor3A_692 : i32 to vector<16xi32>
      %xor3A_694 = arith.xori %iota3A, %xor3A_693 : vector<16xi32>
      %broadcast_in_dim3A_695 = vector.shape_cast %xor3A_694 : vector<16xi32> to vector<16x1xi32>
      %gather3A_696 = vector.shape_cast %broadcast_in_dim3A_695 : vector<16x1xi32> to vector<16xi32>
      %gather3A_697 = tpu.dynamic_gather %min3A_691[%gather3A_696] in [0] : vector<16xf32>, vector<16xi32> -> vector<16xf32>
      %min3A_698 = arith.minimumf %min3A_691, %gather3A_697 : vector<16xf32>
      %eq3A_699 = arith.constant 1 : i32
      %eq3A_700 = vector.broadcast %eq3A_699 : i32 to vector<16xi32>
      %eq3A_701 = arith.cmpi eq, %iota3A, %eq3A_700 : vector<16xi32>
      %select_n3A_702 = arith.select %eq3A_701, %max3A_601, %select_n3A_560 : vector<16xi1>, vector<16xf32>
      %select_n3A_703 = arith.select %eq3A_701, %min3A_632, %select_n3A_561 : vector<16xi1>, vector<16xf32>
      %select_n3A_704 = arith.select %eq3A_701, %min3A_665, %select_n3A_562 : vector<16xi1>, vector<16xf32>
      %add3A_705 = arith.constant 1.600000e+01 : f32
      %add3A_706 = vector.broadcast %add3A_705 : f32 to vector<16xf32>
      %add3A_707 = arith.addf %add3A_706, %min3A_698 : vector<16xf32>
      %select_n3A_708 = arith.select %eq3A_701, %add3A_707, %select_n3A_566 : vector<16xi1>, vector<16xf32>
      %get3A_709 = arith.constant 32 : index
      %get3A_710 = tpu.vector_load %arg19[%get3A_709] {strides = array<i32>} : memref<272xf32, #tpu.memory_space<vmem>>, vector<16xf32>,
      %get3A_711 = arith.constant 32 : index
      %get3A_712 = tpu.vector_load %arg20[%get3A_711] {strides = array<i32>} : memref<272xf32, #tpu.memory_space<vmem>>, vector<16xf32>,
      %get3A_713 = arith.constant 32 : index
      %get3A_714 = tpu.vector_load %arg18[%get3A_713] {strides = array<i32>} : memref<272xf32, #tpu.memory_space<vmem>>, vector<16xf32>,
      %convert_element_type3A_715 = arith.sitofp %iota3A : vector<16xi32> to vector<16xf32>
      %xor3A_716 = arith.constant 1 : i32
      %xor3A_717 = vector.broadcast %xor3A_716 : i32 to vector<16xi32>
      %xor3A_718 = arith.xori %iota3A, %xor3A_717 : vector<16xi32>
      %broadcast_in_dim3A_719 = vector.shape_cast %xor3A_718 : vector<16xi32> to vector<16x1xi32>
      %gather3A_720 = vector.shape_cast %broadcast_in_dim3A_719 : vector<16x1xi32> to vector<16xi32>
      %gather3A_721 = tpu.dynamic_gather %get3A_710[%gather3A_720] in [0] : vector<16xf32>, vector<16xi32> -> vector<16xf32>
      %max3A_722 = arith.maximumf %get3A_710, %gather3A_721 : vector<16xf32>
      %xor3A_723 = arith.constant 2 : i32
      %xor3A_724 = vector.broadcast %xor3A_723 : i32 to vector<16xi32>
      %xor3A_725 = arith.xori %iota3A, %xor3A_724 : vector<16xi32>
      %broadcast_in_dim3A_726 = vector.shape_cast %xor3A_725 : vector<16xi32> to vector<16x1xi32>
      %gather3A_727 = vector.shape_cast %broadcast_in_dim3A_726 : vector<16x1xi32> to vector<16xi32>
      %gather3A_728 = tpu.dynamic_gather %max3A_722[%gather3A_727] in [0] : vector<16xf32>, vector<16xi32> -> vector<16xf32>
      %max3A_729 = arith.maximumf %max3A_722, %gather3A_728 : vector<16xf32>
      %xor3A_730 = arith.constant 4 : i32
      %xor3A_731 = vector.broadcast %xor3A_730 : i32 to vector<16xi32>
      %xor3A_732 = arith.xori %iota3A, %xor3A_731 : vector<16xi32>
      %broadcast_in_dim3A_733 = vector.shape_cast %xor3A_732 : vector<16xi32> to vector<16x1xi32>
      %gather3A_734 = vector.shape_cast %broadcast_in_dim3A_733 : vector<16x1xi32> to vector<16xi32>
      %gather3A_735 = tpu.dynamic_gather %max3A_729[%gather3A_734] in [0] : vector<16xf32>, vector<16xi32> -> vector<16xf32>
      %max3A_736 = arith.maximumf %max3A_729, %gather3A_735 : vector<16xf32>
      %xor3A_737 = arith.constant 8 : i32
      %xor3A_738 = vector.broadcast %xor3A_737 : i32 to vector<16xi32>
      %xor3A_739 = arith.xori %iota3A, %xor3A_738 : vector<16xi32>
      %broadcast_in_dim3A_740 = vector.shape_cast %xor3A_739 : vector<16xi32> to vector<16x1xi32>
      %gather3A_741 = vector.shape_cast %broadcast_in_dim3A_740 : vector<16x1xi32> to vector<16xi32>
      %gather3A_742 = tpu.dynamic_gather %max3A_736[%gather3A_741] in [0] : vector<16xf32>, vector<16xi32> -> vector<16xf32>
      %max3A_743 = arith.maximumf %max3A_736, %gather3A_742 : vector<16xf32>
      %eq3A_744 = arith.cmpf oeq, %get3A_710, %max3A_743 : vector<16xf32>
      %broadcast_in_dim3A_745 = vector.broadcast %scan3A_31 : f32 to vector<16xf32>
      %select_n3A_746 = arith.select %eq3A_744, %get3A_712, %broadcast_in_dim3A_745 : vector<16xi1>, vector<16xf32>
      %xor3A_747 = arith.constant 1 : i32
      %xor3A_748 = vector.broadcast %xor3A_747 : i32 to vector<16xi32>
      %xor3A_749 = arith.xori %iota3A, %xor3A_748 : vector<16xi32>
      %broadcast_in_dim3A_750 = vector.shape_cast %xor3A_749 : vector<16xi32> to vector<16x1xi32>
      %gather3A_751 = vector.shape_cast %broadcast_in_dim3A_750 : vector<16x1xi32> to vector<16xi32>
      %gather3A_752 = tpu.dynamic_gather %select_n3A_746[%gather3A_751] in [0] : vector<16xf32>, vector<16xi32> -> vector<16xf32>
      %min3A_753 = arith.minimumf %select_n3A_746, %gather3A_752 : vector<16xf32>
      %xor3A_754 = arith.constant 2 : i32
      %xor3A_755 = vector.broadcast %xor3A_754 : i32 to vector<16xi32>
      %xor3A_756 = arith.xori %iota3A, %xor3A_755 : vector<16xi32>
      %broadcast_in_dim3A_757 = vector.shape_cast %xor3A_756 : vector<16xi32> to vector<16x1xi32>
      %gather3A_758 = vector.shape_cast %broadcast_in_dim3A_757 : vector<16x1xi32> to vector<16xi32>
      %gather3A_759 = tpu.dynamic_gather %min3A_753[%gather3A_758] in [0] : vector<16xf32>, vector<16xi32> -> vector<16xf32>
      %min3A_760 = arith.minimumf %min3A_753, %gather3A_759 : vector<16xf32>
      %xor3A_761 = arith.constant 4 : i32
      %xor3A_762 = vector.broadcast %xor3A_761 : i32 to vector<16xi32>
      %xor3A_763 = arith.xori %iota3A, %xor3A_762 : vector<16xi32>
      %broadcast_in_dim3A_764 = vector.shape_cast %xor3A_763 : vector<16xi32> to vector<16x1xi32>
      %gather3A_765 = vector.shape_cast %broadcast_in_dim3A_764 : vector<16x1xi32> to vector<16xi32>
      %gather3A_766 = tpu.dynamic_gather %min3A_760[%gather3A_765] in [0] : vector<16xf32>, vector<16xi32> -> vector<16xf32>
      %min3A_767 = arith.minimumf %min3A_760, %gather3A_766 : vector<16xf32>
      %xor3A_768 = arith.constant 8 : i32
      %xor3A_769 = vector.broadcast %xor3A_768 : i32 to vector<16xi32>
      %xor3A_770 = arith.xori %iota3A, %xor3A_769 : vector<16xi32>
      %broadcast_in_dim3A_771 = vector.shape_cast %xor3A_770 : vector<16xi32> to vector<16x1xi32>
      %gather3A_772 = vector.shape_cast %broadcast_in_dim3A_771 : vector<16x1xi32> to vector<16xi32>
      %gather3A_773 = tpu.dynamic_gather %min3A_767[%gather3A_772] in [0] : vector<16xf32>, vector<16xi32> -> vector<16xf32>
      %min3A_774 = arith.minimumf %min3A_767, %gather3A_773 : vector<16xf32>
      %eq3A_775 = arith.cmpf oeq, %get3A_712, %min3A_774 : vector<16xf32>
      %and3A_776 = arith.andi %eq3A_744, %eq3A_775 : vector<16xi1>
      %jit3A_777 = arith.constant 0x4B800000 : f32
      %broadcast_in_dim3A_778 = vector.broadcast %jit3A_777 : f32 to vector<16xf32>
      %select_n3A_779 = arith.select %and3A_776, %get3A_714, %broadcast_in_dim3A_778 : vector<16xi1>, vector<16xf32>
      %xor3A_780 = arith.constant 1 : i32
      %xor3A_781 = vector.broadcast %xor3A_780 : i32 to vector<16xi32>
      %xor3A_782 = arith.xori %iota3A, %xor3A_781 : vector<16xi32>
      %broadcast_in_dim3A_783 = vector.shape_cast %xor3A_782 : vector<16xi32> to vector<16x1xi32>
      %gather3A_784 = vector.shape_cast %broadcast_in_dim3A_783 : vector<16x1xi32> to vector<16xi32>
      %gather3A_785 = tpu.dynamic_gather %select_n3A_779[%gather3A_784] in [0] : vector<16xf32>, vector<16xi32> -> vector<16xf32>
      %min3A_786 = arith.minimumf %select_n3A_779, %gather3A_785 : vector<16xf32>
      %xor3A_787 = arith.constant 2 : i32
      %xor3A_788 = vector.broadcast %xor3A_787 : i32 to vector<16xi32>
      %xor3A_789 = arith.xori %iota3A, %xor3A_788 : vector<16xi32>
      %broadcast_in_dim3A_790 = vector.shape_cast %xor3A_789 : vector<16xi32> to vector<16x1xi32>
      %gather3A_791 = vector.shape_cast %broadcast_in_dim3A_790 : vector<16x1xi32> to vector<16xi32>
      %gather3A_792 = tpu.dynamic_gather %min3A_786[%gather3A_791] in [0] : vector<16xf32>, vector<16xi32> -> vector<16xf32>
      %min3A_793 = arith.minimumf %min3A_786, %gather3A_792 : vector<16xf32>
      %xor3A_794 = arith.constant 4 : i32
      %xor3A_795 = vector.broadcast %xor3A_794 : i32 to vector<16xi32>
      %xor3A_796 = arith.xori %iota3A, %xor3A_795 : vector<16xi32>
      %broadcast_in_dim3A_797 = vector.shape_cast %xor3A_796 : vector<16xi32> to vector<16x1xi32>
      %gather3A_798 = vector.shape_cast %broadcast_in_dim3A_797 : vector<16x1xi32> to vector<16xi32>
      %gather3A_799 = tpu.dynamic_gather %min3A_793[%gather3A_798] in [0] : vector<16xf32>, vector<16xi32> -> vector<16xf32>
      %min3A_800 = arith.minimumf %min3A_793, %gather3A_799 : vector<16xf32>
      %xor3A_801 = arith.constant 8 : i32
      %xor3A_802 = vector.broadcast %xor3A_801 : i32 to vector<16xi32>
      %xor3A_803 = arith.xori %iota3A, %xor3A_802 : vector<16xi32>
      %broadcast_in_dim3A_804 = vector.shape_cast %xor3A_803 : vector<16xi32> to vector<16x1xi32>
      %gather3A_805 = vector.shape_cast %broadcast_in_dim3A_804 : vector<16x1xi32> to vector<16xi32>
      %gather3A_806 = tpu.dynamic_gather %min3A_800[%gather3A_805] in [0] : vector<16xf32>, vector<16xi32> -> vector<16xf32>
      %min3A_807 = arith.minimumf %min3A_800, %gather3A_806 : vector<16xf32>
      %eq3A_808 = arith.cmpf oeq, %get3A_714, %min3A_807 : vector<16xf32>
      %and3A_809 = arith.andi %and3A_776, %eq3A_808 : vector<16xi1>
      %jit3A_810 = arith.constant 0x4B800000 : f32
      %broadcast_in_dim3A_811 = vector.broadcast %jit3A_810 : f32 to vector<16xf32>
      %select_n3A_812 = arith.select %and3A_809, %convert_element_type3A_715, %broadcast_in_dim3A_811 : vector<16xi1>, vector<16xf32>
      %xor3A_813 = arith.constant 1 : i32
      %xor3A_814 = vector.broadcast %xor3A_813 : i32 to vector<16xi32>
      %xor3A_815 = arith.xori %iota3A, %xor3A_814 : vector<16xi32>
      %broadcast_in_dim3A_816 = vector.shape_cast %xor3A_815 : vector<16xi32> to vector<16x1xi32>
      %gather3A_817 = vector.shape_cast %broadcast_in_dim3A_816 : vector<16x1xi32> to vector<16xi32>
      %gather3A_818 = tpu.dynamic_gather %select_n3A_812[%gather3A_817] in [0] : vector<16xf32>, vector<16xi32> -> vector<16xf32>
      %min3A_819 = arith.minimumf %select_n3A_812, %gather3A_818 : vector<16xf32>
      %xor3A_820 = arith.constant 2 : i32
      %xor3A_821 = vector.broadcast %xor3A_820 : i32 to vector<16xi32>
      %xor3A_822 = arith.xori %iota3A, %xor3A_821 : vector<16xi32>
      %broadcast_in_dim3A_823 = vector.shape_cast %xor3A_822 : vector<16xi32> to vector<16x1xi32>
      %gather3A_824 = vector.shape_cast %broadcast_in_dim3A_823 : vector<16x1xi32> to vector<16xi32>
      %gather3A_825 = tpu.dynamic_gather %min3A_819[%gather3A_824] in [0] : vector<16xf32>, vector<16xi32> -> vector<16xf32>
      %min3A_826 = arith.minimumf %min3A_819, %gather3A_825 : vector<16xf32>
      %xor3A_827 = arith.constant 4 : i32
      %xor3A_828 = vector.broadcast %xor3A_827 : i32 to vector<16xi32>
      %xor3A_829 = arith.xori %iota3A, %xor3A_828 : vector<16xi32>
      %broadcast_in_dim3A_830 = vector.shape_cast %xor3A_829 : vector<16xi32> to vector<16x1xi32>
      %gather3A_831 = vector.shape_cast %broadcast_in_dim3A_830 : vector<16x1xi32> to vector<16xi32>
      %gather3A_832 = tpu.dynamic_gather %min3A_826[%gather3A_831] in [0] : vector<16xf32>, vector<16xi32> -> vector<16xf32>
      %min3A_833 = arith.minimumf %min3A_826, %gather3A_832 : vector<16xf32>
      %xor3A_834 = arith.constant 8 : i32
      %xor3A_835 = vector.broadcast %xor3A_834 : i32 to vector<16xi32>
      %xor3A_836 = arith.xori %iota3A, %xor3A_835 : vector<16xi32>
      %broadcast_in_dim3A_837 = vector.shape_cast %xor3A_836 : vector<16xi32> to vector<16x1xi32>
      %gather3A_838 = vector.shape_cast %broadcast_in_dim3A_837 : vector<16x1xi32> to vector<16xi32>
      %gather3A_839 = tpu.dynamic_gather %min3A_833[%gather3A_838] in [0] : vector<16xf32>, vector<16xi32> -> vector<16xf32>
      %min3A_840 = arith.minimumf %min3A_833, %gather3A_839 : vector<16xf32>
      %eq3A_841 = arith.constant 2 : i32
      %eq3A_842 = vector.broadcast %eq3A_841 : i32 to vector<16xi32>
      %eq3A_843 = arith.cmpi eq, %iota3A, %eq3A_842 : vector<16xi32>
      %select_n3A_844 = arith.select %eq3A_843, %max3A_743, %select_n3A_702 : vector<16xi1>, vector<16xf32>
      %select_n3A_845 = arith.select %eq3A_843, %min3A_774, %select_n3A_703 : vector<16xi1>, vector<16xf32>
      %select_n3A_846 = arith.select %eq3A_843, %min3A_807, %select_n3A_704 : vector<16xi1>, vector<16xf32>
      %add3A_847 = arith.constant 3.200000e+01 : f32
      %add3A_848 = vector.broadcast %add3A_847 : f32 to vector<16xf32>
      %add3A_849 = arith.addf %add3A_848, %min3A_840 : vector<16xf32>
      %select_n3A_850 = arith.select %eq3A_843, %add3A_849, %select_n3A_708 : vector<16xi1>, vector<16xf32>
      %get3A_851 = arith.constant 48 : index
      %get3A_852 = tpu.vector_load %arg19[%get3A_851] {strides = array<i32>} : memref<272xf32, #tpu.memory_space<vmem>>, vector<16xf32>,
      %get3A_853 = arith.constant 48 : index
      %get3A_854 = tpu.vector_load %arg20[%get3A_853] {strides = array<i32>} : memref<272xf32, #tpu.memory_space<vmem>>, vector<16xf32>,
      %get3A_855 = arith.constant 48 : index
      %get3A_856 = tpu.vector_load %arg18[%get3A_855] {strides = array<i32>} : memref<272xf32, #tpu.memory_space<vmem>>, vector<16xf32>,
      %convert_element_type3A_857 = arith.sitofp %iota3A : vector<16xi32> to vector<16xf32>
      %xor3A_858 = arith.constant 1 : i32
      %xor3A_859 = vector.broadcast %xor3A_858 : i32 to vector<16xi32>
      %xor3A_860 = arith.xori %iota3A, %xor3A_859 : vector<16xi32>
      %broadcast_in_dim3A_861 = vector.shape_cast %xor3A_860 : vector<16xi32> to vector<16x1xi32>
      %gather3A_862 = vector.shape_cast %broadcast_in_dim3A_861 : vector<16x1xi32> to vector<16xi32>
      %gather3A_863 = tpu.dynamic_gather %get3A_852[%gather3A_862] in [0] : vector<16xf32>, vector<16xi32> -> vector<16xf32>
      %max3A_864 = arith.maximumf %get3A_852, %gather3A_863 : vector<16xf32>
      %xor3A_865 = arith.constant 2 : i32
      %xor3A_866 = vector.broadcast %xor3A_865 : i32 to vector<16xi32>
      %xor3A_867 = arith.xori %iota3A, %xor3A_866 : vector<16xi32>
      %broadcast_in_dim3A_868 = vector.shape_cast %xor3A_867 : vector<16xi32> to vector<16x1xi32>
      %gather3A_869 = vector.shape_cast %broadcast_in_dim3A_868 : vector<16x1xi32> to vector<16xi32>
      %gather3A_870 = tpu.dynamic_gather %max3A_864[%gather3A_869] in [0] : vector<16xf32>, vector<16xi32> -> vector<16xf32>
      %max3A_871 = arith.maximumf %max3A_864, %gather3A_870 : vector<16xf32>
      %xor3A_872 = arith.constant 4 : i32
      %xor3A_873 = vector.broadcast %xor3A_872 : i32 to vector<16xi32>
      %xor3A_874 = arith.xori %iota3A, %xor3A_873 : vector<16xi32>
      %broadcast_in_dim3A_875 = vector.shape_cast %xor3A_874 : vector<16xi32> to vector<16x1xi32>
      %gather3A_876 = vector.shape_cast %broadcast_in_dim3A_875 : vector<16x1xi32> to vector<16xi32>
      %gather3A_877 = tpu.dynamic_gather %max3A_871[%gather3A_876] in [0] : vector<16xf32>, vector<16xi32> -> vector<16xf32>
      %max3A_878 = arith.maximumf %max3A_871, %gather3A_877 : vector<16xf32>
      %xor3A_879 = arith.constant 8 : i32
      %xor3A_880 = vector.broadcast %xor3A_879 : i32 to vector<16xi32>
      %xor3A_881 = arith.xori %iota3A, %xor3A_880 : vector<16xi32>
      %broadcast_in_dim3A_882 = vector.shape_cast %xor3A_881 : vector<16xi32> to vector<16x1xi32>
      %gather3A_883 = vector.shape_cast %broadcast_in_dim3A_882 : vector<16x1xi32> to vector<16xi32>
      %gather3A_884 = tpu.dynamic_gather %max3A_878[%gather3A_883] in [0] : vector<16xf32>, vector<16xi32> -> vector<16xf32>
      %max3A_885 = arith.maximumf %max3A_878, %gather3A_884 : vector<16xf32>
      %eq3A_886 = arith.cmpf oeq, %get3A_852, %max3A_885 : vector<16xf32>
      %broadcast_in_dim3A_887 = vector.broadcast %scan3A_31 : f32 to vector<16xf32>
      %select_n3A_888 = arith.select %eq3A_886, %get3A_854, %broadcast_in_dim3A_887 : vector<16xi1>, vector<16xf32>
      %xor3A_889 = arith.constant 1 : i32
      %xor3A_890 = vector.broadcast %xor3A_889 : i32 to vector<16xi32>
      %xor3A_891 = arith.xori %iota3A, %xor3A_890 : vector<16xi32>
      %broadcast_in_dim3A_892 = vector.shape_cast %xor3A_891 : vector<16xi32> to vector<16x1xi32>
      %gather3A_893 = vector.shape_cast %broadcast_in_dim3A_892 : vector<16x1xi32> to vector<16xi32>
      %gather3A_894 = tpu.dynamic_gather %select_n3A_888[%gather3A_893] in [0] : vector<16xf32>, vector<16xi32> -> vector<16xf32>
      %min3A_895 = arith.minimumf %select_n3A_888, %gather3A_894 : vector<16xf32>
      %xor3A_896 = arith.constant 2 : i32
      %xor3A_897 = vector.broadcast %xor3A_896 : i32 to vector<16xi32>
      %xor3A_898 = arith.xori %iota3A, %xor3A_897 : vector<16xi32>
      %broadcast_in_dim3A_899 = vector.shape_cast %xor3A_898 : vector<16xi32> to vector<16x1xi32>
      %gather3A_900 = vector.shape_cast %broadcast_in_dim3A_899 : vector<16x1xi32> to vector<16xi32>
      %gather3A_901 = tpu.dynamic_gather %min3A_895[%gather3A_900] in [0] : vector<16xf32>, vector<16xi32> -> vector<16xf32>
      %min3A_902 = arith.minimumf %min3A_895, %gather3A_901 : vector<16xf32>
      %xor3A_903 = arith.constant 4 : i32
      %xor3A_904 = vector.broadcast %xor3A_903 : i32 to vector<16xi32>
      %xor3A_905 = arith.xori %iota3A, %xor3A_904 : vector<16xi32>
      %broadcast_in_dim3A_906 = vector.shape_cast %xor3A_905 : vector<16xi32> to vector<16x1xi32>
      %gather3A_907 = vector.shape_cast %broadcast_in_dim3A_906 : vector<16x1xi32> to vector<16xi32>
      %gather3A_908 = tpu.dynamic_gather %min3A_902[%gather3A_907] in [0] : vector<16xf32>, vector<16xi32> -> vector<16xf32>
      %min3A_909 = arith.minimumf %min3A_902, %gather3A_908 : vector<16xf32>
      %xor3A_910 = arith.constant 8 : i32
      %xor3A_911 = vector.broadcast %xor3A_910 : i32 to vector<16xi32>
      %xor3A_912 = arith.xori %iota3A, %xor3A_911 : vector<16xi32>
      %broadcast_in_dim3A_913 = vector.shape_cast %xor3A_912 : vector<16xi32> to vector<16x1xi32>
      %gather3A_914 = vector.shape_cast %broadcast_in_dim3A_913 : vector<16x1xi32> to vector<16xi32>
      %gather3A_915 = tpu.dynamic_gather %min3A_909[%gather3A_914] in [0] : vector<16xf32>, vector<16xi32> -> vector<16xf32>
      %min3A_916 = arith.minimumf %min3A_909, %gather3A_915 : vector<16xf32>
      %eq3A_917 = arith.cmpf oeq, %get3A_854, %min3A_916 : vector<16xf32>
      %and3A_918 = arith.andi %eq3A_886, %eq3A_917 : vector<16xi1>
      %jit3A_919 = arith.constant 0x4B800000 : f32
      %broadcast_in_dim3A_920 = vector.broadcast %jit3A_919 : f32 to vector<16xf32>
      %select_n3A_921 = arith.select %and3A_918, %get3A_856, %broadcast_in_dim3A_920 : vector<16xi1>, vector<16xf32>
      %xor3A_922 = arith.constant 1 : i32
      %xor3A_923 = vector.broadcast %xor3A_922 : i32 to vector<16xi32>
      %xor3A_924 = arith.xori %iota3A, %xor3A_923 : vector<16xi32>
      %broadcast_in_dim3A_925 = vector.shape_cast %xor3A_924 : vector<16xi32> to vector<16x1xi32>
      %gather3A_926 = vector.shape_cast %broadcast_in_dim3A_925 : vector<16x1xi32> to vector<16xi32>
      %gather3A_927 = tpu.dynamic_gather %select_n3A_921[%gather3A_926] in [0] : vector<16xf32>, vector<16xi32> -> vector<16xf32>
      %min3A_928 = arith.minimumf %select_n3A_921, %gather3A_927 : vector<16xf32>
      %xor3A_929 = arith.constant 2 : i32
      %xor3A_930 = vector.broadcast %xor3A_929 : i32 to vector<16xi32>
      %xor3A_931 = arith.xori %iota3A, %xor3A_930 : vector<16xi32>
      %broadcast_in_dim3A_932 = vector.shape_cast %xor3A_931 : vector<16xi32> to vector<16x1xi32>
      %gather3A_933 = vector.shape_cast %broadcast_in_dim3A_932 : vector<16x1xi32> to vector<16xi32>
      %gather3A_934 = tpu.dynamic_gather %min3A_928[%gather3A_933] in [0] : vector<16xf32>, vector<16xi32> -> vector<16xf32>
      %min3A_935 = arith.minimumf %min3A_928, %gather3A_934 : vector<16xf32>
      %xor3A_936 = arith.constant 4 : i32
      %xor3A_937 = vector.broadcast %xor3A_936 : i32 to vector<16xi32>
      %xor3A_938 = arith.xori %iota3A, %xor3A_937 : vector<16xi32>
      %broadcast_in_dim3A_939 = vector.shape_cast %xor3A_938 : vector<16xi32> to vector<16x1xi32>
      %gather3A_940 = vector.shape_cast %broadcast_in_dim3A_939 : vector<16x1xi32> to vector<16xi32>
      %gather3A_941 = tpu.dynamic_gather %min3A_935[%gather3A_940] in [0] : vector<16xf32>, vector<16xi32> -> vector<16xf32>
      %min3A_942 = arith.minimumf %min3A_935, %gather3A_941 : vector<16xf32>
      %xor3A_943 = arith.constant 8 : i32
      %xor3A_944 = vector.broadcast %xor3A_943 : i32 to vector<16xi32>
      %xor3A_945 = arith.xori %iota3A, %xor3A_944 : vector<16xi32>
      %broadcast_in_dim3A_946 = vector.shape_cast %xor3A_945 : vector<16xi32> to vector<16x1xi32>
      %gather3A_947 = vector.shape_cast %broadcast_in_dim3A_946 : vector<16x1xi32> to vector<16xi32>
      %gather3A_948 = tpu.dynamic_gather %min3A_942[%gather3A_947] in [0] : vector<16xf32>, vector<16xi32> -> vector<16xf32>
      %min3A_949 = arith.minimumf %min3A_942, %gather3A_948 : vector<16xf32>
      %eq3A_950 = arith.cmpf oeq, %get3A_856, %min3A_949 : vector<16xf32>
      %and3A_951 = arith.andi %and3A_918, %eq3A_950 : vector<16xi1>
      %jit3A_952 = arith.constant 0x4B800000 : f32
      %broadcast_in_dim3A_953 = vector.broadcast %jit3A_952 : f32 to vector<16xf32>
      %select_n3A_954 = arith.select %and3A_951, %convert_element_type3A_857, %broadcast_in_dim3A_953 : vector<16xi1>, vector<16xf32>
      %xor3A_955 = arith.constant 1 : i32
      %xor3A_956 = vector.broadcast %xor3A_955 : i32 to vector<16xi32>
      %xor3A_957 = arith.xori %iota3A, %xor3A_956 : vector<16xi32>
      %broadcast_in_dim3A_958 = vector.shape_cast %xor3A_957 : vector<16xi32> to vector<16x1xi32>
      %gather3A_959 = vector.shape_cast %broadcast_in_dim3A_958 : vector<16x1xi32> to vector<16xi32>
      %gather3A_960 = tpu.dynamic_gather %select_n3A_954[%gather3A_959] in [0] : vector<16xf32>, vector<16xi32> -> vector<16xf32>
      %min3A_961 = arith.minimumf %select_n3A_954, %gather3A_960 : vector<16xf32>
      %xor3A_962 = arith.constant 2 : i32
      %xor3A_963 = vector.broadcast %xor3A_962 : i32 to vector<16xi32>
      %xor3A_964 = arith.xori %iota3A, %xor3A_963 : vector<16xi32>
      %broadcast_in_dim3A_965 = vector.shape_cast %xor3A_964 : vector<16xi32> to vector<16x1xi32>
      %gather3A_966 = vector.shape_cast %broadcast_in_dim3A_965 : vector<16x1xi32> to vector<16xi32>
      %gather3A_967 = tpu.dynamic_gather %min3A_961[%gather3A_966] in [0] : vector<16xf32>, vector<16xi32> -> vector<16xf32>
      %min3A_968 = arith.minimumf %min3A_961, %gather3A_967 : vector<16xf32>
      %xor3A_969 = arith.constant 4 : i32
      %xor3A_970 = vector.broadcast %xor3A_969 : i32 to vector<16xi32>
      %xor3A_971 = arith.xori %iota3A, %xor3A_970 : vector<16xi32>
      %broadcast_in_dim3A_972 = vector.shape_cast %xor3A_971 : vector<16xi32> to vector<16x1xi32>
      %gather3A_973 = vector.shape_cast %broadcast_in_dim3A_972 : vector<16x1xi32> to vector<16xi32>
      %gather3A_974 = tpu.dynamic_gather %min3A_968[%gather3A_973] in [0] : vector<16xf32>, vector<16xi32> -> vector<16xf32>
      %min3A_975 = arith.minimumf %min3A_968, %gather3A_974 : vector<16xf32>
      %xor3A_976 = arith.constant 8 : i32
      %xor3A_977 = vector.broadcast %xor3A_976 : i32 to vector<16xi32>
      %xor3A_978 = arith.xori %iota3A, %xor3A_977 : vector<16xi32>
      %broadcast_in_dim3A_979 = vector.shape_cast %xor3A_978 : vector<16xi32> to vector<16x1xi32>
      %gather3A_980 = vector.shape_cast %broadcast_in_dim3A_979 : vector<16x1xi32> to vector<16xi32>
      %gather3A_981 = tpu.dynamic_gather %min3A_975[%gather3A_980] in [0] : vector<16xf32>, vector<16xi32> -> vector<16xf32>
      %min3A_982 = arith.minimumf %min3A_975, %gather3A_981 : vector<16xf32>
      %eq3A_983 = arith.constant 3 : i32
      %eq3A_984 = vector.broadcast %eq3A_983 : i32 to vector<16xi32>
      %eq3A_985 = arith.cmpi eq, %iota3A, %eq3A_984 : vector<16xi32>
      %select_n3A_986 = arith.select %eq3A_985, %max3A_885, %select_n3A_844 : vector<16xi1>, vector<16xf32>
      %select_n3A_987 = arith.select %eq3A_985, %min3A_916, %select_n3A_845 : vector<16xi1>, vector<16xf32>
      %select_n3A_988 = arith.select %eq3A_985, %min3A_949, %select_n3A_846 : vector<16xi1>, vector<16xf32>
      %add3A_989 = arith.constant 4.800000e+01 : f32
      %add3A_990 = vector.broadcast %add3A_989 : f32 to vector<16xf32>
      %add3A_991 = arith.addf %add3A_990, %min3A_982 : vector<16xf32>
      %select_n3A_992 = arith.select %eq3A_985, %add3A_991, %select_n3A_850 : vector<16xi1>, vector<16xf32>
      %get3A_993 = arith.constant 64 : index
      %get3A_994 = tpu.vector_load %arg19[%get3A_993] {strides = array<i32>} : memref<272xf32, #tpu.memory_space<vmem>>, vector<16xf32>,
      %get3A_995 = arith.constant 64 : index
      %get3A_996 = tpu.vector_load %arg20[%get3A_995] {strides = array<i32>} : memref<272xf32, #tpu.memory_space<vmem>>, vector<16xf32>,
      %get3A_997 = arith.constant 64 : index
      %get3A_998 = tpu.vector_load %arg18[%get3A_997] {strides = array<i32>} : memref<272xf32, #tpu.memory_space<vmem>>, vector<16xf32>,
      %convert_element_type3A_999 = arith.sitofp %iota3A : vector<16xi32> to vector<16xf32>
      %xor3A_1000 = arith.constant 1 : i32
      %xor3A_1001 = vector.broadcast %xor3A_1000 : i32 to vector<16xi32>
      %xor3A_1002 = arith.xori %iota3A, %xor3A_1001 : vector<16xi32>
      %broadcast_in_dim3A_1003 = vector.shape_cast %xor3A_1002 : vector<16xi32> to vector<16x1xi32>
      %gather3A_1004 = vector.shape_cast %broadcast_in_dim3A_1003 : vector<16x1xi32> to vector<16xi32>
      %gather3A_1005 = tpu.dynamic_gather %get3A_994[%gather3A_1004] in [0] : vector<16xf32>, vector<16xi32> -> vector<16xf32>
      %max3A_1006 = arith.maximumf %get3A_994, %gather3A_1005 : vector<16xf32>
      %xor3A_1007 = arith.constant 2 : i32
      %xor3A_1008 = vector.broadcast %xor3A_1007 : i32 to vector<16xi32>
      %xor3A_1009 = arith.xori %iota3A, %xor3A_1008 : vector<16xi32>
      %broadcast_in_dim3A_1010 = vector.shape_cast %xor3A_1009 : vector<16xi32> to vector<16x1xi32>
      %gather3A_1011 = vector.shape_cast %broadcast_in_dim3A_1010 : vector<16x1xi32> to vector<16xi32>
      %gather3A_1012 = tpu.dynamic_gather %max3A_1006[%gather3A_1011] in [0] : vector<16xf32>, vector<16xi32> -> vector<16xf32>
      %max3A_1013 = arith.maximumf %max3A_1006, %gather3A_1012 : vector<16xf32>
      %xor3A_1014 = arith.constant 4 : i32
      %xor3A_1015 = vector.broadcast %xor3A_1014 : i32 to vector<16xi32>
      %xor3A_1016 = arith.xori %iota3A, %xor3A_1015 : vector<16xi32>
      %broadcast_in_dim3A_1017 = vector.shape_cast %xor3A_1016 : vector<16xi32> to vector<16x1xi32>
      %gather3A_1018 = vector.shape_cast %broadcast_in_dim3A_1017 : vector<16x1xi32> to vector<16xi32>
      %gather3A_1019 = tpu.dynamic_gather %max3A_1013[%gather3A_1018] in [0] : vector<16xf32>, vector<16xi32> -> vector<16xf32>
      %max3A_1020 = arith.maximumf %max3A_1013, %gather3A_1019 : vector<16xf32>
      %xor3A_1021 = arith.constant 8 : i32
      %xor3A_1022 = vector.broadcast %xor3A_1021 : i32 to vector<16xi32>
      %xor3A_1023 = arith.xori %iota3A, %xor3A_1022 : vector<16xi32>
      %broadcast_in_dim3A_1024 = vector.shape_cast %xor3A_1023 : vector<16xi32> to vector<16x1xi32>
      %gather3A_1025 = vector.shape_cast %broadcast_in_dim3A_1024 : vector<16x1xi32> to vector<16xi32>
      %gather3A_1026 = tpu.dynamic_gather %max3A_1020[%gather3A_1025] in [0] : vector<16xf32>, vector<16xi32> -> vector<16xf32>
      %max3A_1027 = arith.maximumf %max3A_1020, %gather3A_1026 : vector<16xf32>
      %eq3A_1028 = arith.cmpf oeq, %get3A_994, %max3A_1027 : vector<16xf32>
      %broadcast_in_dim3A_1029 = vector.broadcast %scan3A_31 : f32 to vector<16xf32>
      %select_n3A_1030 = arith.select %eq3A_1028, %get3A_996, %broadcast_in_dim3A_1029 : vector<16xi1>, vector<16xf32>
      %xor3A_1031 = arith.constant 1 : i32
      %xor3A_1032 = vector.broadcast %xor3A_1031 : i32 to vector<16xi32>
      %xor3A_1033 = arith.xori %iota3A, %xor3A_1032 : vector<16xi32>
      %broadcast_in_dim3A_1034 = vector.shape_cast %xor3A_1033 : vector<16xi32> to vector<16x1xi32>
      %gather3A_1035 = vector.shape_cast %broadcast_in_dim3A_1034 : vector<16x1xi32> to vector<16xi32>
      %gather3A_1036 = tpu.dynamic_gather %select_n3A_1030[%gather3A_1035] in [0] : vector<16xf32>, vector<16xi32> -> vector<16xf32>
      %min3A_1037 = arith.minimumf %select_n3A_1030, %gather3A_1036 : vector<16xf32>
      %xor3A_1038 = arith.constant 2 : i32
      %xor3A_1039 = vector.broadcast %xor3A_1038 : i32 to vector<16xi32>
      %xor3A_1040 = arith.xori %iota3A, %xor3A_1039 : vector<16xi32>
      %broadcast_in_dim3A_1041 = vector.shape_cast %xor3A_1040 : vector<16xi32> to vector<16x1xi32>
      %gather3A_1042 = vector.shape_cast %broadcast_in_dim3A_1041 : vector<16x1xi32> to vector<16xi32>
      %gather3A_1043 = tpu.dynamic_gather %min3A_1037[%gather3A_1042] in [0] : vector<16xf32>, vector<16xi32> -> vector<16xf32>
      %min3A_1044 = arith.minimumf %min3A_1037, %gather3A_1043 : vector<16xf32>
      %xor3A_1045 = arith.constant 4 : i32
      %xor3A_1046 = vector.broadcast %xor3A_1045 : i32 to vector<16xi32>
      %xor3A_1047 = arith.xori %iota3A, %xor3A_1046 : vector<16xi32>
      %broadcast_in_dim3A_1048 = vector.shape_cast %xor3A_1047 : vector<16xi32> to vector<16x1xi32>
      %gather3A_1049 = vector.shape_cast %broadcast_in_dim3A_1048 : vector<16x1xi32> to vector<16xi32>
      %gather3A_1050 = tpu.dynamic_gather %min3A_1044[%gather3A_1049] in [0] : vector<16xf32>, vector<16xi32> -> vector<16xf32>
      %min3A_1051 = arith.minimumf %min3A_1044, %gather3A_1050 : vector<16xf32>
      %xor3A_1052 = arith.constant 8 : i32
      %xor3A_1053 = vector.broadcast %xor3A_1052 : i32 to vector<16xi32>
      %xor3A_1054 = arith.xori %iota3A, %xor3A_1053 : vector<16xi32>
      %broadcast_in_dim3A_1055 = vector.shape_cast %xor3A_1054 : vector<16xi32> to vector<16x1xi32>
      %gather3A_1056 = vector.shape_cast %broadcast_in_dim3A_1055 : vector<16x1xi32> to vector<16xi32>
      %gather3A_1057 = tpu.dynamic_gather %min3A_1051[%gather3A_1056] in [0] : vector<16xf32>, vector<16xi32> -> vector<16xf32>
      %min3A_1058 = arith.minimumf %min3A_1051, %gather3A_1057 : vector<16xf32>
      %eq3A_1059 = arith.cmpf oeq, %get3A_996, %min3A_1058 : vector<16xf32>
      %and3A_1060 = arith.andi %eq3A_1028, %eq3A_1059 : vector<16xi1>
      %jit3A_1061 = arith.constant 0x4B800000 : f32
      %broadcast_in_dim3A_1062 = vector.broadcast %jit3A_1061 : f32 to vector<16xf32>
      %select_n3A_1063 = arith.select %and3A_1060, %get3A_998, %broadcast_in_dim3A_1062 : vector<16xi1>, vector<16xf32>
      %xor3A_1064 = arith.constant 1 : i32
      %xor3A_1065 = vector.broadcast %xor3A_1064 : i32 to vector<16xi32>
      %xor3A_1066 = arith.xori %iota3A, %xor3A_1065 : vector<16xi32>
      %broadcast_in_dim3A_1067 = vector.shape_cast %xor3A_1066 : vector<16xi32> to vector<16x1xi32>
      %gather3A_1068 = vector.shape_cast %broadcast_in_dim3A_1067 : vector<16x1xi32> to vector<16xi32>
      %gather3A_1069 = tpu.dynamic_gather %select_n3A_1063[%gather3A_1068] in [0] : vector<16xf32>, vector<16xi32> -> vector<16xf32>
      %min3A_1070 = arith.minimumf %select_n3A_1063, %gather3A_1069 : vector<16xf32>
      %xor3A_1071 = arith.constant 2 : i32
      %xor3A_1072 = vector.broadcast %xor3A_1071 : i32 to vector<16xi32>
      %xor3A_1073 = arith.xori %iota3A, %xor3A_1072 : vector<16xi32>
      %broadcast_in_dim3A_1074 = vector.shape_cast %xor3A_1073 : vector<16xi32> to vector<16x1xi32>
      %gather3A_1075 = vector.shape_cast %broadcast_in_dim3A_1074 : vector<16x1xi32> to vector<16xi32>
      %gather3A_1076 = tpu.dynamic_gather %min3A_1070[%gather3A_1075] in [0] : vector<16xf32>, vector<16xi32> -> vector<16xf32>
      %min3A_1077 = arith.minimumf %min3A_1070, %gather3A_1076 : vector<16xf32>
      %xor3A_1078 = arith.constant 4 : i32
      %xor3A_1079 = vector.broadcast %xor3A_1078 : i32 to vector<16xi32>
      %xor3A_1080 = arith.xori %iota3A, %xor3A_1079 : vector<16xi32>
      %broadcast_in_dim3A_1081 = vector.shape_cast %xor3A_1080 : vector<16xi32> to vector<16x1xi32>
      %gather3A_1082 = vector.shape_cast %broadcast_in_dim3A_1081 : vector<16x1xi32> to vector<16xi32>
      %gather3A_1083 = tpu.dynamic_gather %min3A_1077[%gather3A_1082] in [0] : vector<16xf32>, vector<16xi32> -> vector<16xf32>
      %min3A_1084 = arith.minimumf %min3A_1077, %gather3A_1083 : vector<16xf32>
      %xor3A_1085 = arith.constant 8 : i32
      %xor3A_1086 = vector.broadcast %xor3A_1085 : i32 to vector<16xi32>
      %xor3A_1087 = arith.xori %iota3A, %xor3A_1086 : vector<16xi32>
      %broadcast_in_dim3A_1088 = vector.shape_cast %xor3A_1087 : vector<16xi32> to vector<16x1xi32>
      %gather3A_1089 = vector.shape_cast %broadcast_in_dim3A_1088 : vector<16x1xi32> to vector<16xi32>
      %gather3A_1090 = tpu.dynamic_gather %min3A_1084[%gather3A_1089] in [0] : vector<16xf32>, vector<16xi32> -> vector<16xf32>
      %min3A_1091 = arith.minimumf %min3A_1084, %gather3A_1090 : vector<16xf32>
      %eq3A_1092 = arith.cmpf oeq, %get3A_998, %min3A_1091 : vector<16xf32>
      %and3A_1093 = arith.andi %and3A_1060, %eq3A_1092 : vector<16xi1>
      %jit3A_1094 = arith.constant 0x4B800000 : f32
      %broadcast_in_dim3A_1095 = vector.broadcast %jit3A_1094 : f32 to vector<16xf32>
      %select_n3A_1096 = arith.select %and3A_1093, %convert_element_type3A_999, %broadcast_in_dim3A_1095 : vector<16xi1>, vector<16xf32>
      %xor3A_1097 = arith.constant 1 : i32
      %xor3A_1098 = vector.broadcast %xor3A_1097 : i32 to vector<16xi32>
      %xor3A_1099 = arith.xori %iota3A, %xor3A_1098 : vector<16xi32>
      %broadcast_in_dim3A_1100 = vector.shape_cast %xor3A_1099 : vector<16xi32> to vector<16x1xi32>
      %gather3A_1101 = vector.shape_cast %broadcast_in_dim3A_1100 : vector<16x1xi32> to vector<16xi32>
      %gather3A_1102 = tpu.dynamic_gather %select_n3A_1096[%gather3A_1101] in [0] : vector<16xf32>, vector<16xi32> -> vector<16xf32>
      %min3A_1103 = arith.minimumf %select_n3A_1096, %gather3A_1102 : vector<16xf32>
      %xor3A_1104 = arith.constant 2 : i32
      %xor3A_1105 = vector.broadcast %xor3A_1104 : i32 to vector<16xi32>
      %xor3A_1106 = arith.xori %iota3A, %xor3A_1105 : vector<16xi32>
      %broadcast_in_dim3A_1107 = vector.shape_cast %xor3A_1106 : vector<16xi32> to vector<16x1xi32>
      %gather3A_1108 = vector.shape_cast %broadcast_in_dim3A_1107 : vector<16x1xi32> to vector<16xi32>
      %gather3A_1109 = tpu.dynamic_gather %min3A_1103[%gather3A_1108] in [0] : vector<16xf32>, vector<16xi32> -> vector<16xf32>
      %min3A_1110 = arith.minimumf %min3A_1103, %gather3A_1109 : vector<16xf32>
      %xor3A_1111 = arith.constant 4 : i32
      %xor3A_1112 = vector.broadcast %xor3A_1111 : i32 to vector<16xi32>
      %xor3A_1113 = arith.xori %iota3A, %xor3A_1112 : vector<16xi32>
      %broadcast_in_dim3A_1114 = vector.shape_cast %xor3A_1113 : vector<16xi32> to vector<16x1xi32>
      %gather3A_1115 = vector.shape_cast %broadcast_in_dim3A_1114 : vector<16x1xi32> to vector<16xi32>
      %gather3A_1116 = tpu.dynamic_gather %min3A_1110[%gather3A_1115] in [0] : vector<16xf32>, vector<16xi32> -> vector<16xf32>
      %min3A_1117 = arith.minimumf %min3A_1110, %gather3A_1116 : vector<16xf32>
      %xor3A_1118 = arith.constant 8 : i32
      %xor3A_1119 = vector.broadcast %xor3A_1118 : i32 to vector<16xi32>
      %xor3A_1120 = arith.xori %iota3A, %xor3A_1119 : vector<16xi32>
      %broadcast_in_dim3A_1121 = vector.shape_cast %xor3A_1120 : vector<16xi32> to vector<16x1xi32>
      %gather3A_1122 = vector.shape_cast %broadcast_in_dim3A_1121 : vector<16x1xi32> to vector<16xi32>
      %gather3A_1123 = tpu.dynamic_gather %min3A_1117[%gather3A_1122] in [0] : vector<16xf32>, vector<16xi32> -> vector<16xf32>
      %min3A_1124 = arith.minimumf %min3A_1117, %gather3A_1123 : vector<16xf32>
      %eq3A_1125 = arith.constant 4 : i32
      %eq3A_1126 = vector.broadcast %eq3A_1125 : i32 to vector<16xi32>
      %eq3A_1127 = arith.cmpi eq, %iota3A, %eq3A_1126 : vector<16xi32>
      %select_n3A_1128 = arith.select %eq3A_1127, %max3A_1027, %select_n3A_986 : vector<16xi1>, vector<16xf32>
      %select_n3A_1129 = arith.select %eq3A_1127, %min3A_1058, %select_n3A_987 : vector<16xi1>, vector<16xf32>
      %select_n3A_1130 = arith.select %eq3A_1127, %min3A_1091, %select_n3A_988 : vector<16xi1>, vector<16xf32>
      %add3A_1131 = arith.constant 6.400000e+01 : f32
      %add3A_1132 = vector.broadcast %add3A_1131 : f32 to vector<16xf32>
      %add3A_1133 = arith.addf %add3A_1132, %min3A_1124 : vector<16xf32>
      %select_n3A_1134 = arith.select %eq3A_1127, %add3A_1133, %select_n3A_992 : vector<16xi1>, vector<16xf32>
      %get3A_1135 = arith.constant 80 : index
      %get3A_1136 = tpu.vector_load %arg19[%get3A_1135] {strides = array<i32>} : memref<272xf32, #tpu.memory_space<vmem>>, vector<16xf32>,
      %get3A_1137 = arith.constant 80 : index
      %get3A_1138 = tpu.vector_load %arg20[%get3A_1137] {strides = array<i32>} : memref<272xf32, #tpu.memory_space<vmem>>, vector<16xf32>,
      %get3A_1139 = arith.constant 80 : index
      %get3A_1140 = tpu.vector_load %arg18[%get3A_1139] {strides = array<i32>} : memref<272xf32, #tpu.memory_space<vmem>>, vector<16xf32>,
      %convert_element_type3A_1141 = arith.sitofp %iota3A : vector<16xi32> to vector<16xf32>
      %xor3A_1142 = arith.constant 1 : i32
      %xor3A_1143 = vector.broadcast %xor3A_1142 : i32 to vector<16xi32>
      %xor3A_1144 = arith.xori %iota3A, %xor3A_1143 : vector<16xi32>
      %broadcast_in_dim3A_1145 = vector.shape_cast %xor3A_1144 : vector<16xi32> to vector<16x1xi32>
      %gather3A_1146 = vector.shape_cast %broadcast_in_dim3A_1145 : vector<16x1xi32> to vector<16xi32>
      %gather3A_1147 = tpu.dynamic_gather %get3A_1136[%gather3A_1146] in [0] : vector<16xf32>, vector<16xi32> -> vector<16xf32>
      %max3A_1148 = arith.maximumf %get3A_1136, %gather3A_1147 : vector<16xf32>
      %xor3A_1149 = arith.constant 2 : i32
      %xor3A_1150 = vector.broadcast %xor3A_1149 : i32 to vector<16xi32>
      %xor3A_1151 = arith.xori %iota3A, %xor3A_1150 : vector<16xi32>
      %broadcast_in_dim3A_1152 = vector.shape_cast %xor3A_1151 : vector<16xi32> to vector<16x1xi32>
      %gather3A_1153 = vector.shape_cast %broadcast_in_dim3A_1152 : vector<16x1xi32> to vector<16xi32>
      %gather3A_1154 = tpu.dynamic_gather %max3A_1148[%gather3A_1153] in [0] : vector<16xf32>, vector<16xi32> -> vector<16xf32>
      %max3A_1155 = arith.maximumf %max3A_1148, %gather3A_1154 : vector<16xf32>
      %xor3A_1156 = arith.constant 4 : i32
      %xor3A_1157 = vector.broadcast %xor3A_1156 : i32 to vector<16xi32>
      %xor3A_1158 = arith.xori %iota3A, %xor3A_1157 : vector<16xi32>
      %broadcast_in_dim3A_1159 = vector.shape_cast %xor3A_1158 : vector<16xi32> to vector<16x1xi32>
      %gather3A_1160 = vector.shape_cast %broadcast_in_dim3A_1159 : vector<16x1xi32> to vector<16xi32>
      %gather3A_1161 = tpu.dynamic_gather %max3A_1155[%gather3A_1160] in [0] : vector<16xf32>, vector<16xi32> -> vector<16xf32>
      %max3A_1162 = arith.maximumf %max3A_1155, %gather3A_1161 : vector<16xf32>
      %xor3A_1163 = arith.constant 8 : i32
      %xor3A_1164 = vector.broadcast %xor3A_1163 : i32 to vector<16xi32>
      %xor3A_1165 = arith.xori %iota3A, %xor3A_1164 : vector<16xi32>
      %broadcast_in_dim3A_1166 = vector.shape_cast %xor3A_1165 : vector<16xi32> to vector<16x1xi32>
      %gather3A_1167 = vector.shape_cast %broadcast_in_dim3A_1166 : vector<16x1xi32> to vector<16xi32>
      %gather3A_1168 = tpu.dynamic_gather %max3A_1162[%gather3A_1167] in [0] : vector<16xf32>, vector<16xi32> -> vector<16xf32>
      %max3A_1169 = arith.maximumf %max3A_1162, %gather3A_1168 : vector<16xf32>
      %eq3A_1170 = arith.cmpf oeq, %get3A_1136, %max3A_1169 : vector<16xf32>
      %broadcast_in_dim3A_1171 = vector.broadcast %scan3A_31 : f32 to vector<16xf32>
      %select_n3A_1172 = arith.select %eq3A_1170, %get3A_1138, %broadcast_in_dim3A_1171 : vector<16xi1>, vector<16xf32>
      %xor3A_1173 = arith.constant 1 : i32
      %xor3A_1174 = vector.broadcast %xor3A_1173 : i32 to vector<16xi32>
      %xor3A_1175 = arith.xori %iota3A, %xor3A_1174 : vector<16xi32>
      %broadcast_in_dim3A_1176 = vector.shape_cast %xor3A_1175 : vector<16xi32> to vector<16x1xi32>
      %gather3A_1177 = vector.shape_cast %broadcast_in_dim3A_1176 : vector<16x1xi32> to vector<16xi32>
      %gather3A_1178 = tpu.dynamic_gather %select_n3A_1172[%gather3A_1177] in [0] : vector<16xf32>, vector<16xi32> -> vector<16xf32>
      %min3A_1179 = arith.minimumf %select_n3A_1172, %gather3A_1178 : vector<16xf32>
      %xor3A_1180 = arith.constant 2 : i32
      %xor3A_1181 = vector.broadcast %xor3A_1180 : i32 to vector<16xi32>
      %xor3A_1182 = arith.xori %iota3A, %xor3A_1181 : vector<16xi32>
      %broadcast_in_dim3A_1183 = vector.shape_cast %xor3A_1182 : vector<16xi32> to vector<16x1xi32>
      %gather3A_1184 = vector.shape_cast %broadcast_in_dim3A_1183 : vector<16x1xi32> to vector<16xi32>
      %gather3A_1185 = tpu.dynamic_gather %min3A_1179[%gather3A_1184] in [0] : vector<16xf32>, vector<16xi32> -> vector<16xf32>
      %min3A_1186 = arith.minimumf %min3A_1179, %gather3A_1185 : vector<16xf32>
      %xor3A_1187 = arith.constant 4 : i32
      %xor3A_1188 = vector.broadcast %xor3A_1187 : i32 to vector<16xi32>
      %xor3A_1189 = arith.xori %iota3A, %xor3A_1188 : vector<16xi32>
      %broadcast_in_dim3A_1190 = vector.shape_cast %xor3A_1189 : vector<16xi32> to vector<16x1xi32>
      %gather3A_1191 = vector.shape_cast %broadcast_in_dim3A_1190 : vector<16x1xi32> to vector<16xi32>
      %gather3A_1192 = tpu.dynamic_gather %min3A_1186[%gather3A_1191] in [0] : vector<16xf32>, vector<16xi32> -> vector<16xf32>
      %min3A_1193 = arith.minimumf %min3A_1186, %gather3A_1192 : vector<16xf32>
      %xor3A_1194 = arith.constant 8 : i32
      %xor3A_1195 = vector.broadcast %xor3A_1194 : i32 to vector<16xi32>
      %xor3A_1196 = arith.xori %iota3A, %xor3A_1195 : vector<16xi32>
      %broadcast_in_dim3A_1197 = vector.shape_cast %xor3A_1196 : vector<16xi32> to vector<16x1xi32>
      %gather3A_1198 = vector.shape_cast %broadcast_in_dim3A_1197 : vector<16x1xi32> to vector<16xi32>
      %gather3A_1199 = tpu.dynamic_gather %min3A_1193[%gather3A_1198] in [0] : vector<16xf32>, vector<16xi32> -> vector<16xf32>
      %min3A_1200 = arith.minimumf %min3A_1193, %gather3A_1199 : vector<16xf32>
      %eq3A_1201 = arith.cmpf oeq, %get3A_1138, %min3A_1200 : vector<16xf32>
      %and3A_1202 = arith.andi %eq3A_1170, %eq3A_1201 : vector<16xi1>
      %jit3A_1203 = arith.constant 0x4B800000 : f32
      %broadcast_in_dim3A_1204 = vector.broadcast %jit3A_1203 : f32 to vector<16xf32>
      %select_n3A_1205 = arith.select %and3A_1202, %get3A_1140, %broadcast_in_dim3A_1204 : vector<16xi1>, vector<16xf32>
      %xor3A_1206 = arith.constant 1 : i32
      %xor3A_1207 = vector.broadcast %xor3A_1206 : i32 to vector<16xi32>
      %xor3A_1208 = arith.xori %iota3A, %xor3A_1207 : vector<16xi32>
      %broadcast_in_dim3A_1209 = vector.shape_cast %xor3A_1208 : vector<16xi32> to vector<16x1xi32>
      %gather3A_1210 = vector.shape_cast %broadcast_in_dim3A_1209 : vector<16x1xi32> to vector<16xi32>
      %gather3A_1211 = tpu.dynamic_gather %select_n3A_1205[%gather3A_1210] in [0] : vector<16xf32>, vector<16xi32> -> vector<16xf32>
      %min3A_1212 = arith.minimumf %select_n3A_1205, %gather3A_1211 : vector<16xf32>
      %xor3A_1213 = arith.constant 2 : i32
      %xor3A_1214 = vector.broadcast %xor3A_1213 : i32 to vector<16xi32>
      %xor3A_1215 = arith.xori %iota3A, %xor3A_1214 : vector<16xi32>
      %broadcast_in_dim3A_1216 = vector.shape_cast %xor3A_1215 : vector<16xi32> to vector<16x1xi32>
      %gather3A_1217 = vector.shape_cast %broadcast_in_dim3A_1216 : vector<16x1xi32> to vector<16xi32>
      %gather3A_1218 = tpu.dynamic_gather %min3A_1212[%gather3A_1217] in [0] : vector<16xf32>, vector<16xi32> -> vector<16xf32>
      %min3A_1219 = arith.minimumf %min3A_1212, %gather3A_1218 : vector<16xf32>
      %xor3A_1220 = arith.constant 4 : i32
      %xor3A_1221 = vector.broadcast %xor3A_1220 : i32 to vector<16xi32>
      %xor3A_1222 = arith.xori %iota3A, %xor3A_1221 : vector<16xi32>
      %broadcast_in_dim3A_1223 = vector.shape_cast %xor3A_1222 : vector<16xi32> to vector<16x1xi32>
      %gather3A_1224 = vector.shape_cast %broadcast_in_dim3A_1223 : vector<16x1xi32> to vector<16xi32>
      %gather3A_1225 = tpu.dynamic_gather %min3A_1219[%gather3A_1224] in [0] : vector<16xf32>, vector<16xi32> -> vector<16xf32>
      %min3A_1226 = arith.minimumf %min3A_1219, %gather3A_1225 : vector<16xf32>
      %xor3A_1227 = arith.constant 8 : i32
      %xor3A_1228 = vector.broadcast %xor3A_1227 : i32 to vector<16xi32>
      %xor3A_1229 = arith.xori %iota3A, %xor3A_1228 : vector<16xi32>
      %broadcast_in_dim3A_1230 = vector.shape_cast %xor3A_1229 : vector<16xi32> to vector<16x1xi32>
      %gather3A_1231 = vector.shape_cast %broadcast_in_dim3A_1230 : vector<16x1xi32> to vector<16xi32>
      %gather3A_1232 = tpu.dynamic_gather %min3A_1226[%gather3A_1231] in [0] : vector<16xf32>, vector<16xi32> -> vector<16xf32>
      %min3A_1233 = arith.minimumf %min3A_1226, %gather3A_1232 : vector<16xf32>
      %eq3A_1234 = arith.cmpf oeq, %get3A_1140, %min3A_1233 : vector<16xf32>
      %and3A_1235 = arith.andi %and3A_1202, %eq3A_1234 : vector<16xi1>
      %jit3A_1236 = arith.constant 0x4B800000 : f32
      %broadcast_in_dim3A_1237 = vector.broadcast %jit3A_1236 : f32 to vector<16xf32>
      %select_n3A_1238 = arith.select %and3A_1235, %convert_element_type3A_1141, %broadcast_in_dim3A_1237 : vector<16xi1>, vector<16xf32>
      %xor3A_1239 = arith.constant 1 : i32
      %xor3A_1240 = vector.broadcast %xor3A_1239 : i32 to vector<16xi32>
      %xor3A_1241 = arith.xori %iota3A, %xor3A_1240 : vector<16xi32>
      %broadcast_in_dim3A_1242 = vector.shape_cast %xor3A_1241 : vector<16xi32> to vector<16x1xi32>
      %gather3A_1243 = vector.shape_cast %broadcast_in_dim3A_1242 : vector<16x1xi32> to vector<16xi32>
      %gather3A_1244 = tpu.dynamic_gather %select_n3A_1238[%gather3A_1243] in [0] : vector<16xf32>, vector<16xi32> -> vector<16xf32>
      %min3A_1245 = arith.minimumf %select_n3A_1238, %gather3A_1244 : vector<16xf32>
      %xor3A_1246 = arith.constant 2 : i32
      %xor3A_1247 = vector.broadcast %xor3A_1246 : i32 to vector<16xi32>
      %xor3A_1248 = arith.xori %iota3A, %xor3A_1247 : vector<16xi32>
      %broadcast_in_dim3A_1249 = vector.shape_cast %xor3A_1248 : vector<16xi32> to vector<16x1xi32>
      %gather3A_1250 = vector.shape_cast %broadcast_in_dim3A_1249 : vector<16x1xi32> to vector<16xi32>
      %gather3A_1251 = tpu.dynamic_gather %min3A_1245[%gather3A_1250] in [0] : vector<16xf32>, vector<16xi32> -> vector<16xf32>
      %min3A_1252 = arith.minimumf %min3A_1245, %gather3A_1251 : vector<16xf32>
      %xor3A_1253 = arith.constant 4 : i32
      %xor3A_1254 = vector.broadcast %xor3A_1253 : i32 to vector<16xi32>
      %xor3A_1255 = arith.xori %iota3A, %xor3A_1254 : vector<16xi32>
      %broadcast_in_dim3A_1256 = vector.shape_cast %xor3A_1255 : vector<16xi32> to vector<16x1xi32>
      %gather3A_1257 = vector.shape_cast %broadcast_in_dim3A_1256 : vector<16x1xi32> to vector<16xi32>
      %gather3A_1258 = tpu.dynamic_gather %min3A_1252[%gather3A_1257] in [0] : vector<16xf32>, vector<16xi32> -> vector<16xf32>
      %min3A_1259 = arith.minimumf %min3A_1252, %gather3A_1258 : vector<16xf32>
      %xor3A_1260 = arith.constant 8 : i32
      %xor3A_1261 = vector.broadcast %xor3A_1260 : i32 to vector<16xi32>
      %xor3A_1262 = arith.xori %iota3A, %xor3A_1261 : vector<16xi32>
      %broadcast_in_dim3A_1263 = vector.shape_cast %xor3A_1262 : vector<16xi32> to vector<16x1xi32>
      %gather3A_1264 = vector.shape_cast %broadcast_in_dim3A_1263 : vector<16x1xi32> to vector<16xi32>
      %gather3A_1265 = tpu.dynamic_gather %min3A_1259[%gather3A_1264] in [0] : vector<16xf32>, vector<16xi32> -> vector<16xf32>
      %min3A_1266 = arith.minimumf %min3A_1259, %gather3A_1265 : vector<16xf32>
      %eq3A_1267 = arith.constant 5 : i32
      %eq3A_1268 = vector.broadcast %eq3A_1267 : i32 to vector<16xi32>
      %eq3A_1269 = arith.cmpi eq, %iota3A, %eq3A_1268 : vector<16xi32>
      %select_n3A_1270 = arith.select %eq3A_1269, %max3A_1169, %select_n3A_1128 : vector<16xi1>, vector<16xf32>
      %select_n3A_1271 = arith.select %eq3A_1269, %min3A_1200, %select_n3A_1129 : vector<16xi1>, vector<16xf32>
      %select_n3A_1272 = arith.select %eq3A_1269, %min3A_1233, %select_n3A_1130 : vector<16xi1>, vector<16xf32>
      %add3A_1273 = arith.constant 8.000000e+01 : f32
      %add3A_1274 = vector.broadcast %add3A_1273 : f32 to vector<16xf32>
      %add3A_1275 = arith.addf %add3A_1274, %min3A_1266 : vector<16xf32>
      %select_n3A_1276 = arith.select %eq3A_1269, %add3A_1275, %select_n3A_1134 : vector<16xi1>, vector<16xf32>
      %get3A_1277 = arith.constant 96 : index
      %get3A_1278 = tpu.vector_load %arg19[%get3A_1277] {strides = array<i32>} : memref<272xf32, #tpu.memory_space<vmem>>, vector<16xf32>,
      %get3A_1279 = arith.constant 96 : index
      %get3A_1280 = tpu.vector_load %arg20[%get3A_1279] {strides = array<i32>} : memref<272xf32, #tpu.memory_space<vmem>>, vector<16xf32>,
      %get3A_1281 = arith.constant 96 : index
      %get3A_1282 = tpu.vector_load %arg18[%get3A_1281] {strides = array<i32>} : memref<272xf32, #tpu.memory_space<vmem>>, vector<16xf32>,
      %convert_element_type3A_1283 = arith.sitofp %iota3A : vector<16xi32> to vector<16xf32>
      %xor3A_1284 = arith.constant 1 : i32
      %xor3A_1285 = vector.broadcast %xor3A_1284 : i32 to vector<16xi32>
      %xor3A_1286 = arith.xori %iota3A, %xor3A_1285 : vector<16xi32>
      %broadcast_in_dim3A_1287 = vector.shape_cast %xor3A_1286 : vector<16xi32> to vector<16x1xi32>
      %gather3A_1288 = vector.shape_cast %broadcast_in_dim3A_1287 : vector<16x1xi32> to vector<16xi32>
      %gather3A_1289 = tpu.dynamic_gather %get3A_1278[%gather3A_1288] in [0] : vector<16xf32>, vector<16xi32> -> vector<16xf32>
      %max3A_1290 = arith.maximumf %get3A_1278, %gather3A_1289 : vector<16xf32>
      %xor3A_1291 = arith.constant 2 : i32
      %xor3A_1292 = vector.broadcast %xor3A_1291 : i32 to vector<16xi32>
      %xor3A_1293 = arith.xori %iota3A, %xor3A_1292 : vector<16xi32>
      %broadcast_in_dim3A_1294 = vector.shape_cast %xor3A_1293 : vector<16xi32> to vector<16x1xi32>
      %gather3A_1295 = vector.shape_cast %broadcast_in_dim3A_1294 : vector<16x1xi32> to vector<16xi32>
      %gather3A_1296 = tpu.dynamic_gather %max3A_1290[%gather3A_1295] in [0] : vector<16xf32>, vector<16xi32> -> vector<16xf32>
      %max3A_1297 = arith.maximumf %max3A_1290, %gather3A_1296 : vector<16xf32>
      %xor3A_1298 = arith.constant 4 : i32
      %xor3A_1299 = vector.broadcast %xor3A_1298 : i32 to vector<16xi32>
      %xor3A_1300 = arith.xori %iota3A, %xor3A_1299 : vector<16xi32>
      %broadcast_in_dim3A_1301 = vector.shape_cast %xor3A_1300 : vector<16xi32> to vector<16x1xi32>
      %gather3A_1302 = vector.shape_cast %broadcast_in_dim3A_1301 : vector<16x1xi32> to vector<16xi32>
      %gather3A_1303 = tpu.dynamic_gather %max3A_1297[%gather3A_1302] in [0] : vector<16xf32>, vector<16xi32> -> vector<16xf32>
      %max3A_1304 = arith.maximumf %max3A_1297, %gather3A_1303 : vector<16xf32>
      %xor3A_1305 = arith.constant 8 : i32
      %xor3A_1306 = vector.broadcast %xor3A_1305 : i32 to vector<16xi32>
      %xor3A_1307 = arith.xori %iota3A, %xor3A_1306 : vector<16xi32>
      %broadcast_in_dim3A_1308 = vector.shape_cast %xor3A_1307 : vector<16xi32> to vector<16x1xi32>
      %gather3A_1309 = vector.shape_cast %broadcast_in_dim3A_1308 : vector<16x1xi32> to vector<16xi32>
      %gather3A_1310 = tpu.dynamic_gather %max3A_1304[%gather3A_1309] in [0] : vector<16xf32>, vector<16xi32> -> vector<16xf32>
      %max3A_1311 = arith.maximumf %max3A_1304, %gather3A_1310 : vector<16xf32>
      %eq3A_1312 = arith.cmpf oeq, %get3A_1278, %max3A_1311 : vector<16xf32>
      %broadcast_in_dim3A_1313 = vector.broadcast %scan3A_31 : f32 to vector<16xf32>
      %select_n3A_1314 = arith.select %eq3A_1312, %get3A_1280, %broadcast_in_dim3A_1313 : vector<16xi1>, vector<16xf32>
      %xor3A_1315 = arith.constant 1 : i32
      %xor3A_1316 = vector.broadcast %xor3A_1315 : i32 to vector<16xi32>
      %xor3A_1317 = arith.xori %iota3A, %xor3A_1316 : vector<16xi32>
      %broadcast_in_dim3A_1318 = vector.shape_cast %xor3A_1317 : vector<16xi32> to vector<16x1xi32>
      %gather3A_1319 = vector.shape_cast %broadcast_in_dim3A_1318 : vector<16x1xi32> to vector<16xi32>
      %gather3A_1320 = tpu.dynamic_gather %select_n3A_1314[%gather3A_1319] in [0] : vector<16xf32>, vector<16xi32> -> vector<16xf32>
      %min3A_1321 = arith.minimumf %select_n3A_1314, %gather3A_1320 : vector<16xf32>
      %xor3A_1322 = arith.constant 2 : i32
      %xor3A_1323 = vector.broadcast %xor3A_1322 : i32 to vector<16xi32>
      %xor3A_1324 = arith.xori %iota3A, %xor3A_1323 : vector<16xi32>
      %broadcast_in_dim3A_1325 = vector.shape_cast %xor3A_1324 : vector<16xi32> to vector<16x1xi32>
      %gather3A_1326 = vector.shape_cast %broadcast_in_dim3A_1325 : vector<16x1xi32> to vector<16xi32>
      %gather3A_1327 = tpu.dynamic_gather %min3A_1321[%gather3A_1326] in [0] : vector<16xf32>, vector<16xi32> -> vector<16xf32>
      %min3A_1328 = arith.minimumf %min3A_1321, %gather3A_1327 : vector<16xf32>
      %xor3A_1329 = arith.constant 4 : i32
      %xor3A_1330 = vector.broadcast %xor3A_1329 : i32 to vector<16xi32>
      %xor3A_1331 = arith.xori %iota3A, %xor3A_1330 : vector<16xi32>
      %broadcast_in_dim3A_1332 = vector.shape_cast %xor3A_1331 : vector<16xi32> to vector<16x1xi32>
      %gather3A_1333 = vector.shape_cast %broadcast_in_dim3A_1332 : vector<16x1xi32> to vector<16xi32>
      %gather3A_1334 = tpu.dynamic_gather %min3A_1328[%gather3A_1333] in [0] : vector<16xf32>, vector<16xi32> -> vector<16xf32>
      %min3A_1335 = arith.minimumf %min3A_1328, %gather3A_1334 : vector<16xf32>
      %xor3A_1336 = arith.constant 8 : i32
      %xor3A_1337 = vector.broadcast %xor3A_1336 : i32 to vector<16xi32>
      %xor3A_1338 = arith.xori %iota3A, %xor3A_1337 : vector<16xi32>
      %broadcast_in_dim3A_1339 = vector.shape_cast %xor3A_1338 : vector<16xi32> to vector<16x1xi32>
      %gather3A_1340 = vector.shape_cast %broadcast_in_dim3A_1339 : vector<16x1xi32> to vector<16xi32>
      %gather3A_1341 = tpu.dynamic_gather %min3A_1335[%gather3A_1340] in [0] : vector<16xf32>, vector<16xi32> -> vector<16xf32>
      %min3A_1342 = arith.minimumf %min3A_1335, %gather3A_1341 : vector<16xf32>
      %eq3A_1343 = arith.cmpf oeq, %get3A_1280, %min3A_1342 : vector<16xf32>
      %and3A_1344 = arith.andi %eq3A_1312, %eq3A_1343 : vector<16xi1>
      %jit3A_1345 = arith.constant 0x4B800000 : f32
      %broadcast_in_dim3A_1346 = vector.broadcast %jit3A_1345 : f32 to vector<16xf32>
      %select_n3A_1347 = arith.select %and3A_1344, %get3A_1282, %broadcast_in_dim3A_1346 : vector<16xi1>, vector<16xf32>
      %xor3A_1348 = arith.constant 1 : i32
      %xor3A_1349 = vector.broadcast %xor3A_1348 : i32 to vector<16xi32>
      %xor3A_1350 = arith.xori %iota3A, %xor3A_1349 : vector<16xi32>
      %broadcast_in_dim3A_1351 = vector.shape_cast %xor3A_1350 : vector<16xi32> to vector<16x1xi32>
      %gather3A_1352 = vector.shape_cast %broadcast_in_dim3A_1351 : vector<16x1xi32> to vector<16xi32>
      %gather3A_1353 = tpu.dynamic_gather %select_n3A_1347[%gather3A_1352] in [0] : vector<16xf32>, vector<16xi32> -> vector<16xf32>
      %min3A_1354 = arith.minimumf %select_n3A_1347, %gather3A_1353 : vector<16xf32>
      %xor3A_1355 = arith.constant 2 : i32
      %xor3A_1356 = vector.broadcast %xor3A_1355 : i32 to vector<16xi32>
      %xor3A_1357 = arith.xori %iota3A, %xor3A_1356 : vector<16xi32>
      %broadcast_in_dim3A_1358 = vector.shape_cast %xor3A_1357 : vector<16xi32> to vector<16x1xi32>
      %gather3A_1359 = vector.shape_cast %broadcast_in_dim3A_1358 : vector<16x1xi32> to vector<16xi32>
      %gather3A_1360 = tpu.dynamic_gather %min3A_1354[%gather3A_1359] in [0] : vector<16xf32>, vector<16xi32> -> vector<16xf32>
      %min3A_1361 = arith.minimumf %min3A_1354, %gather3A_1360 : vector<16xf32>
      %xor3A_1362 = arith.constant 4 : i32
      %xor3A_1363 = vector.broadcast %xor3A_1362 : i32 to vector<16xi32>
      %xor3A_1364 = arith.xori %iota3A, %xor3A_1363 : vector<16xi32>
      %broadcast_in_dim3A_1365 = vector.shape_cast %xor3A_1364 : vector<16xi32> to vector<16x1xi32>
      %gather3A_1366 = vector.shape_cast %broadcast_in_dim3A_1365 : vector<16x1xi32> to vector<16xi32>
      %gather3A_1367 = tpu.dynamic_gather %min3A_1361[%gather3A_1366] in [0] : vector<16xf32>, vector<16xi32> -> vector<16xf32>
      %min3A_1368 = arith.minimumf %min3A_1361, %gather3A_1367 : vector<16xf32>
      %xor3A_1369 = arith.constant 8 : i32
      %xor3A_1370 = vector.broadcast %xor3A_1369 : i32 to vector<16xi32>
      %xor3A_1371 = arith.xori %iota3A, %xor3A_1370 : vector<16xi32>
      %broadcast_in_dim3A_1372 = vector.shape_cast %xor3A_1371 : vector<16xi32> to vector<16x1xi32>
      %gather3A_1373 = vector.shape_cast %broadcast_in_dim3A_1372 : vector<16x1xi32> to vector<16xi32>
      %gather3A_1374 = tpu.dynamic_gather %min3A_1368[%gather3A_1373] in [0] : vector<16xf32>, vector<16xi32> -> vector<16xf32>
      %min3A_1375 = arith.minimumf %min3A_1368, %gather3A_1374 : vector<16xf32>
      %eq3A_1376 = arith.cmpf oeq, %get3A_1282, %min3A_1375 : vector<16xf32>
      %and3A_1377 = arith.andi %and3A_1344, %eq3A_1376 : vector<16xi1>
      %jit3A_1378 = arith.constant 0x4B800000 : f32
      %broadcast_in_dim3A_1379 = vector.broadcast %jit3A_1378 : f32 to vector<16xf32>
      %select_n3A_1380 = arith.select %and3A_1377, %convert_element_type3A_1283, %broadcast_in_dim3A_1379 : vector<16xi1>, vector<16xf32>
      %xor3A_1381 = arith.constant 1 : i32
      %xor3A_1382 = vector.broadcast %xor3A_1381 : i32 to vector<16xi32>
      %xor3A_1383 = arith.xori %iota3A, %xor3A_1382 : vector<16xi32>
      %broadcast_in_dim3A_1384 = vector.shape_cast %xor3A_1383 : vector<16xi32> to vector<16x1xi32>
      %gather3A_1385 = vector.shape_cast %broadcast_in_dim3A_1384 : vector<16x1xi32> to vector<16xi32>
      %gather3A_1386 = tpu.dynamic_gather %select_n3A_1380[%gather3A_1385] in [0] : vector<16xf32>, vector<16xi32> -> vector<16xf32>
      %min3A_1387 = arith.minimumf %select_n3A_1380, %gather3A_1386 : vector<16xf32>
      %xor3A_1388 = arith.constant 2 : i32
      %xor3A_1389 = vector.broadcast %xor3A_1388 : i32 to vector<16xi32>
      %xor3A_1390 = arith.xori %iota3A, %xor3A_1389 : vector<16xi32>
      %broadcast_in_dim3A_1391 = vector.shape_cast %xor3A_1390 : vector<16xi32> to vector<16x1xi32>
      %gather3A_1392 = vector.shape_cast %broadcast_in_dim3A_1391 : vector<16x1xi32> to vector<16xi32>
      %gather3A_1393 = tpu.dynamic_gather %min3A_1387[%gather3A_1392] in [0] : vector<16xf32>, vector<16xi32> -> vector<16xf32>
      %min3A_1394 = arith.minimumf %min3A_1387, %gather3A_1393 : vector<16xf32>
      %xor3A_1395 = arith.constant 4 : i32
      %xor3A_1396 = vector.broadcast %xor3A_1395 : i32 to vector<16xi32>
      %xor3A_1397 = arith.xori %iota3A, %xor3A_1396 : vector<16xi32>
      %broadcast_in_dim3A_1398 = vector.shape_cast %xor3A_1397 : vector<16xi32> to vector<16x1xi32>
      %gather3A_1399 = vector.shape_cast %broadcast_in_dim3A_1398 : vector<16x1xi32> to vector<16xi32>
      %gather3A_1400 = tpu.dynamic_gather %min3A_1394[%gather3A_1399] in [0] : vector<16xf32>, vector<16xi32> -> vector<16xf32>
      %min3A_1401 = arith.minimumf %min3A_1394, %gather3A_1400 : vector<16xf32>
      %xor3A_1402 = arith.constant 8 : i32
      %xor3A_1403 = vector.broadcast %xor3A_1402 : i32 to vector<16xi32>
      %xor3A_1404 = arith.xori %iota3A, %xor3A_1403 : vector<16xi32>
      %broadcast_in_dim3A_1405 = vector.shape_cast %xor3A_1404 : vector<16xi32> to vector<16x1xi32>
      %gather3A_1406 = vector.shape_cast %broadcast_in_dim3A_1405 : vector<16x1xi32> to vector<16xi32>
      %gather3A_1407 = tpu.dynamic_gather %min3A_1401[%gather3A_1406] in [0] : vector<16xf32>, vector<16xi32> -> vector<16xf32>
      %min3A_1408 = arith.minimumf %min3A_1401, %gather3A_1407 : vector<16xf32>
      %eq3A_1409 = arith.constant 6 : i32
      %eq3A_1410 = vector.broadcast %eq3A_1409 : i32 to vector<16xi32>
      %eq3A_1411 = arith.cmpi eq, %iota3A, %eq3A_1410 : vector<16xi32>
      %select_n3A_1412 = arith.select %eq3A_1411, %max3A_1311, %select_n3A_1270 : vector<16xi1>, vector<16xf32>
      %select_n3A_1413 = arith.select %eq3A_1411, %min3A_1342, %select_n3A_1271 : vector<16xi1>, vector<16xf32>
      %select_n3A_1414 = arith.select %eq3A_1411, %min3A_1375, %select_n3A_1272 : vector<16xi1>, vector<16xf32>
      %add3A_1415 = arith.constant 9.600000e+01 : f32
      %add3A_1416 = vector.broadcast %add3A_1415 : f32 to vector<16xf32>
      %add3A_1417 = arith.addf %add3A_1416, %min3A_1408 : vector<16xf32>
      %select_n3A_1418 = arith.select %eq3A_1411, %add3A_1417, %select_n3A_1276 : vector<16xi1>, vector<16xf32>
      %get3A_1419 = arith.constant 112 : index
      %get3A_1420 = tpu.vector_load %arg19[%get3A_1419] {strides = array<i32>} : memref<272xf32, #tpu.memory_space<vmem>>, vector<16xf32>,
      %get3A_1421 = arith.constant 112 : index
      %get3A_1422 = tpu.vector_load %arg20[%get3A_1421] {strides = array<i32>} : memref<272xf32, #tpu.memory_space<vmem>>, vector<16xf32>,
      %get3A_1423 = arith.constant 112 : index
      %get3A_1424 = tpu.vector_load %arg18[%get3A_1423] {strides = array<i32>} : memref<272xf32, #tpu.memory_space<vmem>>, vector<16xf32>,
      %convert_element_type3A_1425 = arith.sitofp %iota3A : vector<16xi32> to vector<16xf32>
      %xor3A_1426 = arith.constant 1 : i32
      %xor3A_1427 = vector.broadcast %xor3A_1426 : i32 to vector<16xi32>
      %xor3A_1428 = arith.xori %iota3A, %xor3A_1427 : vector<16xi32>
      %broadcast_in_dim3A_1429 = vector.shape_cast %xor3A_1428 : vector<16xi32> to vector<16x1xi32>
      %gather3A_1430 = vector.shape_cast %broadcast_in_dim3A_1429 : vector<16x1xi32> to vector<16xi32>
      %gather3A_1431 = tpu.dynamic_gather %get3A_1420[%gather3A_1430] in [0] : vector<16xf32>, vector<16xi32> -> vector<16xf32>
      %max3A_1432 = arith.maximumf %get3A_1420, %gather3A_1431 : vector<16xf32>
      %xor3A_1433 = arith.constant 2 : i32
      %xor3A_1434 = vector.broadcast %xor3A_1433 : i32 to vector<16xi32>
      %xor3A_1435 = arith.xori %iota3A, %xor3A_1434 : vector<16xi32>
      %broadcast_in_dim3A_1436 = vector.shape_cast %xor3A_1435 : vector<16xi32> to vector<16x1xi32>
      %gather3A_1437 = vector.shape_cast %broadcast_in_dim3A_1436 : vector<16x1xi32> to vector<16xi32>
      %gather3A_1438 = tpu.dynamic_gather %max3A_1432[%gather3A_1437] in [0] : vector<16xf32>, vector<16xi32> -> vector<16xf32>
      %max3A_1439 = arith.maximumf %max3A_1432, %gather3A_1438 : vector<16xf32>
      %xor3A_1440 = arith.constant 4 : i32
      %xor3A_1441 = vector.broadcast %xor3A_1440 : i32 to vector<16xi32>
      %xor3A_1442 = arith.xori %iota3A, %xor3A_1441 : vector<16xi32>
      %broadcast_in_dim3A_1443 = vector.shape_cast %xor3A_1442 : vector<16xi32> to vector<16x1xi32>
      %gather3A_1444 = vector.shape_cast %broadcast_in_dim3A_1443 : vector<16x1xi32> to vector<16xi32>
      %gather3A_1445 = tpu.dynamic_gather %max3A_1439[%gather3A_1444] in [0] : vector<16xf32>, vector<16xi32> -> vector<16xf32>
      %max3A_1446 = arith.maximumf %max3A_1439, %gather3A_1445 : vector<16xf32>
      %xor3A_1447 = arith.constant 8 : i32
      %xor3A_1448 = vector.broadcast %xor3A_1447 : i32 to vector<16xi32>
      %xor3A_1449 = arith.xori %iota3A, %xor3A_1448 : vector<16xi32>
      %broadcast_in_dim3A_1450 = vector.shape_cast %xor3A_1449 : vector<16xi32> to vector<16x1xi32>
      %gather3A_1451 = vector.shape_cast %broadcast_in_dim3A_1450 : vector<16x1xi32> to vector<16xi32>
      %gather3A_1452 = tpu.dynamic_gather %max3A_1446[%gather3A_1451] in [0] : vector<16xf32>, vector<16xi32> -> vector<16xf32>
      %max3A_1453 = arith.maximumf %max3A_1446, %gather3A_1452 : vector<16xf32>
      %eq3A_1454 = arith.cmpf oeq, %get3A_1420, %max3A_1453 : vector<16xf32>
      %broadcast_in_dim3A_1455 = vector.broadcast %scan3A_31 : f32 to vector<16xf32>
      %select_n3A_1456 = arith.select %eq3A_1454, %get3A_1422, %broadcast_in_dim3A_1455 : vector<16xi1>, vector<16xf32>
      %xor3A_1457 = arith.constant 1 : i32
      %xor3A_1458 = vector.broadcast %xor3A_1457 : i32 to vector<16xi32>
      %xor3A_1459 = arith.xori %iota3A, %xor3A_1458 : vector<16xi32>
      %broadcast_in_dim3A_1460 = vector.shape_cast %xor3A_1459 : vector<16xi32> to vector<16x1xi32>
      %gather3A_1461 = vector.shape_cast %broadcast_in_dim3A_1460 : vector<16x1xi32> to vector<16xi32>
      %gather3A_1462 = tpu.dynamic_gather %select_n3A_1456[%gather3A_1461] in [0] : vector<16xf32>, vector<16xi32> -> vector<16xf32>
      %min3A_1463 = arith.minimumf %select_n3A_1456, %gather3A_1462 : vector<16xf32>
      %xor3A_1464 = arith.constant 2 : i32
      %xor3A_1465 = vector.broadcast %xor3A_1464 : i32 to vector<16xi32>
      %xor3A_1466 = arith.xori %iota3A, %xor3A_1465 : vector<16xi32>
      %broadcast_in_dim3A_1467 = vector.shape_cast %xor3A_1466 : vector<16xi32> to vector<16x1xi32>
      %gather3A_1468 = vector.shape_cast %broadcast_in_dim3A_1467 : vector<16x1xi32> to vector<16xi32>
      %gather3A_1469 = tpu.dynamic_gather %min3A_1463[%gather3A_1468] in [0] : vector<16xf32>, vector<16xi32> -> vector<16xf32>
      %min3A_1470 = arith.minimumf %min3A_1463, %gather3A_1469 : vector<16xf32>
      %xor3A_1471 = arith.constant 4 : i32
      %xor3A_1472 = vector.broadcast %xor3A_1471 : i32 to vector<16xi32>
      %xor3A_1473 = arith.xori %iota3A, %xor3A_1472 : vector<16xi32>
      %broadcast_in_dim3A_1474 = vector.shape_cast %xor3A_1473 : vector<16xi32> to vector<16x1xi32>
      %gather3A_1475 = vector.shape_cast %broadcast_in_dim3A_1474 : vector<16x1xi32> to vector<16xi32>
      %gather3A_1476 = tpu.dynamic_gather %min3A_1470[%gather3A_1475] in [0] : vector<16xf32>, vector<16xi32> -> vector<16xf32>
      %min3A_1477 = arith.minimumf %min3A_1470, %gather3A_1476 : vector<16xf32>
      %xor3A_1478 = arith.constant 8 : i32
      %xor3A_1479 = vector.broadcast %xor3A_1478 : i32 to vector<16xi32>
      %xor3A_1480 = arith.xori %iota3A, %xor3A_1479 : vector<16xi32>
      %broadcast_in_dim3A_1481 = vector.shape_cast %xor3A_1480 : vector<16xi32> to vector<16x1xi32>
      %gather3A_1482 = vector.shape_cast %broadcast_in_dim3A_1481 : vector<16x1xi32> to vector<16xi32>
      %gather3A_1483 = tpu.dynamic_gather %min3A_1477[%gather3A_1482] in [0] : vector<16xf32>, vector<16xi32> -> vector<16xf32>
      %min3A_1484 = arith.minimumf %min3A_1477, %gather3A_1483 : vector<16xf32>
      %eq3A_1485 = arith.cmpf oeq, %get3A_1422, %min3A_1484 : vector<16xf32>
      %and3A_1486 = arith.andi %eq3A_1454, %eq3A_1485 : vector<16xi1>
      %jit3A_1487 = arith.constant 0x4B800000 : f32
      %broadcast_in_dim3A_1488 = vector.broadcast %jit3A_1487 : f32 to vector<16xf32>
      %select_n3A_1489 = arith.select %and3A_1486, %get3A_1424, %broadcast_in_dim3A_1488 : vector<16xi1>, vector<16xf32>
      %xor3A_1490 = arith.constant 1 : i32
      %xor3A_1491 = vector.broadcast %xor3A_1490 : i32 to vector<16xi32>
      %xor3A_1492 = arith.xori %iota3A, %xor3A_1491 : vector<16xi32>
      %broadcast_in_dim3A_1493 = vector.shape_cast %xor3A_1492 : vector<16xi32> to vector<16x1xi32>
      %gather3A_1494 = vector.shape_cast %broadcast_in_dim3A_1493 : vector<16x1xi32> to vector<16xi32>
      %gather3A_1495 = tpu.dynamic_gather %select_n3A_1489[%gather3A_1494] in [0] : vector<16xf32>, vector<16xi32> -> vector<16xf32>
      %min3A_1496 = arith.minimumf %select_n3A_1489, %gather3A_1495 : vector<16xf32>
      %xor3A_1497 = arith.constant 2 : i32
      %xor3A_1498 = vector.broadcast %xor3A_1497 : i32 to vector<16xi32>
      %xor3A_1499 = arith.xori %iota3A, %xor3A_1498 : vector<16xi32>
      %broadcast_in_dim3A_1500 = vector.shape_cast %xor3A_1499 : vector<16xi32> to vector<16x1xi32>
      %gather3A_1501 = vector.shape_cast %broadcast_in_dim3A_1500 : vector<16x1xi32> to vector<16xi32>
      %gather3A_1502 = tpu.dynamic_gather %min3A_1496[%gather3A_1501] in [0] : vector<16xf32>, vector<16xi32> -> vector<16xf32>
      %min3A_1503 = arith.minimumf %min3A_1496, %gather3A_1502 : vector<16xf32>
      %xor3A_1504 = arith.constant 4 : i32
      %xor3A_1505 = vector.broadcast %xor3A_1504 : i32 to vector<16xi32>
      %xor3A_1506 = arith.xori %iota3A, %xor3A_1505 : vector<16xi32>
      %broadcast_in_dim3A_1507 = vector.shape_cast %xor3A_1506 : vector<16xi32> to vector<16x1xi32>
      %gather3A_1508 = vector.shape_cast %broadcast_in_dim3A_1507 : vector<16x1xi32> to vector<16xi32>
      %gather3A_1509 = tpu.dynamic_gather %min3A_1503[%gather3A_1508] in [0] : vector<16xf32>, vector<16xi32> -> vector<16xf32>
      %min3A_1510 = arith.minimumf %min3A_1503, %gather3A_1509 : vector<16xf32>
      %xor3A_1511 = arith.constant 8 : i32
      %xor3A_1512 = vector.broadcast %xor3A_1511 : i32 to vector<16xi32>
      %xor3A_1513 = arith.xori %iota3A, %xor3A_1512 : vector<16xi32>
      %broadcast_in_dim3A_1514 = vector.shape_cast %xor3A_1513 : vector<16xi32> to vector<16x1xi32>
      %gather3A_1515 = vector.shape_cast %broadcast_in_dim3A_1514 : vector<16x1xi32> to vector<16xi32>
      %gather3A_1516 = tpu.dynamic_gather %min3A_1510[%gather3A_1515] in [0] : vector<16xf32>, vector<16xi32> -> vector<16xf32>
      %min3A_1517 = arith.minimumf %min3A_1510, %gather3A_1516 : vector<16xf32>
      %eq3A_1518 = arith.cmpf oeq, %get3A_1424, %min3A_1517 : vector<16xf32>
      %and3A_1519 = arith.andi %and3A_1486, %eq3A_1518 : vector<16xi1>
      %jit3A_1520 = arith.constant 0x4B800000 : f32
      %broadcast_in_dim3A_1521 = vector.broadcast %jit3A_1520 : f32 to vector<16xf32>
      %select_n3A_1522 = arith.select %and3A_1519, %convert_element_type3A_1425, %broadcast_in_dim3A_1521 : vector<16xi1>, vector<16xf32>
      %xor3A_1523 = arith.constant 1 : i32
      %xor3A_1524 = vector.broadcast %xor3A_1523 : i32 to vector<16xi32>
      %xor3A_1525 = arith.xori %iota3A, %xor3A_1524 : vector<16xi32>
      %broadcast_in_dim3A_1526 = vector.shape_cast %xor3A_1525 : vector<16xi32> to vector<16x1xi32>
      %gather3A_1527 = vector.shape_cast %broadcast_in_dim3A_1526 : vector<16x1xi32> to vector<16xi32>
      %gather3A_1528 = tpu.dynamic_gather %select_n3A_1522[%gather3A_1527] in [0] : vector<16xf32>, vector<16xi32> -> vector<16xf32>
      %min3A_1529 = arith.minimumf %select_n3A_1522, %gather3A_1528 : vector<16xf32>
      %xor3A_1530 = arith.constant 2 : i32
      %xor3A_1531 = vector.broadcast %xor3A_1530 : i32 to vector<16xi32>
      %xor3A_1532 = arith.xori %iota3A, %xor3A_1531 : vector<16xi32>
      %broadcast_in_dim3A_1533 = vector.shape_cast %xor3A_1532 : vector<16xi32> to vector<16x1xi32>
      %gather3A_1534 = vector.shape_cast %broadcast_in_dim3A_1533 : vector<16x1xi32> to vector<16xi32>
      %gather3A_1535 = tpu.dynamic_gather %min3A_1529[%gather3A_1534] in [0] : vector<16xf32>, vector<16xi32> -> vector<16xf32>
      %min3A_1536 = arith.minimumf %min3A_1529, %gather3A_1535 : vector<16xf32>
      %xor3A_1537 = arith.constant 4 : i32
      %xor3A_1538 = vector.broadcast %xor3A_1537 : i32 to vector<16xi32>
      %xor3A_1539 = arith.xori %iota3A, %xor3A_1538 : vector<16xi32>
      %broadcast_in_dim3A_1540 = vector.shape_cast %xor3A_1539 : vector<16xi32> to vector<16x1xi32>
      %gather3A_1541 = vector.shape_cast %broadcast_in_dim3A_1540 : vector<16x1xi32> to vector<16xi32>
      %gather3A_1542 = tpu.dynamic_gather %min3A_1536[%gather3A_1541] in [0] : vector<16xf32>, vector<16xi32> -> vector<16xf32>
      %min3A_1543 = arith.minimumf %min3A_1536, %gather3A_1542 : vector<16xf32>
      %xor3A_1544 = arith.constant 8 : i32
      %xor3A_1545 = vector.broadcast %xor3A_1544 : i32 to vector<16xi32>
      %xor3A_1546 = arith.xori %iota3A, %xor3A_1545 : vector<16xi32>
      %broadcast_in_dim3A_1547 = vector.shape_cast %xor3A_1546 : vector<16xi32> to vector<16x1xi32>
      %gather3A_1548 = vector.shape_cast %broadcast_in_dim3A_1547 : vector<16x1xi32> to vector<16xi32>
      %gather3A_1549 = tpu.dynamic_gather %min3A_1543[%gather3A_1548] in [0] : vector<16xf32>, vector<16xi32> -> vector<16xf32>
      %min3A_1550 = arith.minimumf %min3A_1543, %gather3A_1549 : vector<16xf32>
      %eq3A_1551 = arith.constant 7 : i32
      %eq3A_1552 = vector.broadcast %eq3A_1551 : i32 to vector<16xi32>
      %eq3A_1553 = arith.cmpi eq, %iota3A, %eq3A_1552 : vector<16xi32>
      %select_n3A_1554 = arith.select %eq3A_1553, %max3A_1453, %select_n3A_1412 : vector<16xi1>, vector<16xf32>
      %select_n3A_1555 = arith.select %eq3A_1553, %min3A_1484, %select_n3A_1413 : vector<16xi1>, vector<16xf32>
      %select_n3A_1556 = arith.select %eq3A_1553, %min3A_1517, %select_n3A_1414 : vector<16xi1>, vector<16xf32>
      %add3A_1557 = arith.constant 1.120000e+02 : f32
      %add3A_1558 = vector.broadcast %add3A_1557 : f32 to vector<16xf32>
      %add3A_1559 = arith.addf %add3A_1558, %min3A_1550 : vector<16xf32>
      %select_n3A_1560 = arith.select %eq3A_1553, %add3A_1559, %select_n3A_1418 : vector<16xi1>, vector<16xf32>
      %get3A_1561 = arith.constant 128 : index
      %get3A_1562 = tpu.vector_load %arg19[%get3A_1561] {strides = array<i32>} : memref<272xf32, #tpu.memory_space<vmem>>, vector<16xf32>,
      %get3A_1563 = arith.constant 128 : index
      %get3A_1564 = tpu.vector_load %arg20[%get3A_1563] {strides = array<i32>} : memref<272xf32, #tpu.memory_space<vmem>>, vector<16xf32>,
      %get3A_1565 = arith.constant 128 : index
      %get3A_1566 = tpu.vector_load %arg18[%get3A_1565] {strides = array<i32>} : memref<272xf32, #tpu.memory_space<vmem>>, vector<16xf32>,
      %convert_element_type3A_1567 = arith.sitofp %iota3A : vector<16xi32> to vector<16xf32>
      %xor3A_1568 = arith.constant 1 : i32
      %xor3A_1569 = vector.broadcast %xor3A_1568 : i32 to vector<16xi32>
      %xor3A_1570 = arith.xori %iota3A, %xor3A_1569 : vector<16xi32>
      %broadcast_in_dim3A_1571 = vector.shape_cast %xor3A_1570 : vector<16xi32> to vector<16x1xi32>
      %gather3A_1572 = vector.shape_cast %broadcast_in_dim3A_1571 : vector<16x1xi32> to vector<16xi32>
      %gather3A_1573 = tpu.dynamic_gather %get3A_1562[%gather3A_1572] in [0] : vector<16xf32>, vector<16xi32> -> vector<16xf32>
      %max3A_1574 = arith.maximumf %get3A_1562, %gather3A_1573 : vector<16xf32>
      %xor3A_1575 = arith.constant 2 : i32
      %xor3A_1576 = vector.broadcast %xor3A_1575 : i32 to vector<16xi32>
      %xor3A_1577 = arith.xori %iota3A, %xor3A_1576 : vector<16xi32>
      %broadcast_in_dim3A_1578 = vector.shape_cast %xor3A_1577 : vector<16xi32> to vector<16x1xi32>
      %gather3A_1579 = vector.shape_cast %broadcast_in_dim3A_1578 : vector<16x1xi32> to vector<16xi32>
      %gather3A_1580 = tpu.dynamic_gather %max3A_1574[%gather3A_1579] in [0] : vector<16xf32>, vector<16xi32> -> vector<16xf32>
      %max3A_1581 = arith.maximumf %max3A_1574, %gather3A_1580 : vector<16xf32>
      %xor3A_1582 = arith.constant 4 : i32
      %xor3A_1583 = vector.broadcast %xor3A_1582 : i32 to vector<16xi32>
      %xor3A_1584 = arith.xori %iota3A, %xor3A_1583 : vector<16xi32>
      %broadcast_in_dim3A_1585 = vector.shape_cast %xor3A_1584 : vector<16xi32> to vector<16x1xi32>
      %gather3A_1586 = vector.shape_cast %broadcast_in_dim3A_1585 : vector<16x1xi32> to vector<16xi32>
      %gather3A_1587 = tpu.dynamic_gather %max3A_1581[%gather3A_1586] in [0] : vector<16xf32>, vector<16xi32> -> vector<16xf32>
      %max3A_1588 = arith.maximumf %max3A_1581, %gather3A_1587 : vector<16xf32>
      %xor3A_1589 = arith.constant 8 : i32
      %xor3A_1590 = vector.broadcast %xor3A_1589 : i32 to vector<16xi32>
      %xor3A_1591 = arith.xori %iota3A, %xor3A_1590 : vector<16xi32>
      %broadcast_in_dim3A_1592 = vector.shape_cast %xor3A_1591 : vector<16xi32> to vector<16x1xi32>
      %gather3A_1593 = vector.shape_cast %broadcast_in_dim3A_1592 : vector<16x1xi32> to vector<16xi32>
      %gather3A_1594 = tpu.dynamic_gather %max3A_1588[%gather3A_1593] in [0] : vector<16xf32>, vector<16xi32> -> vector<16xf32>
      %max3A_1595 = arith.maximumf %max3A_1588, %gather3A_1594 : vector<16xf32>
      %eq3A_1596 = arith.cmpf oeq, %get3A_1562, %max3A_1595 : vector<16xf32>
      %broadcast_in_dim3A_1597 = vector.broadcast %scan3A_31 : f32 to vector<16xf32>
      %select_n3A_1598 = arith.select %eq3A_1596, %get3A_1564, %broadcast_in_dim3A_1597 : vector<16xi1>, vector<16xf32>
      %xor3A_1599 = arith.constant 1 : i32
      %xor3A_1600 = vector.broadcast %xor3A_1599 : i32 to vector<16xi32>
      %xor3A_1601 = arith.xori %iota3A, %xor3A_1600 : vector<16xi32>
      %broadcast_in_dim3A_1602 = vector.shape_cast %xor3A_1601 : vector<16xi32> to vector<16x1xi32>
      %gather3A_1603 = vector.shape_cast %broadcast_in_dim3A_1602 : vector<16x1xi32> to vector<16xi32>
      %gather3A_1604 = tpu.dynamic_gather %select_n3A_1598[%gather3A_1603] in [0] : vector<16xf32>, vector<16xi32> -> vector<16xf32>
      %min3A_1605 = arith.minimumf %select_n3A_1598, %gather3A_1604 : vector<16xf32>
      %xor3A_1606 = arith.constant 2 : i32
      %xor3A_1607 = vector.broadcast %xor3A_1606 : i32 to vector<16xi32>
      %xor3A_1608 = arith.xori %iota3A, %xor3A_1607 : vector<16xi32>
      %broadcast_in_dim3A_1609 = vector.shape_cast %xor3A_1608 : vector<16xi32> to vector<16x1xi32>
      %gather3A_1610 = vector.shape_cast %broadcast_in_dim3A_1609 : vector<16x1xi32> to vector<16xi32>
      %gather3A_1611 = tpu.dynamic_gather %min3A_1605[%gather3A_1610] in [0] : vector<16xf32>, vector<16xi32> -> vector<16xf32>
      %min3A_1612 = arith.minimumf %min3A_1605, %gather3A_1611 : vector<16xf32>
      %xor3A_1613 = arith.constant 4 : i32
      %xor3A_1614 = vector.broadcast %xor3A_1613 : i32 to vector<16xi32>
      %xor3A_1615 = arith.xori %iota3A, %xor3A_1614 : vector<16xi32>
      %broadcast_in_dim3A_1616 = vector.shape_cast %xor3A_1615 : vector<16xi32> to vector<16x1xi32>
      %gather3A_1617 = vector.shape_cast %broadcast_in_dim3A_1616 : vector<16x1xi32> to vector<16xi32>
      %gather3A_1618 = tpu.dynamic_gather %min3A_1612[%gather3A_1617] in [0] : vector<16xf32>, vector<16xi32> -> vector<16xf32>
      %min3A_1619 = arith.minimumf %min3A_1612, %gather3A_1618 : vector<16xf32>
      %xor3A_1620 = arith.constant 8 : i32
      %xor3A_1621 = vector.broadcast %xor3A_1620 : i32 to vector<16xi32>
      %xor3A_1622 = arith.xori %iota3A, %xor3A_1621 : vector<16xi32>
      %broadcast_in_dim3A_1623 = vector.shape_cast %xor3A_1622 : vector<16xi32> to vector<16x1xi32>
      %gather3A_1624 = vector.shape_cast %broadcast_in_dim3A_1623 : vector<16x1xi32> to vector<16xi32>
      %gather3A_1625 = tpu.dynamic_gather %min3A_1619[%gather3A_1624] in [0] : vector<16xf32>, vector<16xi32> -> vector<16xf32>
      %min3A_1626 = arith.minimumf %min3A_1619, %gather3A_1625 : vector<16xf32>
      %eq3A_1627 = arith.cmpf oeq, %get3A_1564, %min3A_1626 : vector<16xf32>
      %and3A_1628 = arith.andi %eq3A_1596, %eq3A_1627 : vector<16xi1>
      %jit3A_1629 = arith.constant 0x4B800000 : f32
      %broadcast_in_dim3A_1630 = vector.broadcast %jit3A_1629 : f32 to vector<16xf32>
      %select_n3A_1631 = arith.select %and3A_1628, %get3A_1566, %broadcast_in_dim3A_1630 : vector<16xi1>, vector<16xf32>
      %xor3A_1632 = arith.constant 1 : i32
      %xor3A_1633 = vector.broadcast %xor3A_1632 : i32 to vector<16xi32>
      %xor3A_1634 = arith.xori %iota3A, %xor3A_1633 : vector<16xi32>
      %broadcast_in_dim3A_1635 = vector.shape_cast %xor3A_1634 : vector<16xi32> to vector<16x1xi32>
      %gather3A_1636 = vector.shape_cast %broadcast_in_dim3A_1635 : vector<16x1xi32> to vector<16xi32>
      %gather3A_1637 = tpu.dynamic_gather %select_n3A_1631[%gather3A_1636] in [0] : vector<16xf32>, vector<16xi32> -> vector<16xf32>
      %min3A_1638 = arith.minimumf %select_n3A_1631, %gather3A_1637 : vector<16xf32>
      %xor3A_1639 = arith.constant 2 : i32
      %xor3A_1640 = vector.broadcast %xor3A_1639 : i32 to vector<16xi32>
      %xor3A_1641 = arith.xori %iota3A, %xor3A_1640 : vector<16xi32>
      %broadcast_in_dim3A_1642 = vector.shape_cast %xor3A_1641 : vector<16xi32> to vector<16x1xi32>
      %gather3A_1643 = vector.shape_cast %broadcast_in_dim3A_1642 : vector<16x1xi32> to vector<16xi32>
      %gather3A_1644 = tpu.dynamic_gather %min3A_1638[%gather3A_1643] in [0] : vector<16xf32>, vector<16xi32> -> vector<16xf32>
      %min3A_1645 = arith.minimumf %min3A_1638, %gather3A_1644 : vector<16xf32>
      %xor3A_1646 = arith.constant 4 : i32
      %xor3A_1647 = vector.broadcast %xor3A_1646 : i32 to vector<16xi32>
      %xor3A_1648 = arith.xori %iota3A, %xor3A_1647 : vector<16xi32>
      %broadcast_in_dim3A_1649 = vector.shape_cast %xor3A_1648 : vector<16xi32> to vector<16x1xi32>
      %gather3A_1650 = vector.shape_cast %broadcast_in_dim3A_1649 : vector<16x1xi32> to vector<16xi32>
      %gather3A_1651 = tpu.dynamic_gather %min3A_1645[%gather3A_1650] in [0] : vector<16xf32>, vector<16xi32> -> vector<16xf32>
      %min3A_1652 = arith.minimumf %min3A_1645, %gather3A_1651 : vector<16xf32>
      %xor3A_1653 = arith.constant 8 : i32
      %xor3A_1654 = vector.broadcast %xor3A_1653 : i32 to vector<16xi32>
      %xor3A_1655 = arith.xori %iota3A, %xor3A_1654 : vector<16xi32>
      %broadcast_in_dim3A_1656 = vector.shape_cast %xor3A_1655 : vector<16xi32> to vector<16x1xi32>
      %gather3A_1657 = vector.shape_cast %broadcast_in_dim3A_1656 : vector<16x1xi32> to vector<16xi32>
      %gather3A_1658 = tpu.dynamic_gather %min3A_1652[%gather3A_1657] in [0] : vector<16xf32>, vector<16xi32> -> vector<16xf32>
      %min3A_1659 = arith.minimumf %min3A_1652, %gather3A_1658 : vector<16xf32>
      %eq3A_1660 = arith.cmpf oeq, %get3A_1566, %min3A_1659 : vector<16xf32>
      %and3A_1661 = arith.andi %and3A_1628, %eq3A_1660 : vector<16xi1>
      %jit3A_1662 = arith.constant 0x4B800000 : f32
      %broadcast_in_dim3A_1663 = vector.broadcast %jit3A_1662 : f32 to vector<16xf32>
      %select_n3A_1664 = arith.select %and3A_1661, %convert_element_type3A_1567, %broadcast_in_dim3A_1663 : vector<16xi1>, vector<16xf32>
      %xor3A_1665 = arith.constant 1 : i32
      %xor3A_1666 = vector.broadcast %xor3A_1665 : i32 to vector<16xi32>
      %xor3A_1667 = arith.xori %iota3A, %xor3A_1666 : vector<16xi32>
      %broadcast_in_dim3A_1668 = vector.shape_cast %xor3A_1667 : vector<16xi32> to vector<16x1xi32>
      %gather3A_1669 = vector.shape_cast %broadcast_in_dim3A_1668 : vector<16x1xi32> to vector<16xi32>
      %gather3A_1670 = tpu.dynamic_gather %select_n3A_1664[%gather3A_1669] in [0] : vector<16xf32>, vector<16xi32> -> vector<16xf32>
      %min3A_1671 = arith.minimumf %select_n3A_1664, %gather3A_1670 : vector<16xf32>
      %xor3A_1672 = arith.constant 2 : i32
      %xor3A_1673 = vector.broadcast %xor3A_1672 : i32 to vector<16xi32>
      %xor3A_1674 = arith.xori %iota3A, %xor3A_1673 : vector<16xi32>
      %broadcast_in_dim3A_1675 = vector.shape_cast %xor3A_1674 : vector<16xi32> to vector<16x1xi32>
      %gather3A_1676 = vector.shape_cast %broadcast_in_dim3A_1675 : vector<16x1xi32> to vector<16xi32>
      %gather3A_1677 = tpu.dynamic_gather %min3A_1671[%gather3A_1676] in [0] : vector<16xf32>, vector<16xi32> -> vector<16xf32>
      %min3A_1678 = arith.minimumf %min3A_1671, %gather3A_1677 : vector<16xf32>
      %xor3A_1679 = arith.constant 4 : i32
      %xor3A_1680 = vector.broadcast %xor3A_1679 : i32 to vector<16xi32>
      %xor3A_1681 = arith.xori %iota3A, %xor3A_1680 : vector<16xi32>
      %broadcast_in_dim3A_1682 = vector.shape_cast %xor3A_1681 : vector<16xi32> to vector<16x1xi32>
      %gather3A_1683 = vector.shape_cast %broadcast_in_dim3A_1682 : vector<16x1xi32> to vector<16xi32>
      %gather3A_1684 = tpu.dynamic_gather %min3A_1678[%gather3A_1683] in [0] : vector<16xf32>, vector<16xi32> -> vector<16xf32>
      %min3A_1685 = arith.minimumf %min3A_1678, %gather3A_1684 : vector<16xf32>
      %xor3A_1686 = arith.constant 8 : i32
      %xor3A_1687 = vector.broadcast %xor3A_1686 : i32 to vector<16xi32>
      %xor3A_1688 = arith.xori %iota3A, %xor3A_1687 : vector<16xi32>
      %broadcast_in_dim3A_1689 = vector.shape_cast %xor3A_1688 : vector<16xi32> to vector<16x1xi32>
      %gather3A_1690 = vector.shape_cast %broadcast_in_dim3A_1689 : vector<16x1xi32> to vector<16xi32>
      %gather3A_1691 = tpu.dynamic_gather %min3A_1685[%gather3A_1690] in [0] : vector<16xf32>, vector<16xi32> -> vector<16xf32>
      %min3A_1692 = arith.minimumf %min3A_1685, %gather3A_1691 : vector<16xf32>
      %eq3A_1693 = arith.constant 8 : i32
      %eq3A_1694 = vector.broadcast %eq3A_1693 : i32 to vector<16xi32>
      %eq3A_1695 = arith.cmpi eq, %iota3A, %eq3A_1694 : vector<16xi32>
      %select_n3A_1696 = arith.select %eq3A_1695, %max3A_1595, %select_n3A_1554 : vector<16xi1>, vector<16xf32>
      %select_n3A_1697 = arith.select %eq3A_1695, %min3A_1626, %select_n3A_1555 : vector<16xi1>, vector<16xf32>
      %select_n3A_1698 = arith.select %eq3A_1695, %min3A_1659, %select_n3A_1556 : vector<16xi1>, vector<16xf32>
      %add3A_1699 = arith.constant 1.280000e+02 : f32
      %add3A_1700 = vector.broadcast %add3A_1699 : f32 to vector<16xf32>
      %add3A_1701 = arith.addf %add3A_1700, %min3A_1692 : vector<16xf32>
      %select_n3A_1702 = arith.select %eq3A_1695, %add3A_1701, %select_n3A_1560 : vector<16xi1>, vector<16xf32>
      %get3A_1703 = arith.constant 144 : index
      %get3A_1704 = tpu.vector_load %arg19[%get3A_1703] {strides = array<i32>} : memref<272xf32, #tpu.memory_space<vmem>>, vector<16xf32>,
      %get3A_1705 = arith.constant 144 : index
      %get3A_1706 = tpu.vector_load %arg20[%get3A_1705] {strides = array<i32>} : memref<272xf32, #tpu.memory_space<vmem>>, vector<16xf32>,
      %get3A_1707 = arith.constant 144 : index
      %get3A_1708 = tpu.vector_load %arg18[%get3A_1707] {strides = array<i32>} : memref<272xf32, #tpu.memory_space<vmem>>, vector<16xf32>,
      %convert_element_type3A_1709 = arith.sitofp %iota3A : vector<16xi32> to vector<16xf32>
      %xor3A_1710 = arith.constant 1 : i32
      %xor3A_1711 = vector.broadcast %xor3A_1710 : i32 to vector<16xi32>
      %xor3A_1712 = arith.xori %iota3A, %xor3A_1711 : vector<16xi32>
      %broadcast_in_dim3A_1713 = vector.shape_cast %xor3A_1712 : vector<16xi32> to vector<16x1xi32>
      %gather3A_1714 = vector.shape_cast %broadcast_in_dim3A_1713 : vector<16x1xi32> to vector<16xi32>
      %gather3A_1715 = tpu.dynamic_gather %get3A_1704[%gather3A_1714] in [0] : vector<16xf32>, vector<16xi32> -> vector<16xf32>
      %max3A_1716 = arith.maximumf %get3A_1704, %gather3A_1715 : vector<16xf32>
      %xor3A_1717 = arith.constant 2 : i32
      %xor3A_1718 = vector.broadcast %xor3A_1717 : i32 to vector<16xi32>
      %xor3A_1719 = arith.xori %iota3A, %xor3A_1718 : vector<16xi32>
      %broadcast_in_dim3A_1720 = vector.shape_cast %xor3A_1719 : vector<16xi32> to vector<16x1xi32>
      %gather3A_1721 = vector.shape_cast %broadcast_in_dim3A_1720 : vector<16x1xi32> to vector<16xi32>
      %gather3A_1722 = tpu.dynamic_gather %max3A_1716[%gather3A_1721] in [0] : vector<16xf32>, vector<16xi32> -> vector<16xf32>
      %max3A_1723 = arith.maximumf %max3A_1716, %gather3A_1722 : vector<16xf32>
      %xor3A_1724 = arith.constant 4 : i32
      %xor3A_1725 = vector.broadcast %xor3A_1724 : i32 to vector<16xi32>
      %xor3A_1726 = arith.xori %iota3A, %xor3A_1725 : vector<16xi32>
      %broadcast_in_dim3A_1727 = vector.shape_cast %xor3A_1726 : vector<16xi32> to vector<16x1xi32>
      %gather3A_1728 = vector.shape_cast %broadcast_in_dim3A_1727 : vector<16x1xi32> to vector<16xi32>
      %gather3A_1729 = tpu.dynamic_gather %max3A_1723[%gather3A_1728] in [0] : vector<16xf32>, vector<16xi32> -> vector<16xf32>
      %max3A_1730 = arith.maximumf %max3A_1723, %gather3A_1729 : vector<16xf32>
      %xor3A_1731 = arith.constant 8 : i32
      %xor3A_1732 = vector.broadcast %xor3A_1731 : i32 to vector<16xi32>
      %xor3A_1733 = arith.xori %iota3A, %xor3A_1732 : vector<16xi32>
      %broadcast_in_dim3A_1734 = vector.shape_cast %xor3A_1733 : vector<16xi32> to vector<16x1xi32>
      %gather3A_1735 = vector.shape_cast %broadcast_in_dim3A_1734 : vector<16x1xi32> to vector<16xi32>
      %gather3A_1736 = tpu.dynamic_gather %max3A_1730[%gather3A_1735] in [0] : vector<16xf32>, vector<16xi32> -> vector<16xf32>
      %max3A_1737 = arith.maximumf %max3A_1730, %gather3A_1736 : vector<16xf32>
      %eq3A_1738 = arith.cmpf oeq, %get3A_1704, %max3A_1737 : vector<16xf32>
      %broadcast_in_dim3A_1739 = vector.broadcast %scan3A_31 : f32 to vector<16xf32>
      %select_n3A_1740 = arith.select %eq3A_1738, %get3A_1706, %broadcast_in_dim3A_1739 : vector<16xi1>, vector<16xf32>
      %xor3A_1741 = arith.constant 1 : i32
      %xor3A_1742 = vector.broadcast %xor3A_1741 : i32 to vector<16xi32>
      %xor3A_1743 = arith.xori %iota3A, %xor3A_1742 : vector<16xi32>
      %broadcast_in_dim3A_1744 = vector.shape_cast %xor3A_1743 : vector<16xi32> to vector<16x1xi32>
      %gather3A_1745 = vector.shape_cast %broadcast_in_dim3A_1744 : vector<16x1xi32> to vector<16xi32>
      %gather3A_1746 = tpu.dynamic_gather %select_n3A_1740[%gather3A_1745] in [0] : vector<16xf32>, vector<16xi32> -> vector<16xf32>
      %min3A_1747 = arith.minimumf %select_n3A_1740, %gather3A_1746 : vector<16xf32>
      %xor3A_1748 = arith.constant 2 : i32
      %xor3A_1749 = vector.broadcast %xor3A_1748 : i32 to vector<16xi32>
      %xor3A_1750 = arith.xori %iota3A, %xor3A_1749 : vector<16xi32>
      %broadcast_in_dim3A_1751 = vector.shape_cast %xor3A_1750 : vector<16xi32> to vector<16x1xi32>
      %gather3A_1752 = vector.shape_cast %broadcast_in_dim3A_1751 : vector<16x1xi32> to vector<16xi32>
      %gather3A_1753 = tpu.dynamic_gather %min3A_1747[%gather3A_1752] in [0] : vector<16xf32>, vector<16xi32> -> vector<16xf32>
      %min3A_1754 = arith.minimumf %min3A_1747, %gather3A_1753 : vector<16xf32>
      %xor3A_1755 = arith.constant 4 : i32
      %xor3A_1756 = vector.broadcast %xor3A_1755 : i32 to vector<16xi32>
      %xor3A_1757 = arith.xori %iota3A, %xor3A_1756 : vector<16xi32>
      %broadcast_in_dim3A_1758 = vector.shape_cast %xor3A_1757 : vector<16xi32> to vector<16x1xi32>
      %gather3A_1759 = vector.shape_cast %broadcast_in_dim3A_1758 : vector<16x1xi32> to vector<16xi32>
      %gather3A_1760 = tpu.dynamic_gather %min3A_1754[%gather3A_1759] in [0] : vector<16xf32>, vector<16xi32> -> vector<16xf32>
      %min3A_1761 = arith.minimumf %min3A_1754, %gather3A_1760 : vector<16xf32>
      %xor3A_1762 = arith.constant 8 : i32
      %xor3A_1763 = vector.broadcast %xor3A_1762 : i32 to vector<16xi32>
      %xor3A_1764 = arith.xori %iota3A, %xor3A_1763 : vector<16xi32>
      %broadcast_in_dim3A_1765 = vector.shape_cast %xor3A_1764 : vector<16xi32> to vector<16x1xi32>
      %gather3A_1766 = vector.shape_cast %broadcast_in_dim3A_1765 : vector<16x1xi32> to vector<16xi32>
      %gather3A_1767 = tpu.dynamic_gather %min3A_1761[%gather3A_1766] in [0] : vector<16xf32>, vector<16xi32> -> vector<16xf32>
      %min3A_1768 = arith.minimumf %min3A_1761, %gather3A_1767 : vector<16xf32>
      %eq3A_1769 = arith.cmpf oeq, %get3A_1706, %min3A_1768 : vector<16xf32>
      %and3A_1770 = arith.andi %eq3A_1738, %eq3A_1769 : vector<16xi1>
      %jit3A_1771 = arith.constant 0x4B800000 : f32
      %broadcast_in_dim3A_1772 = vector.broadcast %jit3A_1771 : f32 to vector<16xf32>
      %select_n3A_1773 = arith.select %and3A_1770, %get3A_1708, %broadcast_in_dim3A_1772 : vector<16xi1>, vector<16xf32>
      %xor3A_1774 = arith.constant 1 : i32
      %xor3A_1775 = vector.broadcast %xor3A_1774 : i32 to vector<16xi32>
      %xor3A_1776 = arith.xori %iota3A, %xor3A_1775 : vector<16xi32>
      %broadcast_in_dim3A_1777 = vector.shape_cast %xor3A_1776 : vector<16xi32> to vector<16x1xi32>
      %gather3A_1778 = vector.shape_cast %broadcast_in_dim3A_1777 : vector<16x1xi32> to vector<16xi32>
      %gather3A_1779 = tpu.dynamic_gather %select_n3A_1773[%gather3A_1778] in [0] : vector<16xf32>, vector<16xi32> -> vector<16xf32>
      %min3A_1780 = arith.minimumf %select_n3A_1773, %gather3A_1779 : vector<16xf32>
      %xor3A_1781 = arith.constant 2 : i32
      %xor3A_1782 = vector.broadcast %xor3A_1781 : i32 to vector<16xi32>
      %xor3A_1783 = arith.xori %iota3A, %xor3A_1782 : vector<16xi32>
      %broadcast_in_dim3A_1784 = vector.shape_cast %xor3A_1783 : vector<16xi32> to vector<16x1xi32>
      %gather3A_1785 = vector.shape_cast %broadcast_in_dim3A_1784 : vector<16x1xi32> to vector<16xi32>
      %gather3A_1786 = tpu.dynamic_gather %min3A_1780[%gather3A_1785] in [0] : vector<16xf32>, vector<16xi32> -> vector<16xf32>
      %min3A_1787 = arith.minimumf %min3A_1780, %gather3A_1786 : vector<16xf32>
      %xor3A_1788 = arith.constant 4 : i32
      %xor3A_1789 = vector.broadcast %xor3A_1788 : i32 to vector<16xi32>
      %xor3A_1790 = arith.xori %iota3A, %xor3A_1789 : vector<16xi32>
      %broadcast_in_dim3A_1791 = vector.shape_cast %xor3A_1790 : vector<16xi32> to vector<16x1xi32>
      %gather3A_1792 = vector.shape_cast %broadcast_in_dim3A_1791 : vector<16x1xi32> to vector<16xi32>
      %gather3A_1793 = tpu.dynamic_gather %min3A_1787[%gather3A_1792] in [0] : vector<16xf32>, vector<16xi32> -> vector<16xf32>
      %min3A_1794 = arith.minimumf %min3A_1787, %gather3A_1793 : vector<16xf32>
      %xor3A_1795 = arith.constant 8 : i32
      %xor3A_1796 = vector.broadcast %xor3A_1795 : i32 to vector<16xi32>
      %xor3A_1797 = arith.xori %iota3A, %xor3A_1796 : vector<16xi32>
      %broadcast_in_dim3A_1798 = vector.shape_cast %xor3A_1797 : vector<16xi32> to vector<16x1xi32>
      %gather3A_1799 = vector.shape_cast %broadcast_in_dim3A_1798 : vector<16x1xi32> to vector<16xi32>
      %gather3A_1800 = tpu.dynamic_gather %min3A_1794[%gather3A_1799] in [0] : vector<16xf32>, vector<16xi32> -> vector<16xf32>
      %min3A_1801 = arith.minimumf %min3A_1794, %gather3A_1800 : vector<16xf32>
      %eq3A_1802 = arith.cmpf oeq, %get3A_1708, %min3A_1801 : vector<16xf32>
      %and3A_1803 = arith.andi %and3A_1770, %eq3A_1802 : vector<16xi1>
      %jit3A_1804 = arith.constant 0x4B800000 : f32
      %broadcast_in_dim3A_1805 = vector.broadcast %jit3A_1804 : f32 to vector<16xf32>
      %select_n3A_1806 = arith.select %and3A_1803, %convert_element_type3A_1709, %broadcast_in_dim3A_1805 : vector<16xi1>, vector<16xf32>
      %xor3A_1807 = arith.constant 1 : i32
      %xor3A_1808 = vector.broadcast %xor3A_1807 : i32 to vector<16xi32>
      %xor3A_1809 = arith.xori %iota3A, %xor3A_1808 : vector<16xi32>
      %broadcast_in_dim3A_1810 = vector.shape_cast %xor3A_1809 : vector<16xi32> to vector<16x1xi32>
      %gather3A_1811 = vector.shape_cast %broadcast_in_dim3A_1810 : vector<16x1xi32> to vector<16xi32>
      %gather3A_1812 = tpu.dynamic_gather %select_n3A_1806[%gather3A_1811] in [0] : vector<16xf32>, vector<16xi32> -> vector<16xf32>
      %min3A_1813 = arith.minimumf %select_n3A_1806, %gather3A_1812 : vector<16xf32>
      %xor3A_1814 = arith.constant 2 : i32
      %xor3A_1815 = vector.broadcast %xor3A_1814 : i32 to vector<16xi32>
      %xor3A_1816 = arith.xori %iota3A, %xor3A_1815 : vector<16xi32>
      %broadcast_in_dim3A_1817 = vector.shape_cast %xor3A_1816 : vector<16xi32> to vector<16x1xi32>
      %gather3A_1818 = vector.shape_cast %broadcast_in_dim3A_1817 : vector<16x1xi32> to vector<16xi32>
      %gather3A_1819 = tpu.dynamic_gather %min3A_1813[%gather3A_1818] in [0] : vector<16xf32>, vector<16xi32> -> vector<16xf32>
      %min3A_1820 = arith.minimumf %min3A_1813, %gather3A_1819 : vector<16xf32>
      %xor3A_1821 = arith.constant 4 : i32
      %xor3A_1822 = vector.broadcast %xor3A_1821 : i32 to vector<16xi32>
      %xor3A_1823 = arith.xori %iota3A, %xor3A_1822 : vector<16xi32>
      %broadcast_in_dim3A_1824 = vector.shape_cast %xor3A_1823 : vector<16xi32> to vector<16x1xi32>
      %gather3A_1825 = vector.shape_cast %broadcast_in_dim3A_1824 : vector<16x1xi32> to vector<16xi32>
      %gather3A_1826 = tpu.dynamic_gather %min3A_1820[%gather3A_1825] in [0] : vector<16xf32>, vector<16xi32> -> vector<16xf32>
      %min3A_1827 = arith.minimumf %min3A_1820, %gather3A_1826 : vector<16xf32>
      %xor3A_1828 = arith.constant 8 : i32
      %xor3A_1829 = vector.broadcast %xor3A_1828 : i32 to vector<16xi32>
      %xor3A_1830 = arith.xori %iota3A, %xor3A_1829 : vector<16xi32>
      %broadcast_in_dim3A_1831 = vector.shape_cast %xor3A_1830 : vector<16xi32> to vector<16x1xi32>
      %gather3A_1832 = vector.shape_cast %broadcast_in_dim3A_1831 : vector<16x1xi32> to vector<16xi32>
      %gather3A_1833 = tpu.dynamic_gather %min3A_1827[%gather3A_1832] in [0] : vector<16xf32>, vector<16xi32> -> vector<16xf32>
      %min3A_1834 = arith.minimumf %min3A_1827, %gather3A_1833 : vector<16xf32>
      %eq3A_1835 = arith.constant 9 : i32
      %eq3A_1836 = vector.broadcast %eq3A_1835 : i32 to vector<16xi32>
      %eq3A_1837 = arith.cmpi eq, %iota3A, %eq3A_1836 : vector<16xi32>
      %select_n3A_1838 = arith.select %eq3A_1837, %max3A_1737, %select_n3A_1696 : vector<16xi1>, vector<16xf32>
      %select_n3A_1839 = arith.select %eq3A_1837, %min3A_1768, %select_n3A_1697 : vector<16xi1>, vector<16xf32>
      %select_n3A_1840 = arith.select %eq3A_1837, %min3A_1801, %select_n3A_1698 : vector<16xi1>, vector<16xf32>
      %add3A_1841 = arith.constant 1.440000e+02 : f32
      %add3A_1842 = vector.broadcast %add3A_1841 : f32 to vector<16xf32>
      %add3A_1843 = arith.addf %add3A_1842, %min3A_1834 : vector<16xf32>
      %select_n3A_1844 = arith.select %eq3A_1837, %add3A_1843, %select_n3A_1702 : vector<16xi1>, vector<16xf32>
      %get3A_1845 = arith.constant 160 : index
      %get3A_1846 = tpu.vector_load %arg19[%get3A_1845] {strides = array<i32>} : memref<272xf32, #tpu.memory_space<vmem>>, vector<16xf32>,
      %get3A_1847 = arith.constant 160 : index
      %get3A_1848 = tpu.vector_load %arg20[%get3A_1847] {strides = array<i32>} : memref<272xf32, #tpu.memory_space<vmem>>, vector<16xf32>,
      %get3A_1849 = arith.constant 160 : index
      %get3A_1850 = tpu.vector_load %arg18[%get3A_1849] {strides = array<i32>} : memref<272xf32, #tpu.memory_space<vmem>>, vector<16xf32>,
      %convert_element_type3A_1851 = arith.sitofp %iota3A : vector<16xi32> to vector<16xf32>
      %xor3A_1852 = arith.constant 1 : i32
      %xor3A_1853 = vector.broadcast %xor3A_1852 : i32 to vector<16xi32>
      %xor3A_1854 = arith.xori %iota3A, %xor3A_1853 : vector<16xi32>
      %broadcast_in_dim3A_1855 = vector.shape_cast %xor3A_1854 : vector<16xi32> to vector<16x1xi32>
      %gather3A_1856 = vector.shape_cast %broadcast_in_dim3A_1855 : vector<16x1xi32> to vector<16xi32>
      %gather3A_1857 = tpu.dynamic_gather %get3A_1846[%gather3A_1856] in [0] : vector<16xf32>, vector<16xi32> -> vector<16xf32>
      %max3A_1858 = arith.maximumf %get3A_1846, %gather3A_1857 : vector<16xf32>
      %xor3A_1859 = arith.constant 2 : i32
      %xor3A_1860 = vector.broadcast %xor3A_1859 : i32 to vector<16xi32>
      %xor3A_1861 = arith.xori %iota3A, %xor3A_1860 : vector<16xi32>
      %broadcast_in_dim3A_1862 = vector.shape_cast %xor3A_1861 : vector<16xi32> to vector<16x1xi32>
      %gather3A_1863 = vector.shape_cast %broadcast_in_dim3A_1862 : vector<16x1xi32> to vector<16xi32>
      %gather3A_1864 = tpu.dynamic_gather %max3A_1858[%gather3A_1863] in [0] : vector<16xf32>, vector<16xi32> -> vector<16xf32>
      %max3A_1865 = arith.maximumf %max3A_1858, %gather3A_1864 : vector<16xf32>
      %xor3A_1866 = arith.constant 4 : i32
      %xor3A_1867 = vector.broadcast %xor3A_1866 : i32 to vector<16xi32>
      %xor3A_1868 = arith.xori %iota3A, %xor3A_1867 : vector<16xi32>
      %broadcast_in_dim3A_1869 = vector.shape_cast %xor3A_1868 : vector<16xi32> to vector<16x1xi32>
      %gather3A_1870 = vector.shape_cast %broadcast_in_dim3A_1869 : vector<16x1xi32> to vector<16xi32>
      %gather3A_1871 = tpu.dynamic_gather %max3A_1865[%gather3A_1870] in [0] : vector<16xf32>, vector<16xi32> -> vector<16xf32>
      %max3A_1872 = arith.maximumf %max3A_1865, %gather3A_1871 : vector<16xf32>
      %xor3A_1873 = arith.constant 8 : i32
      %xor3A_1874 = vector.broadcast %xor3A_1873 : i32 to vector<16xi32>
      %xor3A_1875 = arith.xori %iota3A, %xor3A_1874 : vector<16xi32>
      %broadcast_in_dim3A_1876 = vector.shape_cast %xor3A_1875 : vector<16xi32> to vector<16x1xi32>
      %gather3A_1877 = vector.shape_cast %broadcast_in_dim3A_1876 : vector<16x1xi32> to vector<16xi32>
      %gather3A_1878 = tpu.dynamic_gather %max3A_1872[%gather3A_1877] in [0] : vector<16xf32>, vector<16xi32> -> vector<16xf32>
      %max3A_1879 = arith.maximumf %max3A_1872, %gather3A_1878 : vector<16xf32>
      %eq3A_1880 = arith.cmpf oeq, %get3A_1846, %max3A_1879 : vector<16xf32>
      %broadcast_in_dim3A_1881 = vector.broadcast %scan3A_31 : f32 to vector<16xf32>
      %select_n3A_1882 = arith.select %eq3A_1880, %get3A_1848, %broadcast_in_dim3A_1881 : vector<16xi1>, vector<16xf32>
      %xor3A_1883 = arith.constant 1 : i32
      %xor3A_1884 = vector.broadcast %xor3A_1883 : i32 to vector<16xi32>
      %xor3A_1885 = arith.xori %iota3A, %xor3A_1884 : vector<16xi32>
      %broadcast_in_dim3A_1886 = vector.shape_cast %xor3A_1885 : vector<16xi32> to vector<16x1xi32>
      %gather3A_1887 = vector.shape_cast %broadcast_in_dim3A_1886 : vector<16x1xi32> to vector<16xi32>
      %gather3A_1888 = tpu.dynamic_gather %select_n3A_1882[%gather3A_1887] in [0] : vector<16xf32>, vector<16xi32> -> vector<16xf32>
      %min3A_1889 = arith.minimumf %select_n3A_1882, %gather3A_1888 : vector<16xf32>
      %xor3A_1890 = arith.constant 2 : i32
      %xor3A_1891 = vector.broadcast %xor3A_1890 : i32 to vector<16xi32>
      %xor3A_1892 = arith.xori %iota3A, %xor3A_1891 : vector<16xi32>
      %broadcast_in_dim3A_1893 = vector.shape_cast %xor3A_1892 : vector<16xi32> to vector<16x1xi32>
      %gather3A_1894 = vector.shape_cast %broadcast_in_dim3A_1893 : vector<16x1xi32> to vector<16xi32>
      %gather3A_1895 = tpu.dynamic_gather %min3A_1889[%gather3A_1894] in [0] : vector<16xf32>, vector<16xi32> -> vector<16xf32>
      %min3A_1896 = arith.minimumf %min3A_1889, %gather3A_1895 : vector<16xf32>
      %xor3A_1897 = arith.constant 4 : i32
      %xor3A_1898 = vector.broadcast %xor3A_1897 : i32 to vector<16xi32>
      %xor3A_1899 = arith.xori %iota3A, %xor3A_1898 : vector<16xi32>
      %broadcast_in_dim3A_1900 = vector.shape_cast %xor3A_1899 : vector<16xi32> to vector<16x1xi32>
      %gather3A_1901 = vector.shape_cast %broadcast_in_dim3A_1900 : vector<16x1xi32> to vector<16xi32>
      %gather3A_1902 = tpu.dynamic_gather %min3A_1896[%gather3A_1901] in [0] : vector<16xf32>, vector<16xi32> -> vector<16xf32>
      %min3A_1903 = arith.minimumf %min3A_1896, %gather3A_1902 : vector<16xf32>
      %xor3A_1904 = arith.constant 8 : i32
      %xor3A_1905 = vector.broadcast %xor3A_1904 : i32 to vector<16xi32>
      %xor3A_1906 = arith.xori %iota3A, %xor3A_1905 : vector<16xi32>
      %broadcast_in_dim3A_1907 = vector.shape_cast %xor3A_1906 : vector<16xi32> to vector<16x1xi32>
      %gather3A_1908 = vector.shape_cast %broadcast_in_dim3A_1907 : vector<16x1xi32> to vector<16xi32>
      %gather3A_1909 = tpu.dynamic_gather %min3A_1903[%gather3A_1908] in [0] : vector<16xf32>, vector<16xi32> -> vector<16xf32>
      %min3A_1910 = arith.minimumf %min3A_1903, %gather3A_1909 : vector<16xf32>
      %eq3A_1911 = arith.cmpf oeq, %get3A_1848, %min3A_1910 : vector<16xf32>
      %and3A_1912 = arith.andi %eq3A_1880, %eq3A_1911 : vector<16xi1>
      %jit3A_1913 = arith.constant 0x4B800000 : f32
      %broadcast_in_dim3A_1914 = vector.broadcast %jit3A_1913 : f32 to vector<16xf32>
      %select_n3A_1915 = arith.select %and3A_1912, %get3A_1850, %broadcast_in_dim3A_1914 : vector<16xi1>, vector<16xf32>
      %xor3A_1916 = arith.constant 1 : i32
      %xor3A_1917 = vector.broadcast %xor3A_1916 : i32 to vector<16xi32>
      %xor3A_1918 = arith.xori %iota3A, %xor3A_1917 : vector<16xi32>
      %broadcast_in_dim3A_1919 = vector.shape_cast %xor3A_1918 : vector<16xi32> to vector<16x1xi32>
      %gather3A_1920 = vector.shape_cast %broadcast_in_dim3A_1919 : vector<16x1xi32> to vector<16xi32>
      %gather3A_1921 = tpu.dynamic_gather %select_n3A_1915[%gather3A_1920] in [0] : vector<16xf32>, vector<16xi32> -> vector<16xf32>
      %min3A_1922 = arith.minimumf %select_n3A_1915, %gather3A_1921 : vector<16xf32>
      %xor3A_1923 = arith.constant 2 : i32
      %xor3A_1924 = vector.broadcast %xor3A_1923 : i32 to vector<16xi32>
      %xor3A_1925 = arith.xori %iota3A, %xor3A_1924 : vector<16xi32>
      %broadcast_in_dim3A_1926 = vector.shape_cast %xor3A_1925 : vector<16xi32> to vector<16x1xi32>
      %gather3A_1927 = vector.shape_cast %broadcast_in_dim3A_1926 : vector<16x1xi32> to vector<16xi32>
      %gather3A_1928 = tpu.dynamic_gather %min3A_1922[%gather3A_1927] in [0] : vector<16xf32>, vector<16xi32> -> vector<16xf32>
      %min3A_1929 = arith.minimumf %min3A_1922, %gather3A_1928 : vector<16xf32>
      %xor3A_1930 = arith.constant 4 : i32
      %xor3A_1931 = vector.broadcast %xor3A_1930 : i32 to vector<16xi32>
      %xor3A_1932 = arith.xori %iota3A, %xor3A_1931 : vector<16xi32>
      %broadcast_in_dim3A_1933 = vector.shape_cast %xor3A_1932 : vector<16xi32> to vector<16x1xi32>
      %gather3A_1934 = vector.shape_cast %broadcast_in_dim3A_1933 : vector<16x1xi32> to vector<16xi32>
      %gather3A_1935 = tpu.dynamic_gather %min3A_1929[%gather3A_1934] in [0] : vector<16xf32>, vector<16xi32> -> vector<16xf32>
      %min3A_1936 = arith.minimumf %min3A_1929, %gather3A_1935 : vector<16xf32>
      %xor3A_1937 = arith.constant 8 : i32
      %xor3A_1938 = vector.broadcast %xor3A_1937 : i32 to vector<16xi32>
      %xor3A_1939 = arith.xori %iota3A, %xor3A_1938 : vector<16xi32>
      %broadcast_in_dim3A_1940 = vector.shape_cast %xor3A_1939 : vector<16xi32> to vector<16x1xi32>
      %gather3A_1941 = vector.shape_cast %broadcast_in_dim3A_1940 : vector<16x1xi32> to vector<16xi32>
      %gather3A_1942 = tpu.dynamic_gather %min3A_1936[%gather3A_1941] in [0] : vector<16xf32>, vector<16xi32> -> vector<16xf32>
      %min3A_1943 = arith.minimumf %min3A_1936, %gather3A_1942 : vector<16xf32>
      %eq3A_1944 = arith.cmpf oeq, %get3A_1850, %min3A_1943 : vector<16xf32>
      %and3A_1945 = arith.andi %and3A_1912, %eq3A_1944 : vector<16xi1>
      %jit3A_1946 = arith.constant 0x4B800000 : f32
      %broadcast_in_dim3A_1947 = vector.broadcast %jit3A_1946 : f32 to vector<16xf32>
      %select_n3A_1948 = arith.select %and3A_1945, %convert_element_type3A_1851, %broadcast_in_dim3A_1947 : vector<16xi1>, vector<16xf32>
      %xor3A_1949 = arith.constant 1 : i32
      %xor3A_1950 = vector.broadcast %xor3A_1949 : i32 to vector<16xi32>
      %xor3A_1951 = arith.xori %iota3A, %xor3A_1950 : vector<16xi32>
      %broadcast_in_dim3A_1952 = vector.shape_cast %xor3A_1951 : vector<16xi32> to vector<16x1xi32>
      %gather3A_1953 = vector.shape_cast %broadcast_in_dim3A_1952 : vector<16x1xi32> to vector<16xi32>
      %gather3A_1954 = tpu.dynamic_gather %select_n3A_1948[%gather3A_1953] in [0] : vector<16xf32>, vector<16xi32> -> vector<16xf32>
      %min3A_1955 = arith.minimumf %select_n3A_1948, %gather3A_1954 : vector<16xf32>
      %xor3A_1956 = arith.constant 2 : i32
      %xor3A_1957 = vector.broadcast %xor3A_1956 : i32 to vector<16xi32>
      %xor3A_1958 = arith.xori %iota3A, %xor3A_1957 : vector<16xi32>
      %broadcast_in_dim3A_1959 = vector.shape_cast %xor3A_1958 : vector<16xi32> to vector<16x1xi32>
      %gather3A_1960 = vector.shape_cast %broadcast_in_dim3A_1959 : vector<16x1xi32> to vector<16xi32>
      %gather3A_1961 = tpu.dynamic_gather %min3A_1955[%gather3A_1960] in [0] : vector<16xf32>, vector<16xi32> -> vector<16xf32>
      %min3A_1962 = arith.minimumf %min3A_1955, %gather3A_1961 : vector<16xf32>
      %xor3A_1963 = arith.constant 4 : i32
      %xor3A_1964 = vector.broadcast %xor3A_1963 : i32 to vector<16xi32>
      %xor3A_1965 = arith.xori %iota3A, %xor3A_1964 : vector<16xi32>
      %broadcast_in_dim3A_1966 = vector.shape_cast %xor3A_1965 : vector<16xi32> to vector<16x1xi32>
      %gather3A_1967 = vector.shape_cast %broadcast_in_dim3A_1966 : vector<16x1xi32> to vector<16xi32>
      %gather3A_1968 = tpu.dynamic_gather %min3A_1962[%gather3A_1967] in [0] : vector<16xf32>, vector<16xi32> -> vector<16xf32>
      %min3A_1969 = arith.minimumf %min3A_1962, %gather3A_1968 : vector<16xf32>
      %xor3A_1970 = arith.constant 8 : i32
      %xor3A_1971 = vector.broadcast %xor3A_1970 : i32 to vector<16xi32>
      %xor3A_1972 = arith.xori %iota3A, %xor3A_1971 : vector<16xi32>
      %broadcast_in_dim3A_1973 = vector.shape_cast %xor3A_1972 : vector<16xi32> to vector<16x1xi32>
      %gather3A_1974 = vector.shape_cast %broadcast_in_dim3A_1973 : vector<16x1xi32> to vector<16xi32>
      %gather3A_1975 = tpu.dynamic_gather %min3A_1969[%gather3A_1974] in [0] : vector<16xf32>, vector<16xi32> -> vector<16xf32>
      %min3A_1976 = arith.minimumf %min3A_1969, %gather3A_1975 : vector<16xf32>
      %eq3A_1977 = arith.constant 10 : i32
      %eq3A_1978 = vector.broadcast %eq3A_1977 : i32 to vector<16xi32>
      %eq3A_1979 = arith.cmpi eq, %iota3A, %eq3A_1978 : vector<16xi32>
      %select_n3A_1980 = arith.select %eq3A_1979, %max3A_1879, %select_n3A_1838 : vector<16xi1>, vector<16xf32>
      %select_n3A_1981 = arith.select %eq3A_1979, %min3A_1910, %select_n3A_1839 : vector<16xi1>, vector<16xf32>
      %select_n3A_1982 = arith.select %eq3A_1979, %min3A_1943, %select_n3A_1840 : vector<16xi1>, vector<16xf32>
      %add3A_1983 = arith.constant 1.600000e+02 : f32
      %add3A_1984 = vector.broadcast %add3A_1983 : f32 to vector<16xf32>
      %add3A_1985 = arith.addf %add3A_1984, %min3A_1976 : vector<16xf32>
      %select_n3A_1986 = arith.select %eq3A_1979, %add3A_1985, %select_n3A_1844 : vector<16xi1>, vector<16xf32>
      %get3A_1987 = arith.constant 176 : index
      %get3A_1988 = tpu.vector_load %arg19[%get3A_1987] {strides = array<i32>} : memref<272xf32, #tpu.memory_space<vmem>>, vector<16xf32>,
      %get3A_1989 = arith.constant 176 : index
      %get3A_1990 = tpu.vector_load %arg20[%get3A_1989] {strides = array<i32>} : memref<272xf32, #tpu.memory_space<vmem>>, vector<16xf32>,
      %get3A_1991 = arith.constant 176 : index
      %get3A_1992 = tpu.vector_load %arg18[%get3A_1991] {strides = array<i32>} : memref<272xf32, #tpu.memory_space<vmem>>, vector<16xf32>,
      %convert_element_type3A_1993 = arith.sitofp %iota3A : vector<16xi32> to vector<16xf32>
      %xor3A_1994 = arith.constant 1 : i32
      %xor3A_1995 = vector.broadcast %xor3A_1994 : i32 to vector<16xi32>
      %xor3A_1996 = arith.xori %iota3A, %xor3A_1995 : vector<16xi32>
      %broadcast_in_dim3A_1997 = vector.shape_cast %xor3A_1996 : vector<16xi32> to vector<16x1xi32>
      %gather3A_1998 = vector.shape_cast %broadcast_in_dim3A_1997 : vector<16x1xi32> to vector<16xi32>
      %gather3A_1999 = tpu.dynamic_gather %get3A_1988[%gather3A_1998] in [0] : vector<16xf32>, vector<16xi32> -> vector<16xf32>
      %max3A_2000 = arith.maximumf %get3A_1988, %gather3A_1999 : vector<16xf32>
      %xor3A_2001 = arith.constant 2 : i32
      %xor3A_2002 = vector.broadcast %xor3A_2001 : i32 to vector<16xi32>
      %xor3A_2003 = arith.xori %iota3A, %xor3A_2002 : vector<16xi32>
      %broadcast_in_dim3A_2004 = vector.shape_cast %xor3A_2003 : vector<16xi32> to vector<16x1xi32>
      %gather3A_2005 = vector.shape_cast %broadcast_in_dim3A_2004 : vector<16x1xi32> to vector<16xi32>
      %gather3A_2006 = tpu.dynamic_gather %max3A_2000[%gather3A_2005] in [0] : vector<16xf32>, vector<16xi32> -> vector<16xf32>
      %max3A_2007 = arith.maximumf %max3A_2000, %gather3A_2006 : vector<16xf32>
      %xor3A_2008 = arith.constant 4 : i32
      %xor3A_2009 = vector.broadcast %xor3A_2008 : i32 to vector<16xi32>
      %xor3A_2010 = arith.xori %iota3A, %xor3A_2009 : vector<16xi32>
      %broadcast_in_dim3A_2011 = vector.shape_cast %xor3A_2010 : vector<16xi32> to vector<16x1xi32>
      %gather3A_2012 = vector.shape_cast %broadcast_in_dim3A_2011 : vector<16x1xi32> to vector<16xi32>
      %gather3A_2013 = tpu.dynamic_gather %max3A_2007[%gather3A_2012] in [0] : vector<16xf32>, vector<16xi32> -> vector<16xf32>
      %max3A_2014 = arith.maximumf %max3A_2007, %gather3A_2013 : vector<16xf32>
      %xor3A_2015 = arith.constant 8 : i32
      %xor3A_2016 = vector.broadcast %xor3A_2015 : i32 to vector<16xi32>
      %xor3A_2017 = arith.xori %iota3A, %xor3A_2016 : vector<16xi32>
      %broadcast_in_dim3A_2018 = vector.shape_cast %xor3A_2017 : vector<16xi32> to vector<16x1xi32>
      %gather3A_2019 = vector.shape_cast %broadcast_in_dim3A_2018 : vector<16x1xi32> to vector<16xi32>
      %gather3A_2020 = tpu.dynamic_gather %max3A_2014[%gather3A_2019] in [0] : vector<16xf32>, vector<16xi32> -> vector<16xf32>
      %max3A_2021 = arith.maximumf %max3A_2014, %gather3A_2020 : vector<16xf32>
      %eq3A_2022 = arith.cmpf oeq, %get3A_1988, %max3A_2021 : vector<16xf32>
      %broadcast_in_dim3A_2023 = vector.broadcast %scan3A_31 : f32 to vector<16xf32>
      %select_n3A_2024 = arith.select %eq3A_2022, %get3A_1990, %broadcast_in_dim3A_2023 : vector<16xi1>, vector<16xf32>
      %xor3A_2025 = arith.constant 1 : i32
      %xor3A_2026 = vector.broadcast %xor3A_2025 : i32 to vector<16xi32>
      %xor3A_2027 = arith.xori %iota3A, %xor3A_2026 : vector<16xi32>
      %broadcast_in_dim3A_2028 = vector.shape_cast %xor3A_2027 : vector<16xi32> to vector<16x1xi32>
      %gather3A_2029 = vector.shape_cast %broadcast_in_dim3A_2028 : vector<16x1xi32> to vector<16xi32>
      %gather3A_2030 = tpu.dynamic_gather %select_n3A_2024[%gather3A_2029] in [0] : vector<16xf32>, vector<16xi32> -> vector<16xf32>
      %min3A_2031 = arith.minimumf %select_n3A_2024, %gather3A_2030 : vector<16xf32>
      %xor3A_2032 = arith.constant 2 : i32
      %xor3A_2033 = vector.broadcast %xor3A_2032 : i32 to vector<16xi32>
      %xor3A_2034 = arith.xori %iota3A, %xor3A_2033 : vector<16xi32>
      %broadcast_in_dim3A_2035 = vector.shape_cast %xor3A_2034 : vector<16xi32> to vector<16x1xi32>
      %gather3A_2036 = vector.shape_cast %broadcast_in_dim3A_2035 : vector<16x1xi32> to vector<16xi32>
      %gather3A_2037 = tpu.dynamic_gather %min3A_2031[%gather3A_2036] in [0] : vector<16xf32>, vector<16xi32> -> vector<16xf32>
      %min3A_2038 = arith.minimumf %min3A_2031, %gather3A_2037 : vector<16xf32>
      %xor3A_2039 = arith.constant 4 : i32
      %xor3A_2040 = vector.broadcast %xor3A_2039 : i32 to vector<16xi32>
      %xor3A_2041 = arith.xori %iota3A, %xor3A_2040 : vector<16xi32>
      %broadcast_in_dim3A_2042 = vector.shape_cast %xor3A_2041 : vector<16xi32> to vector<16x1xi32>
      %gather3A_2043 = vector.shape_cast %broadcast_in_dim3A_2042 : vector<16x1xi32> to vector<16xi32>
      %gather3A_2044 = tpu.dynamic_gather %min3A_2038[%gather3A_2043] in [0] : vector<16xf32>, vector<16xi32> -> vector<16xf32>
      %min3A_2045 = arith.minimumf %min3A_2038, %gather3A_2044 : vector<16xf32>
      %xor3A_2046 = arith.constant 8 : i32
      %xor3A_2047 = vector.broadcast %xor3A_2046 : i32 to vector<16xi32>
      %xor3A_2048 = arith.xori %iota3A, %xor3A_2047 : vector<16xi32>
      %broadcast_in_dim3A_2049 = vector.shape_cast %xor3A_2048 : vector<16xi32> to vector<16x1xi32>
      %gather3A_2050 = vector.shape_cast %broadcast_in_dim3A_2049 : vector<16x1xi32> to vector<16xi32>
      %gather3A_2051 = tpu.dynamic_gather %min3A_2045[%gather3A_2050] in [0] : vector<16xf32>, vector<16xi32> -> vector<16xf32>
      %min3A_2052 = arith.minimumf %min3A_2045, %gather3A_2051 : vector<16xf32>
      %eq3A_2053 = arith.cmpf oeq, %get3A_1990, %min3A_2052 : vector<16xf32>
      %and3A_2054 = arith.andi %eq3A_2022, %eq3A_2053 : vector<16xi1>
      %jit3A_2055 = arith.constant 0x4B800000 : f32
      %broadcast_in_dim3A_2056 = vector.broadcast %jit3A_2055 : f32 to vector<16xf32>
      %select_n3A_2057 = arith.select %and3A_2054, %get3A_1992, %broadcast_in_dim3A_2056 : vector<16xi1>, vector<16xf32>
      %xor3A_2058 = arith.constant 1 : i32
      %xor3A_2059 = vector.broadcast %xor3A_2058 : i32 to vector<16xi32>
      %xor3A_2060 = arith.xori %iota3A, %xor3A_2059 : vector<16xi32>
      %broadcast_in_dim3A_2061 = vector.shape_cast %xor3A_2060 : vector<16xi32> to vector<16x1xi32>
      %gather3A_2062 = vector.shape_cast %broadcast_in_dim3A_2061 : vector<16x1xi32> to vector<16xi32>
      %gather3A_2063 = tpu.dynamic_gather %select_n3A_2057[%gather3A_2062] in [0] : vector<16xf32>, vector<16xi32> -> vector<16xf32>
      %min3A_2064 = arith.minimumf %select_n3A_2057, %gather3A_2063 : vector<16xf32>
      %xor3A_2065 = arith.constant 2 : i32
      %xor3A_2066 = vector.broadcast %xor3A_2065 : i32 to vector<16xi32>
      %xor3A_2067 = arith.xori %iota3A, %xor3A_2066 : vector<16xi32>
      %broadcast_in_dim3A_2068 = vector.shape_cast %xor3A_2067 : vector<16xi32> to vector<16x1xi32>
      %gather3A_2069 = vector.shape_cast %broadcast_in_dim3A_2068 : vector<16x1xi32> to vector<16xi32>
      %gather3A_2070 = tpu.dynamic_gather %min3A_2064[%gather3A_2069] in [0] : vector<16xf32>, vector<16xi32> -> vector<16xf32>
      %min3A_2071 = arith.minimumf %min3A_2064, %gather3A_2070 : vector<16xf32>
      %xor3A_2072 = arith.constant 4 : i32
      %xor3A_2073 = vector.broadcast %xor3A_2072 : i32 to vector<16xi32>
      %xor3A_2074 = arith.xori %iota3A, %xor3A_2073 : vector<16xi32>
      %broadcast_in_dim3A_2075 = vector.shape_cast %xor3A_2074 : vector<16xi32> to vector<16x1xi32>
      %gather3A_2076 = vector.shape_cast %broadcast_in_dim3A_2075 : vector<16x1xi32> to vector<16xi32>
      %gather3A_2077 = tpu.dynamic_gather %min3A_2071[%gather3A_2076] in [0] : vector<16xf32>, vector<16xi32> -> vector<16xf32>
      %min3A_2078 = arith.minimumf %min3A_2071, %gather3A_2077 : vector<16xf32>
      %xor3A_2079 = arith.constant 8 : i32
      %xor3A_2080 = vector.broadcast %xor3A_2079 : i32 to vector<16xi32>
      %xor3A_2081 = arith.xori %iota3A, %xor3A_2080 : vector<16xi32>
      %broadcast_in_dim3A_2082 = vector.shape_cast %xor3A_2081 : vector<16xi32> to vector<16x1xi32>
      %gather3A_2083 = vector.shape_cast %broadcast_in_dim3A_2082 : vector<16x1xi32> to vector<16xi32>
      %gather3A_2084 = tpu.dynamic_gather %min3A_2078[%gather3A_2083] in [0] : vector<16xf32>, vector<16xi32> -> vector<16xf32>
      %min3A_2085 = arith.minimumf %min3A_2078, %gather3A_2084 : vector<16xf32>
      %eq3A_2086 = arith.cmpf oeq, %get3A_1992, %min3A_2085 : vector<16xf32>
      %and3A_2087 = arith.andi %and3A_2054, %eq3A_2086 : vector<16xi1>
      %jit3A_2088 = arith.constant 0x4B800000 : f32
      %broadcast_in_dim3A_2089 = vector.broadcast %jit3A_2088 : f32 to vector<16xf32>
      %select_n3A_2090 = arith.select %and3A_2087, %convert_element_type3A_1993, %broadcast_in_dim3A_2089 : vector<16xi1>, vector<16xf32>
      %xor3A_2091 = arith.constant 1 : i32
      %xor3A_2092 = vector.broadcast %xor3A_2091 : i32 to vector<16xi32>
      %xor3A_2093 = arith.xori %iota3A, %xor3A_2092 : vector<16xi32>
      %broadcast_in_dim3A_2094 = vector.shape_cast %xor3A_2093 : vector<16xi32> to vector<16x1xi32>
      %gather3A_2095 = vector.shape_cast %broadcast_in_dim3A_2094 : vector<16x1xi32> to vector<16xi32>
      %gather3A_2096 = tpu.dynamic_gather %select_n3A_2090[%gather3A_2095] in [0] : vector<16xf32>, vector<16xi32> -> vector<16xf32>
      %min3A_2097 = arith.minimumf %select_n3A_2090, %gather3A_2096 : vector<16xf32>
      %xor3A_2098 = arith.constant 2 : i32
      %xor3A_2099 = vector.broadcast %xor3A_2098 : i32 to vector<16xi32>
      %xor3A_2100 = arith.xori %iota3A, %xor3A_2099 : vector<16xi32>
      %broadcast_in_dim3A_2101 = vector.shape_cast %xor3A_2100 : vector<16xi32> to vector<16x1xi32>
      %gather3A_2102 = vector.shape_cast %broadcast_in_dim3A_2101 : vector<16x1xi32> to vector<16xi32>
      %gather3A_2103 = tpu.dynamic_gather %min3A_2097[%gather3A_2102] in [0] : vector<16xf32>, vector<16xi32> -> vector<16xf32>
      %min3A_2104 = arith.minimumf %min3A_2097, %gather3A_2103 : vector<16xf32>
      %xor3A_2105 = arith.constant 4 : i32
      %xor3A_2106 = vector.broadcast %xor3A_2105 : i32 to vector<16xi32>
      %xor3A_2107 = arith.xori %iota3A, %xor3A_2106 : vector<16xi32>
      %broadcast_in_dim3A_2108 = vector.shape_cast %xor3A_2107 : vector<16xi32> to vector<16x1xi32>
      %gather3A_2109 = vector.shape_cast %broadcast_in_dim3A_2108 : vector<16x1xi32> to vector<16xi32>
      %gather3A_2110 = tpu.dynamic_gather %min3A_2104[%gather3A_2109] in [0] : vector<16xf32>, vector<16xi32> -> vector<16xf32>
      %min3A_2111 = arith.minimumf %min3A_2104, %gather3A_2110 : vector<16xf32>
      %xor3A_2112 = arith.constant 8 : i32
      %xor3A_2113 = vector.broadcast %xor3A_2112 : i32 to vector<16xi32>
      %xor3A_2114 = arith.xori %iota3A, %xor3A_2113 : vector<16xi32>
      %broadcast_in_dim3A_2115 = vector.shape_cast %xor3A_2114 : vector<16xi32> to vector<16x1xi32>
      %gather3A_2116 = vector.shape_cast %broadcast_in_dim3A_2115 : vector<16x1xi32> to vector<16xi32>
      %gather3A_2117 = tpu.dynamic_gather %min3A_2111[%gather3A_2116] in [0] : vector<16xf32>, vector<16xi32> -> vector<16xf32>
      %min3A_2118 = arith.minimumf %min3A_2111, %gather3A_2117 : vector<16xf32>
      %eq3A_2119 = arith.constant 11 : i32
      %eq3A_2120 = vector.broadcast %eq3A_2119 : i32 to vector<16xi32>
      %eq3A_2121 = arith.cmpi eq, %iota3A, %eq3A_2120 : vector<16xi32>
      %select_n3A_2122 = arith.select %eq3A_2121, %max3A_2021, %select_n3A_1980 : vector<16xi1>, vector<16xf32>
      %select_n3A_2123 = arith.select %eq3A_2121, %min3A_2052, %select_n3A_1981 : vector<16xi1>, vector<16xf32>
      %select_n3A_2124 = arith.select %eq3A_2121, %min3A_2085, %select_n3A_1982 : vector<16xi1>, vector<16xf32>
      %add3A_2125 = arith.constant 1.760000e+02 : f32
      %add3A_2126 = vector.broadcast %add3A_2125 : f32 to vector<16xf32>
      %add3A_2127 = arith.addf %add3A_2126, %min3A_2118 : vector<16xf32>
      %select_n3A_2128 = arith.select %eq3A_2121, %add3A_2127, %select_n3A_1986 : vector<16xi1>, vector<16xf32>
      %get3A_2129 = arith.constant 192 : index
      %get3A_2130 = tpu.vector_load %arg19[%get3A_2129] {strides = array<i32>} : memref<272xf32, #tpu.memory_space<vmem>>, vector<16xf32>,
      %get3A_2131 = arith.constant 192 : index
      %get3A_2132 = tpu.vector_load %arg20[%get3A_2131] {strides = array<i32>} : memref<272xf32, #tpu.memory_space<vmem>>, vector<16xf32>,
      %get3A_2133 = arith.constant 192 : index
      %get3A_2134 = tpu.vector_load %arg18[%get3A_2133] {strides = array<i32>} : memref<272xf32, #tpu.memory_space<vmem>>, vector<16xf32>,
      %convert_element_type3A_2135 = arith.sitofp %iota3A : vector<16xi32> to vector<16xf32>
      %xor3A_2136 = arith.constant 1 : i32
      %xor3A_2137 = vector.broadcast %xor3A_2136 : i32 to vector<16xi32>
      %xor3A_2138 = arith.xori %iota3A, %xor3A_2137 : vector<16xi32>
      %broadcast_in_dim3A_2139 = vector.shape_cast %xor3A_2138 : vector<16xi32> to vector<16x1xi32>
      %gather3A_2140 = vector.shape_cast %broadcast_in_dim3A_2139 : vector<16x1xi32> to vector<16xi32>
      %gather3A_2141 = tpu.dynamic_gather %get3A_2130[%gather3A_2140] in [0] : vector<16xf32>, vector<16xi32> -> vector<16xf32>
      %max3A_2142 = arith.maximumf %get3A_2130, %gather3A_2141 : vector<16xf32>
      %xor3A_2143 = arith.constant 2 : i32
      %xor3A_2144 = vector.broadcast %xor3A_2143 : i32 to vector<16xi32>
      %xor3A_2145 = arith.xori %iota3A, %xor3A_2144 : vector<16xi32>
      %broadcast_in_dim3A_2146 = vector.shape_cast %xor3A_2145 : vector<16xi32> to vector<16x1xi32>
      %gather3A_2147 = vector.shape_cast %broadcast_in_dim3A_2146 : vector<16x1xi32> to vector<16xi32>
      %gather3A_2148 = tpu.dynamic_gather %max3A_2142[%gather3A_2147] in [0] : vector<16xf32>, vector<16xi32> -> vector<16xf32>
      %max3A_2149 = arith.maximumf %max3A_2142, %gather3A_2148 : vector<16xf32>
      %xor3A_2150 = arith.constant 4 : i32
      %xor3A_2151 = vector.broadcast %xor3A_2150 : i32 to vector<16xi32>
      %xor3A_2152 = arith.xori %iota3A, %xor3A_2151 : vector<16xi32>
      %broadcast_in_dim3A_2153 = vector.shape_cast %xor3A_2152 : vector<16xi32> to vector<16x1xi32>
      %gather3A_2154 = vector.shape_cast %broadcast_in_dim3A_2153 : vector<16x1xi32> to vector<16xi32>
      %gather3A_2155 = tpu.dynamic_gather %max3A_2149[%gather3A_2154] in [0] : vector<16xf32>, vector<16xi32> -> vector<16xf32>
      %max3A_2156 = arith.maximumf %max3A_2149, %gather3A_2155 : vector<16xf32>
      %xor3A_2157 = arith.constant 8 : i32
      %xor3A_2158 = vector.broadcast %xor3A_2157 : i32 to vector<16xi32>
      %xor3A_2159 = arith.xori %iota3A, %xor3A_2158 : vector<16xi32>
      %broadcast_in_dim3A_2160 = vector.shape_cast %xor3A_2159 : vector<16xi32> to vector<16x1xi32>
      %gather3A_2161 = vector.shape_cast %broadcast_in_dim3A_2160 : vector<16x1xi32> to vector<16xi32>
      %gather3A_2162 = tpu.dynamic_gather %max3A_2156[%gather3A_2161] in [0] : vector<16xf32>, vector<16xi32> -> vector<16xf32>
      %max3A_2163 = arith.maximumf %max3A_2156, %gather3A_2162 : vector<16xf32>
      %eq3A_2164 = arith.cmpf oeq, %get3A_2130, %max3A_2163 : vector<16xf32>
      %broadcast_in_dim3A_2165 = vector.broadcast %scan3A_31 : f32 to vector<16xf32>
      %select_n3A_2166 = arith.select %eq3A_2164, %get3A_2132, %broadcast_in_dim3A_2165 : vector<16xi1>, vector<16xf32>
      %xor3A_2167 = arith.constant 1 : i32
      %xor3A_2168 = vector.broadcast %xor3A_2167 : i32 to vector<16xi32>
      %xor3A_2169 = arith.xori %iota3A, %xor3A_2168 : vector<16xi32>
      %broadcast_in_dim3A_2170 = vector.shape_cast %xor3A_2169 : vector<16xi32> to vector<16x1xi32>
      %gather3A_2171 = vector.shape_cast %broadcast_in_dim3A_2170 : vector<16x1xi32> to vector<16xi32>
      %gather3A_2172 = tpu.dynamic_gather %select_n3A_2166[%gather3A_2171] in [0] : vector<16xf32>, vector<16xi32> -> vector<16xf32>
      %min3A_2173 = arith.minimumf %select_n3A_2166, %gather3A_2172 : vector<16xf32>
      %xor3A_2174 = arith.constant 2 : i32
      %xor3A_2175 = vector.broadcast %xor3A_2174 : i32 to vector<16xi32>
      %xor3A_2176 = arith.xori %iota3A, %xor3A_2175 : vector<16xi32>
      %broadcast_in_dim3A_2177 = vector.shape_cast %xor3A_2176 : vector<16xi32> to vector<16x1xi32>
      %gather3A_2178 = vector.shape_cast %broadcast_in_dim3A_2177 : vector<16x1xi32> to vector<16xi32>
      %gather3A_2179 = tpu.dynamic_gather %min3A_2173[%gather3A_2178] in [0] : vector<16xf32>, vector<16xi32> -> vector<16xf32>
      %min3A_2180 = arith.minimumf %min3A_2173, %gather3A_2179 : vector<16xf32>
      %xor3A_2181 = arith.constant 4 : i32
      %xor3A_2182 = vector.broadcast %xor3A_2181 : i32 to vector<16xi32>
      %xor3A_2183 = arith.xori %iota3A, %xor3A_2182 : vector<16xi32>
      %broadcast_in_dim3A_2184 = vector.shape_cast %xor3A_2183 : vector<16xi32> to vector<16x1xi32>
      %gather3A_2185 = vector.shape_cast %broadcast_in_dim3A_2184 : vector<16x1xi32> to vector<16xi32>
      %gather3A_2186 = tpu.dynamic_gather %min3A_2180[%gather3A_2185] in [0] : vector<16xf32>, vector<16xi32> -> vector<16xf32>
      %min3A_2187 = arith.minimumf %min3A_2180, %gather3A_2186 : vector<16xf32>
      %xor3A_2188 = arith.constant 8 : i32
      %xor3A_2189 = vector.broadcast %xor3A_2188 : i32 to vector<16xi32>
      %xor3A_2190 = arith.xori %iota3A, %xor3A_2189 : vector<16xi32>
      %broadcast_in_dim3A_2191 = vector.shape_cast %xor3A_2190 : vector<16xi32> to vector<16x1xi32>
      %gather3A_2192 = vector.shape_cast %broadcast_in_dim3A_2191 : vector<16x1xi32> to vector<16xi32>
      %gather3A_2193 = tpu.dynamic_gather %min3A_2187[%gather3A_2192] in [0] : vector<16xf32>, vector<16xi32> -> vector<16xf32>
      %min3A_2194 = arith.minimumf %min3A_2187, %gather3A_2193 : vector<16xf32>
      %eq3A_2195 = arith.cmpf oeq, %get3A_2132, %min3A_2194 : vector<16xf32>
      %and3A_2196 = arith.andi %eq3A_2164, %eq3A_2195 : vector<16xi1>
      %jit3A_2197 = arith.constant 0x4B800000 : f32
      %broadcast_in_dim3A_2198 = vector.broadcast %jit3A_2197 : f32 to vector<16xf32>
      %select_n3A_2199 = arith.select %and3A_2196, %get3A_2134, %broadcast_in_dim3A_2198 : vector<16xi1>, vector<16xf32>
      %xor3A_2200 = arith.constant 1 : i32
      %xor3A_2201 = vector.broadcast %xor3A_2200 : i32 to vector<16xi32>
      %xor3A_2202 = arith.xori %iota3A, %xor3A_2201 : vector<16xi32>
      %broadcast_in_dim3A_2203 = vector.shape_cast %xor3A_2202 : vector<16xi32> to vector<16x1xi32>
      %gather3A_2204 = vector.shape_cast %broadcast_in_dim3A_2203 : vector<16x1xi32> to vector<16xi32>
      %gather3A_2205 = tpu.dynamic_gather %select_n3A_2199[%gather3A_2204] in [0] : vector<16xf32>, vector<16xi32> -> vector<16xf32>
      %min3A_2206 = arith.minimumf %select_n3A_2199, %gather3A_2205 : vector<16xf32>
      %xor3A_2207 = arith.constant 2 : i32
      %xor3A_2208 = vector.broadcast %xor3A_2207 : i32 to vector<16xi32>
      %xor3A_2209 = arith.xori %iota3A, %xor3A_2208 : vector<16xi32>
      %broadcast_in_dim3A_2210 = vector.shape_cast %xor3A_2209 : vector<16xi32> to vector<16x1xi32>
      %gather3A_2211 = vector.shape_cast %broadcast_in_dim3A_2210 : vector<16x1xi32> to vector<16xi32>
      %gather3A_2212 = tpu.dynamic_gather %min3A_2206[%gather3A_2211] in [0] : vector<16xf32>, vector<16xi32> -> vector<16xf32>
      %min3A_2213 = arith.minimumf %min3A_2206, %gather3A_2212 : vector<16xf32>
      %xor3A_2214 = arith.constant 4 : i32
      %xor3A_2215 = vector.broadcast %xor3A_2214 : i32 to vector<16xi32>
      %xor3A_2216 = arith.xori %iota3A, %xor3A_2215 : vector<16xi32>
      %broadcast_in_dim3A_2217 = vector.shape_cast %xor3A_2216 : vector<16xi32> to vector<16x1xi32>
      %gather3A_2218 = vector.shape_cast %broadcast_in_dim3A_2217 : vector<16x1xi32> to vector<16xi32>
      %gather3A_2219 = tpu.dynamic_gather %min3A_2213[%gather3A_2218] in [0] : vector<16xf32>, vector<16xi32> -> vector<16xf32>
      %min3A_2220 = arith.minimumf %min3A_2213, %gather3A_2219 : vector<16xf32>
      %xor3A_2221 = arith.constant 8 : i32
      %xor3A_2222 = vector.broadcast %xor3A_2221 : i32 to vector<16xi32>
      %xor3A_2223 = arith.xori %iota3A, %xor3A_2222 : vector<16xi32>
      %broadcast_in_dim3A_2224 = vector.shape_cast %xor3A_2223 : vector<16xi32> to vector<16x1xi32>
      %gather3A_2225 = vector.shape_cast %broadcast_in_dim3A_2224 : vector<16x1xi32> to vector<16xi32>
      %gather3A_2226 = tpu.dynamic_gather %min3A_2220[%gather3A_2225] in [0] : vector<16xf32>, vector<16xi32> -> vector<16xf32>
      %min3A_2227 = arith.minimumf %min3A_2220, %gather3A_2226 : vector<16xf32>
      %eq3A_2228 = arith.cmpf oeq, %get3A_2134, %min3A_2227 : vector<16xf32>
      %and3A_2229 = arith.andi %and3A_2196, %eq3A_2228 : vector<16xi1>
      %jit3A_2230 = arith.constant 0x4B800000 : f32
      %broadcast_in_dim3A_2231 = vector.broadcast %jit3A_2230 : f32 to vector<16xf32>
      %select_n3A_2232 = arith.select %and3A_2229, %convert_element_type3A_2135, %broadcast_in_dim3A_2231 : vector<16xi1>, vector<16xf32>
      %xor3A_2233 = arith.constant 1 : i32
      %xor3A_2234 = vector.broadcast %xor3A_2233 : i32 to vector<16xi32>
      %xor3A_2235 = arith.xori %iota3A, %xor3A_2234 : vector<16xi32>
      %broadcast_in_dim3A_2236 = vector.shape_cast %xor3A_2235 : vector<16xi32> to vector<16x1xi32>
      %gather3A_2237 = vector.shape_cast %broadcast_in_dim3A_2236 : vector<16x1xi32> to vector<16xi32>
      %gather3A_2238 = tpu.dynamic_gather %select_n3A_2232[%gather3A_2237] in [0] : vector<16xf32>, vector<16xi32> -> vector<16xf32>
      %min3A_2239 = arith.minimumf %select_n3A_2232, %gather3A_2238 : vector<16xf32>
      %xor3A_2240 = arith.constant 2 : i32
      %xor3A_2241 = vector.broadcast %xor3A_2240 : i32 to vector<16xi32>
      %xor3A_2242 = arith.xori %iota3A, %xor3A_2241 : vector<16xi32>
      %broadcast_in_dim3A_2243 = vector.shape_cast %xor3A_2242 : vector<16xi32> to vector<16x1xi32>
      %gather3A_2244 = vector.shape_cast %broadcast_in_dim3A_2243 : vector<16x1xi32> to vector<16xi32>
      %gather3A_2245 = tpu.dynamic_gather %min3A_2239[%gather3A_2244] in [0] : vector<16xf32>, vector<16xi32> -> vector<16xf32>
      %min3A_2246 = arith.minimumf %min3A_2239, %gather3A_2245 : vector<16xf32>
      %xor3A_2247 = arith.constant 4 : i32
      %xor3A_2248 = vector.broadcast %xor3A_2247 : i32 to vector<16xi32>
      %xor3A_2249 = arith.xori %iota3A, %xor3A_2248 : vector<16xi32>
      %broadcast_in_dim3A_2250 = vector.shape_cast %xor3A_2249 : vector<16xi32> to vector<16x1xi32>
      %gather3A_2251 = vector.shape_cast %broadcast_in_dim3A_2250 : vector<16x1xi32> to vector<16xi32>
      %gather3A_2252 = tpu.dynamic_gather %min3A_2246[%gather3A_2251] in [0] : vector<16xf32>, vector<16xi32> -> vector<16xf32>
      %min3A_2253 = arith.minimumf %min3A_2246, %gather3A_2252 : vector<16xf32>
      %xor3A_2254 = arith.constant 8 : i32
      %xor3A_2255 = vector.broadcast %xor3A_2254 : i32 to vector<16xi32>
      %xor3A_2256 = arith.xori %iota3A, %xor3A_2255 : vector<16xi32>
      %broadcast_in_dim3A_2257 = vector.shape_cast %xor3A_2256 : vector<16xi32> to vector<16x1xi32>
      %gather3A_2258 = vector.shape_cast %broadcast_in_dim3A_2257 : vector<16x1xi32> to vector<16xi32>
      %gather3A_2259 = tpu.dynamic_gather %min3A_2253[%gather3A_2258] in [0] : vector<16xf32>, vector<16xi32> -> vector<16xf32>
      %min3A_2260 = arith.minimumf %min3A_2253, %gather3A_2259 : vector<16xf32>
      %eq3A_2261 = arith.constant 12 : i32
      %eq3A_2262 = vector.broadcast %eq3A_2261 : i32 to vector<16xi32>
      %eq3A_2263 = arith.cmpi eq, %iota3A, %eq3A_2262 : vector<16xi32>
      %select_n3A_2264 = arith.select %eq3A_2263, %max3A_2163, %select_n3A_2122 : vector<16xi1>, vector<16xf32>
      %select_n3A_2265 = arith.select %eq3A_2263, %min3A_2194, %select_n3A_2123 : vector<16xi1>, vector<16xf32>
      %select_n3A_2266 = arith.select %eq3A_2263, %min3A_2227, %select_n3A_2124 : vector<16xi1>, vector<16xf32>
      %add3A_2267 = arith.constant 1.920000e+02 : f32
      %add3A_2268 = vector.broadcast %add3A_2267 : f32 to vector<16xf32>
      %add3A_2269 = arith.addf %add3A_2268, %min3A_2260 : vector<16xf32>
      %select_n3A_2270 = arith.select %eq3A_2263, %add3A_2269, %select_n3A_2128 : vector<16xi1>, vector<16xf32>
      %get3A_2271 = arith.constant 208 : index
      %get3A_2272 = tpu.vector_load %arg19[%get3A_2271] {strides = array<i32>} : memref<272xf32, #tpu.memory_space<vmem>>, vector<16xf32>,
      %get3A_2273 = arith.constant 208 : index
      %get3A_2274 = tpu.vector_load %arg20[%get3A_2273] {strides = array<i32>} : memref<272xf32, #tpu.memory_space<vmem>>, vector<16xf32>,
      %get3A_2275 = arith.constant 208 : index
      %get3A_2276 = tpu.vector_load %arg18[%get3A_2275] {strides = array<i32>} : memref<272xf32, #tpu.memory_space<vmem>>, vector<16xf32>,
      %convert_element_type3A_2277 = arith.sitofp %iota3A : vector<16xi32> to vector<16xf32>
      %xor3A_2278 = arith.constant 1 : i32
      %xor3A_2279 = vector.broadcast %xor3A_2278 : i32 to vector<16xi32>
      %xor3A_2280 = arith.xori %iota3A, %xor3A_2279 : vector<16xi32>
      %broadcast_in_dim3A_2281 = vector.shape_cast %xor3A_2280 : vector<16xi32> to vector<16x1xi32>
      %gather3A_2282 = vector.shape_cast %broadcast_in_dim3A_2281 : vector<16x1xi32> to vector<16xi32>
      %gather3A_2283 = tpu.dynamic_gather %get3A_2272[%gather3A_2282] in [0] : vector<16xf32>, vector<16xi32> -> vector<16xf32>
      %max3A_2284 = arith.maximumf %get3A_2272, %gather3A_2283 : vector<16xf32>
      %xor3A_2285 = arith.constant 2 : i32
      %xor3A_2286 = vector.broadcast %xor3A_2285 : i32 to vector<16xi32>
      %xor3A_2287 = arith.xori %iota3A, %xor3A_2286 : vector<16xi32>
      %broadcast_in_dim3A_2288 = vector.shape_cast %xor3A_2287 : vector<16xi32> to vector<16x1xi32>
      %gather3A_2289 = vector.shape_cast %broadcast_in_dim3A_2288 : vector<16x1xi32> to vector<16xi32>
      %gather3A_2290 = tpu.dynamic_gather %max3A_2284[%gather3A_2289] in [0] : vector<16xf32>, vector<16xi32> -> vector<16xf32>
      %max3A_2291 = arith.maximumf %max3A_2284, %gather3A_2290 : vector<16xf32>
      %xor3A_2292 = arith.constant 4 : i32
      %xor3A_2293 = vector.broadcast %xor3A_2292 : i32 to vector<16xi32>
      %xor3A_2294 = arith.xori %iota3A, %xor3A_2293 : vector<16xi32>
      %broadcast_in_dim3A_2295 = vector.shape_cast %xor3A_2294 : vector<16xi32> to vector<16x1xi32>
      %gather3A_2296 = vector.shape_cast %broadcast_in_dim3A_2295 : vector<16x1xi32> to vector<16xi32>
      %gather3A_2297 = tpu.dynamic_gather %max3A_2291[%gather3A_2296] in [0] : vector<16xf32>, vector<16xi32> -> vector<16xf32>
      %max3A_2298 = arith.maximumf %max3A_2291, %gather3A_2297 : vector<16xf32>
      %xor3A_2299 = arith.constant 8 : i32
      %xor3A_2300 = vector.broadcast %xor3A_2299 : i32 to vector<16xi32>
      %xor3A_2301 = arith.xori %iota3A, %xor3A_2300 : vector<16xi32>
      %broadcast_in_dim3A_2302 = vector.shape_cast %xor3A_2301 : vector<16xi32> to vector<16x1xi32>
      %gather3A_2303 = vector.shape_cast %broadcast_in_dim3A_2302 : vector<16x1xi32> to vector<16xi32>
      %gather3A_2304 = tpu.dynamic_gather %max3A_2298[%gather3A_2303] in [0] : vector<16xf32>, vector<16xi32> -> vector<16xf32>
      %max3A_2305 = arith.maximumf %max3A_2298, %gather3A_2304 : vector<16xf32>
      %eq3A_2306 = arith.cmpf oeq, %get3A_2272, %max3A_2305 : vector<16xf32>
      %broadcast_in_dim3A_2307 = vector.broadcast %scan3A_31 : f32 to vector<16xf32>
      %select_n3A_2308 = arith.select %eq3A_2306, %get3A_2274, %broadcast_in_dim3A_2307 : vector<16xi1>, vector<16xf32>
      %xor3A_2309 = arith.constant 1 : i32
      %xor3A_2310 = vector.broadcast %xor3A_2309 : i32 to vector<16xi32>
      %xor3A_2311 = arith.xori %iota3A, %xor3A_2310 : vector<16xi32>
      %broadcast_in_dim3A_2312 = vector.shape_cast %xor3A_2311 : vector<16xi32> to vector<16x1xi32>
      %gather3A_2313 = vector.shape_cast %broadcast_in_dim3A_2312 : vector<16x1xi32> to vector<16xi32>
      %gather3A_2314 = tpu.dynamic_gather %select_n3A_2308[%gather3A_2313] in [0] : vector<16xf32>, vector<16xi32> -> vector<16xf32>
      %min3A_2315 = arith.minimumf %select_n3A_2308, %gather3A_2314 : vector<16xf32>
      %xor3A_2316 = arith.constant 2 : i32
      %xor3A_2317 = vector.broadcast %xor3A_2316 : i32 to vector<16xi32>
      %xor3A_2318 = arith.xori %iota3A, %xor3A_2317 : vector<16xi32>
      %broadcast_in_dim3A_2319 = vector.shape_cast %xor3A_2318 : vector<16xi32> to vector<16x1xi32>
      %gather3A_2320 = vector.shape_cast %broadcast_in_dim3A_2319 : vector<16x1xi32> to vector<16xi32>
      %gather3A_2321 = tpu.dynamic_gather %min3A_2315[%gather3A_2320] in [0] : vector<16xf32>, vector<16xi32> -> vector<16xf32>
      %min3A_2322 = arith.minimumf %min3A_2315, %gather3A_2321 : vector<16xf32>
      %xor3A_2323 = arith.constant 4 : i32
      %xor3A_2324 = vector.broadcast %xor3A_2323 : i32 to vector<16xi32>
      %xor3A_2325 = arith.xori %iota3A, %xor3A_2324 : vector<16xi32>
      %broadcast_in_dim3A_2326 = vector.shape_cast %xor3A_2325 : vector<16xi32> to vector<16x1xi32>
      %gather3A_2327 = vector.shape_cast %broadcast_in_dim3A_2326 : vector<16x1xi32> to vector<16xi32>
      %gather3A_2328 = tpu.dynamic_gather %min3A_2322[%gather3A_2327] in [0] : vector<16xf32>, vector<16xi32> -> vector<16xf32>
      %min3A_2329 = arith.minimumf %min3A_2322, %gather3A_2328 : vector<16xf32>
      %xor3A_2330 = arith.constant 8 : i32
      %xor3A_2331 = vector.broadcast %xor3A_2330 : i32 to vector<16xi32>
      %xor3A_2332 = arith.xori %iota3A, %xor3A_2331 : vector<16xi32>
      %broadcast_in_dim3A_2333 = vector.shape_cast %xor3A_2332 : vector<16xi32> to vector<16x1xi32>
      %gather3A_2334 = vector.shape_cast %broadcast_in_dim3A_2333 : vector<16x1xi32> to vector<16xi32>
      %gather3A_2335 = tpu.dynamic_gather %min3A_2329[%gather3A_2334] in [0] : vector<16xf32>, vector<16xi32> -> vector<16xf32>
      %min3A_2336 = arith.minimumf %min3A_2329, %gather3A_2335 : vector<16xf32>
      %eq3A_2337 = arith.cmpf oeq, %get3A_2274, %min3A_2336 : vector<16xf32>
      %and3A_2338 = arith.andi %eq3A_2306, %eq3A_2337 : vector<16xi1>
      %jit3A_2339 = arith.constant 0x4B800000 : f32
      %broadcast_in_dim3A_2340 = vector.broadcast %jit3A_2339 : f32 to vector<16xf32>
      %select_n3A_2341 = arith.select %and3A_2338, %get3A_2276, %broadcast_in_dim3A_2340 : vector<16xi1>, vector<16xf32>
      %xor3A_2342 = arith.constant 1 : i32
      %xor3A_2343 = vector.broadcast %xor3A_2342 : i32 to vector<16xi32>
      %xor3A_2344 = arith.xori %iota3A, %xor3A_2343 : vector<16xi32>
      %broadcast_in_dim3A_2345 = vector.shape_cast %xor3A_2344 : vector<16xi32> to vector<16x1xi32>
      %gather3A_2346 = vector.shape_cast %broadcast_in_dim3A_2345 : vector<16x1xi32> to vector<16xi32>
      %gather3A_2347 = tpu.dynamic_gather %select_n3A_2341[%gather3A_2346] in [0] : vector<16xf32>, vector<16xi32> -> vector<16xf32>
      %min3A_2348 = arith.minimumf %select_n3A_2341, %gather3A_2347 : vector<16xf32>
      %xor3A_2349 = arith.constant 2 : i32
      %xor3A_2350 = vector.broadcast %xor3A_2349 : i32 to vector<16xi32>
      %xor3A_2351 = arith.xori %iota3A, %xor3A_2350 : vector<16xi32>
      %broadcast_in_dim3A_2352 = vector.shape_cast %xor3A_2351 : vector<16xi32> to vector<16x1xi32>
      %gather3A_2353 = vector.shape_cast %broadcast_in_dim3A_2352 : vector<16x1xi32> to vector<16xi32>
      %gather3A_2354 = tpu.dynamic_gather %min3A_2348[%gather3A_2353] in [0] : vector<16xf32>, vector<16xi32> -> vector<16xf32>
      %min3A_2355 = arith.minimumf %min3A_2348, %gather3A_2354 : vector<16xf32>
      %xor3A_2356 = arith.constant 4 : i32
      %xor3A_2357 = vector.broadcast %xor3A_2356 : i32 to vector<16xi32>
      %xor3A_2358 = arith.xori %iota3A, %xor3A_2357 : vector<16xi32>
      %broadcast_in_dim3A_2359 = vector.shape_cast %xor3A_2358 : vector<16xi32> to vector<16x1xi32>
      %gather3A_2360 = vector.shape_cast %broadcast_in_dim3A_2359 : vector<16x1xi32> to vector<16xi32>
      %gather3A_2361 = tpu.dynamic_gather %min3A_2355[%gather3A_2360] in [0] : vector<16xf32>, vector<16xi32> -> vector<16xf32>
      %min3A_2362 = arith.minimumf %min3A_2355, %gather3A_2361 : vector<16xf32>
      %xor3A_2363 = arith.constant 8 : i32
      %xor3A_2364 = vector.broadcast %xor3A_2363 : i32 to vector<16xi32>
      %xor3A_2365 = arith.xori %iota3A, %xor3A_2364 : vector<16xi32>
      %broadcast_in_dim3A_2366 = vector.shape_cast %xor3A_2365 : vector<16xi32> to vector<16x1xi32>
      %gather3A_2367 = vector.shape_cast %broadcast_in_dim3A_2366 : vector<16x1xi32> to vector<16xi32>
      %gather3A_2368 = tpu.dynamic_gather %min3A_2362[%gather3A_2367] in [0] : vector<16xf32>, vector<16xi32> -> vector<16xf32>
      %min3A_2369 = arith.minimumf %min3A_2362, %gather3A_2368 : vector<16xf32>
      %eq3A_2370 = arith.cmpf oeq, %get3A_2276, %min3A_2369 : vector<16xf32>
      %and3A_2371 = arith.andi %and3A_2338, %eq3A_2370 : vector<16xi1>
      %jit3A_2372 = arith.constant 0x4B800000 : f32
      %broadcast_in_dim3A_2373 = vector.broadcast %jit3A_2372 : f32 to vector<16xf32>
      %select_n3A_2374 = arith.select %and3A_2371, %convert_element_type3A_2277, %broadcast_in_dim3A_2373 : vector<16xi1>, vector<16xf32>
      %xor3A_2375 = arith.constant 1 : i32
      %xor3A_2376 = vector.broadcast %xor3A_2375 : i32 to vector<16xi32>
      %xor3A_2377 = arith.xori %iota3A, %xor3A_2376 : vector<16xi32>
      %broadcast_in_dim3A_2378 = vector.shape_cast %xor3A_2377 : vector<16xi32> to vector<16x1xi32>
      %gather3A_2379 = vector.shape_cast %broadcast_in_dim3A_2378 : vector<16x1xi32> to vector<16xi32>
      %gather3A_2380 = tpu.dynamic_gather %select_n3A_2374[%gather3A_2379] in [0] : vector<16xf32>, vector<16xi32> -> vector<16xf32>
      %min3A_2381 = arith.minimumf %select_n3A_2374, %gather3A_2380 : vector<16xf32>
      %xor3A_2382 = arith.constant 2 : i32
      %xor3A_2383 = vector.broadcast %xor3A_2382 : i32 to vector<16xi32>
      %xor3A_2384 = arith.xori %iota3A, %xor3A_2383 : vector<16xi32>
      %broadcast_in_dim3A_2385 = vector.shape_cast %xor3A_2384 : vector<16xi32> to vector<16x1xi32>
      %gather3A_2386 = vector.shape_cast %broadcast_in_dim3A_2385 : vector<16x1xi32> to vector<16xi32>
      %gather3A_2387 = tpu.dynamic_gather %min3A_2381[%gather3A_2386] in [0] : vector<16xf32>, vector<16xi32> -> vector<16xf32>
      %min3A_2388 = arith.minimumf %min3A_2381, %gather3A_2387 : vector<16xf32>
      %xor3A_2389 = arith.constant 4 : i32
      %xor3A_2390 = vector.broadcast %xor3A_2389 : i32 to vector<16xi32>
      %xor3A_2391 = arith.xori %iota3A, %xor3A_2390 : vector<16xi32>
      %broadcast_in_dim3A_2392 = vector.shape_cast %xor3A_2391 : vector<16xi32> to vector<16x1xi32>
      %gather3A_2393 = vector.shape_cast %broadcast_in_dim3A_2392 : vector<16x1xi32> to vector<16xi32>
      %gather3A_2394 = tpu.dynamic_gather %min3A_2388[%gather3A_2393] in [0] : vector<16xf32>, vector<16xi32> -> vector<16xf32>
      %min3A_2395 = arith.minimumf %min3A_2388, %gather3A_2394 : vector<16xf32>
      %xor3A_2396 = arith.constant 8 : i32
      %xor3A_2397 = vector.broadcast %xor3A_2396 : i32 to vector<16xi32>
      %xor3A_2398 = arith.xori %iota3A, %xor3A_2397 : vector<16xi32>
      %broadcast_in_dim3A_2399 = vector.shape_cast %xor3A_2398 : vector<16xi32> to vector<16x1xi32>
      %gather3A_2400 = vector.shape_cast %broadcast_in_dim3A_2399 : vector<16x1xi32> to vector<16xi32>
      %gather3A_2401 = tpu.dynamic_gather %min3A_2395[%gather3A_2400] in [0] : vector<16xf32>, vector<16xi32> -> vector<16xf32>
      %min3A_2402 = arith.minimumf %min3A_2395, %gather3A_2401 : vector<16xf32>
      %eq3A_2403 = arith.constant 13 : i32
      %eq3A_2404 = vector.broadcast %eq3A_2403 : i32 to vector<16xi32>
      %eq3A_2405 = arith.cmpi eq, %iota3A, %eq3A_2404 : vector<16xi32>
      %select_n3A_2406 = arith.select %eq3A_2405, %max3A_2305, %select_n3A_2264 : vector<16xi1>, vector<16xf32>
      %select_n3A_2407 = arith.select %eq3A_2405, %min3A_2336, %select_n3A_2265 : vector<16xi1>, vector<16xf32>
      %select_n3A_2408 = arith.select %eq3A_2405, %min3A_2369, %select_n3A_2266 : vector<16xi1>, vector<16xf32>
      %add3A_2409 = arith.constant 2.080000e+02 : f32
      %add3A_2410 = vector.broadcast %add3A_2409 : f32 to vector<16xf32>
      %add3A_2411 = arith.addf %add3A_2410, %min3A_2402 : vector<16xf32>
      %select_n3A_2412 = arith.select %eq3A_2405, %add3A_2411, %select_n3A_2270 : vector<16xi1>, vector<16xf32>
      %get3A_2413 = arith.constant 224 : index
      %get3A_2414 = tpu.vector_load %arg19[%get3A_2413] {strides = array<i32>} : memref<272xf32, #tpu.memory_space<vmem>>, vector<16xf32>,
      %get3A_2415 = arith.constant 224 : index
      %get3A_2416 = tpu.vector_load %arg20[%get3A_2415] {strides = array<i32>} : memref<272xf32, #tpu.memory_space<vmem>>, vector<16xf32>,
      %get3A_2417 = arith.constant 224 : index
      %get3A_2418 = tpu.vector_load %arg18[%get3A_2417] {strides = array<i32>} : memref<272xf32, #tpu.memory_space<vmem>>, vector<16xf32>,
      %convert_element_type3A_2419 = arith.sitofp %iota3A : vector<16xi32> to vector<16xf32>
      %xor3A_2420 = arith.constant 1 : i32
      %xor3A_2421 = vector.broadcast %xor3A_2420 : i32 to vector<16xi32>
      %xor3A_2422 = arith.xori %iota3A, %xor3A_2421 : vector<16xi32>
      %broadcast_in_dim3A_2423 = vector.shape_cast %xor3A_2422 : vector<16xi32> to vector<16x1xi32>
      %gather3A_2424 = vector.shape_cast %broadcast_in_dim3A_2423 : vector<16x1xi32> to vector<16xi32>
      %gather3A_2425 = tpu.dynamic_gather %get3A_2414[%gather3A_2424] in [0] : vector<16xf32>, vector<16xi32> -> vector<16xf32>
      %max3A_2426 = arith.maximumf %get3A_2414, %gather3A_2425 : vector<16xf32>
      %xor3A_2427 = arith.constant 2 : i32
      %xor3A_2428 = vector.broadcast %xor3A_2427 : i32 to vector<16xi32>
      %xor3A_2429 = arith.xori %iota3A, %xor3A_2428 : vector<16xi32>
      %broadcast_in_dim3A_2430 = vector.shape_cast %xor3A_2429 : vector<16xi32> to vector<16x1xi32>
      %gather3A_2431 = vector.shape_cast %broadcast_in_dim3A_2430 : vector<16x1xi32> to vector<16xi32>
      %gather3A_2432 = tpu.dynamic_gather %max3A_2426[%gather3A_2431] in [0] : vector<16xf32>, vector<16xi32> -> vector<16xf32>
      %max3A_2433 = arith.maximumf %max3A_2426, %gather3A_2432 : vector<16xf32>
      %xor3A_2434 = arith.constant 4 : i32
      %xor3A_2435 = vector.broadcast %xor3A_2434 : i32 to vector<16xi32>
      %xor3A_2436 = arith.xori %iota3A, %xor3A_2435 : vector<16xi32>
      %broadcast_in_dim3A_2437 = vector.shape_cast %xor3A_2436 : vector<16xi32> to vector<16x1xi32>
      %gather3A_2438 = vector.shape_cast %broadcast_in_dim3A_2437 : vector<16x1xi32> to vector<16xi32>
      %gather3A_2439 = tpu.dynamic_gather %max3A_2433[%gather3A_2438] in [0] : vector<16xf32>, vector<16xi32> -> vector<16xf32>
      %max3A_2440 = arith.maximumf %max3A_2433, %gather3A_2439 : vector<16xf32>
      %xor3A_2441 = arith.constant 8 : i32
      %xor3A_2442 = vector.broadcast %xor3A_2441 : i32 to vector<16xi32>
      %xor3A_2443 = arith.xori %iota3A, %xor3A_2442 : vector<16xi32>
      %broadcast_in_dim3A_2444 = vector.shape_cast %xor3A_2443 : vector<16xi32> to vector<16x1xi32>
      %gather3A_2445 = vector.shape_cast %broadcast_in_dim3A_2444 : vector<16x1xi32> to vector<16xi32>
      %gather3A_2446 = tpu.dynamic_gather %max3A_2440[%gather3A_2445] in [0] : vector<16xf32>, vector<16xi32> -> vector<16xf32>
      %max3A_2447 = arith.maximumf %max3A_2440, %gather3A_2446 : vector<16xf32>
      %eq3A_2448 = arith.cmpf oeq, %get3A_2414, %max3A_2447 : vector<16xf32>
      %broadcast_in_dim3A_2449 = vector.broadcast %scan3A_31 : f32 to vector<16xf32>
      %select_n3A_2450 = arith.select %eq3A_2448, %get3A_2416, %broadcast_in_dim3A_2449 : vector<16xi1>, vector<16xf32>
      %xor3A_2451 = arith.constant 1 : i32
      %xor3A_2452 = vector.broadcast %xor3A_2451 : i32 to vector<16xi32>
      %xor3A_2453 = arith.xori %iota3A, %xor3A_2452 : vector<16xi32>
      %broadcast_in_dim3A_2454 = vector.shape_cast %xor3A_2453 : vector<16xi32> to vector<16x1xi32>
      %gather3A_2455 = vector.shape_cast %broadcast_in_dim3A_2454 : vector<16x1xi32> to vector<16xi32>
      %gather3A_2456 = tpu.dynamic_gather %select_n3A_2450[%gather3A_2455] in [0] : vector<16xf32>, vector<16xi32> -> vector<16xf32>
      %min3A_2457 = arith.minimumf %select_n3A_2450, %gather3A_2456 : vector<16xf32>
      %xor3A_2458 = arith.constant 2 : i32
      %xor3A_2459 = vector.broadcast %xor3A_2458 : i32 to vector<16xi32>
      %xor3A_2460 = arith.xori %iota3A, %xor3A_2459 : vector<16xi32>
      %broadcast_in_dim3A_2461 = vector.shape_cast %xor3A_2460 : vector<16xi32> to vector<16x1xi32>
      %gather3A_2462 = vector.shape_cast %broadcast_in_dim3A_2461 : vector<16x1xi32> to vector<16xi32>
      %gather3A_2463 = tpu.dynamic_gather %min3A_2457[%gather3A_2462] in [0] : vector<16xf32>, vector<16xi32> -> vector<16xf32>
      %min3A_2464 = arith.minimumf %min3A_2457, %gather3A_2463 : vector<16xf32>
      %xor3A_2465 = arith.constant 4 : i32
      %xor3A_2466 = vector.broadcast %xor3A_2465 : i32 to vector<16xi32>
      %xor3A_2467 = arith.xori %iota3A, %xor3A_2466 : vector<16xi32>
      %broadcast_in_dim3A_2468 = vector.shape_cast %xor3A_2467 : vector<16xi32> to vector<16x1xi32>
      %gather3A_2469 = vector.shape_cast %broadcast_in_dim3A_2468 : vector<16x1xi32> to vector<16xi32>
      %gather3A_2470 = tpu.dynamic_gather %min3A_2464[%gather3A_2469] in [0] : vector<16xf32>, vector<16xi32> -> vector<16xf32>
      %min3A_2471 = arith.minimumf %min3A_2464, %gather3A_2470 : vector<16xf32>
      %xor3A_2472 = arith.constant 8 : i32
      %xor3A_2473 = vector.broadcast %xor3A_2472 : i32 to vector<16xi32>
      %xor3A_2474 = arith.xori %iota3A, %xor3A_2473 : vector<16xi32>
      %broadcast_in_dim3A_2475 = vector.shape_cast %xor3A_2474 : vector<16xi32> to vector<16x1xi32>
      %gather3A_2476 = vector.shape_cast %broadcast_in_dim3A_2475 : vector<16x1xi32> to vector<16xi32>
      %gather3A_2477 = tpu.dynamic_gather %min3A_2471[%gather3A_2476] in [0] : vector<16xf32>, vector<16xi32> -> vector<16xf32>
      %min3A_2478 = arith.minimumf %min3A_2471, %gather3A_2477 : vector<16xf32>
      %eq3A_2479 = arith.cmpf oeq, %get3A_2416, %min3A_2478 : vector<16xf32>
      %and3A_2480 = arith.andi %eq3A_2448, %eq3A_2479 : vector<16xi1>
      %jit3A_2481 = arith.constant 0x4B800000 : f32
      %broadcast_in_dim3A_2482 = vector.broadcast %jit3A_2481 : f32 to vector<16xf32>
      %select_n3A_2483 = arith.select %and3A_2480, %get3A_2418, %broadcast_in_dim3A_2482 : vector<16xi1>, vector<16xf32>
      %xor3A_2484 = arith.constant 1 : i32
      %xor3A_2485 = vector.broadcast %xor3A_2484 : i32 to vector<16xi32>
      %xor3A_2486 = arith.xori %iota3A, %xor3A_2485 : vector<16xi32>
      %broadcast_in_dim3A_2487 = vector.shape_cast %xor3A_2486 : vector<16xi32> to vector<16x1xi32>
      %gather3A_2488 = vector.shape_cast %broadcast_in_dim3A_2487 : vector<16x1xi32> to vector<16xi32>
      %gather3A_2489 = tpu.dynamic_gather %select_n3A_2483[%gather3A_2488] in [0] : vector<16xf32>, vector<16xi32> -> vector<16xf32>
      %min3A_2490 = arith.minimumf %select_n3A_2483, %gather3A_2489 : vector<16xf32>
      %xor3A_2491 = arith.constant 2 : i32
      %xor3A_2492 = vector.broadcast %xor3A_2491 : i32 to vector<16xi32>
      %xor3A_2493 = arith.xori %iota3A, %xor3A_2492 : vector<16xi32>
      %broadcast_in_dim3A_2494 = vector.shape_cast %xor3A_2493 : vector<16xi32> to vector<16x1xi32>
      %gather3A_2495 = vector.shape_cast %broadcast_in_dim3A_2494 : vector<16x1xi32> to vector<16xi32>
      %gather3A_2496 = tpu.dynamic_gather %min3A_2490[%gather3A_2495] in [0] : vector<16xf32>, vector<16xi32> -> vector<16xf32>
      %min3A_2497 = arith.minimumf %min3A_2490, %gather3A_2496 : vector<16xf32>
      %xor3A_2498 = arith.constant 4 : i32
      %xor3A_2499 = vector.broadcast %xor3A_2498 : i32 to vector<16xi32>
      %xor3A_2500 = arith.xori %iota3A, %xor3A_2499 : vector<16xi32>
      %broadcast_in_dim3A_2501 = vector.shape_cast %xor3A_2500 : vector<16xi32> to vector<16x1xi32>
      %gather3A_2502 = vector.shape_cast %broadcast_in_dim3A_2501 : vector<16x1xi32> to vector<16xi32>
      %gather3A_2503 = tpu.dynamic_gather %min3A_2497[%gather3A_2502] in [0] : vector<16xf32>, vector<16xi32> -> vector<16xf32>
      %min3A_2504 = arith.minimumf %min3A_2497, %gather3A_2503 : vector<16xf32>
      %xor3A_2505 = arith.constant 8 : i32
      %xor3A_2506 = vector.broadcast %xor3A_2505 : i32 to vector<16xi32>
      %xor3A_2507 = arith.xori %iota3A, %xor3A_2506 : vector<16xi32>
      %broadcast_in_dim3A_2508 = vector.shape_cast %xor3A_2507 : vector<16xi32> to vector<16x1xi32>
      %gather3A_2509 = vector.shape_cast %broadcast_in_dim3A_2508 : vector<16x1xi32> to vector<16xi32>
      %gather3A_2510 = tpu.dynamic_gather %min3A_2504[%gather3A_2509] in [0] : vector<16xf32>, vector<16xi32> -> vector<16xf32>
      %min3A_2511 = arith.minimumf %min3A_2504, %gather3A_2510 : vector<16xf32>
      %eq3A_2512 = arith.cmpf oeq, %get3A_2418, %min3A_2511 : vector<16xf32>
      %and3A_2513 = arith.andi %and3A_2480, %eq3A_2512 : vector<16xi1>
      %jit3A_2514 = arith.constant 0x4B800000 : f32
      %broadcast_in_dim3A_2515 = vector.broadcast %jit3A_2514 : f32 to vector<16xf32>
      %select_n3A_2516 = arith.select %and3A_2513, %convert_element_type3A_2419, %broadcast_in_dim3A_2515 : vector<16xi1>, vector<16xf32>
      %xor3A_2517 = arith.constant 1 : i32
      %xor3A_2518 = vector.broadcast %xor3A_2517 : i32 to vector<16xi32>
      %xor3A_2519 = arith.xori %iota3A, %xor3A_2518 : vector<16xi32>
      %broadcast_in_dim3A_2520 = vector.shape_cast %xor3A_2519 : vector<16xi32> to vector<16x1xi32>
      %gather3A_2521 = vector.shape_cast %broadcast_in_dim3A_2520 : vector<16x1xi32> to vector<16xi32>
      %gather3A_2522 = tpu.dynamic_gather %select_n3A_2516[%gather3A_2521] in [0] : vector<16xf32>, vector<16xi32> -> vector<16xf32>
      %min3A_2523 = arith.minimumf %select_n3A_2516, %gather3A_2522 : vector<16xf32>
      %xor3A_2524 = arith.constant 2 : i32
      %xor3A_2525 = vector.broadcast %xor3A_2524 : i32 to vector<16xi32>
      %xor3A_2526 = arith.xori %iota3A, %xor3A_2525 : vector<16xi32>
      %broadcast_in_dim3A_2527 = vector.shape_cast %xor3A_2526 : vector<16xi32> to vector<16x1xi32>
      %gather3A_2528 = vector.shape_cast %broadcast_in_dim3A_2527 : vector<16x1xi32> to vector<16xi32>
      %gather3A_2529 = tpu.dynamic_gather %min3A_2523[%gather3A_2528] in [0] : vector<16xf32>, vector<16xi32> -> vector<16xf32>
      %min3A_2530 = arith.minimumf %min3A_2523, %gather3A_2529 : vector<16xf32>
      %xor3A_2531 = arith.constant 4 : i32
      %xor3A_2532 = vector.broadcast %xor3A_2531 : i32 to vector<16xi32>
      %xor3A_2533 = arith.xori %iota3A, %xor3A_2532 : vector<16xi32>
      %broadcast_in_dim3A_2534 = vector.shape_cast %xor3A_2533 : vector<16xi32> to vector<16x1xi32>
      %gather3A_2535 = vector.shape_cast %broadcast_in_dim3A_2534 : vector<16x1xi32> to vector<16xi32>
      %gather3A_2536 = tpu.dynamic_gather %min3A_2530[%gather3A_2535] in [0] : vector<16xf32>, vector<16xi32> -> vector<16xf32>
      %min3A_2537 = arith.minimumf %min3A_2530, %gather3A_2536 : vector<16xf32>
      %xor3A_2538 = arith.constant 8 : i32
      %xor3A_2539 = vector.broadcast %xor3A_2538 : i32 to vector<16xi32>
      %xor3A_2540 = arith.xori %iota3A, %xor3A_2539 : vector<16xi32>
      %broadcast_in_dim3A_2541 = vector.shape_cast %xor3A_2540 : vector<16xi32> to vector<16x1xi32>
      %gather3A_2542 = vector.shape_cast %broadcast_in_dim3A_2541 : vector<16x1xi32> to vector<16xi32>
      %gather3A_2543 = tpu.dynamic_gather %min3A_2537[%gather3A_2542] in [0] : vector<16xf32>, vector<16xi32> -> vector<16xf32>
      %min3A_2544 = arith.minimumf %min3A_2537, %gather3A_2543 : vector<16xf32>
      %eq3A_2545 = arith.constant 14 : i32
      %eq3A_2546 = vector.broadcast %eq3A_2545 : i32 to vector<16xi32>
      %eq3A_2547 = arith.cmpi eq, %iota3A, %eq3A_2546 : vector<16xi32>
      %select_n3A_2548 = arith.select %eq3A_2547, %max3A_2447, %select_n3A_2406 : vector<16xi1>, vector<16xf32>
      %select_n3A_2549 = arith.select %eq3A_2547, %min3A_2478, %select_n3A_2407 : vector<16xi1>, vector<16xf32>
      %select_n3A_2550 = arith.select %eq3A_2547, %min3A_2511, %select_n3A_2408 : vector<16xi1>, vector<16xf32>
      %add3A_2551 = arith.constant 2.240000e+02 : f32
      %add3A_2552 = vector.broadcast %add3A_2551 : f32 to vector<16xf32>
      %add3A_2553 = arith.addf %add3A_2552, %min3A_2544 : vector<16xf32>
      %select_n3A_2554 = arith.select %eq3A_2547, %add3A_2553, %select_n3A_2412 : vector<16xi1>, vector<16xf32>
      %get3A_2555 = arith.constant 240 : index
      %get3A_2556 = tpu.vector_load %arg19[%get3A_2555] {strides = array<i32>} : memref<272xf32, #tpu.memory_space<vmem>>, vector<16xf32>,
      %get3A_2557 = arith.constant 240 : index
      %get3A_2558 = tpu.vector_load %arg20[%get3A_2557] {strides = array<i32>} : memref<272xf32, #tpu.memory_space<vmem>>, vector<16xf32>,
      %get3A_2559 = arith.constant 240 : index
      %get3A_2560 = tpu.vector_load %arg18[%get3A_2559] {strides = array<i32>} : memref<272xf32, #tpu.memory_space<vmem>>, vector<16xf32>,
      %convert_element_type3A_2561 = arith.sitofp %iota3A : vector<16xi32> to vector<16xf32>
      %xor3A_2562 = arith.constant 1 : i32
      %xor3A_2563 = vector.broadcast %xor3A_2562 : i32 to vector<16xi32>
      %xor3A_2564 = arith.xori %iota3A, %xor3A_2563 : vector<16xi32>
      %broadcast_in_dim3A_2565 = vector.shape_cast %xor3A_2564 : vector<16xi32> to vector<16x1xi32>
      %gather3A_2566 = vector.shape_cast %broadcast_in_dim3A_2565 : vector<16x1xi32> to vector<16xi32>
      %gather3A_2567 = tpu.dynamic_gather %get3A_2556[%gather3A_2566] in [0] : vector<16xf32>, vector<16xi32> -> vector<16xf32>
      %max3A_2568 = arith.maximumf %get3A_2556, %gather3A_2567 : vector<16xf32>
      %xor3A_2569 = arith.constant 2 : i32
      %xor3A_2570 = vector.broadcast %xor3A_2569 : i32 to vector<16xi32>
      %xor3A_2571 = arith.xori %iota3A, %xor3A_2570 : vector<16xi32>
      %broadcast_in_dim3A_2572 = vector.shape_cast %xor3A_2571 : vector<16xi32> to vector<16x1xi32>
      %gather3A_2573 = vector.shape_cast %broadcast_in_dim3A_2572 : vector<16x1xi32> to vector<16xi32>
      %gather3A_2574 = tpu.dynamic_gather %max3A_2568[%gather3A_2573] in [0] : vector<16xf32>, vector<16xi32> -> vector<16xf32>
      %max3A_2575 = arith.maximumf %max3A_2568, %gather3A_2574 : vector<16xf32>
      %xor3A_2576 = arith.constant 4 : i32
      %xor3A_2577 = vector.broadcast %xor3A_2576 : i32 to vector<16xi32>
      %xor3A_2578 = arith.xori %iota3A, %xor3A_2577 : vector<16xi32>
      %broadcast_in_dim3A_2579 = vector.shape_cast %xor3A_2578 : vector<16xi32> to vector<16x1xi32>
      %gather3A_2580 = vector.shape_cast %broadcast_in_dim3A_2579 : vector<16x1xi32> to vector<16xi32>
      %gather3A_2581 = tpu.dynamic_gather %max3A_2575[%gather3A_2580] in [0] : vector<16xf32>, vector<16xi32> -> vector<16xf32>
      %max3A_2582 = arith.maximumf %max3A_2575, %gather3A_2581 : vector<16xf32>
      %xor3A_2583 = arith.constant 8 : i32
      %xor3A_2584 = vector.broadcast %xor3A_2583 : i32 to vector<16xi32>
      %xor3A_2585 = arith.xori %iota3A, %xor3A_2584 : vector<16xi32>
      %broadcast_in_dim3A_2586 = vector.shape_cast %xor3A_2585 : vector<16xi32> to vector<16x1xi32>
      %gather3A_2587 = vector.shape_cast %broadcast_in_dim3A_2586 : vector<16x1xi32> to vector<16xi32>
      %gather3A_2588 = tpu.dynamic_gather %max3A_2582[%gather3A_2587] in [0] : vector<16xf32>, vector<16xi32> -> vector<16xf32>
      %max3A_2589 = arith.maximumf %max3A_2582, %gather3A_2588 : vector<16xf32>
      %eq3A_2590 = arith.cmpf oeq, %get3A_2556, %max3A_2589 : vector<16xf32>
      %broadcast_in_dim3A_2591 = vector.broadcast %scan3A_31 : f32 to vector<16xf32>
      %select_n3A_2592 = arith.select %eq3A_2590, %get3A_2558, %broadcast_in_dim3A_2591 : vector<16xi1>, vector<16xf32>
      %xor3A_2593 = arith.constant 1 : i32
      %xor3A_2594 = vector.broadcast %xor3A_2593 : i32 to vector<16xi32>
      %xor3A_2595 = arith.xori %iota3A, %xor3A_2594 : vector<16xi32>
      %broadcast_in_dim3A_2596 = vector.shape_cast %xor3A_2595 : vector<16xi32> to vector<16x1xi32>
      %gather3A_2597 = vector.shape_cast %broadcast_in_dim3A_2596 : vector<16x1xi32> to vector<16xi32>
      %gather3A_2598 = tpu.dynamic_gather %select_n3A_2592[%gather3A_2597] in [0] : vector<16xf32>, vector<16xi32> -> vector<16xf32>
      %min3A_2599 = arith.minimumf %select_n3A_2592, %gather3A_2598 : vector<16xf32>
      %xor3A_2600 = arith.constant 2 : i32
      %xor3A_2601 = vector.broadcast %xor3A_2600 : i32 to vector<16xi32>
      %xor3A_2602 = arith.xori %iota3A, %xor3A_2601 : vector<16xi32>
      %broadcast_in_dim3A_2603 = vector.shape_cast %xor3A_2602 : vector<16xi32> to vector<16x1xi32>
      %gather3A_2604 = vector.shape_cast %broadcast_in_dim3A_2603 : vector<16x1xi32> to vector<16xi32>
      %gather3A_2605 = tpu.dynamic_gather %min3A_2599[%gather3A_2604] in [0] : vector<16xf32>, vector<16xi32> -> vector<16xf32>
      %min3A_2606 = arith.minimumf %min3A_2599, %gather3A_2605 : vector<16xf32>
      %xor3A_2607 = arith.constant 4 : i32
      %xor3A_2608 = vector.broadcast %xor3A_2607 : i32 to vector<16xi32>
      %xor3A_2609 = arith.xori %iota3A, %xor3A_2608 : vector<16xi32>
      %broadcast_in_dim3A_2610 = vector.shape_cast %xor3A_2609 : vector<16xi32> to vector<16x1xi32>
      %gather3A_2611 = vector.shape_cast %broadcast_in_dim3A_2610 : vector<16x1xi32> to vector<16xi32>
      %gather3A_2612 = tpu.dynamic_gather %min3A_2606[%gather3A_2611] in [0] : vector<16xf32>, vector<16xi32> -> vector<16xf32>
      %min3A_2613 = arith.minimumf %min3A_2606, %gather3A_2612 : vector<16xf32>
      %xor3A_2614 = arith.constant 8 : i32
      %xor3A_2615 = vector.broadcast %xor3A_2614 : i32 to vector<16xi32>
      %xor3A_2616 = arith.xori %iota3A, %xor3A_2615 : vector<16xi32>
      %broadcast_in_dim3A_2617 = vector.shape_cast %xor3A_2616 : vector<16xi32> to vector<16x1xi32>
      %gather3A_2618 = vector.shape_cast %broadcast_in_dim3A_2617 : vector<16x1xi32> to vector<16xi32>
      %gather3A_2619 = tpu.dynamic_gather %min3A_2613[%gather3A_2618] in [0] : vector<16xf32>, vector<16xi32> -> vector<16xf32>
      %min3A_2620 = arith.minimumf %min3A_2613, %gather3A_2619 : vector<16xf32>
      %eq3A_2621 = arith.cmpf oeq, %get3A_2558, %min3A_2620 : vector<16xf32>
      %and3A_2622 = arith.andi %eq3A_2590, %eq3A_2621 : vector<16xi1>
      %jit3A_2623 = arith.constant 0x4B800000 : f32
      %broadcast_in_dim3A_2624 = vector.broadcast %jit3A_2623 : f32 to vector<16xf32>
      %select_n3A_2625 = arith.select %and3A_2622, %get3A_2560, %broadcast_in_dim3A_2624 : vector<16xi1>, vector<16xf32>
      %xor3A_2626 = arith.constant 1 : i32
      %xor3A_2627 = vector.broadcast %xor3A_2626 : i32 to vector<16xi32>
      %xor3A_2628 = arith.xori %iota3A, %xor3A_2627 : vector<16xi32>
      %broadcast_in_dim3A_2629 = vector.shape_cast %xor3A_2628 : vector<16xi32> to vector<16x1xi32>
      %gather3A_2630 = vector.shape_cast %broadcast_in_dim3A_2629 : vector<16x1xi32> to vector<16xi32>
      %gather3A_2631 = tpu.dynamic_gather %select_n3A_2625[%gather3A_2630] in [0] : vector<16xf32>, vector<16xi32> -> vector<16xf32>
      %min3A_2632 = arith.minimumf %select_n3A_2625, %gather3A_2631 : vector<16xf32>
      %xor3A_2633 = arith.constant 2 : i32
      %xor3A_2634 = vector.broadcast %xor3A_2633 : i32 to vector<16xi32>
      %xor3A_2635 = arith.xori %iota3A, %xor3A_2634 : vector<16xi32>
      %broadcast_in_dim3A_2636 = vector.shape_cast %xor3A_2635 : vector<16xi32> to vector<16x1xi32>
      %gather3A_2637 = vector.shape_cast %broadcast_in_dim3A_2636 : vector<16x1xi32> to vector<16xi32>
      %gather3A_2638 = tpu.dynamic_gather %min3A_2632[%gather3A_2637] in [0] : vector<16xf32>, vector<16xi32> -> vector<16xf32>
      %min3A_2639 = arith.minimumf %min3A_2632, %gather3A_2638 : vector<16xf32>
      %xor3A_2640 = arith.constant 4 : i32
      %xor3A_2641 = vector.broadcast %xor3A_2640 : i32 to vector<16xi32>
      %xor3A_2642 = arith.xori %iota3A, %xor3A_2641 : vector<16xi32>
      %broadcast_in_dim3A_2643 = vector.shape_cast %xor3A_2642 : vector<16xi32> to vector<16x1xi32>
      %gather3A_2644 = vector.shape_cast %broadcast_in_dim3A_2643 : vector<16x1xi32> to vector<16xi32>
      %gather3A_2645 = tpu.dynamic_gather %min3A_2639[%gather3A_2644] in [0] : vector<16xf32>, vector<16xi32> -> vector<16xf32>
      %min3A_2646 = arith.minimumf %min3A_2639, %gather3A_2645 : vector<16xf32>
      %xor3A_2647 = arith.constant 8 : i32
      %xor3A_2648 = vector.broadcast %xor3A_2647 : i32 to vector<16xi32>
      %xor3A_2649 = arith.xori %iota3A, %xor3A_2648 : vector<16xi32>
      %broadcast_in_dim3A_2650 = vector.shape_cast %xor3A_2649 : vector<16xi32> to vector<16x1xi32>
      %gather3A_2651 = vector.shape_cast %broadcast_in_dim3A_2650 : vector<16x1xi32> to vector<16xi32>
      %gather3A_2652 = tpu.dynamic_gather %min3A_2646[%gather3A_2651] in [0] : vector<16xf32>, vector<16xi32> -> vector<16xf32>
      %min3A_2653 = arith.minimumf %min3A_2646, %gather3A_2652 : vector<16xf32>
      %eq3A_2654 = arith.cmpf oeq, %get3A_2560, %min3A_2653 : vector<16xf32>
      %and3A_2655 = arith.andi %and3A_2622, %eq3A_2654 : vector<16xi1>
      %jit3A_2656 = arith.constant 0x4B800000 : f32
      %broadcast_in_dim3A_2657 = vector.broadcast %jit3A_2656 : f32 to vector<16xf32>
      %select_n3A_2658 = arith.select %and3A_2655, %convert_element_type3A_2561, %broadcast_in_dim3A_2657 : vector<16xi1>, vector<16xf32>
      %xor3A_2659 = arith.constant 1 : i32
      %xor3A_2660 = vector.broadcast %xor3A_2659 : i32 to vector<16xi32>
      %xor3A_2661 = arith.xori %iota3A, %xor3A_2660 : vector<16xi32>
      %broadcast_in_dim3A_2662 = vector.shape_cast %xor3A_2661 : vector<16xi32> to vector<16x1xi32>
      %gather3A_2663 = vector.shape_cast %broadcast_in_dim3A_2662 : vector<16x1xi32> to vector<16xi32>
      %gather3A_2664 = tpu.dynamic_gather %select_n3A_2658[%gather3A_2663] in [0] : vector<16xf32>, vector<16xi32> -> vector<16xf32>
      %min3A_2665 = arith.minimumf %select_n3A_2658, %gather3A_2664 : vector<16xf32>
      %xor3A_2666 = arith.constant 2 : i32
      %xor3A_2667 = vector.broadcast %xor3A_2666 : i32 to vector<16xi32>
      %xor3A_2668 = arith.xori %iota3A, %xor3A_2667 : vector<16xi32>
      %broadcast_in_dim3A_2669 = vector.shape_cast %xor3A_2668 : vector<16xi32> to vector<16x1xi32>
      %gather3A_2670 = vector.shape_cast %broadcast_in_dim3A_2669 : vector<16x1xi32> to vector<16xi32>
      %gather3A_2671 = tpu.dynamic_gather %min3A_2665[%gather3A_2670] in [0] : vector<16xf32>, vector<16xi32> -> vector<16xf32>
      %min3A_2672 = arith.minimumf %min3A_2665, %gather3A_2671 : vector<16xf32>
      %xor3A_2673 = arith.constant 4 : i32
      %xor3A_2674 = vector.broadcast %xor3A_2673 : i32 to vector<16xi32>
      %xor3A_2675 = arith.xori %iota3A, %xor3A_2674 : vector<16xi32>
      %broadcast_in_dim3A_2676 = vector.shape_cast %xor3A_2675 : vector<16xi32> to vector<16x1xi32>
      %gather3A_2677 = vector.shape_cast %broadcast_in_dim3A_2676 : vector<16x1xi32> to vector<16xi32>
      %gather3A_2678 = tpu.dynamic_gather %min3A_2672[%gather3A_2677] in [0] : vector<16xf32>, vector<16xi32> -> vector<16xf32>
      %min3A_2679 = arith.minimumf %min3A_2672, %gather3A_2678 : vector<16xf32>
      %xor3A_2680 = arith.constant 8 : i32
      %xor3A_2681 = vector.broadcast %xor3A_2680 : i32 to vector<16xi32>
      %xor3A_2682 = arith.xori %iota3A, %xor3A_2681 : vector<16xi32>
      %broadcast_in_dim3A_2683 = vector.shape_cast %xor3A_2682 : vector<16xi32> to vector<16x1xi32>
      %gather3A_2684 = vector.shape_cast %broadcast_in_dim3A_2683 : vector<16x1xi32> to vector<16xi32>
      %gather3A_2685 = tpu.dynamic_gather %min3A_2679[%gather3A_2684] in [0] : vector<16xf32>, vector<16xi32> -> vector<16xf32>
      %min3A_2686 = arith.minimumf %min3A_2679, %gather3A_2685 : vector<16xf32>
      %eq3A_2687 = arith.constant 15 : i32
      %eq3A_2688 = vector.broadcast %eq3A_2687 : i32 to vector<16xi32>
      %eq3A_2689 = arith.cmpi eq, %iota3A, %eq3A_2688 : vector<16xi32>
      %select_n3A_2690 = arith.select %eq3A_2689, %max3A_2589, %select_n3A_2548 : vector<16xi1>, vector<16xf32>
      %select_n3A_2691 = arith.select %eq3A_2689, %min3A_2620, %select_n3A_2549 : vector<16xi1>, vector<16xf32>
      %select_n3A_2692 = arith.select %eq3A_2689, %min3A_2653, %select_n3A_2550 : vector<16xi1>, vector<16xf32>
      %add3A_2693 = arith.constant 2.400000e+02 : f32
      %add3A_2694 = vector.broadcast %add3A_2693 : f32 to vector<16xf32>
      %add3A_2695 = arith.addf %add3A_2694, %min3A_2686 : vector<16xf32>
      %select_n3A_2696 = arith.select %eq3A_2689, %add3A_2695, %select_n3A_2554 : vector<16xi1>, vector<16xf32>
      %scan3A_2697 = arith.constant 0 : i32
      %scan3A_2698 = arith.constant 64 : i32
      %scan3A_2699 = arith.addi %scan3A_2697, %scan3A_2698 : i32
      %scan3A_2700 = arith.constant 1 : i32
      %scan3A_2701:4 = scf.for %scan3A_2822 = %scan3A_2697 to %scan3A_2699 step %scan3A_2700 iter_args(%scan3A_2823 = %select_n3A_2690, %scan3A_2824 = %select_n3A_2691, %scan3A_2825 = %select_n3A_2692, %scan3A_2826 = %select_n3A_2696) -> (vector<16xf32>, vector<16xf32>, vector<16xf32>, vector<16xf32>)  : i32 {
        %xor3A_2827 = arith.constant 1 : i32
        %xor3A_2828 = vector.broadcast %xor3A_2827 : i32 to vector<16xi32>
        %xor3A_2829 = arith.xori %iota3A, %xor3A_2828 : vector<16xi32>
        %broadcast_in_dim3A_2830 = vector.shape_cast %xor3A_2829 : vector<16xi32> to vector<16x1xi32>
        %gather3A_2831 = vector.shape_cast %broadcast_in_dim3A_2830 : vector<16x1xi32> to vector<16xi32>
        %gather3A_2832 = tpu.dynamic_gather %scan3A_2823[%gather3A_2831] in [0] : vector<16xf32>, vector<16xi32> -> vector<16xf32>
        %max3A_2833 = arith.maximumf %scan3A_2823, %gather3A_2832 : vector<16xf32>
        %xor3A_2834 = arith.constant 2 : i32
        %xor3A_2835 = vector.broadcast %xor3A_2834 : i32 to vector<16xi32>
        %xor3A_2836 = arith.xori %iota3A, %xor3A_2835 : vector<16xi32>
        %broadcast_in_dim3A_2837 = vector.shape_cast %xor3A_2836 : vector<16xi32> to vector<16x1xi32>
        %gather3A_2838 = vector.shape_cast %broadcast_in_dim3A_2837 : vector<16x1xi32> to vector<16xi32>
        %gather3A_2839 = tpu.dynamic_gather %max3A_2833[%gather3A_2838] in [0] : vector<16xf32>, vector<16xi32> -> vector<16xf32>
        %max3A_2840 = arith.maximumf %max3A_2833, %gather3A_2839 : vector<16xf32>
        %xor3A_2841 = arith.constant 4 : i32
        %xor3A_2842 = vector.broadcast %xor3A_2841 : i32 to vector<16xi32>
        %xor3A_2843 = arith.xori %iota3A, %xor3A_2842 : vector<16xi32>
        %broadcast_in_dim3A_2844 = vector.shape_cast %xor3A_2843 : vector<16xi32> to vector<16x1xi32>
        %gather3A_2845 = vector.shape_cast %broadcast_in_dim3A_2844 : vector<16x1xi32> to vector<16xi32>
        %gather3A_2846 = tpu.dynamic_gather %max3A_2840[%gather3A_2845] in [0] : vector<16xf32>, vector<16xi32> -> vector<16xf32>
        %max3A_2847 = arith.maximumf %max3A_2840, %gather3A_2846 : vector<16xf32>
        %xor3A_2848 = arith.constant 8 : i32
        %xor3A_2849 = vector.broadcast %xor3A_2848 : i32 to vector<16xi32>
        %xor3A_2850 = arith.xori %iota3A, %xor3A_2849 : vector<16xi32>
        %broadcast_in_dim3A_2851 = vector.shape_cast %xor3A_2850 : vector<16xi32> to vector<16x1xi32>
        %gather3A_2852 = vector.shape_cast %broadcast_in_dim3A_2851 : vector<16x1xi32> to vector<16xi32>
        %gather3A_2853 = tpu.dynamic_gather %max3A_2847[%gather3A_2852] in [0] : vector<16xf32>, vector<16xi32> -> vector<16xf32>
        %max3A_2854 = arith.maximumf %max3A_2847, %gather3A_2853 : vector<16xf32>
        %eq3A_2855 = arith.cmpf oeq, %scan3A_2823, %max3A_2854 : vector<16xf32>
        %broadcast_in_dim3A_2856 = vector.broadcast %scan3A_31 : f32 to vector<16xf32>
        %select_n3A_2857 = arith.select %eq3A_2855, %scan3A_2824, %broadcast_in_dim3A_2856 : vector<16xi1>, vector<16xf32>
        %xor3A_2858 = arith.constant 1 : i32
        %xor3A_2859 = vector.broadcast %xor3A_2858 : i32 to vector<16xi32>
        %xor3A_2860 = arith.xori %iota3A, %xor3A_2859 : vector<16xi32>
        %broadcast_in_dim3A_2861 = vector.shape_cast %xor3A_2860 : vector<16xi32> to vector<16x1xi32>
        %gather3A_2862 = vector.shape_cast %broadcast_in_dim3A_2861 : vector<16x1xi32> to vector<16xi32>
        %gather3A_2863 = tpu.dynamic_gather %select_n3A_2857[%gather3A_2862] in [0] : vector<16xf32>, vector<16xi32> -> vector<16xf32>
        %min3A_2864 = arith.minimumf %select_n3A_2857, %gather3A_2863 : vector<16xf32>
        %xor3A_2865 = arith.constant 2 : i32
        %xor3A_2866 = vector.broadcast %xor3A_2865 : i32 to vector<16xi32>
        %xor3A_2867 = arith.xori %iota3A, %xor3A_2866 : vector<16xi32>
        %broadcast_in_dim3A_2868 = vector.shape_cast %xor3A_2867 : vector<16xi32> to vector<16x1xi32>
        %gather3A_2869 = vector.shape_cast %broadcast_in_dim3A_2868 : vector<16x1xi32> to vector<16xi32>
        %gather3A_2870 = tpu.dynamic_gather %min3A_2864[%gather3A_2869] in [0] : vector<16xf32>, vector<16xi32> -> vector<16xf32>
        %min3A_2871 = arith.minimumf %min3A_2864, %gather3A_2870 : vector<16xf32>
        %xor3A_2872 = arith.constant 4 : i32
        %xor3A_2873 = vector.broadcast %xor3A_2872 : i32 to vector<16xi32>
        %xor3A_2874 = arith.xori %iota3A, %xor3A_2873 : vector<16xi32>
        %broadcast_in_dim3A_2875 = vector.shape_cast %xor3A_2874 : vector<16xi32> to vector<16x1xi32>
        %gather3A_2876 = vector.shape_cast %broadcast_in_dim3A_2875 : vector<16x1xi32> to vector<16xi32>
        %gather3A_2877 = tpu.dynamic_gather %min3A_2871[%gather3A_2876] in [0] : vector<16xf32>, vector<16xi32> -> vector<16xf32>
        %min3A_2878 = arith.minimumf %min3A_2871, %gather3A_2877 : vector<16xf32>
        %xor3A_2879 = arith.constant 8 : i32
        %xor3A_2880 = vector.broadcast %xor3A_2879 : i32 to vector<16xi32>
        %xor3A_2881 = arith.xori %iota3A, %xor3A_2880 : vector<16xi32>
        %broadcast_in_dim3A_2882 = vector.shape_cast %xor3A_2881 : vector<16xi32> to vector<16x1xi32>
        %gather3A_2883 = vector.shape_cast %broadcast_in_dim3A_2882 : vector<16x1xi32> to vector<16xi32>
        %gather3A_2884 = tpu.dynamic_gather %min3A_2878[%gather3A_2883] in [0] : vector<16xf32>, vector<16xi32> -> vector<16xf32>
        %min3A_2885 = arith.minimumf %min3A_2878, %gather3A_2884 : vector<16xf32>
        %eq3A_2886 = arith.cmpf oeq, %scan3A_2824, %min3A_2885 : vector<16xf32>
        %and3A_2887 = arith.andi %eq3A_2855, %eq3A_2886 : vector<16xi1>
        %jit3A_2888 = arith.constant 0x4B800000 : f32
        %broadcast_in_dim3A_2889 = vector.broadcast %jit3A_2888 : f32 to vector<16xf32>
        %select_n3A_2890 = arith.select %and3A_2887, %scan3A_2825, %broadcast_in_dim3A_2889 : vector<16xi1>, vector<16xf32>
        %xor3A_2891 = arith.constant 1 : i32
        %xor3A_2892 = vector.broadcast %xor3A_2891 : i32 to vector<16xi32>
        %xor3A_2893 = arith.xori %iota3A, %xor3A_2892 : vector<16xi32>
        %broadcast_in_dim3A_2894 = vector.shape_cast %xor3A_2893 : vector<16xi32> to vector<16x1xi32>
        %gather3A_2895 = vector.shape_cast %broadcast_in_dim3A_2894 : vector<16x1xi32> to vector<16xi32>
        %gather3A_2896 = tpu.dynamic_gather %select_n3A_2890[%gather3A_2895] in [0] : vector<16xf32>, vector<16xi32> -> vector<16xf32>
        %min3A_2897 = arith.minimumf %select_n3A_2890, %gather3A_2896 : vector<16xf32>
        %xor3A_2898 = arith.constant 2 : i32
        %xor3A_2899 = vector.broadcast %xor3A_2898 : i32 to vector<16xi32>
        %xor3A_2900 = arith.xori %iota3A, %xor3A_2899 : vector<16xi32>
        %broadcast_in_dim3A_2901 = vector.shape_cast %xor3A_2900 : vector<16xi32> to vector<16x1xi32>
        %gather3A_2902 = vector.shape_cast %broadcast_in_dim3A_2901 : vector<16x1xi32> to vector<16xi32>
        %gather3A_2903 = tpu.dynamic_gather %min3A_2897[%gather3A_2902] in [0] : vector<16xf32>, vector<16xi32> -> vector<16xf32>
        %min3A_2904 = arith.minimumf %min3A_2897, %gather3A_2903 : vector<16xf32>
        %xor3A_2905 = arith.constant 4 : i32
        %xor3A_2906 = vector.broadcast %xor3A_2905 : i32 to vector<16xi32>
        %xor3A_2907 = arith.xori %iota3A, %xor3A_2906 : vector<16xi32>
        %broadcast_in_dim3A_2908 = vector.shape_cast %xor3A_2907 : vector<16xi32> to vector<16x1xi32>
        %gather3A_2909 = vector.shape_cast %broadcast_in_dim3A_2908 : vector<16x1xi32> to vector<16xi32>
        %gather3A_2910 = tpu.dynamic_gather %min3A_2904[%gather3A_2909] in [0] : vector<16xf32>, vector<16xi32> -> vector<16xf32>
        %min3A_2911 = arith.minimumf %min3A_2904, %gather3A_2910 : vector<16xf32>
        %xor3A_2912 = arith.constant 8 : i32
        %xor3A_2913 = vector.broadcast %xor3A_2912 : i32 to vector<16xi32>
        %xor3A_2914 = arith.xori %iota3A, %xor3A_2913 : vector<16xi32>
        %broadcast_in_dim3A_2915 = vector.shape_cast %xor3A_2914 : vector<16xi32> to vector<16x1xi32>
        %gather3A_2916 = vector.shape_cast %broadcast_in_dim3A_2915 : vector<16x1xi32> to vector<16xi32>
        %gather3A_2917 = tpu.dynamic_gather %min3A_2911[%gather3A_2916] in [0] : vector<16xf32>, vector<16xi32> -> vector<16xf32>
        %min3A_2918 = arith.minimumf %min3A_2911, %gather3A_2917 : vector<16xf32>
        %eq3A_2919 = arith.cmpf oeq, %scan3A_2825, %min3A_2918 : vector<16xf32>
        %and3A_2920 = arith.andi %and3A_2887, %eq3A_2919 : vector<16xi1>
        %convert_element_type3A_2921 = arith.sitofp %iota3A : vector<16xi32> to vector<16xf32>
        %jit3A_2922 = arith.constant 0x4B800000 : f32
        %broadcast_in_dim3A_2923 = vector.broadcast %jit3A_2922 : f32 to vector<16xf32>
        %select_n3A_2924 = arith.select %and3A_2920, %convert_element_type3A_2921, %broadcast_in_dim3A_2923 : vector<16xi1>, vector<16xf32>
        %xor3A_2925 = arith.constant 1 : i32
        %xor3A_2926 = vector.broadcast %xor3A_2925 : i32 to vector<16xi32>
        %xor3A_2927 = arith.xori %iota3A, %xor3A_2926 : vector<16xi32>
        %broadcast_in_dim3A_2928 = vector.shape_cast %xor3A_2927 : vector<16xi32> to vector<16x1xi32>
        %gather3A_2929 = vector.shape_cast %broadcast_in_dim3A_2928 : vector<16x1xi32> to vector<16xi32>
        %gather3A_2930 = tpu.dynamic_gather %select_n3A_2924[%gather3A_2929] in [0] : vector<16xf32>, vector<16xi32> -> vector<16xf32>
        %min3A_2931 = arith.minimumf %select_n3A_2924, %gather3A_2930 : vector<16xf32>
        %xor3A_2932 = arith.constant 2 : i32
        %xor3A_2933 = vector.broadcast %xor3A_2932 : i32 to vector<16xi32>
        %xor3A_2934 = arith.xori %iota3A, %xor3A_2933 : vector<16xi32>
        %broadcast_in_dim3A_2935 = vector.shape_cast %xor3A_2934 : vector<16xi32> to vector<16x1xi32>
        %gather3A_2936 = vector.shape_cast %broadcast_in_dim3A_2935 : vector<16x1xi32> to vector<16xi32>
        %gather3A_2937 = tpu.dynamic_gather %min3A_2931[%gather3A_2936] in [0] : vector<16xf32>, vector<16xi32> -> vector<16xf32>
        %min3A_2938 = arith.minimumf %min3A_2931, %gather3A_2937 : vector<16xf32>
        %xor3A_2939 = arith.constant 4 : i32
        %xor3A_2940 = vector.broadcast %xor3A_2939 : i32 to vector<16xi32>
        %xor3A_2941 = arith.xori %iota3A, %xor3A_2940 : vector<16xi32>
        %broadcast_in_dim3A_2942 = vector.shape_cast %xor3A_2941 : vector<16xi32> to vector<16x1xi32>
        %gather3A_2943 = vector.shape_cast %broadcast_in_dim3A_2942 : vector<16x1xi32> to vector<16xi32>
        %gather3A_2944 = tpu.dynamic_gather %min3A_2938[%gather3A_2943] in [0] : vector<16xf32>, vector<16xi32> -> vector<16xf32>
        %min3A_2945 = arith.minimumf %min3A_2938, %gather3A_2944 : vector<16xf32>
        %xor3A_2946 = arith.constant 8 : i32
        %xor3A_2947 = vector.broadcast %xor3A_2946 : i32 to vector<16xi32>
        %xor3A_2948 = arith.xori %iota3A, %xor3A_2947 : vector<16xi32>
        %broadcast_in_dim3A_2949 = vector.shape_cast %xor3A_2948 : vector<16xi32> to vector<16x1xi32>
        %gather3A_2950 = vector.shape_cast %broadcast_in_dim3A_2949 : vector<16x1xi32> to vector<16xi32>
        %gather3A_2951 = tpu.dynamic_gather %min3A_2945[%gather3A_2950] in [0] : vector<16xf32>, vector<16xi32> -> vector<16xf32>
        %min3A_2952 = arith.minimumf %min3A_2945, %gather3A_2951 : vector<16xf32>
        %jit3A_2953 = arith.constant 0x4B800000 : f32
        %broadcast_in_dim3A_2954 = vector.broadcast %jit3A_2953 : f32 to vector<16xf32>
        %select_n3A_2955 = arith.select %and3A_2920, %scan3A_2826, %broadcast_in_dim3A_2954 : vector<16xi1>, vector<16xf32>
        %xor3A_2956 = arith.constant 1 : i32
        %xor3A_2957 = vector.broadcast %xor3A_2956 : i32 to vector<16xi32>
        %xor3A_2958 = arith.xori %iota3A, %xor3A_2957 : vector<16xi32>
        %broadcast_in_dim3A_2959 = vector.shape_cast %xor3A_2958 : vector<16xi32> to vector<16x1xi32>
        %gather3A_2960 = vector.shape_cast %broadcast_in_dim3A_2959 : vector<16x1xi32> to vector<16xi32>
        %gather3A_2961 = tpu.dynamic_gather %select_n3A_2955[%gather3A_2960] in [0] : vector<16xf32>, vector<16xi32> -> vector<16xf32>
        %min3A_2962 = arith.minimumf %select_n3A_2955, %gather3A_2961 : vector<16xf32>
        %xor3A_2963 = arith.constant 2 : i32
        %xor3A_2964 = vector.broadcast %xor3A_2963 : i32 to vector<16xi32>
        %xor3A_2965 = arith.xori %iota3A, %xor3A_2964 : vector<16xi32>
        %broadcast_in_dim3A_2966 = vector.shape_cast %xor3A_2965 : vector<16xi32> to vector<16x1xi32>
        %gather3A_2967 = vector.shape_cast %broadcast_in_dim3A_2966 : vector<16x1xi32> to vector<16xi32>
        %gather3A_2968 = tpu.dynamic_gather %min3A_2962[%gather3A_2967] in [0] : vector<16xf32>, vector<16xi32> -> vector<16xf32>
        %min3A_2969 = arith.minimumf %min3A_2962, %gather3A_2968 : vector<16xf32>
        %xor3A_2970 = arith.constant 4 : i32
        %xor3A_2971 = vector.broadcast %xor3A_2970 : i32 to vector<16xi32>
        %xor3A_2972 = arith.xori %iota3A, %xor3A_2971 : vector<16xi32>
        %broadcast_in_dim3A_2973 = vector.shape_cast %xor3A_2972 : vector<16xi32> to vector<16x1xi32>
        %gather3A_2974 = vector.shape_cast %broadcast_in_dim3A_2973 : vector<16x1xi32> to vector<16xi32>
        %gather3A_2975 = tpu.dynamic_gather %min3A_2969[%gather3A_2974] in [0] : vector<16xf32>, vector<16xi32> -> vector<16xf32>
        %min3A_2976 = arith.minimumf %min3A_2969, %gather3A_2975 : vector<16xf32>
        %xor3A_2977 = arith.constant 8 : i32
        %xor3A_2978 = vector.broadcast %xor3A_2977 : i32 to vector<16xi32>
        %xor3A_2979 = arith.xori %iota3A, %xor3A_2978 : vector<16xi32>
        %broadcast_in_dim3A_2980 = vector.shape_cast %xor3A_2979 : vector<16xi32> to vector<16x1xi32>
        %gather3A_2981 = vector.shape_cast %broadcast_in_dim3A_2980 : vector<16x1xi32> to vector<16xi32>
        %gather3A_2982 = tpu.dynamic_gather %min3A_2976[%gather3A_2981] in [0] : vector<16xf32>, vector<16xi32> -> vector<16xf32>
        %min3A_2983 = arith.minimumf %min3A_2976, %gather3A_2982 : vector<16xf32>
        %convert_element_type3A_2984 = arith.fptosi %min3A_2952 : vector<16xf32> to vector<16xi32>
        %convert_element_type3A_2985 = arith.fptosi %min3A_2983 : vector<16xf32> to vector<16xi32>
        %eq3A_2986 = arith.constant 0 : i32
        %eq3A_2987 = vector.broadcast %eq3A_2986 : i32 to vector<16xi32>
        %eq3A_2988 = arith.cmpi eq, %iota3A, %eq3A_2987 : vector<16xi32>
        %broadcast_in_dim3A_2989 = vector.broadcast %scan3A_2822 : i32 to vector<16xi32>
        %convert_element_type3A_2990 = arith.fptosi %min3A_2918 : vector<16xf32> to vector<16xi32>
        tpu.vector_store_idx %arg21[%broadcast_in_dim3A_2989], %convert_element_type3A_2990 masked %eq3A_2988 : memref<64xi32, #tpu.memory_space<vmem>>[vector<16xi32>], vector<16xi32>, vector<16xi1>
        %broadcast_in_dim3A_2991 = vector.broadcast %scan3A : f32 to vector<16xf32>
        tpu.vector_store_idx %arg19[%convert_element_type3A_2985], %broadcast_in_dim3A_2991 masked %eq3A_2988 : memref<272xf32, #tpu.memory_space<vmem>>[vector<16xi32>], vector<16xf32>, vector<16xi1>
        %mul3A_2992 = arith.constant 16 : i32
        %mul3A_2993 = vector.broadcast %mul3A_2992 : i32 to vector<16xi32>
        %mul3A_2994 = arith.muli %convert_element_type3A_2984, %mul3A_2993 : vector<16xi32>
        %add3A_2995 = arith.addi %mul3A_2994, %iota3A : vector<16xi32>
        %gather3A_2996 = tpu.vector_load_idx %arg19[%add3A_2995] : memref<272xf32, #tpu.memory_space<vmem>>[vector<16xi32>], vector<16xf32>,
        %gather3A_2997 = tpu.vector_load_idx %arg20[%add3A_2995] : memref<272xf32, #tpu.memory_space<vmem>>[vector<16xi32>], vector<16xf32>,
        %gather3A_2998 = tpu.vector_load_idx %arg18[%add3A_2995] : memref<272xf32, #tpu.memory_space<vmem>>[vector<16xi32>], vector<16xf32>,
        %convert_element_type3A_2999 = arith.sitofp %iota3A : vector<16xi32> to vector<16xf32>
        %xor3A_3000 = arith.constant 1 : i32
        %xor3A_3001 = vector.broadcast %xor3A_3000 : i32 to vector<16xi32>
        %xor3A_3002 = arith.xori %iota3A, %xor3A_3001 : vector<16xi32>
        %broadcast_in_dim3A_3003 = vector.shape_cast %xor3A_3002 : vector<16xi32> to vector<16x1xi32>
        %gather3A_3004 = vector.shape_cast %broadcast_in_dim3A_3003 : vector<16x1xi32> to vector<16xi32>
        %gather3A_3005 = tpu.dynamic_gather %gather3A_2996[%gather3A_3004] in [0] : vector<16xf32>, vector<16xi32> -> vector<16xf32>
        %max3A_3006 = arith.maximumf %gather3A_2996, %gather3A_3005 : vector<16xf32>
        %xor3A_3007 = arith.constant 2 : i32
        %xor3A_3008 = vector.broadcast %xor3A_3007 : i32 to vector<16xi32>
        %xor3A_3009 = arith.xori %iota3A, %xor3A_3008 : vector<16xi32>
        %broadcast_in_dim3A_3010 = vector.shape_cast %xor3A_3009 : vector<16xi32> to vector<16x1xi32>
        %gather3A_3011 = vector.shape_cast %broadcast_in_dim3A_3010 : vector<16x1xi32> to vector<16xi32>
        %gather3A_3012 = tpu.dynamic_gather %max3A_3006[%gather3A_3011] in [0] : vector<16xf32>, vector<16xi32> -> vector<16xf32>
        %max3A_3013 = arith.maximumf %max3A_3006, %gather3A_3012 : vector<16xf32>
        %xor3A_3014 = arith.constant 4 : i32
        %xor3A_3015 = vector.broadcast %xor3A_3014 : i32 to vector<16xi32>
        %xor3A_3016 = arith.xori %iota3A, %xor3A_3015 : vector<16xi32>
        %broadcast_in_dim3A_3017 = vector.shape_cast %xor3A_3016 : vector<16xi32> to vector<16x1xi32>
        %gather3A_3018 = vector.shape_cast %broadcast_in_dim3A_3017 : vector<16x1xi32> to vector<16xi32>
        %gather3A_3019 = tpu.dynamic_gather %max3A_3013[%gather3A_3018] in [0] : vector<16xf32>, vector<16xi32> -> vector<16xf32>
        %max3A_3020 = arith.maximumf %max3A_3013, %gather3A_3019 : vector<16xf32>
        %xor3A_3021 = arith.constant 8 : i32
        %xor3A_3022 = vector.broadcast %xor3A_3021 : i32 to vector<16xi32>
        %xor3A_3023 = arith.xori %iota3A, %xor3A_3022 : vector<16xi32>
        %broadcast_in_dim3A_3024 = vector.shape_cast %xor3A_3023 : vector<16xi32> to vector<16x1xi32>
        %gather3A_3025 = vector.shape_cast %broadcast_in_dim3A_3024 : vector<16x1xi32> to vector<16xi32>
        %gather3A_3026 = tpu.dynamic_gather %max3A_3020[%gather3A_3025] in [0] : vector<16xf32>, vector<16xi32> -> vector<16xf32>
        %max3A_3027 = arith.maximumf %max3A_3020, %gather3A_3026 : vector<16xf32>
        %eq3A_3028 = arith.cmpf oeq, %gather3A_2996, %max3A_3027 : vector<16xf32>
        %broadcast_in_dim3A_3029 = vector.broadcast %scan3A_31 : f32 to vector<16xf32>
        %select_n3A_3030 = arith.select %eq3A_3028, %gather3A_2997, %broadcast_in_dim3A_3029 : vector<16xi1>, vector<16xf32>
        %xor3A_3031 = arith.constant 1 : i32
        %xor3A_3032 = vector.broadcast %xor3A_3031 : i32 to vector<16xi32>
        %xor3A_3033 = arith.xori %iota3A, %xor3A_3032 : vector<16xi32>
        %broadcast_in_dim3A_3034 = vector.shape_cast %xor3A_3033 : vector<16xi32> to vector<16x1xi32>
        %gather3A_3035 = vector.shape_cast %broadcast_in_dim3A_3034 : vector<16x1xi32> to vector<16xi32>
        %gather3A_3036 = tpu.dynamic_gather %select_n3A_3030[%gather3A_3035] in [0] : vector<16xf32>, vector<16xi32> -> vector<16xf32>
        %min3A_3037 = arith.minimumf %select_n3A_3030, %gather3A_3036 : vector<16xf32>
        %xor3A_3038 = arith.constant 2 : i32
        %xor3A_3039 = vector.broadcast %xor3A_3038 : i32 to vector<16xi32>
        %xor3A_3040 = arith.xori %iota3A, %xor3A_3039 : vector<16xi32>
        %broadcast_in_dim3A_3041 = vector.shape_cast %xor3A_3040 : vector<16xi32> to vector<16x1xi32>
        %gather3A_3042 = vector.shape_cast %broadcast_in_dim3A_3041 : vector<16x1xi32> to vector<16xi32>
        %gather3A_3043 = tpu.dynamic_gather %min3A_3037[%gather3A_3042] in [0] : vector<16xf32>, vector<16xi32> -> vector<16xf32>
        %min3A_3044 = arith.minimumf %min3A_3037, %gather3A_3043 : vector<16xf32>
        %xor3A_3045 = arith.constant 4 : i32
        %xor3A_3046 = vector.broadcast %xor3A_3045 : i32 to vector<16xi32>
        %xor3A_3047 = arith.xori %iota3A, %xor3A_3046 : vector<16xi32>
        %broadcast_in_dim3A_3048 = vector.shape_cast %xor3A_3047 : vector<16xi32> to vector<16x1xi32>
        %gather3A_3049 = vector.shape_cast %broadcast_in_dim3A_3048 : vector<16x1xi32> to vector<16xi32>
        %gather3A_3050 = tpu.dynamic_gather %min3A_3044[%gather3A_3049] in [0] : vector<16xf32>, vector<16xi32> -> vector<16xf32>
        %min3A_3051 = arith.minimumf %min3A_3044, %gather3A_3050 : vector<16xf32>
        %xor3A_3052 = arith.constant 8 : i32
        %xor3A_3053 = vector.broadcast %xor3A_3052 : i32 to vector<16xi32>
        %xor3A_3054 = arith.xori %iota3A, %xor3A_3053 : vector<16xi32>
        %broadcast_in_dim3A_3055 = vector.shape_cast %xor3A_3054 : vector<16xi32> to vector<16x1xi32>
        %gather3A_3056 = vector.shape_cast %broadcast_in_dim3A_3055 : vector<16x1xi32> to vector<16xi32>
        %gather3A_3057 = tpu.dynamic_gather %min3A_3051[%gather3A_3056] in [0] : vector<16xf32>, vector<16xi32> -> vector<16xf32>
        %min3A_3058 = arith.minimumf %min3A_3051, %gather3A_3057 : vector<16xf32>
        %eq3A_3059 = arith.cmpf oeq, %gather3A_2997, %min3A_3058 : vector<16xf32>
        %and3A_3060 = arith.andi %eq3A_3028, %eq3A_3059 : vector<16xi1>
        %jit3A_3061 = arith.constant 0x4B800000 : f32
        %broadcast_in_dim3A_3062 = vector.broadcast %jit3A_3061 : f32 to vector<16xf32>
        %select_n3A_3063 = arith.select %and3A_3060, %gather3A_2998, %broadcast_in_dim3A_3062 : vector<16xi1>, vector<16xf32>
        %xor3A_3064 = arith.constant 1 : i32
        %xor3A_3065 = vector.broadcast %xor3A_3064 : i32 to vector<16xi32>
        %xor3A_3066 = arith.xori %iota3A, %xor3A_3065 : vector<16xi32>
        %broadcast_in_dim3A_3067 = vector.shape_cast %xor3A_3066 : vector<16xi32> to vector<16x1xi32>
        %gather3A_3068 = vector.shape_cast %broadcast_in_dim3A_3067 : vector<16x1xi32> to vector<16xi32>
        %gather3A_3069 = tpu.dynamic_gather %select_n3A_3063[%gather3A_3068] in [0] : vector<16xf32>, vector<16xi32> -> vector<16xf32>
        %min3A_3070 = arith.minimumf %select_n3A_3063, %gather3A_3069 : vector<16xf32>
        %xor3A_3071 = arith.constant 2 : i32
        %xor3A_3072 = vector.broadcast %xor3A_3071 : i32 to vector<16xi32>
        %xor3A_3073 = arith.xori %iota3A, %xor3A_3072 : vector<16xi32>
        %broadcast_in_dim3A_3074 = vector.shape_cast %xor3A_3073 : vector<16xi32> to vector<16x1xi32>
        %gather3A_3075 = vector.shape_cast %broadcast_in_dim3A_3074 : vector<16x1xi32> to vector<16xi32>
        %gather3A_3076 = tpu.dynamic_gather %min3A_3070[%gather3A_3075] in [0] : vector<16xf32>, vector<16xi32> -> vector<16xf32>
        %min3A_3077 = arith.minimumf %min3A_3070, %gather3A_3076 : vector<16xf32>
        %xor3A_3078 = arith.constant 4 : i32
        %xor3A_3079 = vector.broadcast %xor3A_3078 : i32 to vector<16xi32>
        %xor3A_3080 = arith.xori %iota3A, %xor3A_3079 : vector<16xi32>
        %broadcast_in_dim3A_3081 = vector.shape_cast %xor3A_3080 : vector<16xi32> to vector<16x1xi32>
        %gather3A_3082 = vector.shape_cast %broadcast_in_dim3A_3081 : vector<16x1xi32> to vector<16xi32>
        %gather3A_3083 = tpu.dynamic_gather %min3A_3077[%gather3A_3082] in [0] : vector<16xf32>, vector<16xi32> -> vector<16xf32>
        %min3A_3084 = arith.minimumf %min3A_3077, %gather3A_3083 : vector<16xf32>
        %xor3A_3085 = arith.constant 8 : i32
        %xor3A_3086 = vector.broadcast %xor3A_3085 : i32 to vector<16xi32>
        %xor3A_3087 = arith.xori %iota3A, %xor3A_3086 : vector<16xi32>
        %broadcast_in_dim3A_3088 = vector.shape_cast %xor3A_3087 : vector<16xi32> to vector<16x1xi32>
        %gather3A_3089 = vector.shape_cast %broadcast_in_dim3A_3088 : vector<16x1xi32> to vector<16xi32>
        %gather3A_3090 = tpu.dynamic_gather %min3A_3084[%gather3A_3089] in [0] : vector<16xf32>, vector<16xi32> -> vector<16xf32>
        %min3A_3091 = arith.minimumf %min3A_3084, %gather3A_3090 : vector<16xf32>
        %eq3A_3092 = arith.cmpf oeq, %gather3A_2998, %min3A_3091 : vector<16xf32>
        %and3A_3093 = arith.andi %and3A_3060, %eq3A_3092 : vector<16xi1>
        %jit3A_3094 = arith.constant 0x4B800000 : f32
        %broadcast_in_dim3A_3095 = vector.broadcast %jit3A_3094 : f32 to vector<16xf32>
        %select_n3A_3096 = arith.select %and3A_3093, %convert_element_type3A_2999, %broadcast_in_dim3A_3095 : vector<16xi1>, vector<16xf32>
        %xor3A_3097 = arith.constant 1 : i32
        %xor3A_3098 = vector.broadcast %xor3A_3097 : i32 to vector<16xi32>
        %xor3A_3099 = arith.xori %iota3A, %xor3A_3098 : vector<16xi32>
        %broadcast_in_dim3A_3100 = vector.shape_cast %xor3A_3099 : vector<16xi32> to vector<16x1xi32>
        %gather3A_3101 = vector.shape_cast %broadcast_in_dim3A_3100 : vector<16x1xi32> to vector<16xi32>
        %gather3A_3102 = tpu.dynamic_gather %select_n3A_3096[%gather3A_3101] in [0] : vector<16xf32>, vector<16xi32> -> vector<16xf32>
        %min3A_3103 = arith.minimumf %select_n3A_3096, %gather3A_3102 : vector<16xf32>
        %xor3A_3104 = arith.constant 2 : i32
        %xor3A_3105 = vector.broadcast %xor3A_3104 : i32 to vector<16xi32>
        %xor3A_3106 = arith.xori %iota3A, %xor3A_3105 : vector<16xi32>
        %broadcast_in_dim3A_3107 = vector.shape_cast %xor3A_3106 : vector<16xi32> to vector<16x1xi32>
        %gather3A_3108 = vector.shape_cast %broadcast_in_dim3A_3107 : vector<16x1xi32> to vector<16xi32>
        %gather3A_3109 = tpu.dynamic_gather %min3A_3103[%gather3A_3108] in [0] : vector<16xf32>, vector<16xi32> -> vector<16xf32>
        %min3A_3110 = arith.minimumf %min3A_3103, %gather3A_3109 : vector<16xf32>
        %xor3A_3111 = arith.constant 4 : i32
        %xor3A_3112 = vector.broadcast %xor3A_3111 : i32 to vector<16xi32>
        %xor3A_3113 = arith.xori %iota3A, %xor3A_3112 : vector<16xi32>
        %broadcast_in_dim3A_3114 = vector.shape_cast %xor3A_3113 : vector<16xi32> to vector<16x1xi32>
        %gather3A_3115 = vector.shape_cast %broadcast_in_dim3A_3114 : vector<16x1xi32> to vector<16xi32>
        %gather3A_3116 = tpu.dynamic_gather %min3A_3110[%gather3A_3115] in [0] : vector<16xf32>, vector<16xi32> -> vector<16xf32>
        %min3A_3117 = arith.minimumf %min3A_3110, %gather3A_3116 : vector<16xf32>
        %xor3A_3118 = arith.constant 8 : i32
        %xor3A_3119 = vector.broadcast %xor3A_3118 : i32 to vector<16xi32>
        %xor3A_3120 = arith.xori %iota3A, %xor3A_3119 : vector<16xi32>
        %broadcast_in_dim3A_3121 = vector.shape_cast %xor3A_3120 : vector<16xi32> to vector<16x1xi32>
        %gather3A_3122 = vector.shape_cast %broadcast_in_dim3A_3121 : vector<16x1xi32> to vector<16xi32>
        %gather3A_3123 = tpu.dynamic_gather %min3A_3117[%gather3A_3122] in [0] : vector<16xf32>, vector<16xi32> -> vector<16xf32>
        %min3A_3124 = arith.minimumf %min3A_3117, %gather3A_3123 : vector<16xf32>
        %eq3A_3125 = arith.cmpi eq, %iota3A, %convert_element_type3A_2984 : vector<16xi32>
        %select_n3A_3126 = arith.select %eq3A_3125, %max3A_3027, %scan3A_2823 : vector<16xi1>, vector<16xf32>
        %select_n3A_3127 = arith.select %eq3A_3125, %min3A_3058, %scan3A_2824 : vector<16xi1>, vector<16xf32>
        %select_n3A_3128 = arith.select %eq3A_3125, %min3A_3091, %scan3A_2825 : vector<16xi1>, vector<16xf32>
        %mul3A_3129 = arith.constant 1.600000e+01 : f32
        %mul3A_3130 = vector.broadcast %mul3A_3129 : f32 to vector<16xf32>
        %mul3A_3131 = arith.mulf %min3A_2952, %mul3A_3130 : vector<16xf32>
        %add3A_3132 = arith.addf %mul3A_3131, %min3A_3124 : vector<16xf32>
        %select_n3A_3133 = arith.select %eq3A_3125, %add3A_3132, %scan3A_2826 : vector<16xi1>, vector<16xf32>
        scf.yield %select_n3A_3126, %select_n3A_3127, %select_n3A_3128, %select_n3A_3133 : vector<16xf32>, vector<16xf32>, vector<16xf32>, vector<16xf32>
      }
      %scan3A_2702 = arith.constant 64 : i32
      %gt3A = arith.constant 0 : i32
      %gt3A_2703 = arith.cmpi sgt, %scan3A_48, %gt3A : i32
      %convert_element_type3A_2704 = arith.extui %gt3A_2703 : i1 to i32
      %cond3A_2705 = arith.constant 0 : i32
      %cond3A_2706 = arith.cmpi ne, %convert_element_type3A_2704, %cond3A_2705 : i32
      scf.if %cond3A_2706 {
        %sub3A_2822 = arith.constant 1 : i32
        %sub3A_2823 = arith.subi %add3A_50, %sub3A_2822 : i32
        %dma_wait3A_2824 = arith.constant 0 : i32
        %dma_wait3A_2825 = tpu.memref_slice %arg5[%select_n3A, %sub3A_2823, %dma_wait3A_2824] : memref<4x256x256xf32, #tpu.memory_space<hbm>> -> memref<1x1x256xf32, #tpu.memory_space<hbm>>
        %dma_wait3A_2826 = tpu.memref_squeeze %dma_wait3A_2825 : memref<1x1x256xf32, #tpu.memory_space<hbm>> -> memref<256xf32, #tpu.memory_space<hbm>>
        %dma_wait3A_2827 = arith.constant 0 : i32
        %dma_wait3A_2828 = tpu.memref_slice %arg5[%select_n3A, %sub3A_2823, %dma_wait3A_2827] : memref<4x256x256xf32, #tpu.memory_space<hbm>> -> memref<1x1x256xf32, #tpu.memory_space<hbm>>
        %dma_wait3A_2829 = tpu.memref_squeeze %dma_wait3A_2828 : memref<1x1x256xf32, #tpu.memory_space<hbm>> -> memref<256xf32, #tpu.memory_space<hbm>>
        tpu.wait_dma2 semaphore(%arg24 : memref<!tpu.dma_semaphore, #tpu.memory_space<semaphore_mem>>) src(%arg22 : memref<256xf32, #tpu.memory_space<vmem>>) dst(%dma_wait3A_2829 : memref<256xf32, #tpu.memory_space<hbm>>)
      } else {
      }
      %get3A_2707 = arith.constant 0 : index
      %get3A_2708 = tpu.vector_load %arg21[%get3A_2707] {strides = array<i32>} : memref<64xi32, #tpu.memory_space<vmem>>, vector<16xi32>,
      %gather3A_2709 = tpu.vector_load_idx %arg6[%get3A_2708] : memref<16384xf32, #tpu.memory_space<vmem>>[vector<16xi32>], vector<16xf32>,
      %sub3A_2710 = vector.broadcast %reduce_max3A_66 : f32 to vector<16xf32>
      %sub3A_2711 = arith.subf %gather3A_2709, %sub3A_2710 : vector<16xf32>
      %gather3A_2712 = tpu.vector_load_idx %arg7[%get3A_2708] : memref<16384xf32, #tpu.memory_space<vmem>>[vector<16xi32>], vector<16xf32>,
      %sub3A_2713 = vector.broadcast %reduce_max3A_75 : f32 to vector<16xf32>
      %sub3A_2714 = arith.subf %gather3A_2712, %sub3A_2713 : vector<16xf32>
      %gather3A_2715 = tpu.vector_load_idx %arg8[%get3A_2708] : memref<16384xf32, #tpu.memory_space<vmem>>[vector<16xi32>], vector<16xf32>,
      %sub3A_2716 = vector.broadcast %reduce_max3A_84 : f32 to vector<16xf32>
      %sub3A_2717 = arith.subf %gather3A_2715, %sub3A_2716 : vector<16xf32>
      %gather3A_2718 = tpu.vector_load_idx %arg9[%get3A_2708] : memref<16384xf32, #tpu.memory_space<vmem>>[vector<16xi32>], vector<16xf32>,
      %mul3A_2719 = arith.constant 4 : i32
      %mul3A_2720 = vector.broadcast %mul3A_2719 : i32 to vector<16xi32>
      %mul3A_2721 = arith.muli %iota3A, %mul3A_2720 : vector<16xi32>
      %add3A_2722 = arith.constant 0 : i32
      %add3A_2723 = vector.broadcast %add3A_2722 : i32 to vector<16xi32>
      %add3A_2724 = arith.addi %add3A_2723, %mul3A_2721 : vector<16xi32>
      tpu.vector_store_idx %arg22[%add3A_2724], %sub3A_2711 : memref<256xf32, #tpu.memory_space<vmem>>[vector<16xi32>], vector<16xf32>,
      %add3A_2725 = arith.constant 1 : i32
      %add3A_2726 = vector.broadcast %add3A_2725 : i32 to vector<16xi32>
      %add3A_2727 = arith.addi %add3A_2724, %add3A_2726 : vector<16xi32>
      tpu.vector_store_idx %arg22[%add3A_2727], %sub3A_2714 : memref<256xf32, #tpu.memory_space<vmem>>[vector<16xi32>], vector<16xf32>,
      %add3A_2728 = arith.constant 2 : i32
      %add3A_2729 = vector.broadcast %add3A_2728 : i32 to vector<16xi32>
      %add3A_2730 = arith.addi %add3A_2724, %add3A_2729 : vector<16xi32>
      tpu.vector_store_idx %arg22[%add3A_2730], %sub3A_2717 : memref<256xf32, #tpu.memory_space<vmem>>[vector<16xi32>], vector<16xf32>,
      %add3A_2731 = arith.constant 3 : i32
      %add3A_2732 = vector.broadcast %add3A_2731 : i32 to vector<16xi32>
      %add3A_2733 = arith.addi %add3A_2724, %add3A_2732 : vector<16xi32>
      tpu.vector_store_idx %arg22[%add3A_2733], %gather3A_2718 : memref<256xf32, #tpu.memory_space<vmem>>[vector<16xi32>], vector<16xf32>,
      %get3A_2734 = arith.constant 16 : index
      %get3A_2735 = tpu.vector_load %arg21[%get3A_2734] {strides = array<i32>} : memref<64xi32, #tpu.memory_space<vmem>>, vector<16xi32>,
      %gather3A_2736 = tpu.vector_load_idx %arg6[%get3A_2735] : memref<16384xf32, #tpu.memory_space<vmem>>[vector<16xi32>], vector<16xf32>,
      %sub3A_2737 = vector.broadcast %reduce_max3A_66 : f32 to vector<16xf32>
      %sub3A_2738 = arith.subf %gather3A_2736, %sub3A_2737 : vector<16xf32>
      %gather3A_2739 = tpu.vector_load_idx %arg7[%get3A_2735] : memref<16384xf32, #tpu.memory_space<vmem>>[vector<16xi32>], vector<16xf32>,
      %sub3A_2740 = vector.broadcast %reduce_max3A_75 : f32 to vector<16xf32>
      %sub3A_2741 = arith.subf %gather3A_2739, %sub3A_2740 : vector<16xf32>
      %gather3A_2742 = tpu.vector_load_idx %arg8[%get3A_2735] : memref<16384xf32, #tpu.memory_space<vmem>>[vector<16xi32>], vector<16xf32>,
      %sub3A_2743 = vector.broadcast %reduce_max3A_84 : f32 to vector<16xf32>
      %sub3A_2744 = arith.subf %gather3A_2742, %sub3A_2743 : vector<16xf32>
      %gather3A_2745 = tpu.vector_load_idx %arg9[%get3A_2735] : memref<16384xf32, #tpu.memory_space<vmem>>[vector<16xi32>], vector<16xf32>,
      %mul3A_2746 = arith.constant 4 : i32
      %mul3A_2747 = vector.broadcast %mul3A_2746 : i32 to vector<16xi32>
      %mul3A_2748 = arith.muli %iota3A, %mul3A_2747 : vector<16xi32>
      %add3A_2749 = arith.constant 64 : i32
      %add3A_2750 = vector.broadcast %add3A_2749 : i32 to vector<16xi32>
      %add3A_2751 = arith.addi %add3A_2750, %mul3A_2748 : vector<16xi32>
      tpu.vector_store_idx %arg22[%add3A_2751], %sub3A_2738 : memref<256xf32, #tpu.memory_space<vmem>>[vector<16xi32>], vector<16xf32>,
      %add3A_2752 = arith.constant 1 : i32
      %add3A_2753 = vector.broadcast %add3A_2752 : i32 to vector<16xi32>
      %add3A_2754 = arith.addi %add3A_2751, %add3A_2753 : vector<16xi32>
      tpu.vector_store_idx %arg22[%add3A_2754], %sub3A_2741 : memref<256xf32, #tpu.memory_space<vmem>>[vector<16xi32>], vector<16xf32>,
      %add3A_2755 = arith.constant 2 : i32
      %add3A_2756 = vector.broadcast %add3A_2755 : i32 to vector<16xi32>
      %add3A_2757 = arith.addi %add3A_2751, %add3A_2756 : vector<16xi32>
      tpu.vector_store_idx %arg22[%add3A_2757], %sub3A_2744 : memref<256xf32, #tpu.memory_space<vmem>>[vector<16xi32>], vector<16xf32>,
      %add3A_2758 = arith.constant 3 : i32
      %add3A_2759 = vector.broadcast %add3A_2758 : i32 to vector<16xi32>
      %add3A_2760 = arith.addi %add3A_2751, %add3A_2759 : vector<16xi32>
      tpu.vector_store_idx %arg22[%add3A_2760], %gather3A_2745 : memref<256xf32, #tpu.memory_space<vmem>>[vector<16xi32>], vector<16xf32>,
      %get3A_2761 = arith.constant 32 : index
      %get3A_2762 = tpu.vector_load %arg21[%get3A_2761] {strides = array<i32>} : memref<64xi32, #tpu.memory_space<vmem>>, vector<16xi32>,
      %gather3A_2763 = tpu.vector_load_idx %arg6[%get3A_2762] : memref<16384xf32, #tpu.memory_space<vmem>>[vector<16xi32>], vector<16xf32>,
      %sub3A_2764 = vector.broadcast %reduce_max3A_66 : f32 to vector<16xf32>
      %sub3A_2765 = arith.subf %gather3A_2763, %sub3A_2764 : vector<16xf32>
      %gather3A_2766 = tpu.vector_load_idx %arg7[%get3A_2762] : memref<16384xf32, #tpu.memory_space<vmem>>[vector<16xi32>], vector<16xf32>,
      %sub3A_2767 = vector.broadcast %reduce_max3A_75 : f32 to vector<16xf32>
      %sub3A_2768 = arith.subf %gather3A_2766, %sub3A_2767 : vector<16xf32>
      %gather3A_2769 = tpu.vector_load_idx %arg8[%get3A_2762] : memref<16384xf32, #tpu.memory_space<vmem>>[vector<16xi32>], vector<16xf32>,
      %sub3A_2770 = vector.broadcast %reduce_max3A_84 : f32 to vector<16xf32>
      %sub3A_2771 = arith.subf %gather3A_2769, %sub3A_2770 : vector<16xf32>
      %gather3A_2772 = tpu.vector_load_idx %arg9[%get3A_2762] : memref<16384xf32, #tpu.memory_space<vmem>>[vector<16xi32>], vector<16xf32>,
      %mul3A_2773 = arith.constant 4 : i32
      %mul3A_2774 = vector.broadcast %mul3A_2773 : i32 to vector<16xi32>
      %mul3A_2775 = arith.muli %iota3A, %mul3A_2774 : vector<16xi32>
      %add3A_2776 = arith.constant 128 : i32
      %add3A_2777 = vector.broadcast %add3A_2776 : i32 to vector<16xi32>
      %add3A_2778 = arith.addi %add3A_2777, %mul3A_2775 : vector<16xi32>
      tpu.vector_store_idx %arg22[%add3A_2778], %sub3A_2765 : memref<256xf32, #tpu.memory_space<vmem>>[vector<16xi32>], vector<16xf32>,
      %add3A_2779 = arith.constant 1 : i32
      %add3A_2780 = vector.broadcast %add3A_2779 : i32 to vector<16xi32>
      %add3A_2781 = arith.addi %add3A_2778, %add3A_2780 : vector<16xi32>
      tpu.vector_store_idx %arg22[%add3A_2781], %sub3A_2768 : memref<256xf32, #tpu.memory_space<vmem>>[vector<16xi32>], vector<16xf32>,
      %add3A_2782 = arith.constant 2 : i32
      %add3A_2783 = vector.broadcast %add3A_2782 : i32 to vector<16xi32>
      %add3A_2784 = arith.addi %add3A_2778, %add3A_2783 : vector<16xi32>
      tpu.vector_store_idx %arg22[%add3A_2784], %sub3A_2771 : memref<256xf32, #tpu.memory_space<vmem>>[vector<16xi32>], vector<16xf32>,
      %add3A_2785 = arith.constant 3 : i32
      %add3A_2786 = vector.broadcast %add3A_2785 : i32 to vector<16xi32>
      %add3A_2787 = arith.addi %add3A_2778, %add3A_2786 : vector<16xi32>
      tpu.vector_store_idx %arg22[%add3A_2787], %gather3A_2772 : memref<256xf32, #tpu.memory_space<vmem>>[vector<16xi32>], vector<16xf32>,
      %get3A_2788 = arith.constant 48 : index
      %get3A_2789 = tpu.vector_load %arg21[%get3A_2788] {strides = array<i32>} : memref<64xi32, #tpu.memory_space<vmem>>, vector<16xi32>,
      %gather3A_2790 = tpu.vector_load_idx %arg6[%get3A_2789] : memref<16384xf32, #tpu.memory_space<vmem>>[vector<16xi32>], vector<16xf32>,
      %sub3A_2791 = vector.broadcast %reduce_max3A_66 : f32 to vector<16xf32>
      %sub3A_2792 = arith.subf %gather3A_2790, %sub3A_2791 : vector<16xf32>
      %gather3A_2793 = tpu.vector_load_idx %arg7[%get3A_2789] : memref<16384xf32, #tpu.memory_space<vmem>>[vector<16xi32>], vector<16xf32>,
      %sub3A_2794 = vector.broadcast %reduce_max3A_75 : f32 to vector<16xf32>
      %sub3A_2795 = arith.subf %gather3A_2793, %sub3A_2794 : vector<16xf32>
      %gather3A_2796 = tpu.vector_load_idx %arg8[%get3A_2789] : memref<16384xf32, #tpu.memory_space<vmem>>[vector<16xi32>], vector<16xf32>,
      %sub3A_2797 = vector.broadcast %reduce_max3A_84 : f32 to vector<16xf32>
      %sub3A_2798 = arith.subf %gather3A_2796, %sub3A_2797 : vector<16xf32>
      %gather3A_2799 = tpu.vector_load_idx %arg9[%get3A_2789] : memref<16384xf32, #tpu.memory_space<vmem>>[vector<16xi32>], vector<16xf32>,
      %mul3A_2800 = arith.constant 4 : i32
      %mul3A_2801 = vector.broadcast %mul3A_2800 : i32 to vector<16xi32>
      %mul3A_2802 = arith.muli %iota3A, %mul3A_2801 : vector<16xi32>
      %add3A_2803 = arith.constant 192 : i32
      %add3A_2804 = vector.broadcast %add3A_2803 : i32 to vector<16xi32>
      %add3A_2805 = arith.addi %add3A_2804, %mul3A_2802 : vector<16xi32>
      tpu.vector_store_idx %arg22[%add3A_2805], %sub3A_2792 : memref<256xf32, #tpu.memory_space<vmem>>[vector<16xi32>], vector<16xf32>,
      %add3A_2806 = arith.constant 1 : i32
      %add3A_2807 = vector.broadcast %add3A_2806 : i32 to vector<16xi32>
      %add3A_2808 = arith.addi %add3A_2805, %add3A_2807 : vector<16xi32>
      tpu.vector_store_idx %arg22[%add3A_2808], %sub3A_2795 : memref<256xf32, #tpu.memory_space<vmem>>[vector<16xi32>], vector<16xf32>,
      %add3A_2809 = arith.constant 2 : i32
      %add3A_2810 = vector.broadcast %add3A_2809 : i32 to vector<16xi32>
      %add3A_2811 = arith.addi %add3A_2805, %add3A_2810 : vector<16xi32>
      tpu.vector_store_idx %arg22[%add3A_2811], %sub3A_2798 : memref<256xf32, #tpu.memory_space<vmem>>[vector<16xi32>], vector<16xf32>,
      %add3A_2812 = arith.constant 3 : i32
      %add3A_2813 = vector.broadcast %add3A_2812 : i32 to vector<16xi32>
      %add3A_2814 = arith.addi %add3A_2805, %add3A_2813 : vector<16xi32>
      tpu.vector_store_idx %arg22[%add3A_2814], %gather3A_2799 : memref<256xf32, #tpu.memory_space<vmem>>[vector<16xi32>], vector<16xf32>,
      %dma_start3A_2815 = arith.constant 0 : i32
      %dma_start3A_2816 = tpu.memref_slice %arg5[%select_n3A, %add3A_50, %dma_start3A_2815] : memref<4x256x256xf32, #tpu.memory_space<hbm>> -> memref<1x1x256xf32, #tpu.memory_space<hbm>>
      %dma_start3A_2817 = tpu.memref_squeeze %dma_start3A_2816 : memref<1x1x256xf32, #tpu.memory_space<hbm>> -> memref<256xf32, #tpu.memory_space<hbm>>
      %dma_start3A_2818 = arith.constant 0 : i32
      %dma_start3A_2819 = tpu.memref_slice %arg5[%select_n3A, %add3A_50, %dma_start3A_2818] : memref<4x256x256xf32, #tpu.memory_space<hbm>> -> memref<1x1x256xf32, #tpu.memory_space<hbm>>
      %dma_start3A_2820 = tpu.memref_squeeze %dma_start3A_2819 : memref<1x1x256xf32, #tpu.memory_space<hbm>> -> memref<256xf32, #tpu.memory_space<hbm>>
      tpu.enqueue_dma source(%arg22 : memref<256xf32, #tpu.memory_space<vmem>>) target(%dma_start3A_2820 : memref<256xf32, #tpu.memory_space<hbm>>) target_semaphore(%arg24 : memref<!tpu.dma_semaphore, #tpu.memory_space<semaphore_mem>>)
      %scan3A_2821 = arith.constant 0 : i32
      scf.yield %scan3A_2821 : i32
    }
    %scan3A_38 = arith.constant 32 : i32
    %add3A_39 = arith.constant 32 : i32
    %add3A_40 = arith.addi %mul3A_25, %add3A_39 : i32
    %sub3A_41 = arith.constant 1 : i32
    %sub3A_42 = arith.subi %add3A_40, %sub3A_41 : i32
    %dma_wait3A = arith.constant 0 : i32
    %dma_wait3A_43 = tpu.memref_slice %arg5[%select_n3A, %sub3A_42, %dma_wait3A] : memref<4x256x256xf32, #tpu.memory_space<hbm>> -> memref<1x1x256xf32, #tpu.memory_space<hbm>>
    %dma_wait3A_44 = tpu.memref_squeeze %dma_wait3A_43 : memref<1x1x256xf32, #tpu.memory_space<hbm>> -> memref<256xf32, #tpu.memory_space<hbm>>
    %dma_wait3A_45 = arith.constant 0 : i32
    %dma_wait3A_46 = tpu.memref_slice %arg5[%select_n3A, %sub3A_42, %dma_wait3A_45] : memref<4x256x256xf32, #tpu.memory_space<hbm>> -> memref<1x1x256xf32, #tpu.memory_space<hbm>>
    %dma_wait3A_47 = tpu.memref_squeeze %dma_wait3A_46 : memref<1x1x256xf32, #tpu.memory_space<hbm>> -> memref<256xf32, #tpu.memory_space<hbm>>
    tpu.wait_dma2 semaphore(%arg24 : memref<!tpu.dma_semaphore, #tpu.memory_space<semaphore_mem>>) src(%arg22 : memref<256xf32, #tpu.memory_space<vmem>>) dst(%dma_wait3A_47 : memref<256xf32, #tpu.memory_space<hbm>>)
    return
  }
}

module attributes {stable_mosaic.version = 14 : i64} {
  func.func @_fps_body(%arg0: i32, %arg1: memref<4x128x128xf32, #tpu.memory_space<vmem>>, %arg2: memref<4x128x128xf32, #tpu.memory_space<vmem>>, %arg3: memref<4x128x128xf32, #tpu.memory_space<vmem>>, %arg4: memref<4x128xi32, #tpu.memory_space<vmem>>, %arg5: memref<4x256x128xf32, #tpu.memory_space<vmem>>, %arg6: memref<4x1x128x128xf32, #tpu.memory_space<vmem>>, %arg7: memref<4x128x128xf32, #tpu.memory_space<vmem>>, %arg8: memref<4x128xi32, #tpu.memory_space<vmem>>) attributes {dimension_semantics = [#tpu.dimension_semantics<arbitrary>], iteration_bounds = array<i64: 256>, scalar_prefetch = 0 : i64, scratch_operands = 2 : i64, tpu.core_type = #tpu.core_type<tc>, window_params = [{pipeline_mode = #tpu.pipeline_mode<synchronous>, transform_indices = @transform_0, window_bounds = array<i64: 4, 128, 128>}, {pipeline_mode = #tpu.pipeline_mode<synchronous>, transform_indices = @transform_1, window_bounds = array<i64: 4, 128, 128>}, {pipeline_mode = #tpu.pipeline_mode<synchronous>, transform_indices = @transform_2, window_bounds = array<i64: 4, 128, 128>}, {pipeline_mode = #tpu.pipeline_mode<synchronous>, transform_indices = @transform_3, window_bounds = array<i64: 4, 128>}, {pipeline_mode = #tpu.pipeline_mode<synchronous>, transform_indices = @transform_4, window_bounds = array<i64: 4, 256, 128>}, {transform_indices = @transform_5, window_bounds = array<i64: 4, 1, 128, 128>}]} {
    %get3A = arith.constant 0 : index
    %get3A_0 = arith.constant 0 : index
    %get3A_1 = arith.constant 0 : index
    %get3A_2 = vector.load %arg1[%get3A, %get3A_0, %get3A_1] : memref<4x128x128xf32, #tpu.memory_space<vmem>>, vector<4x128x128xf32>
    %get3A_3 = arith.constant 0 : index
    %get3A_4 = arith.constant 0 : index
    %get3A_5 = arith.constant 0 : index
    %get3A_6 = vector.load %arg2[%get3A_3, %get3A_4, %get3A_5] : memref<4x128x128xf32, #tpu.memory_space<vmem>>, vector<4x128x128xf32>
    %get3A_7 = arith.constant 0 : index
    %get3A_8 = arith.constant 0 : index
    %get3A_9 = arith.constant 0 : index
    %get3A_10 = vector.load %arg3[%get3A_7, %get3A_8, %get3A_9] : memref<4x128x128xf32, #tpu.memory_space<vmem>>, vector<4x128x128xf32>
    %get3A_11 = arith.constant 0 : index
    %get3A_12 = arith.constant 0 : index
    %get3A_13 = vector.load %arg4[%get3A_11, %get3A_12] : memref<4x128xi32, #tpu.memory_space<vmem>>, vector<4x128xi32>
    %slice3A = vector.extract_strided_slice %get3A_13 {offsets = [0, 0], sizes = [4, 1], strides = [1, 1]} : vector<4x128xi32> to vector<4x1xi32>
    %broadcast_in_dim3A = vector.shape_cast %slice3A : vector<4x1xi32> to vector<4x1x1xi32>
    %iota3A = tpu.iota {dimensions = array<i32: 0>} : vector<128x128xi32>
    %iota3A_14 = tpu.iota {dimensions = array<i32: 1>} : vector<128x128xi32>
    %mul3A = arith.constant 128 : i32
    %mul3A_15 = vector.broadcast %mul3A : i32 to vector<128x128xi32>
    %mul3A_16 = arith.muli %iota3A, %mul3A_15 : vector<128x128xi32>
    %add3A = arith.addi %mul3A_16, %iota3A_14 : vector<128x128xi32>
    %broadcast_in_dim3A_17 = vector.shape_cast %add3A : vector<128x128xi32> to vector<1x128x128xi32>
    %lt3A = vector.broadcast %broadcast_in_dim3A_17 : vector<1x128x128xi32> to vector<4x128x128xi32>
    %lt3A_18 = vector.broadcast %broadcast_in_dim3A : vector<4x1x1xi32> to vector<4x128x128xi32>
    %lt3A_19 = arith.cmpi slt, %lt3A, %lt3A_18 : vector<4x128x128xi32>
    %iota3A_20 = tpu.iota {dimensions = array<i32: 2>} : vector<4x1x128xi32>
    %eq3A = arith.constant 0 : i32
    %eq3A_21 = arith.cmpi eq, %arg0, %eq3A : i32
    %convert_element_type3A = arith.extui %eq3A_21 : i1 to i32
    %cond3A = arith.constant 0xFF800000 : f32
    %cond3A_22 = arith.constant 0 : i32
    %cond3A_23 = arith.cmpi ne, %convert_element_type3A, %cond3A_22 : i32
    scf.if %cond3A_23 {
      %jit3A_117 = arith.constant 0x7F800000 : f32
      %broadcast_in_dim3A_118 = vector.broadcast %jit3A_117 : f32 to vector<4x128x128xf32>
      %broadcast_in_dim3A_119 = vector.broadcast %cond3A : f32 to vector<4x128x128xf32>
      %select_n3A_120 = arith.select %lt3A_19, %broadcast_in_dim3A_118, %broadcast_in_dim3A_119 : vector<4x128x128xi1>, vector<4x128x128xf32>
      %swap3A_121 = arith.constant 0 : index
      %swap3A_122 = arith.constant 0 : index
      %swap3A_123 = arith.constant 0 : index
      %swap3A_124 = vector.load %arg7[%swap3A_121, %swap3A_122, %swap3A_123] : memref<4x128x128xf32, #tpu.memory_space<vmem>>, vector<4x128x128xf32>
      tpu.vector_store %arg7[%swap3A_121, %swap3A_122, %swap3A_123], %select_n3A_120 {strides = array<i32>} : memref<4x128x128xf32, #tpu.memory_space<vmem>>, vector<4x128x128xf32>,
      %broadcast_in_dim3A_125 = arith.constant 0 : i32
      %broadcast_in_dim3A_126 = vector.broadcast %broadcast_in_dim3A_125 : i32 to vector<4x128xi32>
      %swap3A_127 = arith.constant 0 : index
      %swap3A_128 = arith.constant 0 : index
      %swap3A_129 = vector.load %arg8[%swap3A_127, %swap3A_128] : memref<4x128xi32, #tpu.memory_space<vmem>>, vector<4x128xi32>
      tpu.vector_store %arg8[%swap3A_127, %swap3A_128], %broadcast_in_dim3A_126 {strides = array<i32>} : memref<4x128xi32, #tpu.memory_space<vmem>>, vector<4x128xi32>,
    } else {
    }
    %get3A_24 = arith.constant 0 : index
    %get3A_25 = arith.constant 0 : index
    %get3A_26 = vector.load %arg8[%get3A_24, %get3A_25] : memref<4x128xi32, #tpu.memory_space<vmem>>, vector<4x128xi32>
    %slice3A_27 = vector.extract_strided_slice %get3A_26 {offsets = [0, 0], sizes = [4, 1], strides = [1, 1]} : vector<4x128xi32> to vector<4x1xi32>
    %broadcast_in_dim3A_28 = vector.shape_cast %slice3A_27 : vector<4x1xi32> to vector<4x1x1xi32>
    %eq3A_29 = vector.broadcast %broadcast_in_dim3A_17 : vector<1x128x128xi32> to vector<4x128x128xi32>
    %eq3A_30 = vector.broadcast %broadcast_in_dim3A_28 : vector<4x1x1xi32> to vector<4x128x128xi32>
    %eq3A_31 = arith.cmpi eq, %eq3A_29, %eq3A_30 : vector<4x128x128xi32>
    %jit3A = arith.constant 0.000000e+00 : f32
    %broadcast_in_dim3A_32 = vector.broadcast %jit3A : f32 to vector<4x128x128xf32>
    %select_n3A = arith.select %eq3A_31, %get3A_2, %broadcast_in_dim3A_32 : vector<4x128x128xi1>, vector<4x128x128xf32>
    %reduce_sum3A = arith.constant dense<0.000000e+00> : vector<4xf32>
    %reduce_sum3A_33 = vector.multi_reduction <add>, %select_n3A, %reduce_sum3A [1, 2] : vector<4x128x128xf32> to vector<4xf32>
    %broadcast_in_dim3A_34 = vector.shape_cast %reduce_sum3A_33 : vector<4xf32> to vector<4x1x1xf32>
    %jit3A_35 = arith.constant 0.000000e+00 : f32
    %broadcast_in_dim3A_36 = vector.broadcast %jit3A_35 : f32 to vector<4x128x128xf32>
    %select_n3A_37 = arith.select %eq3A_31, %get3A_6, %broadcast_in_dim3A_36 : vector<4x128x128xi1>, vector<4x128x128xf32>
    %reduce_sum3A_38 = arith.constant dense<0.000000e+00> : vector<4xf32>
    %reduce_sum3A_39 = vector.multi_reduction <add>, %select_n3A_37, %reduce_sum3A_38 [1, 2] : vector<4x128x128xf32> to vector<4xf32>
    %broadcast_in_dim3A_40 = vector.shape_cast %reduce_sum3A_39 : vector<4xf32> to vector<4x1x1xf32>
    %jit3A_41 = arith.constant 0.000000e+00 : f32
    %broadcast_in_dim3A_42 = vector.broadcast %jit3A_41 : f32 to vector<4x128x128xf32>
    %select_n3A_43 = arith.select %eq3A_31, %get3A_10, %broadcast_in_dim3A_42 : vector<4x128x128xi1>, vector<4x128x128xf32>
    %reduce_sum3A_44 = arith.constant dense<0.000000e+00> : vector<4xf32>
    %reduce_sum3A_45 = vector.multi_reduction <add>, %select_n3A_43, %reduce_sum3A_44 [1, 2] : vector<4x128x128xf32> to vector<4xf32>
    %broadcast_in_dim3A_46 = vector.shape_cast %reduce_sum3A_45 : vector<4xf32> to vector<4x1x1xf32>
    %eq3A_47 = arith.constant 0 : i32
    %eq3A_48 = vector.broadcast %eq3A_47 : i32 to vector<4x1x128xi32>
    %eq3A_49 = arith.cmpi eq, %iota3A_20, %eq3A_48 : vector<4x1x128xi32>
    %eq3A_50 = arith.constant 1 : i32
    %eq3A_51 = vector.broadcast %eq3A_50 : i32 to vector<4x1x128xi32>
    %eq3A_52 = arith.cmpi eq, %iota3A_20, %eq3A_51 : vector<4x1x128xi32>
    %eq3A_53 = arith.constant 2 : i32
    %eq3A_54 = vector.broadcast %eq3A_53 : i32 to vector<4x1x128xi32>
    %eq3A_55 = arith.cmpi eq, %iota3A_20, %eq3A_54 : vector<4x1x128xi32>
    %jit3A_56 = arith.constant 0.000000e+00 : f32
    %broadcast_in_dim3A_57 = vector.shape_cast %broadcast_in_dim3A_46 : vector<4x1x1xf32> to vector<4x1x1xf32>
    %broadcast_in_dim3A_58 = vector.broadcast %broadcast_in_dim3A_57 : vector<4x1x1xf32> to vector<4x1x128xf32>
    %broadcast_in_dim3A_59 = vector.broadcast %jit3A_56 : f32 to vector<4x1x128xf32>
    %select_n3A_60 = arith.select %eq3A_55, %broadcast_in_dim3A_58, %broadcast_in_dim3A_59 : vector<4x1x128xi1>, vector<4x1x128xf32>
    %broadcast_in_dim3A_61 = vector.shape_cast %broadcast_in_dim3A_40 : vector<4x1x1xf32> to vector<4x1x1xf32>
    %broadcast_in_dim3A_62 = vector.broadcast %broadcast_in_dim3A_61 : vector<4x1x1xf32> to vector<4x1x128xf32>
    %select_n3A_63 = arith.select %eq3A_52, %broadcast_in_dim3A_62, %select_n3A_60 : vector<4x1x128xi1>, vector<4x1x128xf32>
    %broadcast_in_dim3A_64 = vector.shape_cast %broadcast_in_dim3A_34 : vector<4x1x1xf32> to vector<4x1x1xf32>
    %broadcast_in_dim3A_65 = vector.broadcast %broadcast_in_dim3A_64 : vector<4x1x1xf32> to vector<4x1x128xf32>
    %select_n3A_66 = arith.select %eq3A_49, %broadcast_in_dim3A_65, %select_n3A_63 : vector<4x1x128xi1>, vector<4x1x128xf32>
    %swap3A = arith.constant 0 : index
    %swap3A_67 = arith.index_cast %arg0 : i32 to index
    %swap3A_68 = arith.constant 0 : index
    %swap3A_69 = vector.load %arg5[%swap3A, %swap3A_67, %swap3A_68] : memref<4x256x128xf32, #tpu.memory_space<vmem>>, vector<4x1x128xf32>
    tpu.vector_store %arg5[%swap3A, %swap3A_67, %swap3A_68], %select_n3A_66 {strides = array<i32>} : memref<4x256x128xf32, #tpu.memory_space<vmem>>, vector<4x1x128xf32>,
    %sub3A = vector.broadcast %broadcast_in_dim3A_34 : vector<4x1x1xf32> to vector<4x128x128xf32>
    %sub3A_70 = arith.subf %get3A_2, %sub3A : vector<4x128x128xf32>
    %sub3A_71 = vector.broadcast %broadcast_in_dim3A_40 : vector<4x1x1xf32> to vector<4x128x128xf32>
    %sub3A_72 = arith.subf %get3A_6, %sub3A_71 : vector<4x128x128xf32>
    %sub3A_73 = vector.broadcast %broadcast_in_dim3A_46 : vector<4x1x1xf32> to vector<4x128x128xf32>
    %sub3A_74 = arith.subf %get3A_10, %sub3A_73 : vector<4x128x128xf32>
    %mul3A_75 = arith.mulf %sub3A_70, %sub3A_70 : vector<4x128x128xf32>
    %mul3A_76 = arith.mulf %sub3A_72, %sub3A_72 : vector<4x128x128xf32>
    %add3A_77 = arith.addf %mul3A_75, %mul3A_76 : vector<4x128x128xf32>
    %mul3A_78 = arith.mulf %sub3A_74, %sub3A_74 : vector<4x128x128xf32>
    %add3A_79 = arith.addf %add3A_77, %mul3A_78 : vector<4x128x128xf32>
    %jit3A_80 = arith.constant 0x7F800000 : f32
    %broadcast_in_dim3A_81 = vector.broadcast %jit3A_80 : f32 to vector<4x128x128xf32>
    %select_n3A_82 = arith.select %lt3A_19, %add3A_79, %broadcast_in_dim3A_81 : vector<4x128x128xi1>, vector<4x128x128xf32>
    %swap3A_83 = arith.constant 0 : index
    %swap3A_84 = arith.constant 0 : index
    %swap3A_85 = arith.constant 0 : index
    %swap3A_86 = arith.constant 0 : index
    %swap3A_87 = vector.load %arg6[%swap3A_83, %swap3A_84, %swap3A_85, %swap3A_86] : memref<4x1x128x128xf32, #tpu.memory_space<vmem>>, vector<4x1x128x128xf32>
    %swap3A_88 = vector.shape_cast %swap3A_87 : vector<4x1x128x128xf32> to vector<4x128x128xf32>
    %swap3A_89 = vector.shape_cast %select_n3A_82 : vector<4x128x128xf32> to vector<4x1x128x128xf32>
    tpu.vector_store %arg6[%swap3A_83, %swap3A_84, %swap3A_85, %swap3A_86], %swap3A_89 {strides = array<i32>} : memref<4x1x128x128xf32, #tpu.memory_space<vmem>>, vector<4x1x128x128xf32>,
    %get3A_90 = arith.constant 0 : index
    %get3A_91 = arith.constant 0 : index
    %get3A_92 = arith.constant 0 : index
    %get3A_93 = vector.load %arg7[%get3A_90, %get3A_91, %get3A_92] : memref<4x128x128xf32, #tpu.memory_space<vmem>>, vector<4x128x128xf32>
    %jit3A_94 = arith.constant 0xFF800000 : f32
    %broadcast_in_dim3A_95 = vector.broadcast %jit3A_94 : f32 to vector<4x128x128xf32>
    %select_n3A_96 = arith.select %lt3A_19, %add3A_79, %broadcast_in_dim3A_95 : vector<4x128x128xi1>, vector<4x128x128xf32>
    %min3A = arith.minimumf %get3A_93, %select_n3A_96 : vector<4x128x128xf32>
    %swap3A_97 = arith.constant 0 : index
    %swap3A_98 = arith.constant 0 : index
    %swap3A_99 = arith.constant 0 : index
    %swap3A_100 = vector.load %arg7[%swap3A_97, %swap3A_98, %swap3A_99] : memref<4x128x128xf32, #tpu.memory_space<vmem>>, vector<4x128x128xf32>
    tpu.vector_store %arg7[%swap3A_97, %swap3A_98, %swap3A_99], %min3A {strides = array<i32>} : memref<4x128x128xf32, #tpu.memory_space<vmem>>, vector<4x128x128xf32>,
    %reduce_max3A = arith.constant dense<0xFF800000> : vector<4xf32>
    %reduce_max3A_101 = vector.multi_reduction <maximumf>, %min3A, %reduce_max3A [1, 2] : vector<4x128x128xf32> to vector<4xf32>
    %broadcast_in_dim3A_102 = vector.shape_cast %reduce_max3A_101 : vector<4xf32> to vector<4x1x1xf32>
    %eq3A_103 = vector.broadcast %broadcast_in_dim3A_102 : vector<4x1x1xf32> to vector<4x128x128xf32>
    %eq3A_104 = arith.cmpf oeq, %min3A, %eq3A_103 : vector<4x128x128xf32>
    %jit3A_105 = arith.constant 16777216 : i32
    %broadcast_in_dim3A_106 = vector.shape_cast %broadcast_in_dim3A_17 : vector<1x128x128xi32> to vector<1x128x128xi32>
    %broadcast_in_dim3A_107 = vector.broadcast %broadcast_in_dim3A_106 : vector<1x128x128xi32> to vector<4x128x128xi32>
    %broadcast_in_dim3A_108 = vector.broadcast %jit3A_105 : i32 to vector<4x128x128xi32>
    %select_n3A_109 = arith.select %eq3A_104, %broadcast_in_dim3A_107, %broadcast_in_dim3A_108 : vector<4x128x128xi1>, vector<4x128x128xi32>
    %reduce_min3A = arith.constant dense<2147483647> : vector<4xi32>
    %reduce_min3A_110 = vector.multi_reduction <minsi>, %select_n3A_109, %reduce_min3A [1, 2] : vector<4x128x128xi32> to vector<4xi32>
    %broadcast_in_dim3A_111 = vector.shape_cast %reduce_min3A_110 : vector<4xi32> to vector<4x1x1xi32>
    %squeeze3A = vector.shape_cast %broadcast_in_dim3A_111 : vector<4x1x1xi32> to vector<4x1xi32>
    %broadcast_in_dim3A_112 = vector.shape_cast %squeeze3A : vector<4x1xi32> to vector<4x1xi32>
    %broadcast_in_dim3A_113 = vector.broadcast %broadcast_in_dim3A_112 : vector<4x1xi32> to vector<4x128xi32>
    %swap3A_114 = arith.constant 0 : index
    %swap3A_115 = arith.constant 0 : index
    %swap3A_116 = vector.load %arg8[%swap3A_114, %swap3A_115] : memref<4x128xi32, #tpu.memory_space<vmem>>, vector<4x128xi32>
    tpu.vector_store %arg8[%swap3A_114, %swap3A_115], %broadcast_in_dim3A_113 {strides = array<i32>} : memref<4x128xi32, #tpu.memory_space<vmem>>, vector<4x128xi32>,
    return
  }
  func.func @transform_0(%arg0: i32) -> (i32, i32, i32) {
    %c0_i32 = arith.constant 0 : i32
    %c0_i32_0 = arith.constant 0 : i32
    %c0_i32_1 = arith.constant 0 : i32
    %c0_i32_2 = arith.constant 0 : i32
    return %c0_i32, %c0_i32_0, %c0_i32_1 : i32, i32, i32
  }
  func.func @transform_1(%arg0: i32) -> (i32, i32, i32) {
    %c0_i32 = arith.constant 0 : i32
    %c0_i32_0 = arith.constant 0 : i32
    %c0_i32_1 = arith.constant 0 : i32
    %c0_i32_2 = arith.constant 0 : i32
    return %c0_i32, %c0_i32_0, %c0_i32_1 : i32, i32, i32
  }
  func.func @transform_2(%arg0: i32) -> (i32, i32, i32) {
    %c0_i32 = arith.constant 0 : i32
    %c0_i32_0 = arith.constant 0 : i32
    %c0_i32_1 = arith.constant 0 : i32
    %c0_i32_2 = arith.constant 0 : i32
    return %c0_i32, %c0_i32_0, %c0_i32_1 : i32, i32, i32
  }
  func.func @transform_3(%arg0: i32) -> (i32, i32) {
    %c0_i32 = arith.constant 0 : i32
    %c0_i32_0 = arith.constant 0 : i32
    %c0_i32_1 = arith.constant 0 : i32
    return %c0_i32, %c0_i32_0 : i32, i32
  }
  func.func @transform_4(%arg0: i32) -> (i32, i32, i32) {
    %c0_i32 = arith.constant 0 : i32
    %c0_i32_0 = arith.constant 0 : i32
    %c0_i32_1 = arith.constant 0 : i32
    %c0_i32_2 = arith.constant 0 : i32
    return %c0_i32, %c0_i32_0, %c0_i32_1 : i32, i32, i32
  }
  func.func @transform_5(%arg0: i32) -> (i32, i32, i32, i32) {
    %c0_i32 = arith.constant 0 : i32
    %c0_i32_0 = arith.constant 0 : i32
    %c0_i32_1 = arith.constant 0 : i32
    %c0_i32_2 = arith.constant 0 : i32
    return %c0_i32, %arg0, %c0_i32_0, %c0_i32_1 : i32, i32, i32, i32
  }
}

</mosaic_0001>

<sc_bundles>
// kernel: kernel.4.cloned.1.call-start
scs
__scs_entry_jumppad:
0x0: {  	(pc) =	sbr.rel $0x88, $3  }
0x1: {  	(tag) =	ssettag $0x0;
	lr =	simm.s32 $0x1  }
0x2: {  	[smem:$0x3F9F] =	sst lr;
	_ =	strace $0xD0000000  }
0x3: {  	_ = 	snop  }
0x4: {  	_ = 	snop  }
0x5: {  	_ = 	snop  }
0x6: {  	_ = 	snop  }
0x7: {  	_ = 	snop  }
__scs_overlays_trampoline_lowered:
0x8: {  	[smem:$0x3FAE] =	sst s0  }
0x9: {  	[smem:$0x3FAF] =	sst s1  }
0xa: {  	[smem:$0x3FB0] =	sst s2  }
0xb: {  	[smem:$0x3FB1] =	sst s3  }
0xc: {  	[smem:$0x3FB2] =	sst s4  }
0xd: {  	[smem:$0x3FB3] =	sst s5  }
0xe: {  	[smem:$0x3FB4] =	sst s6  }
0xf: {  	[smem:$0x3FB5] =	sst s7  }
0x10: {  	[smem:$0x3FB6] =	sst s8  }
0x11: {  	[smem:$0x3FB7] =	sst s9;
	s0 =	simm.s32 @!p0 $0x0  }
0x12: {  	s1 =	sld [smem:$0x3F9D];
	s0 =	simm.s32 @p0 $0x1  }
0x13: {  	[smem:$0x3FB8] =	sst s0;
	s0 =	simm.s32 @!p1 $0x0  }
0x14: {  	s2 =	sld [smem:$0x3F9C];
	s0 =	simm.s32 @p1 $0x1  }
0x15: {  	[smem:$0x3FB9] =	sst s0;
	s0 =	simm.s32 @!p2 $0x0  }
0x16: {  	s3 =	sld [smem:$0x3FDB];
	s0 =	simm.s32 @p2 $0x1  }
0x17: {  	s4 =	simm.s32 $0x1BF5;
	[smem:$0x3FBB] =	sst s0  }
0x18: {  	s0 =	sld [smem:$0x3F9E];
	_ =	swait.ge [sflag:s4], $0x0  }
0x19: {  	s7 =	sld [smem:$0x3F9F]  }
0x1a: {  	s8 =	sadd.s32 $0xFFFFE003, lr  }
0x1b: {  	s9 =	sadd.s32 $0xFFFFFEF7, lr;
	s5 =	simm.s32 $0xFFFFFFFF;
	p2 =	slt.u32 s8, $0xFFFFF086  }
0x1c: {  	p1 =	slt.u32 s9, $0xF7A;
	s5 =	simm.s32 @!p2 $0x0  }
0x1d: {  	s5 =	simm.s32 @p1 $0x1;
	p0 =	seq.s32 s7, s2  }
0x1e: {  	s7 =	smul.u32 @!p0 $0xF7A, s2;
	p2 =	seq.s32 @!p0 s5, $0x0  }
0x1f: {  	s9 =	smul.u32 $0xF7A, s1;
	s8 =	simm.s32 @!p0 $0x1BF5;
	p2 =	por !p2, p0  }
0x20: {  	[sflag:s8] =	ssyncset.s32 @!p0 $0xFFFFF086;
	s6 =	sadd.s32 @!p0 s3, s7;
	s7 =	simm.s32 @!p0 $0x108  }
0x21: {  	s3 =	sadd.s32 s3, s9;
	s6 =	sadd.s32 @!p0 $0x88, s6;
	s7 =	simm.s32 @p2 $0x1082  }
0x22: {  	[simem:s7], [sflag:s8] =	dma.local @!p0 [hbm:s6], $0xF7A  }
0x23: {  	s9 =	sor.u32 $0xD0000000, s2;
	s6 =	simm.s32 $0x108;
	_ =	swait.ge @!p0 [sflag:s8], $0x0  }
0x24: {  	s3 =	sadd.s32 $0x88, s3;
	s6 =	simm.s32 @!p1 $0x1082;
	[sflag:s4] =	ssyncset.s32 $0xFFFFF086  }
0x25: {  	[simem:s6], [sflag:s4] =	dma.local [hbm:s3], $0xF7A  }
0x26: {  	[smem:$0x3F9F] =	sst s1;
	(tag) =	ssettag s2;
	_ =	strace s9  }
0x27: {  	s1 =	sld [smem:$0x3FAF]  }
0x28: {  	s2 =	sld [smem:$0x3FB0]  }
0x29: {  	s4 =	sld [smem:$0x3FB2]  }
0x2a: {  	p0 =	seq.s32 s5, $0x0;
	s5 =	sld [smem:$0x3FB3]  }
0x2b: {  	s6 =	sld [smem:$0x3FB4]  }
0x2c: {  	s7 =	sld [smem:$0x3FB5]  }
0x2d: {  	s3 =	simm.s32 $0x108;
	s8 =	sld [smem:$0x3FB6]  }
0x2e: {  	s3 =	simm.s32 @!p0 $0x1082;
	s9 =	sld [smem:$0x3FB7]  }
0x2f: {  	lr =	sadd.s32 s0, s3;
	s0 =	sld [smem:$0x3FAE]  }
0x30: {  	s3 =	sld [smem:$0x3FB1]  }
0x31: {  	[smem:$0x3FBA] =	sst s10  }
0x32: {  	s10 =	sld [smem:$0x3FB8];
	_ =	sdelay $0x3  }
0x33: {  	p0 =	seq.s32 s10, $0x1;
	s10 =	sld [smem:$0x3FBA];
	_ =	sdelay $0x3  }
0x34: {  	[smem:$0x3FBA] =	sst s10  }
0x35: {  	s10 =	sld [smem:$0x3FB9];
	_ =	sdelay $0x3  }
0x36: {  	p1 =	seq.s32 s10, $0x1;
	s10 =	sld [smem:$0x3FBA];
	_ =	sdelay $0x3  }
0x37: {  	[smem:$0x3FBA] =	sst s10  }
0x38: {  	s10 =	sld [smem:$0x3FBB]  }
0x39: {  	_ = 	snop;
	(pc) =	sbr.ind lr, $3  }
0x3a: {  	_ = 	snop  }
0x3b: {  	_ = 	snop  }
0x3c: {  	p2 =	seq.s32 s10, $0x1;
	s10 =	sld [smem:$0x3FBA]  }
0x3d: {  	_ =	shalt  }
0x3e: {  	_ =	shalt  }
0x3f: {  	_ =	shalt  }
0x40: {  	_ =	shalt  }
0x41: {  	_ =	shalt  }
0x42: {  	_ =	shalt  }
0x43: {  	_ =	shalt  }
0x44: {  	_ =	shalt  }
0x45: {  	_ =	shalt  }
0x46: {  	_ =	shalt  }
0x47: {  	_ =	shalt  }
0x48: {  	_ =	shalt  }
0x49: {  	_ =	shalt  }
0x4a: {  	_ =	shalt  }
0x4b: {  	_ =	shalt  }
0x4c: {  	_ =	shalt  }
0x4d: {  	_ =	shalt  }
0x4e: {  	_ =	shalt  }
0x4f: {  	_ =	shalt  }
0x50: {  	_ =	shalt  }
0x51: {  	_ =	shalt  }
0x52: {  	_ =	shalt  }
0x53: {  	_ =	shalt  }
0x54: {  	_ =	shalt  }
0x55: {  	_ =	shalt  }
0x56: {  	_ =	shalt  }
0x57: {  	_ =	shalt  }
0x58: {  	_ =	shalt  }
0x59: {  	_ =	shalt  }
0x5a: {  	_ =	shalt  }
0x5b: {  	_ =	shalt  }
0x5c: {  	_ =	shalt  }
0x5d: {  	_ =	shalt  }
0x5e: {  	_ =	shalt  }
0x5f: {  	_ =	shalt  }
0x60: {  	_ =	shalt  }
0x61: {  	_ =	shalt  }
0x62: {  	_ =	shalt  }
0x63: {  	_ =	shalt  }
0x64: {  	_ =	shalt  }
0x65: {  	_ =	shalt  }
0x66: {  	_ =	shalt  }
0x67: {  	_ =	shalt  }
0x68: {  	_ =	shalt  }
0x69: {  	_ =	shalt  }
0x6a: {  	_ =	shalt  }
0x6b: {  	_ =	shalt  }
0x6c: {  	_ =	shalt  }
0x6d: {  	_ =	shalt  }
0x6e: {  	_ =	shalt  }
0x6f: {  	_ =	shalt  }
0x70: {  	_ =	shalt  }
0x71: {  	_ =	shalt  }
0x72: {  	_ =	shalt  }
0x73: {  	_ =	shalt  }
0x74: {  	_ =	shalt  }
0x75: {  	_ =	shalt  }
0x76: {  	_ =	shalt  }
0x77: {  	_ =	shalt  }
0x78: {  	_ =	shalt  }
0x79: {  	_ =	shalt  }
0x7a: {  	_ =	shalt  }
0x7b: {  	_ =	shalt  }
0x7c: {  	_ =	shalt  }
0x7d: {  	_ =	shalt  }
0x7e: {  	_ =	shalt  }
0x7f: {  	_ =	shalt  }
0x80: {  	_ =	shalt  }
0x81: {  	_ =	shalt  }
0x82: {  	_ =	shalt  }
0x83: {  	_ =	shalt  }
0x84: {  	_ =	shalt  }
0x85: {  	_ =	shalt  }
0x86: {  	_ =	shalt  }
0x87: {  	_ =	shalt  }
.Lfunc_end0:
.L_simem_size_0:
called_computation_lowered:
.L_overlay_start_0:
0x88: {  	s2 =	sld [smem:$0x3FD9]  }
0x89: {  	s3 =	sld [smem:$0x3FFE];
	_ =	sdelay $0x1  }
0x8a: {  	s1 =	srdreg.scid  }
0x8b: {  	s0 =	sand.u32 $0x1, s1  }
0x8c: {  	s14 =	sshll.u32 s0, $0xA;
	s2 =	sadd.s32 s3, s2  }
0x8d: {  	s2 =	sadd.s32 s2, s14  }
0x8e: {  	[smem:$0x3FC6] =	sst s2  }
0x8f: {  	_ = 	snop  }
0x90: {  	s2 =	sld [smem:$0x3FD0];
	_ =	sdelay $0x2  }
0x91: {  	s4 =	simm.s32 $0xA;
	s5 =	simm.s32 $0x10;
	s15 =	sld [smem:$0x3FC9]  }
0x92: {  	[smem:s5], [sflag:s4] =	dma.local [hbm:s2], $0x1  }
0x93: {  	_ =	swait.eq [sflag:s4], $0x1  }
0x94: {  	[sflag:s4] =	ssyncset.done $0x0  }
0x95: {  	s16 =	sld [smem:$0x10];
	[sflag:s4] =	ssyncadd.s32 $0xFFFFFFFF  }
0x96: {  	s17 =	sld [smem:$0x13];
	(tm) =	ssettm $0x1  }
0x97: {  	s18 =	sld [smem:$0x3FFB];
	_ =	sdelay $0x3  }
0x98: {  	_ =	strace s18  }
0x99: {  	s5 =	sld [smem:$0x3FFC];
	_ =	sdelay $0x3  }
0x9a: {  	_ =	strace s5  }
0x9b: {  	s5 =	sld [smem:$0x3FFD];
	_ =	sdelay $0x3  }
0x9c: {  	_ =	strace s5  }
0x9d: {  	_ =	strace $0x8FFFFFFF  }
0x9e: {  	s19 =	sld [smem:$0x3FDB];
	_ =	sdelay $0x1  }
0x9f: {  	s6 =	simm.s32 $_scs_section_size  }
0xa0: {  	s7 =	simm.s32 $_size__tile_overlayer_lowered;
	s8 =	simm.s32 $_tile_overlayer_lowered  }
0xa1: {  	s22 =	simm.s32 $0x1BFF;
	s21 =	sshll.u32 s8, $0x1;
	s5 =	sadd.s32 s6, s19  }
0xa2: {  	s9 =	simm.s32 $0x0;
	s20 =	sshll.u32 s7, $0x1;
	s7 =	sadd.s32 s21, s5  }
0xa3: {  	[timem:s9], [sflag:s22] =	dma.local [hbm:s7], s20  }
0xa4: {  	_ =	swait.ge [sflag:s22], s20  }
0xa5: {  	s6 =	ssub.s32 $0x0, s20;
	[sflag:s22] =	ssyncset.done $0x0  }
0xa6: {  	[sflag:s22] =	ssyncadd.s32 s6;
	_ =	sdelay $0x1  }
0xa7: {  	s23 =	simm.s32 $0x1B8B  }
0xa8: {  	_ =	swait.ge [sflag:s23], $0x1  }
0xa9: {  	[sflag:s23] =	ssyncset.done $0x0  }
0xaa: {  	s25 =	simm.s32 $0x1B8E;
	s24 =	sld [smem:$0x3FFE];
	[sflag:s23] =	ssyncadd.s32 $0xFFFFFFFF  }
0xab: {  	s26 =	simm.s32 $execute0_lowered;
	[smem:$0x3FD2] =	sst s25  }
0xac: {  	s7 =	sshll.u32 s26, $0x1;
	_ =	strace $0x80000046;
	[dreg:$0x1] =	wrdreg $0xFFFFFFFF  }
0xad: {  	s28 =	simm.s32 $_size_execute0_lowered;
	s5 =	sadd.s32 s5, s7;
	[dreg:$0x0] =	wrdreg $0x0  }
0xae: {  	s7 =	sshll.u32 s28, $0x1;
	[dreg:$0x2] =	wrdreg s5  }
0xaf: {  	[dreg:$0x3] =	wrdreg s7  }
0xb0: {  	[dreg:$0x4] =	wrdreg $0xC0  }
0xb1: {  	_ =	task [dreg:s9], $0x5FFFF  }
0xb2: {  	[dreg:$0x1] =	wrdreg $0xFFFFFFFF  }
0xb3: {  	[dreg:$0x0] =	wrdreg $0x60  }
0xb4: {  	[dreg:$0x2] =	wrdreg s15  }
0xb5: {  	[dreg:$0x3] =	wrdreg s17  }
0xb6: {  	[dreg:$0x4] =	wrdreg s24  }
0xb7: {  	[dreg:$0x5] =	wrdreg s16  }
0xb8: {  	[dreg:$0x6] =	wrdreg $0x9  }
0xb9: {  	_ =	task.clear_ibuf [dreg:s9], $0x7FFFF;
	_ =	strace $0x90000046  }
0xba: {  	s29 =	simm.s32 $0x9;
	_ =	strace $0x80000048  }
0xbb: {  	_ =	swait.ge [sflag:s29], $0x1  }
0xbc: {  	[sflag:s29] =	ssyncadd.s32 $0xFFFFFFFF  }
0xbd: {  	_ =	strace $0x90000048  }
0xbe: {  	_ =	sfence  }
0xbf: {  	s30 =	sld [smem:$0x0];
	_ =	sdelay $0x2  }
0xc0: {  	s31 =	sshll.u32 s1, $0xD;
	s1 =	sshrl.u32 s1, $0x2  }
0xc1: {  	s3 =	sand.u32 $0x4000, s31;
	s1 =	sadd.s32 s1, s30  }
0xc2: {  	s0 =	sor.u32 s3, s0;
	s1 =	sshll.u32 s1, $0x11  }
0xc3: {  	s0 =	sor.u32 s1, s0  }
0xc4: {  	s0 =	sadd.s32 $0x8F2B, s0  }
0xc5: {  	[sflag:s0] =	ssyncadd.remote.s32 $0x1  }
0xc6: {  	_ =	sfence.sel $0xFFFF  }
0xc7: {  	[dreg:$0x0] =	wrdreg $0xFFFFFFFF;
	(pc) =	sbr.abs _section_cstart, $3  }
0xc8: {  	[dreg:$0x1] =	wrdreg $0xFFFFFFFF  }
0xc9: {  	_ =	task.clear_ibuf [dreg:s9], $0x2FFFF;
	_ =	strace $0x9FFFFFFF  }
0xca: {  	(tm) =	ssettm $0x7FFFFFFF  }
0xcb: {  	_ =	shalt  }
tec
execute0_lowered:
.L_overlay_start_1:
0x0: {  	(tag) =	ssettag $0x1  }
0x1: {  	v0 =	vlaneseq.u32  }
0x2: {  	v1 =	vimm.s32 $0x0;
	v3 =	vimm.s32 $0xEFCDAB89;
	v4 =	vimm.s32 $0x67452301  }
0x3: {  	v5 =	vimm.s32 $0xDCFE98BA;
	v6 =	vimm.s32 $0x54761032;
	v7 =	vimm.s32 $0xBA98FEDC  }
0x4: {  	v8 =	vimm.s32 $0x32107654;
	vm0 =	vmxor vm0, vm0;
	v12 =	vimm.f32 $1.500000000e+01  }
0x5: {  	vm1 =	vcmask $0x300;
	vm2 =	vcmask $0x704;
	vm3 =	vcmask $0xB08  }
0x6: {  	v13 =	vimm.f32 $2.400000000e+02;
	v2 =	vmul.u32 $0x400, v0;
	v3 =	vunpack.c.l.s4.s8 v3  }
0x7: {  	v4 =	vunpack.c.l.s4.s8 v4;
	v5 =	vunpack.c.l.s4.s8 v5;
	v6 =	vunpack.c.l.s4.s8 v6  }
0x8: {  	v7 =	vunpack.c.l.s4.s8 v7;
	v8 =	vunpack.c.l.s4.s8 v8;
	v12 =	vsel vm1, $0x0, v12  }
0x9: {  	s1 =	rddreg [dreg:$0x0];
	v13 =	vsel vm1, $0x0, v13;
	vm1 =	vcmask $0xF0C;
	v12 =	vsel vm2, $0x3F800000, v12  }
0xa: {  	s0 =	rddreg [dreg:$0x1];
	v13 =	vsel vm2, $0x41800000, v13;
	vm2 =	vcmask $0x1310;
	v9 =	vunpack.c.0.s8.s32 v3  }
0xb: {  	s3 =	rddreg [dreg:$0x2];
	v4 =	vunpack.c.0.s8.s32 v4;
	v5 =	vunpack.c.0.s8.s32 v5;
	v6 =	vunpack.c.0.s8.s32 v6  }
0xc: {  	s4 =	srdreg.scid;
	s2 =	simm.s32 $0x0;
	s7 =	stileid.u32;
	v3 =	vimm.s32 $0x1;
	v7 =	vunpack.c.0.s8.s32 v7;
	v8 =	vunpack.c.0.s8.s32 v8  }
0xd: {  	s28 =	simm.s32 $0x1AD80;
	s29 =	simm.s32 $0x19400;
	s30 =	simm.s32 $0x1A500;
	v12 =	vsel vm3, $0x40000000, v12;
	v13 =	vsel vm3, $0x42000000, v13;
	vm3 =	vcmask $0x1714  }
0xe: {  	s31 =	simm.s32 $0x1B380;
	s4 =	sand.u32 $0x1, s4;
	[smem:$0x7FF] =	sst s2;
	v12 =	vsel vm1, $0x40400000, v12;
	v13 =	vsel vm1, $0x42400000, v13;
	vm1 =	vcmask $0x1B18  }
0xf: {  	s10 =	sadd.s32 $0x200800, s3;
	s15 =	sshrl.u32 s7, $0x2;
	s3 =	simm.s32 $0x1B200;
	v4 =	vcombine.low v4, v9;
	v5 =	vcombine.low v6, v5;
	v9 =	vimm.s32 $0xFEDCBA98  }
0x10: {  	s16 =	sshll.u32 s7, $0x6;
	s5 =	ssub.s32 $0x2, s4;
	_ =	strace $0x80000047;
	v6 =	vcombine.low v8, v7;
	v8 =	vimm.s32 $0x76543210;
	v12 =	vsel vm2, $0x40800000, v12  }
0x11: {  	s4 =	sshll.u32 s4, $0x5;
	s17 =	sshll.u32 s15, $0xD;
	s8 =	sshll.u32 s15, $0x8;
	v13 =	vsel vm2, $0x42800000, v13;
	vm2 =	vcmask $0x1F1C;
	v10 =	vunpack.c.l.s4.s8 v9  }
0x12: {  	s18 =	sshll.u32 s15, $0x10;
	s22 =	sshll.u32 s15, $0x16;
	s24 =	sshll.u32 s15, $0x4;
	v11 =	vunpack.c.l.s4.s8 v8;
	v12 =	vsel vm3, $0x40A00000, v12;
	v13 =	vsel vm3, $0x42A00000, v13  }
0x13: {  	s7 =	smov.u32 s10;
	s6 =	sshrl.u32 s5, $0x1;
	s4 =	sor.u32 s4, s16;
	vm3 =	vcmask $0x2320;
	v7 =	vand.u32 $0xF, v4;
	v8 =	vand.u32 $0xF, v5  }
0x14: {  	[dreg:$0x5] =	wrdreg s18;
	s19 =	sadd.s32 s1, s17;
	s9 =	smov.u32 s22;
	v9 =	vand.u32 $0xF, v6;
	v12 =	vsel vm1, $0x40C00000, v12;
	v13 =	vsel vm1, $0x42C00000, v13  }
0x15: {  	s0 =	sadd.s32 s0, s24;
	s18 =	simm.s32 $0x4000;
	[dreg:$0x6] =	wrdreg s19;
	vm1 =	vcmask $0x2724;
	v10 =	vunpack.c.0.s8.s32 v10;
	v12 =	vsel vm2, $0x40E00000, v12  }
0x16: {  	s24 =	simm.s32 $0x1;
	s21 =	sadd.s32 $0x10, s19;
	[dreg:$0xb] =	wrdreg s0;
	v11 =	vunpack.c.0.s8.s32 v11;
	v13 =	vsel vm2, $0x42E00000, v13;
	v12 =	vsel vm3, $0x41000000, v12  }
0x17: {  	s14 =	ssub.s32 s5, s6;
	s20 =	ssub.s32 s4, s8;
	[dreg:$0x7] =	wrdreg s21;
	vm2 =	vcmask $0x2B28;
	v13 =	vsel vm3, $0x43000000, v13;
	v12 =	vsel vm1, $0x41100000, v12  }
0x18: {  	s23 =	sadd.s32 $0x20, s19;
	s5 =	sadd.s32 $0x30, s19;
	[dreg:$0x8] =	wrdreg s20;
	vm3 =	vcmask $0x2F2C;
	v10 =	vand.u32 $0xF, v10;
	v12 =	vsel vm2, $0x41200000, v12  }
0x19: {  	s19 =	simm.s32 $0x8000;
	s8 =	simm.s32 $0x1B400;
	[dreg:$0x9] =	wrdreg s23;
	v13 =	vsel vm1, $0x43100000, v13;
	vm1 =	vcmask $0x3330;
	v12 =	vsel vm3, $0x41300000, v12  }
.Ltmp0:
0x1a: {  	s1 =	sshll.u32 s20, $0xE;
	[dreg:$0xa] =	wrdreg s5;
	v13 =	vsel vm2, $0x43200000, v13;
	vm2 =	vcmask $0x3734;
	v12 =	vsel vm1, $0x41400000, v12;
	(pc) =	sbr.rel .LBB2_1-.Ltmp0, $4  }
0x1b: {  	s26 =	smax.u32 s14, $0x1;
	s20 =	simm.s32 $0xC000;
	s1 =	sadd.s32 s22, s1;
	v13 =	vsel vm3, $0x43300000, v13;
	vm3 =	vcmask $0x3B38;
	v12 =	vsel vm2, $0x41500000, v12  }
0x1c: {  	s23 =	simm.s32 $0x10000;
	s21 =	simm.s32 $0x1AF00;
	s25 =	sshrl.u32 s1, $0x3;
	v10 =	vcombine.low v10, v11;
	v11 =	vsel vm3, $0x41600000, v12;
	v12 =	vsel vm1, $0x43400000, v13  }
0x1d: {  	s5 =	simm.s32 $0x0;
	[dreg:$0xd] =	wrdreg s26;
	s0 =	sadd.s32 s10, s25;
	vm1 =	vmmov $0x1;
	v13 =	vimm.f32 $-Inf;
	v12 =	vsel vm2, $0x43500000, v12  }
0x1e: {  	s25 =	simm.s32 $0x14000;
	[dreg:$0xc] =	wrdreg s0;
	s0 =	simm.s32 $0x1B080;
	vm2 =	vcmask $0x308;
	v12 =	vsel vm3, $0x43600000, v12;
	vm3 =	vcmask $0x70C  }
.LBB2_54:
0x1f: {  	s4 =	simm.s32 $0x2  }
0x20: {  	_ =	swait.ge [sflag:s4], $0x100  }
0x21: {  	s5 =	rddreg [dreg:$0xe]  }
0x22: {  	s1 =	rddreg [dreg:$0xd];
	s5 =	sadd.s32 $0x1, s5  }
0x23: {  	p0 =	sne.s32 s5, s1  }
.Ltmp1:
0x24: {  	_ = 	snop;
	(pc) =	sbr.rel @!p0 .LBB2_55-.Ltmp1, $3  }
0x25: {  	_ =	sdelay $0x1  }
0x26: {  	[sflag:s4] =	ssyncset.done $0x0  }
0x27: {  	[sflag:s4] =	ssyncadd.s32 $0xFFFFFF00  }
.LBB2_1:
0x28: {  	[dreg:$0xe] =	wrdreg s5  }
0x29: {  	s1 =	rddreg [dreg:$0x6]  }
0x2a: {  	s4 =	simm.s32 $0x80;
	s13 =	simm.s32 $0x200;
	s6 =	simm.s32 $0x3  }
0x2b: {  	[tilespmem:s2], [sflag:$0x3] =	stream.strided.gather [hbm4b:s1+s4], $0x4000, s13, s4, $0x38;
	[tilespmem:$0x1B500] =	vst v63  }
0x2c: {  	_ =	swait.ge [sflag:s6], $0x4000  }
0x2d: {  	[sflag:s6] =	ssyncset.done $0x0  }
0x2e: {  	s14 =	rddreg [dreg:$0x7];
	[sflag:s6] =	ssyncadd.s32 $0xFFFFC000  }
0x2f: {  	[tilespmem:s18], [sflag:$0x3] =	stream.strided.gather [hbm4b:s14+s4], $0x4000, s13, s4, $0x38;
	[tilespmem:$0x1B500] =	vst v63  }
0x30: {  	_ =	swait.ge [sflag:s6], $0x4000  }
0x31: {  	[sflag:s6] =	ssyncset.done $0x0  }
0x32: {  	s15 =	rddreg [dreg:$0x9];
	[sflag:s6] =	ssyncadd.s32 $0xFFFFC000  }
0x33: {  	[tilespmem:s19], [sflag:$0x3] =	stream.strided.gather [hbm4b:s15+s4], $0x4000, s13, s4, $0x38;
	[tilespmem:$0x1B500] =	vst v63  }
0x34: {  	_ =	swait.ge [sflag:s6], $0x4000  }
0x35: {  	[sflag:s6] =	ssyncset.done $0x0  }
0x36: {  	s16 =	rddreg [dreg:$0xa];
	[sflag:s6] =	ssyncadd.s32 $0xFFFFC000  }
0x37: {  	[tilespmem:s20], [sflag:$0x3] =	stream.strided.gather [hbm4b:s16+s4], $0x4000, s13, s4, $0x38;
	[tilespmem:$0x1B500] =	vst v63  }
0x38: {  	_ =	swait.ge [sflag:s6], $0x4000  }
0x39: {  	[sflag:s6] =	ssyncset.done $0x0  }
0x3a: {  	s10 =	simm.s32 $0x18400;
	s17 =	rddreg [dreg:$0xb];
	[sflag:s6] =	ssyncadd.s32 $0xFFFFC000  }
0x3b: {  	[tilespmem:s10], [sflag:$0x3] =	stream.strided.gather [hbm4b:s17+s4], $0x1000, s13, s4, $0x38;
	[tilespmem:$0x1B500] =	vst v63  }
0x3c: {  	_ =	swait.ge [sflag:s6], $0x1000  }
0x3d: {  	s26 =	simm.s32 $0x400;
	[sflag:s6] =	ssyncset.done $0x0  }
0x3e: {  	s13 =	simm.s32 $0x0;
	s22 =	rddreg [dreg:$0xc];
	[sflag:s6] =	ssyncadd.s32 $0xFFFFF000  }
0x3f: {  	[tilespmem:s23], [sflag:$0x1] =	stream.strided.gather [hbm4b:s22+s4], $0x4000, s26, s4, $0x38;
	[tilespmem:$0x1B500] =	vst v63  }
.LBB2_2:
0x40: {  	s1 =	rddreg [dreg:$0x8]  }
0x41: {  	_ =	swait.ge [sflag:s24], $0x4000;
	s12 =	sor.u32 s1, s13  }
0x42: {  	[sflag:s24] =	ssyncset.done $0x0;
	s1 =	sshll.u32 s12, $0x6  }
0x43: {  	s4 =	simm.s32 $0x14080;
	[sflag:s24] =	ssyncadd.s32 $0xFFFFC000;
	s1 =	sshra.s32 s1, $0x2  }
0x44: {  	v14 =	vld [tilespmem:s1+$0x18400];
	[tilespmem:s4+$0xFFFFFF80] =	vst v1  }
0x45: {  	[tilespmem:s4+$0x70] =	vst v1  }
0x46: {  	[tilespmem:s4+$0x60] =	vst v1  }
0x47: {  	[tilespmem:s4+$0x50] =	vst v1  }
0x48: {  	[tilespmem:s4+$0x40] =	vst v1  }
0x49: {  	[tilespmem:s4+$0x30] =	vst v1  }
0x4a: {  	[tilespmem:s4+$0x20] =	vst v1  }
0x4b: {  	[tilespmem:s4+$0x10] =	vst v1  }
0x4c: {  	[tilespmem:s4+$0x0] =	vst v1  }
0x4d: {  	[tilespmem:s4+$0xFFFFFFF0] =	vst v1  }
0x4e: {  	[tilespmem:s4+$0xFFFFFFE0] =	vst v1  }
0x4f: {  	[tilespmem:s4+$0xFFFFFFD0] =	vst v1  }
0x50: {  	[tilespmem:s4+$0xFFFFFFC0] =	vst v1  }
0x51: {  	[tilespmem:s4+$0xFFFFFFB0] =	vst v1  }
0x52: {  	s6 =	simm.s32 $0x0;
	[tilespmem:s4+$0xFFFFFFA0] =	vst v1;
	s1 =	simm.s32 $0x10040  }
.LBB2_3:
0x53: {  	s6 =	sadd.s32 $0x4, s6;
	[tilespmem:s4+$0xFFFFFF90] =	vst v1;
	s4 =	sadd.s32 $0x100, s4  }
0x54: {  	[tilespmem:s4+$0xFFFFFF80] =	vst v1;
	p0 =	slt.u32 s6, $0xFC  }
0x55: {  	[tilespmem:s4+$0x70] =	vst v1  }
0x56: {  	[tilespmem:s4+$0x60] =	vst v1  }
0x57: {  	[tilespmem:s4+$0x50] =	vst v1  }
0x58: {  	[tilespmem:s4+$0x40] =	vst v1  }
0x59: {  	[tilespmem:s4+$0x30] =	vst v1  }
0x5a: {  	[tilespmem:s4+$0x20] =	vst v1  }
0x5b: {  	[tilespmem:s4+$0x10] =	vst v1  }
0x5c: {  	[tilespmem:s4+$0x0] =	vst v1  }
0x5d: {  	[tilespmem:s4+$0xFFFFFFF0] =	vst v1  }
.Ltmp2:
0x5e: {  	[tilespmem:s4+$0xFFFFFFE0] =	vst v1;
	(pc) =	sbr.rel @p0 .LBB2_3-.Ltmp2, $4  }
0x5f: {  	[tilespmem:s4+$0xFFFFFFD0] =	vst v1  }
0x60: {  	[tilespmem:s4+$0xFFFFFFC0] =	vst v1  }
0x61: {  	[tilespmem:s4+$0xFFFFFFB0] =	vst v1  }
0x62: {  	[tilespmem:s4+$0xFFFFFFA0] =	vst v1  }
0x63: {  	[tilespmem:s4+$0xFFFFFF90] =	vst v1  }
0x64: {  	v15 =	vld [tilespmem:s1+$0x0];
	_ =	sdelay $0x4  }
0x65: {  	v15 =	vshrl.u32 v15, $0x15  }
0x66: {  	v16 =	vadd.s32 v2, v15  }
0x67: {  	v15 =	vand.u32 $0x7F, v15;
	v16 =	vand.u32 $0x7F80, v16  }
0x68: {  	v15 =	vor.u32 v15, v16;
	_ =	sdelay $0x2  }
0x69: {  	v16 =	vld [tilespmem:s1+$0xFFFFFFC0];
	_ =	sdelay $0x1  }
0x6a: {  	[tilespmem:v15+s25+$0x0] =	vst.idx.add.s32.msk $0xffff, v3  }
0x6b: {  	v15 =	vld [tilespmem:s1+$0x10]  }
0x6c: {  	s6 =	simm.s32 $0x100C0  }
0x6d: {  	v17 =	vld [tilespmem:s6+$0x0];
	v16 =	vshrl.u32 v16, $0x15  }
0x6e: {  	v18 =	vadd.s32 v2, v16  }
0x6f: {  	v16 =	vand.u32 $0x7F, v16;
	v18 =	vand.u32 $0x7F80, v18  }
0x70: {  	v16 =	vor.u32 v16, v18;
	v15 =	vshrl.u32 v15, $0x15  }
0x71: {  	v18 =	vadd.s32 v2, v15  }
0x72: {  	v17 =	vshrl.u32 v17, $0x15;
	v15 =	vand.u32 $0x7F, v15;
	v18 =	vand.u32 $0x7F80, v18  }
0x73: {  	v19 =	vld [tilespmem:s6+$0xFFFFFFC0];
	v20 =	vadd.s32 v2, v17;
	v15 =	vor.u32 v15, v18  }
0x74: {  	v17 =	vand.u32 $0x7F, v17;
	v18 =	vand.u32 $0x7F80, v20  }
0x75: {  	[tilespmem:v16+s25+$0x0] =	vst.idx.add.s32.msk $0xffff, v3;
	v16 =	vor.u32 v17, v18  }
0x76: {  	v17 =	vld [tilespmem:s1+$0xFFFFFFD0];
	_ =	sdelay $0x1  }
0x77: {  	v18 =	vshrl.u32 v19, $0x15;
	[tilespmem:v15+s25+$0x0] =	vst.idx.add.s32.msk $0xffff, v3  }
0x78: {  	v15 =	vadd.s32 v2, v18;
	v19 =	vld [tilespmem:s1+$0x20]  }
0x79: {  	v18 =	vand.u32 $0x7F, v18;
	v15 =	vand.u32 $0x7F80, v15;
	[tilespmem:v16+s25+$0x0] =	vst.idx.add.s32.msk $0xffff, v3  }
0x7a: {  	v16 =	vshrl.u32 v17, $0x15;
	v15 =	vor.u32 v18, v15;
	v17 =	vld [tilespmem:s6+$0x10]  }
0x7b: {  	s10 =	simm.s32 $0x10140;
	v18 =	vadd.s32 v2, v16  }
0x7c: {  	v20 =	vld [tilespmem:s10+$0x0];
	v16 =	vand.u32 $0x7F, v16;
	v18 =	vand.u32 $0x7F80, v18  }
0x7d: {  	v16 =	vor.u32 v16, v18;
	v18 =	vshrl.u32 v19, $0x15  }
0x7e: {  	v19 =	vadd.s32 v2, v18  }
0x7f: {  	[tilespmem:v15+s25+$0x0] =	vst.idx.add.s32.msk $0xffff, v3;
	v15 =	vshrl.u32 v17, $0x15;
	v18 =	vand.u32 $0x7F, v18;
	v17 =	vand.u32 $0x7F80, v19  }
0x80: {  	v19 =	vld [tilespmem:s10+$0xFFFFFFC0];
	v21 =	vadd.s32 v2, v15;
	v17 =	vor.u32 v18, v17  }
0x81: {  	v20 =	vshrl.u32 v20, $0x15;
	v15 =	vand.u32 $0x7F, v15;
	v18 =	vld [tilespmem:s6+$0xFFFFFFD0];
	v21 =	vand.u32 $0x7F80, v21  }
0x82: {  	[tilespmem:v16+s25+$0x0] =	vst.idx.add.s32.msk $0xffff, v3;
	v16 =	vadd.s32 v2, v20;
	v15 =	vor.u32 v15, v21  }
0x83: {  	v20 =	vand.u32 $0x7F, v20;
	v21 =	vld [tilespmem:s1+$0xFFFFFFE0];
	v16 =	vand.u32 $0x7F80, v16  }
0x84: {  	v16 =	vor.u32 v20, v16  }
0x85: {  	v19 =	vshrl.u32 v19, $0x15;
	[tilespmem:v17+s25+$0x0] =	vst.idx.add.s32.msk $0xffff, v3  }
0x86: {  	v17 =	vadd.s32 v2, v19;
	v20 =	vld [tilespmem:s1+$0x30]  }
0x87: {  	v19 =	vand.u32 $0x7F, v19;
	v17 =	vand.u32 $0x7F80, v17;
	[tilespmem:v15+s25+$0x0] =	vst.idx.add.s32.msk $0xffff, v3  }
0x88: {  	v15 =	vor.u32 v19, v17;
	v17 =	vshrl.u32 v18, $0x15;
	v18 =	vshrl.u32 v21, $0x15;
	v19 =	vld [tilespmem:s6+$0x20]  }
0x89: {  	[tilespmem:v16+s25+$0x0] =	vst.idx.add.s32.msk $0xffff, v3;
	v21 =	vadd.s32 v2, v17;
	v22 =	vadd.s32 v2, v18  }
0x8a: {  	v16 =	vand.u32 $0x7F, v17;
	v17 =	vand.u32 $0x7F80, v21;
	v21 =	vand.u32 $0x7F80, v22;
	v22 =	vld [tilespmem:s10+$0x10]  }
0x8b: {  	s11 =	simm.s32 $0x101C0;
	v18 =	vand.u32 $0x7F, v18;
	v16 =	vor.u32 v16, v17  }
0x8c: {  	v18 =	vor.u32 v18, v21;
	v17 =	vshrl.u32 v20, $0x15;
	v20 =	vld [tilespmem:s11+$0x0]  }
0x8d: {  	v21 =	vadd.s32 v2, v17;
	[tilespmem:v15+s25+$0x0] =	vst.idx.add.s32.msk $0xffff, v3;
	v15 =	vshrl.u32 v19, $0x15;
	v17 =	vand.u32 $0x7F, v17  }
0x8e: {  	v19 =	vand.u32 $0x7F80, v21;
	v21 =	vld [tilespmem:s11+$0xFFFFFFC0];
	v23 =	vadd.s32 v2, v15;
	v15 =	vand.u32 $0x7F, v15  }
0x8f: {  	v17 =	vor.u32 v17, v19;
	v19 =	vld [tilespmem:s10+$0xFFFFFFD0];
	v22 =	vshrl.u32 v22, $0x15;
	v23 =	vand.u32 $0x7F80, v23  }
0x90: {  	[tilespmem:v16+s25+$0x0] =	vst.idx.add.s32.msk $0xffff, v3;
	v16 =	vadd.s32 v2, v22;
	v15 =	vor.u32 v15, v23  }
0x91: {  	v22 =	vand.u32 $0x7F, v22;
	[tilespmem:v18+s25+$0x0] =	vst.idx.add.s32.msk $0xffff, v3;
	v20 =	vshrl.u32 v20, $0x15;
	v16 =	vand.u32 $0x7F80, v16  }
0x92: {  	v23 =	vld [tilespmem:s6+$0xFFFFFFE0];
	v18 =	vadd.s32 v2, v20;
	v16 =	vor.u32 v22, v16  }
0x93: {  	v22 =	vld [tilespmem:s1+$0xFFFFFFF0];
	v20 =	vand.u32 $0x7F, v20;
	v21 =	vshrl.u32 v21, $0x15;
	v18 =	vand.u32 $0x7F80, v18  }
0x94: {  	v24 =	vadd.s32 v2, v21;
	[tilespmem:v17+s25+$0x0] =	vst.idx.add.s32.msk $0xffff, v3;
	v17 =	vor.u32 v20, v18  }
0x95: {  	v20 =	vand.u32 $0x7F, v21;
	v18 =	vand.u32 $0x7F80, v24;
	[tilespmem:v15+s25+$0x0] =	vst.idx.add.s32.msk $0xffff, v3  }
0x96: {  	v15 =	vor.u32 v20, v18;
	v18 =	vshrl.u32 v19, $0x15;
	v21 =	vld [tilespmem:s6+$0x30]  }
0x97: {  	v19 =	vshrl.u32 v23, $0x15;
	v20 =	vadd.s32 v2, v18;
	v23 =	vand.u32 $0x7F, v18;
	[tilespmem:v16+s25+$0x0] =	vst.idx.add.s32.msk $0xffff, v3  }
0x98: {  	v16 =	vadd.s32 v2, v19;
	v22 =	vshrl.u32 v22, $0x15;
	v63 =	vand.u32 $0x7F, v19;
	v18 =	vld [tilespmem:s10+$0x20]  }
0x99: {  	v20 =	vand.u32 $0x7F80, v20;
	v16 =	vand.u32 $0x7F80, v16;
	[tilespmem:v17+s25+$0x0] =	vst.idx.add.s32.msk $0xffff, v3;
	v17 =	vadd.s32 v2, v22  }
0x9a: {  	v19 =	vor.u32 v23, v20;
	v22 =	vand.u32 $0x7F, v22;
	v20 =	vld [tilespmem:s11+$0x10];
	v23 =	vand.u32 $0x7F80, v17  }
0x9b: {  	s4 =	simm.s32 $0x10240;
	s1 =	simm.s32 $0x6;
	v16 =	vor.u32 v63, v16;
	[tilespmem:v15+s25+$0x0] =	vst.idx.add.s32.msk $0xffff, v3;
	v17 =	vshrl.u32 v21, $0x15;
	v15 =	vor.u32 v22, v23  }
.LBB2_5:
0x9c: {  	v21 =	vld [tilespmem:s4+$0x0];
	s1 =	sadd.s32 $0x2, s1;
	v22 =	vadd.s32 v2, v17  }
0x9d: {  	v17 =	vand.u32 $0x7F, v17;
	v23 =	vld [tilespmem:s4+$0xFFFFFFC0];
	p0 =	slt.u32 s1, $0xFE;
	v18 =	vshrl.u32 v18, $0x15;
	v22 =	vand.u32 $0x7F80, v22  }
0x9e: {  	v24 =	vld [tilespmem:s11+$0xFFFFFFD0];
	v25 =	vadd.s32 v2, v18;
	v17 =	vor.u32 v17, v22  }
0x9f: {  	v18 =	vand.u32 $0x7F, v18;
	v20 =	vshrl.u32 v20, $0x15;
	[tilespmem:v19+s25+$0x0] =	vst.idx.add.s32.msk $0xffff, v3;
	v19 =	vand.u32 $0x7F80, v25  }
0xa0: {  	v22 =	vadd.s32 v2, v20;
	v25 =	vld [tilespmem:s10+$0xFFFFFFE0];
	v18 =	vor.u32 v18, v19  }
0xa1: {  	v20 =	vand.u32 $0x7F, v20;
	v19 =	vshrl.u32 v21, $0x15;
	v21 =	vand.u32 $0x7F80, v22;
	[tilespmem:v16+s25+$0x0] =	vst.idx.add.s32.msk $0xffff, v3  }
0xa2: {  	v16 =	vshrl.u32 v23, $0x15;
	v22 =	vadd.s32 v2, v19;
	v20 =	vor.u32 v20, v21;
	v21 =	vld [tilespmem:s6+$0xFFFFFFF0];
	s6 =	smov.u32 s10;
	s10 =	smov.u32 s11  }
0xa3: {  	v19 =	vand.u32 $0x7F, v19;
	v23 =	vadd.s32 v2, v16;
	v22 =	vand.u32 $0x7F80, v22;
	[tilespmem:v17+s25+$0x0] =	vst.idx.add.s32.msk $0xffff, v3  }
0xa4: {  	s11 =	smov.u32 s4;
	v16 =	vand.u32 $0x7F, v16;
	v17 =	vand.u32 $0x7F80, v23;
	v22 =	vor.u32 v19, v22;
	[tilespmem:v15+s25+$0x0] =	vst.idx.add.s32.msk $0xffff, v3  }
0xa5: {  	v15 =	vor.u32 v16, v17;
	v16 =	vshrl.u32 v24, $0x15;
	v17 =	vshrl.u32 v25, $0x15;
	[tilespmem:v18+s25+$0x0] =	vst.idx.add.s32.msk $0xffff, v3  }
0xa6: {  	v18 =	vadd.s32 v2, v16;
	v16 =	vand.u32 $0x7F, v16;
	v19 =	vadd.s32 v2, v17;
	v23 =	vld [tilespmem:s6+$0x30]  }
.Ltmp3:
0xa7: {  	v17 =	vand.u32 $0x7F, v17;
	v18 =	vand.u32 $0x7F80, v18;
	[tilespmem:v20+s25+$0x0] =	vst.idx.add.s32.msk $0xffff, v3;
	v20 =	vand.u32 $0x7F80, v19;
	(pc) =	sbr.rel @p0 .LBB2_5-.Ltmp3, $4  }
0xa8: {  	v19 =	vor.u32 v16, v18;
	v18 =	vld [tilespmem:s10+$0x20];
	v16 =	vor.u32 v17, v20;
	v17 =	vshrl.u32 v21, $0x15  }
0xa9: {  	[tilespmem:v22+s25+$0x0] =	vst.idx.add.s32.msk $0xffff, v3;
	v21 =	vadd.s32 v2, v17;
	v22 =	vand.u32 $0x7F, v17  }
0xaa: {  	v20 =	vld [tilespmem:s4+$0x10];
	v21 =	vand.u32 $0x7F80, v21  }
0xab: {  	s4 =	sadd.s32 $0x80, s4;
	[tilespmem:v15+s25+$0x0] =	vst.idx.add.s32.msk $0xffff, v3;
	v17 =	vshrl.u32 v23, $0x15;
	v15 =	vor.u32 v22, v21  }
0xac: {  	v21 =	vld [tilespmem:s11+$0xFFFFFFD0];
	_ =	sdelay $0x2  }
0xad: {  	v20 =	vshrl.u32 v20, $0x15  }
0xae: {  	v22 =	vadd.s32 v2, v20  }
0xaf: {  	v20 =	vand.u32 $0x7F, v20;
	v22 =	vand.u32 $0x7F80, v22;
	v21 =	vshrl.u32 v21, $0x15  }
0xb0: {  	v20 =	vor.u32 v20, v22;
	v22 =	vadd.s32 v2, v21  }
0xb1: {  	v21 =	vand.u32 $0x7F, v21;
	v22 =	vand.u32 $0x7F80, v22  }
0xb2: {  	v21 =	vor.u32 v21, v22  }
0xb3: {  	[tilespmem:v19+s25+$0x0] =	vst.idx.add.s32.msk $0xffff, v3  }
0xb4: {  	v19 =	vld [tilespmem:s10+$0xFFFFFFE0]  }
0xb5: {  	[tilespmem:v20+s25+$0x0] =	vst.idx.add.s32.msk $0xffff, v3  }
0xb6: {  	v20 =	vld [tilespmem:s11+$0x20]  }
0xb7: {  	v18 =	vshrl.u32 v18, $0x15;
	[tilespmem:v21+s25+$0x0] =	vst.idx.add.s32.msk $0xffff, v3  }
0xb8: {  	v21 =	vadd.s32 v2, v18;
	v22 =	vld [tilespmem:s11+$0xFFFFFFE0]  }
0xb9: {  	v19 =	vshrl.u32 v19, $0x15;
	v18 =	vand.u32 $0x7F, v18;
	v21 =	vand.u32 $0x7F80, v21  }
0xba: {  	v18 =	vor.u32 v18, v21;
	v21 =	vadd.s32 v2, v19  }
0xbb: {  	v19 =	vand.u32 $0x7F, v19;
	v21 =	vand.u32 $0x7F80, v21;
	v20 =	vshrl.u32 v20, $0x15  }
0xbc: {  	v19 =	vor.u32 v19, v21;
	v21 =	vadd.s32 v2, v20  }
0xbd: {  	[tilespmem:v16+s25+$0x0] =	vst.idx.add.s32.msk $0xffff, v3;
	v20 =	vand.u32 $0x7F, v20;
	v16 =	vand.u32 $0x7F80, v21;
	v21 =	vshrl.u32 v22, $0x15  }
0xbe: {  	v22 =	vld [tilespmem:s6+$0xFFFFFFF0];
	v16 =	vor.u32 v20, v16;
	v20 =	vadd.s32 v2, v21  }
0xbf: {  	[tilespmem:v18+s25+$0x0] =	vst.idx.add.s32.msk $0xffff, v3;
	v18 =	vand.u32 $0x7F80, v20;
	v20 =	vand.u32 $0x7F, v21  }
0xc0: {  	v21 =	vld [tilespmem:s10+$0x30];
	v18 =	vor.u32 v20, v18  }
0xc1: {  	[tilespmem:v19+s25+$0x0] =	vst.idx.add.s32.msk $0xffff, v3  }
0xc2: {  	v19 =	vld [tilespmem:s10+$0xFFFFFFF0]  }
0xc3: {  	[tilespmem:v16+s25+$0x0] =	vst.idx.add.s32.msk $0xffff, v3;
	v16 =	vadd.s32 v2, v17  }
0xc4: {  	v17 =	vand.u32 $0x7F, v17;
	v20 =	vld [tilespmem:s11+$0x30];
	v16 =	vand.u32 $0x7F80, v16  }
0xc5: {  	v22 =	vshrl.u32 v22, $0x15;
	[tilespmem:v18+s25+$0x0] =	vst.idx.add.s32.msk $0xffff, v3;
	v16 =	vor.u32 v17, v16  }
0xc6: {  	v17 =	vadd.s32 v2, v22;
	v18 =	vshrl.u32 v21, $0x15;
	v22 =	vand.u32 $0x7F, v22;
	v21 =	vld [tilespmem:s11+$0xFFFFFFF0]  }
0xc7: {  	v17 =	vand.u32 $0x7F80, v17;
	v23 =	vadd.s32 v2, v18;
	v18 =	vand.u32 $0x7F, v18  }
0xc8: {  	v19 =	vshrl.u32 v19, $0x15;
	v17 =	vor.u32 v22, v17;
	v22 =	vand.u32 $0x7F80, v23  }
0xc9: {  	v18 =	vor.u32 v18, v22;
	v22 =	vadd.s32 v2, v19;
	v20 =	vshrl.u32 v20, $0x15  }
0xca: {  	v19 =	vand.u32 $0x7F, v19;
	v22 =	vand.u32 $0x7F80, v22;
	v23 =	vadd.s32 v2, v20  }
0xcb: {  	v20 =	vand.u32 $0x7F, v20;
	[tilespmem:v16+s25+$0x0] =	vst.idx.add.s32.msk $0xffff, v3;
	v23 =	vand.u32 $0x7F80, v23;
	v21 =	vshrl.u32 v21, $0x15  }
0xcc: {  	v16 =	vor.u32 v19, v22;
	v20 =	vor.u32 v20, v23;
	v23 =	vadd.s32 v2, v21  }
0xcd: {  	v19 =	vand.u32 $0x7F, v21;
	v21 =	vand.u32 $0x7F80, v23  }
0xce: {  	[tilespmem:v15+s25+$0x0] =	vst.idx.add.s32.msk $0xffff, v3;
	v15 =	vor.u32 v19, v21  }
0xcf: {  	[tilespmem:v17+s25+$0x0] =	vst.idx.add.s32.msk $0xffff, v3  }
0xd0: {  	[tilespmem:v18+s25+$0x0] =	vst.idx.add.s32.msk $0xffff, v3  }
0xd1: {  	[tilespmem:v16+s25+$0x0] =	vst.idx.add.s32.msk $0xffff, v3  }
0xd2: {  	s6 =	simm.s32 $0x10;
	[tilespmem:v20+s25+$0x0] =	vst.idx.add.s32.msk $0xffff, v3  }
0xd3: {  	s14 =	simm.s32 $0x0;
	s15 =	sand.u32 $0x3F0, s6;
	[tilespmem:v15+s25+$0x0] =	vst.idx.add.s32.msk $0xffff, v3  }
0xd4: {  	s1 =	sand.u32 $0x3E0, s14;
	v53 =	vld [tilespmem:s15+$0x14400]  }
0xd5: {  	v23 =	vld [tilespmem:s1+$0x14400]  }
0xd6: {  	v17 =	vld [tilespmem:s1+$0x14800]  }
0xd7: {  	v19 =	vld [tilespmem:s1+$0x14C00]  }
0xd8: {  	v18 =	vld [tilespmem:s1+$0x15000]  }
0xd9: {  	v21 =	vld [tilespmem:s15+$0x14800]  }
0xda: {  	v22 =	vld [tilespmem:s1+$0x15400]  }
0xdb: {  	v25 =	vld [tilespmem:s15+$0x14C00]  }
0xdc: {  	v26 =	vld [tilespmem:s1+$0x15800]  }
0xdd: {  	v30 =	vld [tilespmem:s15+$0x15000]  }
0xde: {  	v32 =	vld [tilespmem:s1+$0x15C00]  }
0xdf: {  	v31 =	vld [tilespmem:s1+$0x16000]  }
0xe0: {  	v29 =	vld [tilespmem:s1+$0x16400]  }
0xe1: {  	v28 =	vld [tilespmem:s1+$0x16800]  }
0xe2: {  	v27 =	vld [tilespmem:s1+$0x16C00]  }
0xe3: {  	v47 =	vld [tilespmem:s15+$0x17C00]  }
0xe4: {  	v16 =	vld [tilespmem:s15+$0x17800]  }
0xe5: {  	v20 =	vld [tilespmem:s15+$0x17400]  }
0xe6: {  	v24 =	vld [tilespmem:s1+$0x17C00]  }
0xe7: {  	v33 =	vld [tilespmem:s15+$0x17000]  }
0xe8: {  	v34 =	vld [tilespmem:s1+$0x17800]  }
0xe9: {  	v35 =	vld [tilespmem:s15+$0x16C00]  }
0xea: {  	v36 =	vld [tilespmem:s1+$0x17400]  }
0xeb: {  	v37 =	vld [tilespmem:s15+$0x16800]  }
0xec: {  	v39 =	vld [tilespmem:s1+$0x17000]  }
0xed: {  	s26 =	simm.s32 $0x14010;
	p1 =	por $0x1, $0x1;
	v41 =	vld [tilespmem:s15+$0x16400]  }
.Ltmp4:
0xee: {  	v51 =	vld [tilespmem:s26+$0xFFFFFFF0];
	(pc) =	sbr.rel @!p1 .LBB2_7-.Ltmp4, $4  }
0xef: {  	v44 =	vld [tilespmem:s15+$0x16000]  }
0xf0: {  	v50 =	vld [tilespmem:s26+$0x0]  }
0xf1: {  	s16 =	simm.s32 $0x2;
	s4 =	simm.s32 $0x30;
	v46 =	vld [tilespmem:s15+$0x15C00]  }
0xf2: {  	p0 =	por $0x0, $0x0;
	s10 =	simm.s32 $0x18010;
	v15 =	vimm.s32 $0x0;
	s1 =	simm.s32 $0x0;
	v48 =	vld [tilespmem:s15+$0x15800]  }
0xf3: {  	s11 =	sand.u32 $0x3F0, s4;
	v23 =	vadd.s32 v51, v23;
	v40 =	vld [tilespmem:s15+$0x15400]  }
0xf4: {  	s17 =	simm.s32 $0x20;
	v38 =	vld [tilespmem:s11+$0x14400];
	v17 =	vadd.s32 v17, v23  }
0xf5: {  	s26 =	sand.u32 $0x3E0, s17;
	v43 =	vld [tilespmem:s11+$0x17C00];
	v19 =	vadd.s32 v19, v17;
	v42 =	vadd.s32 v50, v53  }
0xf6: {  	v23 =	vld [tilespmem:s26+$0x14400];
	v18 =	vadd.s32 v18, v19;
	v21 =	vadd.s32 v21, v42  }
0xf7: {  	v17 =	vld [tilespmem:s26+$0x14800];
	v22 =	vadd.s32 v22, v18;
	v21 =	vadd.s32 v25, v21  }
0xf8: {  	v19 =	vld [tilespmem:s26+$0x14C00];
	v22 =	vadd.s32 v26, v22;
	v25 =	vadd.s32 v30, v21  }
0xf9: {  	v18 =	vld [tilespmem:s26+$0x15000];
	v26 =	vadd.s32 v32, v22;
	v25 =	vadd.s32 v40, v25  }
0xfa: {  	v21 =	vld [tilespmem:s11+$0x14800];
	v26 =	vadd.s32 v31, v26;
	v30 =	vadd.s32 v48, v25  }
0xfb: {  	v22 =	vld [tilespmem:s26+$0x15400];
	v29 =	vadd.s32 v29, v26;
	v30 =	vadd.s32 v46, v30  }
0xfc: {  	v32 =	vld [tilespmem:s26+$0x15C00];
	v28 =	vadd.s32 v28, v29;
	v29 =	vadd.s32 v44, v30  }
0xfd: {  	v25 =	vld [tilespmem:s11+$0x14C00];
	v27 =	vadd.s32 v27, v28;
	v28 =	vadd.s32 v41, v29  }
0xfe: {  	v31 =	vld [tilespmem:s26+$0x16000];
	v27 =	vadd.s32 v39, v27;
	v28 =	vadd.s32 v37, v28  }
0xff: {  	v48 =	vld [tilespmem:s11+$0x15800];
	v27 =	vadd.s32 v36, v27;
	v28 =	vadd.s32 v35, v28  }
0x100: {  	v26 =	vld [tilespmem:s26+$0x15800];
	v27 =	vadd.s32 v34, v27;
	v33 =	vadd.s32 v33, v28  }
0x101: {  	v30 =	vld [tilespmem:s11+$0x15000];
	v40 =	vadd.s32 v24, v27;
	v20 =	vadd.s32 v20, v33  }
0x102: {  	v44 =	vld [tilespmem:s11+$0x16000];
	v24 =	vperm.xlane v40, v7;
	v16 =	vadd.s32 v16, v20  }
0x103: {  	v29 =	vld [tilespmem:s26+$0x16400];
	v47 =	vadd.s32 v47, v16  }
0x104: {  	v41 =	vld [tilespmem:s11+$0x16400];
	v53 =	vadd.s32 v40, v24;
	v54 =	vperm.xlane v47, v7  }
0x105: {  	v37 =	vld [tilespmem:s11+$0x16800];
	v55 =	vperm.xlane v53, v8  }
0x106: {  	v39 =	vld [tilespmem:s26+$0x17000];
	v56 =	vadd.s32 v47, v54  }
0x107: {  	v35 =	vld [tilespmem:s11+$0x16C00];
	v57 =	vadd.s32 v55, v53;
	v58 =	vperm.xlane v56, v8  }
0x108: {  	v36 =	vld [tilespmem:s26+$0x17400];
	v59 =	vperm.xlane v57, v9  }
0x109: {  	v28 =	vld [tilespmem:s26+$0x16800];
	v60 =	vadd.s32 v58, v56  }
0x10a: {  	v34 =	vld [tilespmem:s26+$0x17800];
	v61 =	vadd.s32 v59, v57;
	v62 =	vperm.xlane v60, v9  }
0x10b: {  	v27 =	vld [tilespmem:s26+$0x16C00];
	v45 =	vperm.xlane v61, v10  }
0x10c: {  	v33 =	vld [tilespmem:s11+$0x17000];
	v42 =	vadd.s32 v62, v60  }
0x10d: {  	p1 =	por $0x1, $0x1;
	v20 =	vld [tilespmem:s11+$0x17400];
	v45 =	vadd.s32 v15, v45;
	v63 =	vperm.xlane v42, v10  }
.Ltmp5:
0x10e: {  	v24 =	vld [tilespmem:s26+$0x17C00];
	s26 =	simm.s32 $0x14030;
	v45 =	vadd.s32 v61, v45;
	(pc) =	sbr.rel @!p1 .LBB2_9-.Ltmp5, $4  }
0x10f: {  	vm4 =	vmneg vm0;
	v51 =	vld [tilespmem:s26+$0xFFFFFFF0];
	vm5 =	vgt.s32 v45, $0xFF;
	v46 =	vadd.s32 v45, v63  }
0x110: {  	v16 =	vld [tilespmem:s11+$0x17800];
	vm4 =	vmand vm5, vm4;
	vm6 =	vmor vm0, vm5;
	v42 =	vadd.s32 v42, v46  }
0x111: {  	s22 =	simm.s32 $0x4;
	s15 =	simm.s32 $0x50;
	[tilespmem:s10+$0xFFFFFFF0] =	vst v40;
	v50 =	vld [tilespmem:s26+$0x0];
	v49 =	vsel vm4, v15, v15;
	vm5 =	vmneg vm6;
	vm7 =	vgt.s32 v42, $0xFF  }
0x112: {  	s4 =	simm.s32 $0x1;
	p0 =	por $0x1, $0x1;
	s17 =	simm.s32 $0x18010;
	[tilespmem:s10+$0x0] =	vst v47;
	v46 =	vld [tilespmem:s11+$0x15C00];
	v52 =	vsel vm4, s1, v15;
	v40 =	vmovc v42;
	vm5 =	vmand vm7, vm5;
	vm4 =	vmor vm6, vm7  }
.LBB2_10:
0x113: {  	s5 =	sadd.s32 $0xFFFFFFF0, s15  }
0x114: {  	v23 =	vadd.s32 v51, v23;
	v51 =	vld [tilespmem:s11+$0x15400];
	s11 =	sand.u32 $0x3F0, s15;
	v47 =	vsel vm5, s4, v52;
	v49 =	vsel vm5, v45, v49;
	s17 =	sadd.s32 $0x20, s17;
	s1 =	smov.u32 s22  }
0x115: {  	p1 =	slt.u32 s22, $0x3E;
	s22 =	sadd.s32 $0x2, s22;
	s4 =	sand.u32 $0x3E0, s5;
	v45 =	vld [tilespmem:s11+$0x14400];
	v17 =	vadd.s32 v17, v23  }
0x116: {  	v23 =	vld [tilespmem:s4+$0x14400];
	v19 =	vadd.s32 v19, v17;
	v38 =	vadd.s32 v50, v38  }
0x117: {  	v17 =	vld [tilespmem:s4+$0x14800];
	v18 =	vadd.s32 v18, v19;
	v21 =	vadd.s32 v21, v38  }
0x118: {  	v19 =	vld [tilespmem:s4+$0x14C00];
	v22 =	vadd.s32 v22, v18;
	v21 =	vadd.s32 v25, v21  }
0x119: {  	v18 =	vld [tilespmem:s4+$0x15000];
	v22 =	vadd.s32 v26, v22;
	v25 =	vadd.s32 v30, v21  }
0x11a: {  	v21 =	vld [tilespmem:s11+$0x14800];
	v26 =	vadd.s32 v32, v22;
	v25 =	vadd.s32 v51, v25;
	v38 =	vmov v45  }
0x11b: {  	v22 =	vld [tilespmem:s4+$0x15400];
	v26 =	vadd.s32 v31, v26;
	v30 =	vadd.s32 v48, v25  }
0x11c: {  	v25 =	vld [tilespmem:s11+$0x14C00];
	v29 =	vadd.s32 v29, v26;
	v30 =	vadd.s32 v46, v30  }
0x11d: {  	v26 =	vld [tilespmem:s4+$0x15800];
	v28 =	vadd.s32 v28, v29;
	v29 =	vadd.s32 v44, v30  }
0x11e: {  	v30 =	vld [tilespmem:s11+$0x15000];
	v27 =	vadd.s32 v27, v28;
	v28 =	vadd.s32 v41, v29  }
0x11f: {  	v32 =	vld [tilespmem:s4+$0x15C00];
	v27 =	vadd.s32 v39, v27;
	v28 =	vadd.s32 v37, v28  }
0x120: {  	v31 =	vld [tilespmem:s4+$0x16000];
	v27 =	vadd.s32 v36, v27;
	v28 =	vadd.s32 v35, v28  }
0x121: {  	v29 =	vld [tilespmem:s4+$0x16400];
	v27 =	vadd.s32 v34, v27;
	v33 =	vadd.s32 v33, v28  }
0x122: {  	v28 =	vld [tilespmem:s4+$0x16800];
	v24 =	vadd.s32 v24, v27;
	v20 =	vadd.s32 v20, v33  }
0x123: {  	v27 =	vld [tilespmem:s4+$0x16C00];
	[tilespmem:s17+$0xFFFFFFF0] =	vst v24;
	v33 =	vperm.xlane v24, v7;
	v16 =	vadd.s32 v16, v20  }
0x124: {  	v34 =	vadd.s32 v43, v16;
	v43 =	vld [tilespmem:s11+$0x17C00]  }
0x125: {  	v16 =	vld [tilespmem:s11+$0x17800];
	v35 =	vadd.s32 v24, v33;
	[tilespmem:s17+$0x0] =	vst v34;
	v33 =	vperm.xlane v34, v7  }
0x126: {  	v20 =	vld [tilespmem:s11+$0x17400];
	v36 =	vperm.xlane v35, v8  }
0x127: {  	v24 =	vld [tilespmem:s4+$0x17C00];
	v37 =	vadd.s32 v34, v33  }
0x128: {  	v33 =	vld [tilespmem:s11+$0x17000];
	v39 =	vadd.s32 v36, v35;
	v36 =	vperm.xlane v37, v8  }
0x129: {  	v34 =	vld [tilespmem:s4+$0x17800];
	v41 =	vperm.xlane v39, v9  }
0x12a: {  	v35 =	vld [tilespmem:s11+$0x16C00];
	v44 =	vadd.s32 v36, v37  }
0x12b: {  	v36 =	vld [tilespmem:s4+$0x17400];
	v45 =	vadd.s32 v41, v39;
	v41 =	vperm.xlane v44, v9  }
0x12c: {  	v37 =	vld [tilespmem:s11+$0x16800];
	v46 =	vperm.xlane v45, v10  }
0x12d: {  	v39 =	vld [tilespmem:s4+$0x17000];
	v48 =	vadd.s32 v41, v44  }
0x12e: {  	s26 =	sadd.s32 $0x20, s26;
	v41 =	vld [tilespmem:s11+$0x16400];
	v42 =	vadd.s32 v42, v46;
	v46 =	vperm.xlane v48, v10  }
.Ltmp6:
0x12f: {  	v51 =	vld [tilespmem:s26+$0xFFFFFFF0];
	v45 =	vadd.s32 v45, v42;
	(pc) =	sbr.rel @p1 .LBB2_10-.Ltmp6, $4  }
0x130: {  	vm5 =	vmneg vm4;
	v44 =	vld [tilespmem:s11+$0x16000];
	vm6 =	vgt.s32 v45, $0xFF;
	v42 =	vadd.s32 v45, v46  }
0x131: {  	v50 =	vld [tilespmem:s26+$0x0];
	vm5 =	vmand vm6, vm5;
	vm4 =	vmor vm4, vm6;
	v42 =	vadd.s32 v48, v42  }
0x132: {  	v46 =	vld [tilespmem:s11+$0x15C00];
	v49 =	vsel vm5, v40, v49;
	vm6 =	vmneg vm4;
	vm7 =	vgt.s32 v42, $0xFF;
	v40 =	vmovc v42  }
0x133: {  	s15 =	sadd.s32 $0x20, s15;
	s4 =	sadd.s32 $0x1, s16;
	v52 =	vsel vm5, s16, v47;
	s16 =	smov.u32 s1;
	v48 =	vld [tilespmem:s11+$0x15800];
	vm5 =	vmand vm7, vm6;
	vm4 =	vmor vm4, vm7  }
0x134: {  	s15 =	smov.u32 s11;
	v53 =	vmov v38;
	v47 =	vmov v43;
	s1 =	smov.u32 s16  }
.LBB2_12:
0x135: {  	v23 =	vadd.s32 v51, v23  }
0x136: {  	v38 =	vld [tilespmem:s15+$0x15400];
	v17 =	vadd.s32 v17, v23  }
0x137: {  	v17 =	vadd.s32 v19, v17;
	v19 =	vadd.s32 v50, v53  }
0x138: {  	v17 =	vadd.s32 v18, v17;
	v18 =	vadd.s32 v21, v19  }
0x139: {  	v17 =	vadd.s32 v22, v17;
	v18 =	vadd.s32 v25, v18  }
0x13a: {  	v17 =	vadd.s32 v26, v17;
	v18 =	vadd.s32 v30, v18  }
0x13b: {  	v17 =	vadd.s32 v32, v17;
	v18 =	vadd.s32 v38, v18  }
0x13c: {  	v17 =	vadd.s32 v31, v17;
	v18 =	vadd.s32 v48, v18  }
0x13d: {  	v17 =	vadd.s32 v29, v17;
	v18 =	vadd.s32 v46, v18  }
0x13e: {  	v17 =	vadd.s32 v28, v17;
	v18 =	vadd.s32 v44, v18  }
0x13f: {  	v17 =	vadd.s32 v27, v17;
	v18 =	vadd.s32 v41, v18  }
0x140: {  	v17 =	vadd.s32 v39, v17;
	v18 =	vadd.s32 v37, v18  }
0x141: {  	v17 =	vadd.s32 v36, v17;
	v18 =	vadd.s32 v35, v18  }
0x142: {  	v17 =	vadd.s32 v34, v17;
	v18 =	vadd.s32 v33, v18  }
0x143: {  	v17 =	vadd.s32 v24, v17;
	v18 =	vadd.s32 v20, v18  }
0x144: {  	v19 =	vperm.xlane v17, v7;
	v16 =	vadd.s32 v16, v18  }
0x145: {  	v16 =	vadd.s32 v47, v16  }
0x146: {  	v18 =	vadd.s32 v17, v19;
	v19 =	vperm.xlane v16, v7  }
0x147: {  	v20 =	vperm.xlane v18, v8  }
0x148: {  	v19 =	vadd.s32 v16, v19  }
0x149: {  	v18 =	vadd.s32 v20, v18;
	v20 =	vperm.xlane v19, v8  }
0x14a: {  	v21 =	vperm.xlane v18, v9  }
0x14b: {  	v19 =	vadd.s32 v20, v19  }
0x14c: {  	v18 =	vadd.s32 v21, v18;
	v20 =	vperm.xlane v19, v9  }
0x14d: {  	v21 =	vperm.xlane v18, v10  }
0x14e: {  	v19 =	vadd.s32 v20, v19  }
0x14f: {  	v20 =	vadd.s32 v42, v21;
	v21 =	vperm.xlane v19, v10  }
0x150: {  	vm6 =	vmneg vm4;
	v18 =	vadd.s32 v18, v20  }
0x151: {  	v22 =	vsel @p0 vm5, s4, v52;
	vm7 =	vgt.s32 v18, $0xFF;
	v20 =	vadd.s32 v18, v21  }
0x152: {  	vm6 =	vmand vm7, vm6;
	vm4 =	vmor vm4, vm7;
	v19 =	vadd.s32 v19, v20  }
0x153: {  	vm4 =	vmneg vm4;
	vm7 =	vgt.s32 v19, $0xFF;
	v19 =	vpsel p0, v22, v15  }
0x154: {  	s16 =	sadd.s32 $0x1, s1;
	v19 =	vsel vm6, s1, v19;
	vm4 =	vmand vm7, vm4  }
0x155: {  	v19 =	vsel vm4, s16, v19  }
0x156: {  	v20 =	vshll.u32 v19, $0x4  }
0x157: {  	v19 =	vor.u32 v0, v20  }
0x158: {  	s1 =	sadd.s32 @p0 $0x20, s17  }
0x159: {  	s10 =	smov.u32 @p0 s1  }
0x15a: {  	[tilespmem:s10+$0xFFFFFFF0] =	vst v17  }
0x15b: {  	s22 =	simm.s32 $0x18000;
	[tilespmem:s10+$0x0] =	vst v16  }
0x15c: {  	v16 =	vld.idx.msk [tilespmem:v19+s22+$0x0], $0xffff;
	_ =	sdelay $0x4  }
0x15d: {  	(xrf0) =	vadd.scan.msk.s32 $0xffff, v16;
	_ =	sdelay $0x2  }
0x15e: {  	v17 =	vsel @p0 vm5, v45, v49  }
0x15f: {  	v17 =	vpsel p0, v17, v15  }
0x160: {  	v17 =	vsel vm6, v40, v17  }
0x161: {  	v17 =	vsel vm4, v18, v17;
	v18, _, _ =	vpop (xrf0)  }
0x162: {  	v17 =	vadd.s32 v17, v18  }
0x163: {  	vm4 =	vgt.s32 v17, $0xFF  }
0x164: {  	v18 =	vnsel vm4, $0x4B800000, v11  }
0x165: {  	v19 =	vperm.xlane v18, v7;
	_ =	sdelay $0x1  }
0x166: {  	v18 =	vmin.f32 v18, v19  }
0x167: {  	v19 =	vperm.xlane v18, v8;
	_ =	sdelay $0x1  }
0x168: {  	v18 =	vmin.f32 v18, v19  }
0x169: {  	v19 =	vperm.xlane v18, v9;
	_ =	sdelay $0x1  }
0x16a: {  	v16 =	vsub.s32 v17, v16;
	v17 =	vmin.f32 v18, v19  }
0x16b: {  	s26 =	simm.s32 $0x10010;
	v16 =	vcvt.s32.f32 v16;
	v18 =	vperm.xlane v17, v10  }
0x16c: {  	v19 =	vld [tilespmem:s26+$0xFFFFFFF0]  }
0x16d: {  	v16 =	vnsel vm4, $0x4B800000, v16;
	v17 =	vmin.f32 v17, v18  }
0x16e: {  	v18 =	vperm.xlane v16, v7;
	v17 =	vtrunc.f32 v17  }
0x16f: {  	v21 =	vcvt.f32.s32 v17;
	v17 =	vld [tilespmem:s26+$0x0]  }
0x170: {  	v18 =	vmin.f32 v16, v18  }
0x171: {  	v22 =	vperm.xlane v18, v8;
	v16 =	vadd.s32 v21, v20;
	v20 =	vshrl.u32 v19, $0x15  }
0x172: {  	vm4 =	vlt.s32 v20, v16;
	vm8 =	veq.s32 v20, v16  }
0x173: {  	v18 =	vmin.f32 v18, v22;
	v20 =	vsel vm4, $0x1, v1;
	v23 =	vmpcnt.ones.xlane vm8  }
0x174: {  	v22 =	vsel vm8, $0x1, v1;
	v21 =	vshrl.u32 v17, $0x15;
	(xrf0) =	vadd.scan.msk.s32 $0xffff, v20;
	v20 =	vperm.xlane v18, v9  }
0x175: {  	vm6 =	vlt.s32 v21, v16;
	(xrf0) =	vadd.scan.msk.s32 $0xffff, v22;
	v24 =	vadd.s32 v15, v23;
	vm5 =	veq.s32 v21, v16  }
0x176: {  	v18 =	vmin.f32 v18, v20;
	vm7 =	vlt.s32 v24, $0x800;
	v20 =	vmpcnt.ones.xlane vm5  }
0x177: {  	v22 =	vsel vm6, $0x1, v1;
	v24 =	vnsel vm7, $0x800, v24  }
0x178: {  	s10 =	simm.s32 $0x10030;
	v21 =	vsel vm5, $0x1, v1;
	(xrf0) =	vadd.scan.msk.s32 $0xffff, v22;
	v25 =	vadd.s32 v24, v20  }
0x179: {  	vm6 =	vmmov vm6;
	v23 =	vperm.xlane v18, v10;
	v22 =	vmpcnt.ones.xlane vm4;
	(xrf0) =	vadd.scan.msk.s32 $0xffff, v21;
	v20 =	vld [tilespmem:s10+$0x0]  }
0x17a: {  	vm7 =	vmmov vm4;
	vm4 =	vmmov vm8;
	vm8 =	vlt.s32 v25, $0x800;
	v26, _, _ =	vpop (xrf0)  }
0x17b: {  	v27 =	vmpcnt.ones.xlane vm6;
	v21 =	vld [tilespmem:s10+$0xFFFFFFF0];
	v29 =	vnsel vm8, $0x800, v25;
	v26 =	vadd.s32 v26, v15;
	v25, _, _ =	vpop (xrf0)  }
0x17c: {  	v28 =	vadd.s32 v15, v22;
	v26 =	vadd.s32 $0xFFFFFFFF, v26;
	v15 =	vadd.s32 v25, v15  }
0x17d: {  	v22 =	vadd.s32 v28, v27;
	vm8 =	vgt.s32 v26, $0x0;
	v31 =	vadd.s32 $0xFFFFFFFF, v15  }
0x17e: {  	v30, _, _ =	vpop (xrf0);
	v15 =	vshrl.u32 v20, $0x15;
	v25 =	vnsel vm8, $0x0, v26;
	vm8 =	vgt.s32 v31, $0x0  }
0x17f: {  	v26 =	vadd.s32 v30, v28;
	v27, _, _ =	vpop (xrf0);
	vm10 =	vlt.s32 v15, v16;
	v63 =	vnsel vm8, $0x0, v31  }
0x180: {  	v28 =	vadd.s32 $0xFFFFFFFF, v26;
	v26 =	vshrl.u32 v21, $0x15;
	v24 =	vadd.s32 v27, v24  }
0x181: {  	vm9 =	vlt.s32 v26, v16;
	vm8 =	veq.s32 v26, v16;
	v30 =	vadd.s32 $0xFFFFFFFF, v24  }
0x182: {  	v26 =	vor.u32 s14, v0;
	v27 =	vmin.u32 v63, $0x80F;
	v33 =	vsel vm9, $0x1, v1  }
0x183: {  	s11 =	simm.s32 $0x2;
	s1 =	simm.s32 $0x10;
	v31 =	vsel vm8, $0x1, v1;
	vm11 =	vgt.s32 v30, $0x0;
	v32 =	vmpcnt.ones.xlane vm8;
	v24 =	vmovc v29  }
.LBB2_13:
0x184: {  	v34 =	vmpcnt.ones.xlane vm9;
	v35 =	vsel vm10, $0x1, v1;
	(xrf0) =	vadd.scan.msk.s32 $0xffff, v33  }
0x185: {  	s11 =	sadd.s32 $0x2, s11;
	[tilespmem:v25+s28+$0x0] =	vst.idx.msk vm7, v26;
	s6 =	sadd.s32 $0x20, s6;
	vm12 =	vmmov vm5;
	vm13 =	vmmov vm6;
	vm6 =	vmmov vm10  }
0x186: {  	vm5 =	veq.s32 v15, v16;
	vm7 =	vgt.s32 v28, $0x0;
	p0 =	slt.u32 s11, $0x3FE;
	v25 =	vadd.s32 v29, v32;
	(xrf0) =	vadd.scan.msk.s32 $0xffff, v31  }
0x187: {  	v15 =	vsel vm5, $0x1, v1;
	v28 =	vnsel vm7, $0x0, v28;
	vm10 =	vlt.s32 v25, $0x800;
	(xrf0) =	vadd.scan.msk.s32 $0xffff, v35  }
0x188: {  	v31 =	vnsel vm10, $0x800, v25;
	v25 =	vmpcnt.ones.xlane vm5;
	(xrf0) =	vadd.scan.msk.s32 $0xffff, v15;
	v15 =	vnsel vm11, $0x0, v30  }
0x189: {  	vm7 =	vmmov vm9;
	[tilespmem:v27+s29+$0x0] =	vst.idx.msk vm4, v19;
	v15 =	vmin.u32 v15, $0x80F;
	v19 =	vmov v21  }
0x18a: {  	s10 =	sadd.s32 $0x20, s10;
	v33 =	vadd.s32 v31, v25;
	[tilespmem:v27+s30+$0x0] =	vst.idx.msk vm4, v26;
	vm4 =	vmmov vm8  }
0x18b: {  	v30 =	vor.u32 s1, v0;
	s1 =	smov.u32 s6;
	v26 =	vld [tilespmem:s10+$0x0];
	vm8 =	vlt.s32 v33, $0x800;
	v27, _, _ =	vpop (xrf0)  }
0x18c: {  	v35 =	vmpcnt.ones.xlane vm6;
	v21 =	vld [tilespmem:s10+$0xFFFFFFF0];
	v27 =	vadd.s32 v27, v22;
	v29 =	vnsel vm8, $0x800, v33;
	v25, _, _ =	vpop (xrf0);
	[tilespmem:v28+s28+$0x0] =	vst.idx.msk vm13, v30  }
0x18d: {  	v28 =	vadd.s32 v22, v34;
	v27 =	vadd.s32 $0xFFFFFFFF, v27;
	v22 =	vadd.s32 v25, v24;
	v24, _, _ =	vpop (xrf0)  }
0x18e: {  	vm8 =	vgt.s32 v27, $0x0;
	v33 =	vadd.s32 $0xFFFFFFFF, v22;
	v22 =	vadd.s32 v28, v35;
	v32, _, _ =	vpop (xrf0);
	[tilespmem:v15+s29+$0x0] =	vst.idx.msk vm12, v17  }
0x18f: {  	v34 =	vadd.s32 v24, v28;
	v17 =	vmovc v20;
	v25 =	vnsel vm8, $0x0, v27;
	vm8 =	vgt.s32 v33, $0x0;
	[tilespmem:v15+s30+$0x0] =	vst.idx.msk vm12, v30  }
.Ltmp7:
0x190: {  	v24 =	vmovc v29;
	v28 =	vadd.s32 $0xFFFFFFFF, v34;
	v15 =	vshrl.u32 v26, $0x15;
	v27 =	vnsel vm8, $0x0, v33;
	v20 =	vmovc v26;
	(pc) =	sbr.rel @p0 .LBB2_13-.Ltmp7, $4  }
0x191: {  	v30 =	vadd.s32 v32, v31;
	v26 =	vshrl.u32 v21, $0x15;
	vm10 =	vlt.s32 v15, v16  }
0x192: {  	s4 =	sadd.s32 $0xFFFFFFF0, s6;
	v30 =	vadd.s32 $0xFFFFFFFF, v30;
	vm9 =	vlt.s32 v26, v16;
	vm8 =	veq.s32 v26, v16  }
0x193: {  	vm11 =	vgt.s32 v30, $0x0;
	v33 =	vsel vm9, $0x1, v1;
	v31 =	vsel vm8, $0x1, v1  }
0x194: {  	v27 =	vmin.u32 v27, $0x80F;
	v26 =	vor.u32 s4, v0;
	v32 =	vmpcnt.ones.xlane vm8  }
0x195: {  	_ = 	snop  }
0x196: {  	(xrf0) =	vadd.scan.msk.s32 $0xffff, v33;
	vm12 =	veq.s32 v15, v16;
	v29 =	vadd.s32 v29, v32  }
0x197: {  	v15 =	vsel vm10, $0x1, v1;
	(xrf0) =	vadd.scan.msk.s32 $0xffff, v31;
	v16 =	vmpcnt.ones.xlane vm12;
	vm13 =	vlt.s32 v29, $0x800  }
0x198: {  	v51 =	vsel vm12, $0x1, v1;
	(xrf0) =	vadd.scan.msk.s32 $0xffff, v15;
	v29 =	vnsel vm13, $0x800, v29  }
0x199: {  	(xrf0) =	vadd.scan.msk.s32 $0xffff, v51;
	v15 =	vadd.s32 v29, v16;
	v16 =	vnsel vm1, $0xFF800000, v14  }
0x19a: {  	v18 =	vmin.f32 v18, v23;
	vm13 =	vlt.s32 v15, $0x800;
	(xrf0) =	vmax.scan.msk.f32 $0xffff, v16;
	v16 =	vsel vm2, $0xFF800000, v14  }
0x19b: {  	v14 =	vsel vm3, $0xFF800000, v14;
	v15 =	vnsel vm13, $0x800, v15;
	(xrf0) =	vmax.scan.msk.f32 $0xffff, v16;
	v16 =	vsub.f32 $2.560000000e+02, v18  }
0x19c: {  	v52, _, _ =	vpop (xrf0);
	(xrf0) =	vmax.scan.msk.f32 $0xffff, v14;
	v14 =	vcvt.s32.f32 v15  }
0x19d: {  	v53, _, _ =	vpop (xrf0);
	(xrf0) =	vmax.scan.msk.f32 $0xffff, v16  }
0x19e: {  	v54, _, _ =	vpop (xrf0);
	(xrf0) =	vmax.scan.msk.f32 $0xffff, v14  }
0x19f: {  	v55, _, _ =	vpop (xrf0)  }
0x1a0: {  	v16, _, _ =	vpop (xrf0)  }
0x1a1: {  	v15, _, _ =	vpop (xrf0)  }
0x1a2: {  	v14, _, _ =	vpop (xrf0)  }
0x1a3: {  	v34, _, _ =	vpop (xrf0)  }
0x1a4: {  	(v2sf) =	vpush v34, $0xF;
	v56, _, _ =	vpop (xrf0)  }
0x1a5: {  	(v2sf) =	vpush v56, $0xF;
	_ =	sdelay $0xc  }
0x1a6: {  	v57 =	vmpcnt.ones.xlane vm9  }
0x1a7: {  	vm14 =	vmmov vm6;
	v30 =	vnsel vm11, $0x0, v30;
	vm6 =	vmmov vm9;
	s5 =	sadd.s32 $0x20, s6;
	s4 =	spop (v2sf)  }
0x1a8: {  	v58 =	vor.u32 s1, v0;
	v30 =	vmin.u32 v30, $0x80F;
	s10 =	sadd.s32 $0xFFFFFFF0, s5;
	vm13 =	vgt.s32 v28, $0x0;
	s16 =	spop (v2sf)  }
0x1a9: {  	v59 =	vadd.s32 v22, v57;
	v62 =	vor.u32 s10, v0;
	v28 =	vnsel vm13, $0x0, v28;
	s1 =	scvt.f32.s32 s16  }
0x1aa: {  	vm13 =	vmmov vm5;
	v23 =	vadd.s32 v52, v22;
	v24 =	vadd.s32 v53, v24  }
0x1ab: {  	[tilespmem:v25+s28+$0x0] =	vst.idx.msk vm7, v26;
	vm5 =	vmmov vm8;
	v23 =	vadd.s32 $0xFFFFFFFF, v23;
	v24 =	vadd.s32 $0xFFFFFFFF, v24;
	s17 =	sadd.s32 $0xF, s1  }
0x1ac: {  	[tilespmem:v27+s29+$0x0] =	vst.idx.msk vm4, v19;
	vm15 =	vgt.s32 v23, $0x0;
	v19 =	vadd.s32 v54, v59;
	vm9 =	vgt.s32 v24, $0x0;
	s11 =	sand.u32 $0xF, s17  }
0x1ad: {  	v23 =	vnsel vm15, $0x0, v23;
	v61 =	vadd.s32 v55, v29;
	v60 =	vnsel vm9, $0x0, v24;
	s22 =	sshra.s32 s17, $0x1F;
	p1 =	slt.s32 s17, $0x1;
	p0 =	sne.s32 s11, $0x0  }
0x1ae: {  	[tilespmem:v27+s30+$0x0] =	vst.idx.msk vm4, v26;
	v19 =	vadd.s32 $0xFFFFFFFF, v19;
	v24 =	vadd.s32 $0xFFFFFFFF, v61;
	v22 =	vmin.u32 v60, $0x80F;
	s10 =	sshrl.u32 s22, $0x1C;
	p0 =	por !p1, !p0  }
0x1af: {  	vm10 =	vmmov vm10;
	[tilespmem:v28+s28+$0x0] =	vst.idx.msk vm14, v58;
	vm4 =	vgt.s32 v24, $0x0;
	vm14 =	vgt.s32 v19, $0x0;
	s6 =	sadd.s32 s10, s17;
	s10 =	simm.s32 $0x1;
	p0 =	por !p0, !p0  }
0x1b0: {  	[tilespmem:v30+s29+$0x0] =	vst.idx.msk vm13, v17;
	v17 =	vnsel vm14, $0x0, v19;
	v19 =	vnsel vm4, $0x0, v24;
	s26 =	sshra.s32 s6, $0x4;
	s10 =	simm.s32 @!p0 $0x0  }
0x1b1: {  	[tilespmem:v30+s30+$0x0] =	vst.idx.msk vm13, v58;
	v19 =	vmin.u32 v19, $0x80F;
	s6 =	ssub.s32 s26, s10  }
0x1b2: {  	[tilespmem:v23+s28+$0x0] =	vst.idx.msk vm6, v62;
	p0 =	slt.s32 s6, $0x1  }
.Ltmp8:
0x1b3: {  	[tilespmem:v22+s29+$0x0] =	vst.idx.msk vm5, v21;
	(pc) =	sbr.rel @p0 .LBB2_18-.Ltmp8, $4  }
0x1b4: {  	v63 =	vor.u32 s5, v0;
	[tilespmem:v22+s30+$0x0] =	vst.idx.msk vm5, v62  }
0x1b5: {  	[tilespmem:v17+s28+$0x0] =	vst.idx.msk vm10, v63  }
0x1b6: {  	[tilespmem:v19+s29+$0x0] =	vst.idx.msk vm12, v20  }
0x1b7: {  	vm11 =	vmmov vm10;
	vm15 =	vmmov vm12;
	[tilespmem:v19+s30+$0x0] =	vst.idx.msk vm12, v63;
	v17 =	vmov s1  }
0x1b8: {  	s11 =	simm.s32 $0x19400  }
0x1b9: {  	p1 =	seq.s32 s6, $0x1;
	v19 =	vld [tilespmem:s11+$0x0]  }
.Ltmp9:
0x1ba: {  	_ = 	snop;
	(pc) =	sbr.rel @p1 .LBB2_17-.Ltmp9, $4  }
0x1bb: {  	s10 =	simm.s32 $0x0  }
0x1bc: {  	v20 =	vor.u32 s10, v0  }
0x1bd: {  	vm4 =	vlt.s32 v20, v17  }
0x1be: {  	s1 =	simm.s32 $0x19C80;
	s14 =	simm.s32 $0x19410;
	s11 =	sadd.s32 $0xFFFFFFFF, s6;
	v19 =	vnsel vm4, $0x7F800000, v19  }
.LBB2_16:
0x1bf: {  	v20 =	vld [tilespmem:s14+$0x0];
	p1 =	seq.s32 s11, $0x1;
	s11 =	sadd.s32 $0xFFFFFFFF, s11;
	[tilespmem:s1+$0x0] =	vst v19  }
.Ltmp10:
0x1c0: {  	(pc) =	sbr.rel @!p1 .LBB2_16-.Ltmp10, $4  }
0x1c1: {  	s10 =	sadd.s32 $0x10, s10  }
0x1c2: {  	v19 =	vor.u32 s10, v0  }
0x1c3: {  	vm4 =	vlt.s32 v19, v17  }
0x1c4: {  	s14 =	sadd.s32 $0x10, s14;
	s1 =	sadd.s32 $0x10, s1;
	v19 =	vnsel vm4, $0x7F800000, v20  }
.LBB2_17:
0x1c5: {  	[tilespmem:s1+$0x0] =	vst v19  }
.LBB2_18:
0x1c6: {  	s1 =	scvt.f32.s32 s4;
	_ =	sdelay $0x1  }
0x1c7: {  	p1 =	sgt.s32 s1, $0x0  }
.Ltmp11:
0x1c8: {  	_ = 	snop;
	(pc) =	sbr.rel @p1 .LBB2_24-.Ltmp11, $2  }
0x1c9: {  	_ =	sdelay $0x2  }
0x1ca: {  	s10 =	simm.s32 $0x0  }
.Ltmp12:
0x1cb: {  	(pc) =	sbr.rel .LBB2_21-.Ltmp12, $2  }
0x1cc: {  	_ =	sdelay $0x2  }
0x1cd: {  	s1 =	simm.f32 $0.0e+00  }
.LBB2_29:
0x1ce: {  	v20 =	vimm.f32 $0.0e+00  }
.LBB2_36:
0x1cf: {  	(xrf0) =	vmax.scan.msk.f32 $0xffff, v20;
	_ =	sdelay $0x5  }
0x1d0: {  	v20, _, _ =	vpop (xrf0)  }
0x1d1: {  	(v2sf) =	vpush v20, $0xF;
	_ =	sdelay $0xe  }
0x1d2: {  	s4 =	spop (v2sf)  }
0x1d3: {  	s4 =	scvt.f32.s32 s4;
	_ =	sdelay $0x1  }
0x1d4: {  	s10 =	sadd.s32 s4, s10  }
0x1d5: {  	p1 =	slt.s32 s10, s1  }
.Ltmp13:
0x1d6: {  	_ = 	snop;
	(pc) =	sbr.rel @!p1 .LBB2_20-.Ltmp13, $1  }
0x1d7: {  	_ =	sdelay $0x3  }
.LBB2_24:
.Ltmp14:
0x1d8: {  	(pc) =	sbr.rel @p0 .LBB2_28-.Ltmp14, $2  }
0x1d9: {  	_ =	sdelay $0x2  }
0x1da: {  	v19 =	vimm.f32 $+Inf;
	s4 =	simm.s32 $0x19C80  }
0x1db: {  	p1 =	sne.s32 s6, $0x1  }
.Ltmp15:
0x1dc: {  	_ = 	snop;
	(pc) =	sbr.rel @!p1 .LBB2_27-.Ltmp15, $2  }
0x1dd: {  	_ =	sdelay $0x2  }
0x1de: {  	s11 =	sadd.s32 $0xFFFFFFFF, s6;
	v20 =	vld [tilespmem:s4+$0x0]  }
.LBB2_26:
0x1df: {  	p1 =	sne.s32 s11, $0x1  }
.Ltmp16:
0x1e0: {  	_ = 	snop;
	(pc) =	sbr.rel @p1 .LBB2_26-.Ltmp16, $3  }
0x1e1: {  	_ =	sdelay $0x1  }
0x1e2: {  	s11 =	sadd.s32 $0xFFFFFFFF, s11;
	s4 =	sadd.s32 $0x10, s4;
	v19 =	vmin.f32 v19, v20  }
0x1e3: {  	v20 =	vld [tilespmem:s4+$0x0]  }
.LBB2_27:
0x1e4: {  	_ =	sdelay $0x3  }
0x1e5: {  	v19 =	vmin.f32 v19, v20  }
.LBB2_28:
0x1e6: {  	v20 =	vperm.xlane v19, v4;
	_ =	sdelay $0x1  }
0x1e7: {  	v19 =	vmin.f32 v19, v20  }
0x1e8: {  	v20 =	vperm.xlane v19, v5;
	_ =	sdelay $0x1  }
0x1e9: {  	v19 =	vmin.f32 v19, v20  }
0x1ea: {  	v20 =	vperm.xlane v19, v6  }
.Ltmp17:
0x1eb: {  	_ = 	snop;
	(pc) =	sbr.rel @p0 .LBB2_29-.Ltmp17, $3  }
0x1ec: {  	v19 =	vmin.f32 v19, v20  }
0x1ed: {  	v20 =	vperm.xlane v19, v10;
	_ =	sdelay $0x1  }
0x1ee: {  	v19 =	vmin.f32 v19, v20  }
0x1ef: {  	p2 =	sne.s32 s6, $0x1  }
.Ltmp18:
0x1f0: {  	_ = 	snop;
	(pc) =	sbr.rel @!p2 .LBB2_31-.Ltmp18, $2  }
0x1f1: {  	_ =	sdelay $0x2  }
0x1f2: {  	v20 =	vimm.s32 $0x0;
	s4 =	simm.s32 $0x19C80;
	s11 =	sadd.s32 $0xFFFFFFFF, s6;
	p1 =	por $0x0, $0x0  }
0x1f3: {  	v21 =	vld [tilespmem:s4+$0x0];
	_ =	sdelay $0x1  }
0x1f4: {  	p2 =	sne.s32 s11, $0x1  }
.Ltmp19:
0x1f5: {  	_ = 	snop;
	(pc) =	sbr.rel @!p2 .LBB2_33-.Ltmp19, $4  }
0x1f6: {  	_ = 	snop  }
0x1f7: {  	vm4 =	veq.f32 v21, v19  }
0x1f8: {  	v21 =	vsel vm4, $0x7F800000, v21;
	v22 =	vmpcnt.ones.xlane vm4  }
0x1f9: {  	s11 =	sadd.s32 $0xFFFFFFFF, s11;
	p1 =	por $0x1, $0x1;
	[tilespmem:s4+$0x0] =	vst v21;
	s4 =	simm.s32 $0x19C90;
	v21 =	vimm.s32 $0x0  }
.LBB2_34:
0x1fa: {  	p2 =	sne.s32 s11, $0x1;
	v23 =	vld [tilespmem:s4+$0x0];
	v21 =	vadd.s32 v21, v22;
	_ =	sdelay $0x2  }
.Ltmp20:
0x1fb: {  	(pc) =	sbr.rel @p2 .LBB2_34-.Ltmp20, $4  }
0x1fc: {  	_ = 	snop  }
0x1fd: {  	vm4 =	veq.f32 v23, v19  }
0x1fe: {  	v23 =	vsel vm4, $0x7F800000, v23;
	v22 =	vmpcnt.ones.xlane vm4  }
0x1ff: {  	s11 =	sadd.s32 $0xFFFFFFFF, s11;
	[tilespmem:s4+$0x0] =	vst v23;
	s4 =	sadd.s32 $0x10, s4  }
.LBB2_35:
0x200: {  	v23 =	vld [tilespmem:s4+$0x0];
	_ =	sdelay $0x4  }
0x201: {  	vm4 =	veq.f32 v23, v19  }
.Ltmp21:
0x202: {  	v21 =	vadd.s32 @p1 v21, v22;
	v22 =	vmpcnt.ones.xlane vm4;
	(pc) =	sbr.rel .LBB2_36-.Ltmp21, $4  }
0x203: {  	v20 =	vpsel p1, v21, v20  }
0x204: {  	v20 =	vadd.s32 v20, v22  }
0x205: {  	v21 =	vsel vm4, $0x7F800000, v23;
	v20 =	vcvt.s32.f32 v20  }
0x206: {  	[tilespmem:s4+$0x0] =	vst v21  }
.LBB2_31:
.Ltmp22:
0x207: {  	(pc) =	sbr.rel .LBB2_35-.Ltmp22, $2  }
0x208: {  	_ =	sdelay $0x2  }
0x209: {  	v21 =	vimm.s32 $0x0  }
.LBB2_33:
.Ltmp23:
0x20a: {  	(pc) =	sbr.rel .LBB2_35-.Ltmp23, $2  }
0x20b: {  	_ =	sdelay $0x2  }
0x20c: {  	v21 =	vimm.s32 $0x0  }
.LBB2_20:
0x20d: {  	(xrf0) =	vmax.scan.msk.f32 $0xffff, v19;
	_ =	sdelay $0x5  }
0x20e: {  	v19, _, _ =	vpop (xrf0)  }
0x20f: {  	(v2sf) =	vpush v19, $0xF;
	_ =	sdelay $0xe  }
0x210: {  	s1 =	spop (v2sf)  }
.LBB2_21:
.Ltmp24:
0x211: {  	(pc) =	sbr.rel @p0 .LBB2_51-.Ltmp24, $1  }
0x212: {  	_ =	sdelay $0x3  }
0x213: {  	s26 =	simm.s32 $0x19400  }
0x214: {  	p2 =	sne.s32 s6, $0x1;
	v20 =	vld [tilespmem:s26+$0x0]  }
.Ltmp25:
0x215: {  	_ = 	snop;
	(pc) =	sbr.rel @!p2 .LBB2_23-.Ltmp25, $4  }
0x216: {  	s4 =	simm.s32 $0x0  }
0x217: {  	v21 =	vor.u32 s4, v0  }
0x218: {  	v18 =	vtrunc.f32 v18;
	s10 =	simm.s32 $0x1A500;
	p1 =	por $0x0, $0x0;
	vm4 =	vlt.s32 v21, v17  }
0x219: {  	p0 =	por $0x0, $0x0;
	v19 =	vcvt.f32.s32 v18;
	v18 =	vmov s1;
	s1 =	sadd.s32 $0xFFFFFFFF, s6;
	s4 =	simm.s32 $0x19410;
	v22 =	vnsel vm4, $0x7F800000, v20  }
0x21a: {  	v20 =	vld [tilespmem:s4+$0x0];
	p2 =	sne.s32 s1, $0x1  }
.Ltmp26:
0x21b: {  	_ = 	snop;
	(pc) =	sbr.rel @!p2 .LBB2_38-.Ltmp26, $4  }
0x21c: {  	s26 =	simm.s32 $0x10  }
0x21d: {  	vm4 =	vlt.f32 v22, v18;
	v21 =	vor.u32 s26, v0  }
0x21e: {  	v22 =	vsel vm4, $0x1, v1;
	vm6 =	vlt.s32 v21, v17  }
0x21f: {  	s4 =	sadd.s32 $0xFFFFFFFF, s1;
	s11 =	simm.s32 $0x19420;
	p1 =	por $0x1, $0x1;
	vm5 =	vmmov vm4;
	(xrf0) =	vadd.scan.msk.s32 $0xffff, v22;
	v22 =	vnsel vm6, $0x7F800000, v20  }
0x220: {  	_ =	sdelay $0x2  }
0x221: {  	v20 =	vld [tilespmem:s11+$0x0];
	vm4 =	vlt.f32 v22, v18;
	p3 =	sne.s32 s4, $0x1  }
.Ltmp27:
0x222: {  	s11 =	simm.s32 $0x20;
	v22 =	vsel vm4, $0x1, v1;
	(pc) =	sbr.rel @!p3 .LBB2_40-.Ltmp27, $4  }
0x223: {  	v23 =	vor.u32 s11, v0;
	v21, _, _ =	vpop (xrf0);
	(xrf0) =	vadd.scan.msk.s32 $0xffff, v22  }
0x224: {  	vm7 =	vmmov vm5;
	v21 =	vadd.s32 v21, v19  }
0x225: {  	s14 =	sadd.s32 $0xFFFFFFFF, s4;
	vm5 =	vmmov vm4;
	vm4 =	vlt.s32 v23, v17;
	v21 =	vadd.s32 $0xFFFFFFFF, v21  }
0x226: {  	s15 =	simm.s32 $0x19430;
	p2 =	por $0x1, $0x1;
	s4 =	simm.s32 $0x1A500;
	v23 =	vmovc v19;
	v22 =	vnsel vm4, $0x7F800000, v20;
	v20 =	vld [tilespmem:s10+$0x0];
	vm4 =	vmmov vm7;
	vm6 =	vgt.s32 v21, $0x0  }
.LBB2_41:
0x227: {  	v24 =	vld [tilespmem:s15+$0x0];
	p3 =	sne.s32 s14, $0x1;
	s14 =	sadd.s32 $0xFFFFFFFF, s14;
	vm7 =	vlt.f32 v22, v18;
	v25 =	vnsel vm6, $0x0, v21;
	v21 =	vmpcnt.ones.xlane vm4  }
.Ltmp28:
0x228: {  	vm8 =	vmmov vm5;
	v26 =	vsel vm7, $0x1, v1;
	vm5 =	vmmov vm7;
	(pc) =	sbr.rel @p3 .LBB2_41-.Ltmp28, $4  }
0x229: {  	s11 =	sadd.s32 $0x10, s11;
	(xrf0) =	vadd.scan.msk.s32 $0xffff, v26;
	v22, _, _ =	vpop (xrf0);
	v23 =	vadd.s32 v23, v21  }
0x22a: {  	v21 =	vor.u32 s11, v0;
	v22 =	vadd.s32 v22, v23  }
0x22b: {  	s4 =	sadd.s32 $0x10, s4;
	vm6 =	vlt.s32 v21, v17;
	v21 =	vadd.s32 $0xFFFFFFFF, v22  }
0x22c: {  	s15 =	sadd.s32 $0x10, s15;
	v22 =	vnsel vm6, $0x7F800000, v24;
	vm6 =	vgt.s32 v21, $0x0;
	[tilespmem:v25+s28+$0x0] =	vst.idx.msk vm4, v20;
	v20 =	vld [tilespmem:s4+$0x0];
	vm4 =	vmmov vm8  }
.LBB2_42:
0x22d: {  	vm7 =	vlt.f32 v22, v18  }
0x22e: {  	vm5 =	vmmov @p1 vm5;
	v22 =	vsel vm7, $0x1, v1  }
0x22f: {  	v24 =	vmpcnt.ones.xlane @p2 vm4;
	vm5 =	vmmov @p1 vm5;
	(xrf0) =	vadd.scan.msk.s32 $0xffff, v22  }
0x230: {  	vm5 =	vmmov @p1 vm5  }
0x231: {  	v22 =	vadd.s32 @p2 v23, v24;
	v24 =	vmpcnt.ones.xlane @p1 vm5  }
0x232: {  	v23, _, _ =	vpop @p1 (xrf0);
	v22 =	vpsel p2, v22, v19  }
0x233: {  	v23 =	vadd.s32 @p1 v23, v22  }
0x234: {  	s4 =	sadd.s32 @p2 $0x10, s4;
	s5 =	simm.s32 $0x1A500;
	v23 =	vadd.s32 @p1 $0xFFFFFFFF, v23;
	v22 =	vadd.s32 @p1 v22, v24  }
0x235: {  	v21 =	vnsel @p2 vm6, $0x0, v21;
	s5 =	smov.u32 @p2 s4;
	vm6 =	vgt.s32 @p1 v23, $0x0;
	v19 =	vpsel p1, v22, v19;
	v24, _, _ =	vpop (xrf0)  }
0x236: {  	v23 =	vpsel p1, v23, v0;
	vm6 =	vmmov @p1 vm6;
	v22 =	vadd.s32 v24, v19;
	v24 =	vld @p1 [tilespmem:s5+$0x0]  }
0x237: {  	v23 =	vnsel @p1 vm6, $0x0, v23  }
0x238: {  	vm7 =	vmmov vm7  }
0x239: {  	vm7 =	vmmov vm7;
	s4 =	sadd.s32 @p1 $0x10, s5;
	v22 =	vadd.s32 $0xFFFFFFFF, v22  }
0x23a: {  	s10 =	smov.u32 @p1 s4;
	vm7 =	vmmov vm7;
	vm6 =	vgt.s32 v22, $0x0  }
0x23b: {  	v25 =	vld [tilespmem:s10+$0x0];
	[tilespmem:v21+s28+$0x0] =	vst.idx.msk @p2 vm4, v20;
	v22 =	vnsel vm6, $0x0, v22;
	v20 =	vpsel p1, v24, v0  }
0x23c: {  	[tilespmem:v23+s28+$0x0] =	vst.idx.msk @p1 vm5, v20;
	p1 =	seq.s32 s6, $0x1  }
.Ltmp29:
0x23d: {  	_ = 	snop;
	(pc) =	sbr.rel @p1 .LBB2_43-.Ltmp29, $4  }
0x23e: {  	v21 =	vmpcnt.ones.xlane vm7  }
0x23f: {  	s22 =	simm.s32 $0x0  }
0x240: {  	s26 =	simm.s32 $0x19400;
	v19 =	vadd.s32 v19, v21;
	v21 =	vor.u32 s22, v0;
	[tilespmem:v22+s28+$0x0] =	vst.idx.msk vm7, v25  }
0x241: {  	v20 =	vsub.s32 $0x100, v19;
	s6 =	simm.s32 $0x1A500;
	vm7 =	vlt.s32 v21, v17;
	v24 =	vld [tilespmem:s26+$0x0]  }
0x242: {  	_ =	sdelay $0x1  }
0x243: {  	p2 =	seq.s32 s1, $0x1  }
.Ltmp30:
0x244: {  	_ = 	snop;
	(pc) =	sbr.rel @p2 .LBB2_45-.Ltmp30, $4  }
0x245: {  	v21 =	vnsel vm7, $0x7F800000, v24  }
0x246: {  	s4 =	simm.s32 $0x10;
	vm5 =	veq.f32 v21, v18  }
0x247: {  	s5 =	simm.s32 $0x19410;
	v22 =	vor.u32 s4, v0;
	v21 =	vsel vm5, $0x1, v1  }
0x248: {  	s1 =	sadd.s32 $0xFFFFFFFF, s1;
	p1 =	por $0x1, $0x1;
	v24 =	vld [tilespmem:s5+$0x0];
	vm7 =	vlt.s32 v22, v17;
	(xrf0) =	vadd.scan.msk.s32 $0xffff, v21  }
0x249: {  	_ =	sdelay $0x3  }
0x24a: {  	p3 =	seq.s32 s1, $0x1;
	v21 =	vnsel vm7, $0x7F800000, v24  }
.Ltmp31:
0x24b: {  	_ = 	snop;
	(pc) =	sbr.rel @p3 .LBB2_47-.Ltmp31, $4  }
0x24c: {  	s4 =	simm.s32 $0x20  }
0x24d: {  	vm4 =	vmmov vm5;
	v22 =	vor.u32 s4, v0;
	vm5 =	veq.f32 v21, v18;
	v21, _, _ =	vpop (xrf0)  }
0x24e: {  	s26 =	simm.s32 $0x19420;
	v23 =	vsel vm5, $0x1, v1;
	vm6 =	vle.s32 v21, v20;
	v21 =	vadd.s32 v21, v19  }
0x24f: {  	s1 =	sadd.s32 $0xFFFFFFFF, s1;
	p2 =	por $0x1, $0x1;
	v24 =	vld [tilespmem:s26+$0x0];
	vm7 =	vlt.s32 v22, v17;
	(xrf0) =	vadd.scan.msk.s32 $0xffff, v23;
	vm6 =	vmand vm4, vm6;
	v23 =	vadd.s32 $0xFFFFFFFF, v21  }
0x250: {  	_ =	sdelay $0x2  }
0x251: {  	vm4 =	vmmov vm6  }
0x252: {  	v21 =	vnsel vm7, $0x7F800000, v24;
	v24 =	vmpcnt.ones.xlane vm4  }
0x253: {  	p3 =	seq.s32 s1, $0x1;
	s10 =	simm.s32 $0x19430  }
.Ltmp32:
0x254: {  	vm7 =	vgt.s32 v23, $0x0;
	v25 =	vadd.s32 v19, v24;
	v27 =	vsub.s32 v20, v24;
	v24 =	vld [tilespmem:s10+$0x0];
	(pc) =	sbr.rel @p3 .LBB2_50-.Ltmp32, $4  }
0x255: {  	vm8 =	vmmov vm5;
	vm5 =	veq.f32 v21, v18;
	v22 =	vnsel vm7, $0x0, v23;
	v21 =	vld [tilespmem:s6+$0x0]  }
0x256: {  	s4 =	simm.s32 $0x30;
	v28, _, _ =	vpop (xrf0);
	v26 =	vsel vm5, $0x1, v1  }
0x257: {  	v29 =	vor.u32 s4, v0;
	vm9 =	vle.s32 v28, v27;
	v28 =	vadd.s32 v28, v25;
	(xrf0) =	vadd.scan.msk.s32 $0xffff, v26  }
0x258: {  	s11 =	sadd.s32 $0xFFFFFFFF, s1;
	s1 =	simm.s32 $0x1A510;
	p0 =	por $0x1, $0x1;
	vm7 =	vlt.s32 v29, v17;
	vm8 =	vmand vm8, vm9;
	v26 =	vadd.s32 $0xFFFFFFFF, v28  }
.LBB2_49:
0x259: {  	v28 =	vnsel vm7, $0x7F800000, v24  }
0x25a: {  	p3 =	seq.s32 s11, $0x1;
	s11 =	sadd.s32 $0xFFFFFFFF, s11;
	s10 =	sadd.s32 $0x10, s10;
	vm7 =	vgt.s32 v26, $0x0;
	[tilespmem:v22+s28+$0x0] =	vst.idx.msk vm4, v21;
	v21 =	vld [tilespmem:s1+$0x0];
	vm9 =	vmmov vm5;
	vm4 =	vmmov vm8  }
.Ltmp33:
0x25b: {  	v24 =	vld [tilespmem:s10+$0x0];
	vm5 =	veq.f32 v28, v18;
	v22 =	vnsel vm7, $0x0, v26;
	v26 =	vmpcnt.ones.xlane vm4;
	(pc) =	sbr.rel @!p3 .LBB2_49-.Ltmp33, $4  }
0x25c: {  	v29 =	vsel vm5, $0x1, v1  }
0x25d: {  	s4 =	sadd.s32 $0x10, s4;
	(xrf0) =	vadd.scan.msk.s32 $0xffff, v29;
	v28, _, _ =	vpop (xrf0);
	v25 =	vadd.s32 v25, v26;
	v27 =	vsub.s32 v27, v26  }
0x25e: {  	v26 =	vor.u32 s4, v0;
	vm8 =	vle.s32 v28, v27;
	v28 =	vadd.s32 v28, v25  }
0x25f: {  	s1 =	sadd.s32 $0x10, s1;
	vm7 =	vlt.s32 v26, v17;
	vm8 =	vmand vm9, vm8;
	v26 =	vadd.s32 $0xFFFFFFFF, v28  }
.LBB2_50:
0x260: {  	vm8 =	vmmov @p2 vm8  }
0x261: {  	v17 =	vmpcnt.ones.xlane @p2 vm8;
	_ =	sdelay $0x1  }
0x262: {  	v24 =	vnsel vm7, $0x7F800000, v24;
	v27 =	vsub.s32 @p2 v27, v17  }
0x263: {  	vm7 =	veq.f32 v24, v18;
	v18, _, _ =	vpop @p1 (xrf0);
	v24 =	vpsel p2, v27, v20  }
0x264: {  	vm5 =	vmmov @p1 vm5;
	v60 =	vsel vm7, $0x1, v1;
	vm9 =	vle.s32 @p1 v18, v24  }
0x265: {  	v17 =	vadd.s32 @p2 v25, v17;
	(xrf0) =	vadd.scan.msk.s32 $0xffff, v60;
	vm5 =	vmand @p1 vm5, vm9  }
0x266: {  	v17 =	vpsel p2, v17, v19;
	vm6 =	vmmov @p1 vm5  }
0x267: {  	v18 =	vadd.s32 @p1 v18, v17;
	vm5 =	vgt.s32 @p2 v26, $0x0;
	vm6 =	vmmov @p1 vm6  }
0x268: {  	v18 =	vadd.s32 @p1 $0xFFFFFFFF, v18;
	v25 =	vnsel @p2 vm5, $0x0, v26;
	v26 =	vmpcnt.ones.xlane @p1 vm6  }
0x269: {  	vm7 =	vmmov vm7;
	v18 =	vpsel p1, v18, v23;
	vm5 =	vmmov @p2 vm8  }
0x26a: {  	vm8 =	vgt.s32 @p1 v18, $0x0;
	v17 =	vadd.s32 @p1 v17, v26;
	v24 =	vsub.s32 @p1 v24, v26  }
0x26b: {  	s4 =	sadd.s32 @p2 $0x10, s1;
	s5 =	simm.s32 $0x1A500;
	v23 =	vpsel p2, v25, v0;
	v61, _, _ =	vpop (xrf0);
	v62 =	vpsel p1, v24, v20;
	v17 =	vpsel p1, v17, v19  }
0x26c: {  	s5 =	smov.u32 @p2 s4;
	v18 =	vnsel @p1 vm8, $0x0, v18;
	v19 =	vld @p2 [tilespmem:s1+$0x0];
	vm14 =	vle.s32 v61, v62;
	v17 =	vadd.s32 v61, v17  }
0x26d: {  	vm6 =	vmmov @p1 vm6;
	v20 =	vld @p1 [tilespmem:s5+$0x0];
	s1 =	sadd.s32 @p1 $0x10, s5;
	vm7 =	vmand vm7, vm14;
	v17 =	vadd.s32 $0xFFFFFFFF, v17  }
0x26e: {  	v18 =	vpsel p1, v18, v0;
	s6 =	smov.u32 @p1 s1;
	vm15 =	vgt.s32 v17, $0x0;
	vm7 =	vmmov vm7  }
0x26f: {  	v63 =	vld [tilespmem:s6+$0x0];
	v17 =	vnsel vm15, $0x0, v17;
	_ =	sdelay $0x1  }
0x270: {  	[tilespmem:v22+s28+$0x0] =	vst.idx.msk @p0 vm4, v21;
	v19 =	vpsel p2, v19, v0  }
0x271: {  	[tilespmem:v23+s28+$0x0] =	vst.idx.msk @p2 vm5, v19;
	v19 =	vpsel p1, v20, v0  }
0x272: {  	[tilespmem:v18+s28+$0x0] =	vst.idx.msk @p1 vm6, v19  }
0x273: {  	[tilespmem:v17+s28+$0x0] =	vst.idx.msk vm7, v63  }
.LBB2_51:
0x274: {  	v17 =	vld [tilespmem:$0x1AD80];
	_ =	sdelay $0x4  }
0x275: {  	v18 =	vcvt.s32.f32 v17;
	_ =	sdelay $0x1  }
0x276: {  	[tilespmem:$0x1AF00] =	vst v18  }
0x277: {  	v18 =	vld.idx.msk [tilespmem:v17+s20+$0x0], $0xffff;
	_ =	sdelay $0x4  }
0x278: {  	[tilespmem:$0x1B080] =	vst v18;
	v18 =	vld [tilespmem:$0x1AD90]  }
0x279: {  	v17 =	vld.idx.msk [tilespmem:v17+s23+$0x0], $0xffff;
	_ =	sdelay $0x3  }
0x27a: {  	v19 =	vcvt.s32.f32 v18  }
0x27b: {  	[tilespmem:$0x1B200] =	vst v17  }
0x27c: {  	[tilespmem:$0x1AF10] =	vst v19  }
0x27d: {  	v17 =	vld.idx.msk [tilespmem:v18+s20+$0x0], $0xffff;
	_ =	sdelay $0x4  }
0x27e: {  	[tilespmem:$0x1B090] =	vst v17;
	v17 =	vld [tilespmem:$0x1ADA0]  }
0x27f: {  	v18 =	vld.idx.msk [tilespmem:v18+s23+$0x0], $0xffff;
	_ =	sdelay $0x3  }
0x280: {  	v19 =	vcvt.s32.f32 v17  }
0x281: {  	[tilespmem:$0x1B210] =	vst v18  }
0x282: {  	[tilespmem:$0x1AF20] =	vst v19  }
0x283: {  	v18 =	vld.idx.msk [tilespmem:v17+s20+$0x0], $0xffff;
	_ =	sdelay $0x4  }
0x284: {  	[tilespmem:$0x1B0A0] =	vst v18;
	v18 =	vld [tilespmem:$0x1ADB0]  }
0x285: {  	v17 =	vld.idx.msk [tilespmem:v17+s23+$0x0], $0xffff;
	_ =	sdelay $0x3  }
0x286: {  	v19 =	vcvt.s32.f32 v18  }
0x287: {  	[tilespmem:$0x1B220] =	vst v17  }
0x288: {  	[tilespmem:$0x1AF30] =	vst v19  }
0x289: {  	v17 =	vld.idx.msk [tilespmem:v18+s20+$0x0], $0xffff;
	_ =	sdelay $0x4  }
0x28a: {  	[tilespmem:$0x1B0B0] =	vst v17;
	v17 =	vld [tilespmem:$0x1ADC0]  }
0x28b: {  	v18 =	vld.idx.msk [tilespmem:v18+s23+$0x0], $0xffff;
	_ =	sdelay $0x3  }
0x28c: {  	v19 =	vcvt.s32.f32 v17  }
0x28d: {  	[tilespmem:$0x1B230] =	vst v18  }
0x28e: {  	[tilespmem:$0x1AF40] =	vst v19  }
0x28f: {  	v18 =	vld.idx.msk [tilespmem:v17+s20+$0x0], $0xffff;
	_ =	sdelay $0x4  }
0x290: {  	[tilespmem:$0x1B0C0] =	vst v18;
	v18 =	vld [tilespmem:$0x1ADD0]  }
0x291: {  	v17 =	vld.idx.msk [tilespmem:v17+s23+$0x0], $0xffff;
	_ =	sdelay $0x3  }
0x292: {  	v19 =	vcvt.s32.f32 v18  }
0x293: {  	[tilespmem:$0x1B240] =	vst v17  }
0x294: {  	[tilespmem:$0x1AF50] =	vst v19  }
0x295: {  	v17 =	vld.idx.msk [tilespmem:v18+s20+$0x0], $0xffff;
	_ =	sdelay $0x4  }
0x296: {  	[tilespmem:$0x1B0D0] =	vst v17;
	v17 =	vld [tilespmem:$0x1ADE0]  }
0x297: {  	v18 =	vld.idx.msk [tilespmem:v18+s23+$0x0], $0xffff;
	_ =	sdelay $0x3  }
0x298: {  	v19 =	vcvt.s32.f32 v17  }
0x299: {  	[tilespmem:$0x1B250] =	vst v18  }
0x29a: {  	[tilespmem:$0x1AF60] =	vst v19  }
0x29b: {  	v18 =	vld.idx.msk [tilespmem:v17+s20+$0x0], $0xffff;
	_ =	sdelay $0x4  }
0x29c: {  	[tilespmem:$0x1B0E0] =	vst v18;
	v18 =	vld [tilespmem:$0x1ADF0]  }
0x29d: {  	v17 =	vld.idx.msk [tilespmem:v17+s23+$0x0], $0xffff;
	_ =	sdelay $0x3  }
0x29e: {  	v19 =	vcvt.s32.f32 v18  }
0x29f: {  	[tilespmem:$0x1B260] =	vst v17  }
0x2a0: {  	[tilespmem:$0x1AF70] =	vst v19  }
0x2a1: {  	v17 =	vld.idx.msk [tilespmem:v18+s20+$0x0], $0xffff;
	_ =	sdelay $0x4  }
0x2a2: {  	[tilespmem:$0x1B0F0] =	vst v17;
	v17 =	vld [tilespmem:$0x1AE00]  }
0x2a3: {  	v18 =	vld.idx.msk [tilespmem:v18+s23+$0x0], $0xffff;
	_ =	sdelay $0x3  }
0x2a4: {  	v19 =	vcvt.s32.f32 v17  }
0x2a5: {  	[tilespmem:$0x1B270] =	vst v18  }
0x2a6: {  	[tilespmem:$0x1AF80] =	vst v19  }
0x2a7: {  	v18 =	vld.idx.msk [tilespmem:v17+s20+$0x0], $0xffff;
	_ =	sdelay $0x4  }
0x2a8: {  	[tilespmem:$0x1B100] =	vst v18;
	v18 =	vld [tilespmem:$0x1AE10]  }
0x2a9: {  	v17 =	vld.idx.msk [tilespmem:v17+s23+$0x0], $0xffff;
	_ =	sdelay $0x3  }
0x2aa: {  	v19 =	vcvt.s32.f32 v18  }
0x2ab: {  	[tilespmem:$0x1B280] =	vst v17  }
0x2ac: {  	[tilespmem:$0x1AF90] =	vst v19  }
0x2ad: {  	v17 =	vld.idx.msk [tilespmem:v18+s20+$0x0], $0xffff;
	_ =	sdelay $0x4  }
0x2ae: {  	[tilespmem:$0x1B110] =	vst v17;
	v17 =	vld [tilespmem:$0x1AE20]  }
0x2af: {  	v18 =	vld.idx.msk [tilespmem:v18+s23+$0x0], $0xffff;
	_ =	sdelay $0x3  }
0x2b0: {  	v19 =	vcvt.s32.f32 v17  }
0x2b1: {  	[tilespmem:$0x1B290] =	vst v18  }
0x2b2: {  	[tilespmem:$0x1AFA0] =	vst v19  }
0x2b3: {  	v18 =	vld.idx.msk [tilespmem:v17+s20+$0x0], $0xffff;
	_ =	sdelay $0x4  }
0x2b4: {  	[tilespmem:$0x1B120] =	vst v18;
	v18 =	vld [tilespmem:$0x1AE30]  }
0x2b5: {  	v17 =	vld.idx.msk [tilespmem:v17+s23+$0x0], $0xffff;
	_ =	sdelay $0x3  }
0x2b6: {  	v19 =	vcvt.s32.f32 v18  }
0x2b7: {  	[tilespmem:$0x1B2A0] =	vst v17  }
0x2b8: {  	[tilespmem:$0x1AFB0] =	vst v19  }
0x2b9: {  	v17 =	vld.idx.msk [tilespmem:v18+s20+$0x0], $0xffff;
	_ =	sdelay $0x4  }
0x2ba: {  	[tilespmem:$0x1B130] =	vst v17;
	v17 =	vld [tilespmem:$0x1AE40]  }
0x2bb: {  	v18 =	vld.idx.msk [tilespmem:v18+s23+$0x0], $0xffff;
	_ =	sdelay $0x3  }
0x2bc: {  	v19 =	vcvt.s32.f32 v17  }
0x2bd: {  	[tilespmem:$0x1B2B0] =	vst v18  }
0x2be: {  	[tilespmem:$0x1AFC0] =	vst v19  }
0x2bf: {  	v18 =	vld.idx.msk [tilespmem:v17+s20+$0x0], $0xffff;
	_ =	sdelay $0x4  }
0x2c0: {  	[tilespmem:$0x1B140] =	vst v18;
	v18 =	vld [tilespmem:$0x1AE50]  }
0x2c1: {  	v17 =	vld.idx.msk [tilespmem:v17+s23+$0x0], $0xffff;
	_ =	sdelay $0x3  }
0x2c2: {  	v19 =	vcvt.s32.f32 v18  }
0x2c3: {  	[tilespmem:$0x1B2C0] =	vst v17  }
0x2c4: {  	[tilespmem:$0x1AFD0] =	vst v19  }
0x2c5: {  	v17 =	vld.idx.msk [tilespmem:v18+s20+$0x0], $0xffff;
	_ =	sdelay $0x4  }
0x2c6: {  	[tilespmem:$0x1B150] =	vst v17;
	v17 =	vld [tilespmem:$0x1AE60]  }
0x2c7: {  	v18 =	vld.idx.msk [tilespmem:v18+s23+$0x0], $0xffff;
	_ =	sdelay $0x3  }
0x2c8: {  	v19 =	vcvt.s32.f32 v17  }
0x2c9: {  	[tilespmem:$0x1B2D0] =	vst v18  }
0x2ca: {  	[tilespmem:$0x1AFE0] =	vst v19  }
0x2cb: {  	v18 =	vld.idx.msk [tilespmem:v17+s20+$0x0], $0xffff;
	_ =	sdelay $0x4  }
0x2cc: {  	[tilespmem:$0x1B160] =	vst v18;
	v18 =	vld [tilespmem:$0x1AE70]  }
0x2cd: {  	v17 =	vld.idx.msk [tilespmem:v17+s23+$0x0], $0xffff;
	_ =	sdelay $0x3  }
0x2ce: {  	v19 =	vcvt.s32.f32 v18  }
0x2cf: {  	[tilespmem:$0x1B2E0] =	vst v17  }
0x2d0: {  	[tilespmem:$0x1AFF0] =	vst v19  }
0x2d1: {  	v17 =	vld.idx.msk [tilespmem:v18+s20+$0x0], $0xffff;
	_ =	sdelay $0x3  }
0x2d2: {  	p0 =	seq.s32 s13, $0x1F  }
0x2d3: {  	s1 =	sadd.s32 @!p0 $0x1, s12;
	[tilespmem:$0x1B170] =	vst v17  }
0x2d4: {  	s4 =	sshll.u32 @!p0 s1, $0xE;
	v17 =	vld.idx.msk [tilespmem:v18+s23+$0x0], $0xffff  }
0x2d5: {  	s1 =	sshll.u32 @!p0 s1, $0x7;
	s4 =	sand.u32 @!p0 $0xFFFE0000, s4  }
0x2d6: {  	s1 =	sand.u32 @!p0 $0x380, s1;
	s4 =	sadd.s32 @!p0 s9, s4  }
0x2d7: {  	s1 =	sor.u32 @!p0 s1, s4  }
0x2d8: {  	s5 =	simm.s32 @!p0 $0x400;
	s1 =	sshrl.u32 @!p0 s1, $0x3  }
0x2d9: {  	s6 =	simm.s32 @!p0 $0x10000;
	s4 =	simm.s32 @!p0 $0x80;
	s1 =	sadd.s32 @!p0 s7, s1;
	[tilespmem:$0x1B2F0] =	vst v17  }
0x2da: {  	[tilespmem:s6], [sflag:$0x1] =	stream.strided.gather @!p0 [hbm4b:s1+s4], $0x4000, s5, s4, $0x38;
	[tilespmem:$0x1B500] =	vst v63  }
0x2db: {  	v17 =	vld [tilespmem:$0x1B080];
	_ =	sdelay $0x4  }
0x2dc: {  	v18 =	vperm.xlane v17, v7;
	_ =	sdelay $0x1  }
0x2dd: {  	v18 =	vmax.f32 v17, v18  }
0x2de: {  	v19 =	vperm.xlane v18, v8;
	_ =	sdelay $0x1  }
0x2df: {  	v18 =	vmax.f32 v18, v19;
	v19 =	vld [tilespmem:$0x1B090]  }
0x2e0: {  	v20 =	vperm.xlane v18, v9;
	_ =	sdelay $0x1  }
0x2e1: {  	v22 =	vld [tilespmem:$0x1B200];
	v18 =	vmax.f32 v18, v20  }
0x2e2: {  	v20 =	vperm.xlane v18, v10  }
0x2e3: {  	v21 =	vperm.xlane v19, v7  }
0x2e4: {  	v18 =	vmax.f32 v18, v20  }
0x2e5: {  	vm4 =	veq.f32 v17, v18;
	v17 =	vmax.f32 v19, v21  }
0x2e6: {  	v20 =	vnsel vm4, $0x7F800000, v22;
	v21 =	vperm.xlane v17, v8  }
0x2e7: {  	v23 =	vperm.xlane v20, v7  }
0x2e8: {  	v17 =	vmax.f32 v17, v21  }
0x2e9: {  	v20 =	vmin.f32 v20, v23;
	v21 =	vperm.xlane v17, v9  }
0x2ea: {  	v24 =	vld [tilespmem:$0x1B210];
	v23 =	vperm.xlane v20, v8  }
0x2eb: {  	v25 =	vld [tilespmem:$0x1B0A0];
	v17 =	vmax.f32 v17, v21  }
0x2ec: {  	v20 =	vmin.f32 v20, v23;
	v21 =	vperm.xlane v17, v10  }
0x2ed: {  	v23 =	vperm.xlane v20, v9  }
0x2ee: {  	v21 =	vmax.f32 v17, v21  }
0x2ef: {  	v17 =	vmin.f32 v20, v23;
	vm5 =	veq.f32 v19, v21  }
0x2f0: {  	v27 =	vperm.xlane v25, v7;
	v19 =	vld [tilespmem:$0x1AF00];
	v20 =	vperm.xlane v17, v10;
	v26 =	vnsel vm5, $0x7F800000, v24  }
0x2f1: {  	v28 =	vperm.xlane v26, v7  }
0x2f2: {  	v23 =	vmin.f32 v17, v20;
	v17 =	vmax.f32 v25, v27  }
0x2f3: {  	vm6 =	veq.f32 v22, v23;
	v20 =	vmin.f32 v26, v28;
	v22 =	vperm.xlane v17, v8  }
0x2f4: {  	vm4 =	vmand vm4, vm6;
	v26 =	vperm.xlane v20, v8  }
0x2f5: {  	v44 =	vnsel vm4, $0x4B800000, v19;
	v17 =	vmax.f32 v17, v22  }
0x2f6: {  	v47 =	vld [tilespmem:$0x1B0B0];
	v22 =	vperm.xlane v44, v7;
	v20 =	vmin.f32 v20, v26;
	v45 =	vperm.xlane v17, v9  }
0x2f7: {  	v46 =	vperm.xlane v20, v9  }
0x2f8: {  	v29 =	vld [tilespmem:$0x1B220];
	v22 =	vmin.f32 v44, v22;
	v17 =	vmax.f32 v17, v45  }
0x2f9: {  	v27 =	vperm.xlane v22, v8;
	v28 =	vmin.f32 v20, v46;
	v20 =	vperm.xlane v17, v10  }
0x2fa: {  	v30 =	vld [tilespmem:$0x1AF10];
	v31 =	vperm.xlane v28, v10  }
0x2fb: {  	v49 =	vperm.xlane v47, v7;
	v22 =	vmin.f32 v22, v27;
	v20 =	vmax.f32 v17, v20  }
0x2fc: {  	v17 =	vperm.xlane v22, v9;
	v27 =	vmin.f32 v28, v31;
	vm7 =	veq.f32 v25, v20  }
0x2fd: {  	v25 =	vmax.f32 v47, v49;
	vm6 =	veq.f32 v24, v27;
	v48 =	vnsel vm7, $0x7F800000, v29  }
0x2fe: {  	v17 =	vmin.f32 v22, v17;
	vm6 =	vmand vm5, vm6;
	v22 =	vperm.xlane v48, v7  }
0x2ff: {  	v52 =	vperm.xlane v25, v8;
	v51 =	vnsel vm6, $0x4B800000, v30  }
0x300: {  	v50 =	vperm.xlane v17, v10;
	v32 =	vperm.xlane v51, v7;
	v22 =	vmin.f32 v48, v22  }
0x301: {  	v33 =	vperm.xlane v22, v8  }
0x302: {  	v24 =	vmax.f32 v25, v52;
	v28 =	vmin.f32 v17, v50;
	v17 =	vmin.f32 v51, v32  }
0x303: {  	v54 =	vperm.xlane v24, v9;
	v53 =	vperm.xlane v17, v8;
	v22 =	vmin.f32 v22, v33  }
0x304: {  	vm5 =	veq.f32 v19, v28;
	v19 =	vperm.xlane v22, v9  }
0x305: {  	v55 =	vld [tilespmem:$0x1B230];
	v24 =	vmax.f32 v24, v54;
	v17 =	vmin.f32 v17, v53  }
0x306: {  	v56 =	vperm.xlane v17, v9;
	v19 =	vmin.f32 v22, v19;
	v22 =	vperm.xlane v24, v10  }
0x307: {  	v60 =	vld [tilespmem:$0x1B0C0];
	vm4 =	vmand vm4, vm5  }
0x308: {  	v58 =	vld [tilespmem:$0x1AF20];
	v34 =	vperm.xlane v19, v10;
	v31 =	vmin.f32 v17, v56;
	v17 =	vmax.f32 v24, v22  }
0x309: {  	v57 =	vnsel vm4, $0x4B800000, v11;
	v22 =	vperm.xlane v31, v10;
	vm5 =	veq.f32 v47, v17  }
0x30a: {  	v35 =	vperm.xlane v57, v7;
	v24 =	vmin.f32 v19, v34;
	v26 =	vnsel vm5, $0x7F800000, v55  }
0x30b: {  	vm4 =	veq.f32 v29, v24;
	v59 =	vmin.f32 v31, v22;
	v22 =	vperm.xlane v26, v7  }
0x30c: {  	v42 =	vperm.xlane v60, v7;
	v19 =	vmin.f32 v57, v35;
	vm4 =	vmand vm7, vm4  }
0x30d: {  	v32 =	vperm.xlane v19, v8;
	v61 =	vnsel vm4, $0x4B800000, v58;
	v22 =	vmin.f32 v26, v22  }
0x30e: {  	v44 =	vmax.f32 v60, v42;
	v62 =	vperm.xlane v61, v7;
	v40 =	vperm.xlane v22, v8  }
0x30f: {  	v18 =	vsel vm1, v18, v21;
	v46 =	vperm.xlane v44, v8;
	vm7 =	veq.f32 v30, v59  }
0x310: {  	v19 =	vmin.f32 v19, v32;
	v30 =	vmin.f32 v61, v62;
	v22 =	vmin.f32 v22, v40  }
0x311: {  	vm6 =	vmand vm6, vm7;
	v34 =	vperm.xlane v30, v8;
	v43 =	vperm.xlane v22, v9  }
0x312: {  	v23 =	vsel vm1, v23, v27;
	v36 =	vperm.xlane v19, v9;
	v63 =	vnsel vm6, $0x4B800000, v11  }
0x313: {  	v41 =	vperm.xlane v63, v7;
	v30 =	vmin.f32 v30, v34;
	v22 =	vmin.f32 v22, v43  }
0x314: {  	v36 =	vmin.f32 v19, v36;
	v45 =	vperm.xlane v30, v9;
	v19 =	vperm.xlane v22, v10  }
0x315: {  	v38 =	vld [tilespmem:$0x1AF30];
	v32 =	vmax.f32 v44, v46;
	v48 =	vperm.xlane v36, v10;
	v26 =	vmin.f32 v63, v41  }
0x316: {  	v30 =	vmin.f32 v30, v45;
	v22 =	vmin.f32 v22, v19;
	v19 =	vperm.xlane v32, v9  }
0x317: {  	v28 =	vsel vm1, v28, v59;
	v37 =	vperm.xlane v26, v8;
	v47 =	vperm.xlane v30, v10  }
0x318: {  	v49 =	vld [tilespmem:$0x1B240];
	v50 =	vmin.f32 v36, v48;
	vm6 =	veq.f32 v55, v22;
	v19 =	vmax.f32 v32, v19  }
0x319: {  	v25 =	vmin.f32 v30, v47;
	vm5 =	vmand vm5, vm6;
	v62 =	vperm.xlane v19, v10  }
0x31a: {  	v41 =	vld [tilespmem:$0x1B0D0];
	v26 =	vmin.f32 v26, v37;
	vm6 =	veq.f32 v58, v25;
	v61 =	vnsel vm5, $0x4B800000, v38  }
0x31b: {  	vm4 =	vmand vm4, vm6;
	v63 =	vperm.xlane v61, v7;
	v19 =	vmax.f32 v19, v62  }
0x31c: {  	v37 =	vperm.xlane v26, v9;
	v39 =	vnsel vm4, $0x4B800000, v11;
	vm4 =	veq.f32 v60, v19  }
0x31d: {  	v40 =	vperm.xlane v39, v7;
	v32 =	vmin.f32 v61, v63;
	v63 =	vld [tilespmem:$0x1B0E0];
	v52 =	vnsel vm4, $0x7F800000, v49  }
0x31e: {  	v26 =	vmin.f32 v26, v37;
	v51 =	vperm.xlane v32, v8;
	v53 =	vperm.xlane v52, v7  }
0x31f: {  	v57 =	vperm.xlane v41, v7;
	v37 =	vperm.xlane v26, v10;
	v33 =	vmin.f32 v39, v40  }
0x320: {  	v21 =	vperm.xlane v33, v8;
	v32 =	vmin.f32 v32, v51;
	v55 =	vmin.f32 v52, v53  }
0x321: {  	v59 =	vmax.f32 v41, v57;
	v54 =	vperm.xlane v32, v9;
	v56 =	vperm.xlane v55, v8  }
0x322: {  	v36 =	vperm.xlane v59, v8;
	v21 =	vmin.f32 v33, v21;
	v47 =	vperm.xlane v63, v7  }
0x323: {  	v58 =	vperm.xlane v21, v9;
	v27 =	vmin.f32 v32, v54;
	v33 =	vmin.f32 v55, v56  }
0x324: {  	v62 =	vmax.f32 v59, v36;
	v32 =	vperm.xlane v27, v10;
	v60 =	vperm.xlane v33, v9  }
0x325: {  	v26 =	vmin.f32 v26, v37;
	v43 =	vperm.xlane v62, v9;
	v51 =	vmax.f32 v63, v47  }
0x326: {  	v21 =	vmin.f32 v21, v58;
	v27 =	vmin.f32 v27, v32;
	v29 =	vmin.f32 v33, v60  }
0x327: {  	v35 =	vld [tilespmem:$0x1AF40];
	v34 =	vperm.xlane v51, v8;
	vm6 =	veq.f32 v38, v27;
	v42 =	vperm.xlane v29, v10  }
0x328: {  	v61 =	vperm.xlane v21, v10;
	v32 =	vmax.f32 v62, v43;
	vm5 =	vmand vm5, vm6  }
0x329: {  	v36 =	vld [tilespmem:$0x1B250];
	vm6 =	vmmov $0x3;
	v44 =	vnsel vm5, $0x4B800000, v11;
	v29 =	vmin.f32 v29, v42  }
0x32a: {  	v18 =	vsel vm6, v18, v20;
	v20 =	vperm.xlane v32, v10;
	vm5 =	veq.f32 v49, v29  }
0x32b: {  	v26 =	vsel vm1, v50, v26;
	v31 =	vmax.f32 v51, v34;
	vm5 =	vmand vm4, vm5  }
0x32c: {  	v58 =	vld [tilespmem:$0x1B0F0];
	v21 =	vmin.f32 v21, v61;
	v20 =	vmax.f32 v32, v20;
	v49 =	vnsel vm5, $0x4B800000, v35  }
0x32d: {  	v56 =	vperm.xlane v31, v9;
	vm7 =	veq.f32 v41, v20;
	v50 =	vperm.xlane v49, v7  }
0x32e: {  	v23 =	vsel vm6, v23, v24;
	v25 =	vsel vm6, v28, v25;
	v52 =	vnsel vm7, $0x7F800000, v36  }
0x32f: {  	v26 =	vsel vm6, v26, v21;
	v53 =	vperm.xlane v52, v7;
	v32 =	vmin.f32 v49, v50  }
0x330: {  	v45 =	vperm.xlane v44, v7;
	v28 =	vmax.f32 v31, v56;
	v55 =	vperm.xlane v32, v8  }
0x331: {  	v62 =	vperm.xlane v58, v7;
	v21 =	vperm.xlane v28, v10;
	v24 =	vmin.f32 v52, v53  }
0x332: {  	v46 =	vmin.f32 v44, v45;
	v57 =	vperm.xlane v24, v8;
	v32 =	vmin.f32 v32, v55  }
0x333: {  	v40 =	vld [tilespmem:$0x1B260];
	vm4 =	vmmov $0x7;
	v48 =	vperm.xlane v46, v8;
	v39 =	vperm.xlane v32, v9  }
0x334: {  	v21 =	vmax.f32 v28, v21;
	v28 =	vmax.f32 v58, v62;
	v24 =	vmin.f32 v24, v57  }
0x335: {  	v17 =	vsel vm4, v18, v17;
	v60 =	vperm.xlane v24, v9;
	v59 =	vmin.f32 v32, v39  }
0x336: {  	v22 =	vsel vm4, v23, v22;
	v25 =	vsel vm4, v25, v27;
	v61 =	vperm.xlane v59, v10  }
0x337: {  	vm6 =	veq.f32 v63, v21;
	v44 =	vperm.xlane v28, v8;
	v24 =	vmin.f32 v24, v60  }
0x338: {  	v63 =	vld [tilespmem:$0x1AF50];
	v42 =	vnsel vm6, $0x7F800000, v40;
	v41 =	vperm.xlane v24, v10;
	v31 =	vmin.f32 v59, v61  }
0x339: {  	v30 =	vmin.f32 v46, v48;
	v43 =	vperm.xlane v42, v7;
	vm8 =	veq.f32 v35, v31  }
0x33a: {  	v54 =	vperm.xlane v30, v9;
	v24 =	vmin.f32 v24, v41;
	vm5 =	vmand vm5, vm8  }
0x33b: {  	v34 =	vmin.f32 v42, v43;
	v45 =	vnsel vm5, $0x4B800000, v11;
	vm5 =	veq.f32 v36, v24  }
0x33c: {  	v28 =	vmax.f32 v28, v44;
	v35 =	vperm.xlane v34, v8;
	vm5 =	vmand vm7, vm5  }
0x33d: {  	v48 =	vperm.xlane v28, v9;
	v30 =	vmin.f32 v30, v54;
	v47 =	vnsel vm5, $0x4B800000, v63  }
0x33e: {  	v34 =	vmin.f32 v34, v35;
	v46 =	vperm.xlane v45, v7;
	v18 =	vperm.xlane v47, v7  }
0x33f: {  	v49 =	vld [tilespmem:$0x1B270];
	v38 =	vperm.xlane v30, v10;
	v28 =	vmax.f32 v28, v48;
	v35 =	vperm.xlane v34, v9  }
0x340: {  	v33 =	vmin.f32 v45, v46;
	v36 =	vmin.f32 v47, v18;
	v18 =	vperm.xlane v28, v10  }
0x341: {  	v30 =	vmin.f32 v30, v38;
	v34 =	vmin.f32 v34, v35;
	v50 =	vperm.xlane v33, v8  }
0x342: {  	v51 =	vld [tilespmem:$0x1AF60];
	v26 =	vsel vm4, v26, v30;
	v52 =	vperm.xlane v34, v10;
	v18 =	vmax.f32 v28, v18  }
0x343: {  	v23 =	vperm.xlane v36, v8;
	v33 =	vmin.f32 v33, v50;
	vm7 =	veq.f32 v58, v18  }
0x344: {  	v34 =	vmin.f32 v34, v52;
	v53 =	vperm.xlane v33, v9;
	v37 =	vnsel vm7, $0x7F800000, v49  }
0x345: {  	vm15 =	veq.f32 v40, v34;
	v23 =	vmin.f32 v36, v23;
	v54 =	vperm.xlane v37, v7  }
0x346: {  	vm4 =	vmmov $0xf;
	vm6 =	vmand vm6, vm15;
	v36 =	vperm.xlane v23, v9  }
0x347: {  	v41 =	vld [tilespmem:$0x1B100];
	v28 =	vmin.f32 v33, v53;
	v56 =	vnsel vm6, $0x4B800000, v51;
	v33 =	vmin.f32 v37, v54  }
0x348: {  	v57 =	vperm.xlane v56, v7;
	v23 =	vmin.f32 v23, v36;
	v37 =	vperm.xlane v33, v8  }
0x349: {  	v19 =	vsel vm4, v17, v19;
	v29 =	vsel vm4, v22, v29;
	v36 =	vperm.xlane v23, v10  }
0x34a: {  	v25 =	vsel vm4, v25, v31;
	v27 =	vmin.f32 v56, v57;
	v58 =	vmin.f32 v33, v37  }
0x34b: {  	v59 =	vperm.xlane v27, v8;
	v23 =	vmin.f32 v23, v36;
	v33 =	vperm.xlane v58, v9  }
0x34c: {  	v60 =	vperm.xlane v41, v7;
	v55 =	vperm.xlane v28, v10;
	vm12 =	veq.f32 v63, v23  }
0x34d: {  	v17 =	vmin.f32 v27, v59;
	vm5 =	vmand vm5, vm12;
	v22 =	vmin.f32 v58, v33  }
0x34e: {  	v62 =	vld [tilespmem:$0x1AF70];
	v32 =	vperm.xlane v17, v9;
	v61 =	vnsel vm5, $0x4B800000, v11;
	v63 =	vperm.xlane v22, v10  }
0x34f: {  	v28 =	vmin.f32 v28, v55;
	v27 =	vmax.f32 v41, v60;
	v39 =	vperm.xlane v61, v7  }
0x350: {  	v40 =	vperm.xlane v27, v8;
	v17 =	vmin.f32 v17, v32;
	v22 =	vmin.f32 v22, v63  }
0x351: {  	v42 =	vperm.xlane v17, v10;
	v30 =	vmin.f32 v61, v39;
	vm5 =	veq.f32 v49, v22  }
0x352: {  	v27 =	vmax.f32 v27, v40;
	v43 =	vperm.xlane v30, v8;
	vm5 =	vmand vm7, vm5  }
0x353: {  	v32 =	vperm.xlane v27, v9;
	v31 =	vmin.f32 v17, v42;
	v17 =	vnsel vm5, $0x4B800000, v62  }
0x354: {  	v26 =	vsel vm4, v26, v28;
	v30 =	vmin.f32 v30, v43;
	v44 =	vperm.xlane v17, v7  }
0x355: {  	v37 =	vld [tilespmem:$0x1B280];
	v27 =	vmax.f32 v27, v32;
	vm7 =	veq.f32 v51, v31;
	v36 =	vperm.xlane v30, v9  }
0x356: {  	vm6 =	vmand vm6, vm7;
	v35 =	vmin.f32 v17, v44;
	v17 =	vperm.xlane v27, v10  }
0x357: {  	v51 =	vld [tilespmem:$0x1B110];
	v45 =	vnsel vm6, $0x4B800000, v11;
	vm6 =	vmmov $0x1f;
	v30 =	vmin.f32 v30, v36  }
0x358: {  	v46 =	vperm.xlane v45, v7;
	v47 =	vperm.xlane v35, v8;
	v17 =	vmax.f32 v27, v17  }
0x359: {  	v19 =	vsel vm6, v19, v20;
	v24 =	vsel vm6, v29, v24;
	vm4 =	veq.f32 v41, v17  }
0x35a: {  	v48 =	vperm.xlane v30, v10;
	v50 =	vmin.f32 v35, v47;
	v52 =	vnsel vm4, $0x7F800000, v37  }
0x35b: {  	v49 =	vmin.f32 v45, v46;
	v38 =	vperm.xlane v50, v9;
	v53 =	vperm.xlane v52, v7  }
0x35c: {  	v23 =	vsel vm6, v25, v23;
	v58 =	vperm.xlane v51, v7;
	v36 =	vperm.xlane v49, v8  }
0x35d: {  	v28 =	vmin.f32 v30, v48;
	v54 =	vmin.f32 v50, v38;
	v30 =	vmin.f32 v52, v53  }
0x35e: {  	v60 =	vmax.f32 v51, v58;
	v56 =	vperm.xlane v54, v10;
	v57 =	vperm.xlane v30, v8  }
0x35f: {  	v26 =	vsel vm6, v26, v28;
	v20 =	vmin.f32 v49, v36;
	v61 =	vperm.xlane v60, v8  }
0x360: {  	v55 =	vperm.xlane v20, v9;
	v25 =	vmin.f32 v54, v56;
	v59 =	vmin.f32 v30, v57  }
0x361: {  	v29 =	vmax.f32 v60, v61;
	vm7 =	veq.f32 v62, v25;
	v30 =	vperm.xlane v59, v9  }
0x362: {  	v20 =	vmin.f32 v20, v55;
	v44 =	vperm.xlane v29, v9;
	vm5 =	vmand vm5, vm7  }
0x363: {  	v62 =	vperm.xlane v20, v10;
	v63 =	vnsel vm5, $0x4B800000, v11;
	v27 =	vmin.f32 v59, v30;
	v30 =	vld [tilespmem:$0x1B120]  }
0x364: {  	v32 =	vld [tilespmem:$0x1AF80];
	v29 =	vmax.f32 v29, v44;
	v42 =	vperm.xlane v63, v7;
	v43 =	vperm.xlane v27, v10  }
0x365: {  	v45 =	vperm.xlane v29, v10;
	vm7 =	vmmov $0x3f;
	v20 =	vmin.f32 v20, v62  }
0x366: {  	v28 =	vsel vm7, v19, v21;
	v19 =	vmin.f32 v63, v42;
	v21 =	vmin.f32 v27, v43;
	v27 =	vld [tilespmem:$0x1B290]  }
0x367: {  	v24 =	vsel vm7, v24, v34;
	v34 =	vld [tilespmem:$0x1B130];
	v33 =	vperm.xlane v19, v8;
	vm5 =	veq.f32 v37, v21  }
0x368: {  	v23 =	vsel vm7, v23, v31;
	vm5 =	vmand vm4, vm5;
	v46 =	vperm.xlane v30, v7  }
0x369: {  	v33 =	vmin.f32 v19, v33;
	v19 =	vmax.f32 v29, v45;
	v47 =	vnsel vm5, $0x4B800000, v32  }
0x36a: {  	vm6 =	veq.f32 v51, v19;
	v48 =	vperm.xlane v47, v7;
	v31 =	vmax.f32 v30, v46  }
0x36b: {  	v26 =	vsel vm7, v26, v20;
	v50 =	vnsel vm6, $0x7F800000, v27;
	v51 =	vperm.xlane v31, v8  }
0x36c: {  	v57 =	vperm.xlane v34, v7;
	v20 =	vmin.f32 v47, v48;
	v52 =	vperm.xlane v50, v7  }
0x36d: {  	vm4 =	vmmov $0x7f;
	v53 =	vperm.xlane v20, v8;
	v31 =	vmax.f32 v31, v51  }
0x36e: {  	v49 =	vperm.xlane v33, v9;
	v29 =	vmin.f32 v50, v52;
	v55 =	vperm.xlane v31, v9  }
0x36f: {  	v60 =	vmax.f32 v34, v57;
	v20 =	vmin.f32 v20, v53;
	v56 =	vperm.xlane v29, v8  }
0x370: {  	v39 =	vld [tilespmem:$0x1B2A0];
	v28 =	vsel vm4, v28, v18;
	v58 =	vperm.xlane v20, v9;
	v31 =	vmax.f32 v31, v55  }
0x371: {  	v62 =	vperm.xlane v60, v8;
	v29 =	vmin.f32 v29, v56;
	v59 =	vperm.xlane v31, v10  }
0x372: {  	v33 =	vmin.f32 v33, v49;
	v36 =	vmin.f32 v20, v58;
	v61 =	vperm.xlane v29, v9  }
0x373: {  	v40 =	vmax.f32 v60, v62;
	v63 =	vperm.xlane v36, v10;
	v20 =	vmax.f32 v31, v59  }
0x374: {  	v44 =	vperm.xlane v40, v9;
	v29 =	vmin.f32 v29, v61;
	vm7 =	veq.f32 v30, v20  }
0x375: {  	v31 =	vld [tilespmem:$0x1AF90];
	v42 =	vperm.xlane v29, v10;
	v43 =	vnsel vm7, $0x7F800000, v39;
	v36 =	vmin.f32 v36, v63  }
0x376: {  	v54 =	vperm.xlane v33, v10;
	v18 =	vperm.xlane v43, v7;
	vm13 =	veq.f32 v32, v36  }
0x377: {  	v30 =	vmax.f32 v40, v44;
	v29 =	vmin.f32 v29, v42;
	vm5 =	vmand vm5, vm13  }
0x378: {  	v32 =	vld [tilespmem:$0x1B2B0];
	vm9 =	veq.f32 v27, v29;
	v45 =	vmin.f32 v43, v18;
	v18 =	vperm.xlane v30, v10  }
0x379: {  	v47 =	vnsel vm5, $0x4B800000, v11;
	vm6 =	vmand vm6, vm9;
	v46 =	vperm.xlane v45, v8  }
0x37a: {  	v33 =	vmin.f32 v33, v54;
	v50 =	vperm.xlane v47, v7;
	v48 =	vnsel vm6, $0x4B800000, v31  }
0x37b: {  	v18 =	vmax.f32 v30, v18;
	v49 =	vperm.xlane v48, v7;
	v27 =	vmin.f32 v45, v46  }
0x37c: {  	vm5 =	veq.f32 v34, v18;
	v34 =	vmin.f32 v47, v50;
	v35 =	vperm.xlane v27, v9  }
0x37d: {  	v44 =	vld [tilespmem:$0x1B140];
	v51 =	vnsel vm5, $0x7F800000, v32;
	v55 =	vperm.xlane v34, v8;
	v52 =	vmin.f32 v48, v49  }
0x37e: {  	v53 =	vperm.xlane v51, v7;
	v54 =	vperm.xlane v52, v8;
	v27 =	vmin.f32 v27, v35  }
0x37f: {  	v22 =	vsel vm4, v24, v22;
	v23 =	vsel vm4, v23, v25;
	v56 =	vld [tilespmem:$0x1AFA0];
	v57 =	vperm.xlane v27, v10  }
0x380: {  	v34 =	vmin.f32 v34, v55;
	v30 =	vmin.f32 v51, v53;
	v24 =	vmin.f32 v52, v54  }
0x381: {  	v58 =	vperm.xlane v30, v8;
	v59 =	vperm.xlane v24, v9;
	v27 =	vmin.f32 v27, v57  }
0x382: {  	v49 =	vperm.xlane v44, v7;
	v60 =	vperm.xlane v34, v9;
	vm14 =	veq.f32 v39, v27  }
0x383: {  	v25 =	vmin.f32 v30, v58;
	v24 =	vmin.f32 v24, v59;
	vm7 =	vmand vm7, vm14  }
0x384: {  	v30 =	vperm.xlane v25, v9;
	v35 =	vperm.xlane v24, v10;
	v61 =	vnsel vm7, $0x4B800000, v56  }
0x385: {  	v26 =	vsel vm4, v26, v33;
	v52 =	vmax.f32 v44, v49;
	v63 =	vperm.xlane v61, v7  }
0x386: {  	v34 =	vmin.f32 v34, v60;
	v25 =	vmin.f32 v25, v30;
	v24 =	vmin.f32 v24, v35  }
0x387: {  	v30 =	vld [tilespmem:$0x1AFB0];
	v43 =	vperm.xlane v25, v10;
	vm4 =	veq.f32 v31, v24;
	v45 =	vmin.f32 v61, v63  }
0x388: {  	v54 =	vperm.xlane v52, v8;
	vm6 =	vmand vm6, vm4;
	v37 =	vperm.xlane v45, v8  }
0x389: {  	v62 =	vperm.xlane v34, v10;
	v25 =	vmin.f32 v25, v43;
	v46 =	vnsel vm6, $0x4B800000, v11  }
0x38a: {  	vm6 =	veq.f32 v32, v25;
	v47 =	vperm.xlane v46, v7;
	v31 =	vmin.f32 v45, v37  }
0x38b: {  	v34 =	vmin.f32 v34, v62;
	vm5 =	vmand vm5, vm6;
	v37 =	vperm.xlane v31, v9  }
0x38c: {  	vm4 =	vmmov $0xff;
	v48 =	vnsel vm5, $0x4B800000, v30;
	v50 =	vmin.f32 v46, v47  }
0x38d: {  	v51 =	vperm.xlane v48, v7;
	v33 =	vperm.xlane v50, v8;
	v31 =	vmin.f32 v31, v37  }
0x38e: {  	v17 =	vsel vm4, v28, v17;
	v21 =	vsel vm4, v22, v21;
	v53 =	vperm.xlane v31, v10  }
0x38f: {  	v23 =	vsel vm4, v23, v36;
	v32 =	vmin.f32 v48, v51;
	v22 =	vmin.f32 v50, v33  }
0x390: {  	v51 =	vld [tilespmem:$0x1B160];
	v55 =	vperm.xlane v32, v8;
	v33 =	vperm.xlane v22, v9;
	v31 =	vmin.f32 v31, v53  }
0x391: {  	v26 =	vsel vm4, v26, v34;
	v37 =	vmax.f32 v52, v54;
	vm6 =	veq.f32 v56, v31  }
0x392: {  	v28 =	vmin.f32 v32, v55;
	v56 =	vperm.xlane v37, v9;
	v22 =	vmin.f32 v22, v33  }
0x393: {  	vm6 =	vmand vm7, vm6;
	v57 =	vperm.xlane v28, v9;
	v58 =	vperm.xlane v22, v10  }
0x394: {  	v60 =	vld [tilespmem:$0x1B2C0];
	v59 =	vnsel vm6, $0x4B800000, v11;
	v32 =	vmax.f32 v37, v56;
	vm6 =	vmmov $0x1ff  }
0x395: {  	v56 =	vperm.xlane v51, v7;
	v28 =	vmin.f32 v28, v57;
	v62 =	vperm.xlane v32, v10  }
0x396: {  	v61 =	vperm.xlane v59, v7;
	v17 =	vsel vm6, v17, v19;
	v63 =	vperm.xlane v28, v10  }
0x397: {  	v21 =	vsel vm6, v21, v29;
	v23 =	vsel vm6, v23, v24;
	v32 =	vmax.f32 v32, v62  }
0x398: {  	v22 =	vmin.f32 v22, v58;
	v28 =	vmin.f32 v28, v63;
	vm4 =	veq.f32 v44, v32;
	v44 =	vld [tilespmem:$0x1B150]  }
0x399: {  	v58 =	vmax.f32 v51, v56;
	vm7 =	veq.f32 v30, v28;
	v43 =	vnsel vm4, $0x7F800000, v60  }
0x39a: {  	v41 =	vmin.f32 v59, v61;
	vm5 =	vmand vm5, vm7;
	v45 =	vperm.xlane v43, v7  }
0x39b: {  	v22 =	vsel vm6, v26, v22;
	v42 =	vperm.xlane v41, v8;
	v46 =	vnsel vm5, $0x4B800000, v11  }
0x39c: {  	v61 =	vperm.xlane v58, v8;
	v47 =	vperm.xlane v46, v7;
	v30 =	vmin.f32 v43, v45  }
0x39d: {  	v33 =	vmin.f32 v41, v42;
	v48 =	vperm.xlane v30, v8;
	v49 =	vperm.xlane v44, v7  }
0x39e: {  	v19 =	vperm.xlane v33, v9;
	vm5 =	vmmov $0x3ff;
	v29 =	vmin.f32 v46, v47  }
0x39f: {  	v50 =	vperm.xlane v29, v8;
	v24 =	vmin.f32 v30, v48;
	v35 =	vmax.f32 v44, v49  }
0x3a0: {  	v19 =	vmin.f32 v33, v19;
	v52 =	vperm.xlane v24, v9;
	v53 =	vperm.xlane v35, v8  }
0x3a1: {  	v17 =	vsel vm5, v17, v20;
	v33 =	vperm.xlane v19, v10;
	v26 =	vmin.f32 v29, v50  }
0x3a2: {  	v59 =	vld [tilespmem:$0x1B170];
	v20 =	vperm.xlane v26, v9;
	v24 =	vmin.f32 v24, v52;
	v29 =	vmax.f32 v35, v53  }
0x3a3: {  	vm6 =	vmmov $0x7ff;
	v54 =	vperm.xlane v24, v10;
	v55 =	vperm.xlane v29, v9  }
0x3a4: {  	v21 =	vsel vm5, v21, v27;
	v23 =	vsel vm5, v23, v31;
	v20 =	vmin.f32 v26, v20;
	v26 =	vld [tilespmem:$0x1AFC0]  }
0x3a5: {  	v31 =	vld [tilespmem:$0x1B2D0];
	v19 =	vmin.f32 v19, v33;
	v24 =	vmin.f32 v24, v54;
	v57 =	vmax.f32 v29, v55  }
0x3a6: {  	v19 =	vsel vm5, v22, v19;
	vm5 =	veq.f32 v60, v24;
	v60 =	vperm.xlane v57, v10  }
0x3a7: {  	v40 =	vperm.xlane v59, v7;
	v22 =	vperm.xlane v20, v10;
	v29 =	vmax.f32 v58, v61  }
0x3a8: {  	v63 =	vperm.xlane v29, v9;
	vm8 =	vmand vm4, vm5;
	v27 =	vmax.f32 v57, v60  }
0x3a9: {  	v20 =	vmin.f32 v20, v22;
	v22 =	vnsel vm8, $0x4B800000, v26;
	vm5 =	veq.f32 v44, v27  }
0x3aa: {  	v18 =	vsel vm6, v17, v18;
	v62 =	vperm.xlane v22, v7;
	v17 =	vnsel vm5, $0x7F800000, v31  }
0x3ab: {  	v42 =	vld [tilespmem:$0x1B2E0];
	v36 =	vmax.f32 v59, v40;
	v29 =	vmax.f32 v29, v63;
	v41 =	vperm.xlane v17, v7  }
0x3ac: {  	v45 =	vperm.xlane v36, v8;
	v44 =	vperm.xlane v29, v10;
	v22 =	vmin.f32 v22, v62  }
0x3ad: {  	v21 =	vsel vm6, v21, v25;
	v43 =	vperm.xlane v22, v8;
	v17 =	vmin.f32 v17, v41  }
0x3ae: {  	v25 =	vmax.f32 v36, v45;
	v29 =	vmax.f32 v29, v44;
	v46 =	vperm.xlane v17, v8  }
0x3af: {  	v36 =	vperm.xlane v25, v9;
	vm10 =	veq.f32 v51, v29;
	v22 =	vmin.f32 v22, v43  }
0x3b0: {  	v49 =	vnsel vm10, $0x7F800000, v42;
	v47 =	vperm.xlane v22, v9;
	v48 =	vmin.f32 v17, v46  }
0x3b1: {  	vm7 =	vmmov $0x7fff;
	v51 =	vperm.xlane v49, v7;
	v50 =	vperm.xlane v48, v9  }
0x3b2: {  	v17 =	vsel vm6, v19, v20;
	v20 =	vld [tilespmem:$0x1B2F0];
	v19 =	vmin.f32 v22, v47;
	v22 =	vmax.f32 v25, v36  }
0x3b3: {  	v53 =	vmin.f32 v49, v51;
	v52 =	vmin.f32 v48, v50;
	v54 =	vperm.xlane v22, v10  }
0x3b4: {  	vm4 =	vmmov $0xfff;
	v56 =	vperm.xlane v53, v8;
	v55 =	vperm.xlane v52, v10  }
0x3b5: {  	v23 =	vsel vm6, v23, v28;
	v18 =	vsel vm4, v18, v32;
	v22 =	vmax.f32 v22, v54  }
0x3b6: {  	v28 =	vmin.f32 v53, v56;
	v25 =	vmin.f32 v52, v55;
	vm11 =	veq.f32 v59, v22  }
0x3b7: {  	v58 =	vld [tilespmem:$0x1AFD0];
	v59 =	vperm.xlane v28, v9;
	vm6 =	veq.f32 v31, v25;
	v33 =	vnsel vm11, $0x7F800000, v20  }
0x3b8: {  	vm9 =	vmand vm5, vm6;
	vm5 =	vmmov $0x1fff;
	v60 =	vperm.xlane v33, v7  }
0x3b9: {  	v57 =	vperm.xlane v19, v10;
	vm6 =	vmmov $0x3fff;
	v18 =	vsel vm5, v18, v27  }
0x3ba: {  	v61 =	vmin.f32 v28, v59;
	v18 =	vsel vm6, v18, v29;
	v62 =	vmin.f32 v33, v60  }
0x3bb: {  	v31 =	vperm.xlane v61, v10;
	v33 =	vperm.xlane v62, v8;
	v18 =	vsel vm7, v18, v22  }
0x3bc: {  	v22 =	vmin.f32 v19, v57;
	v19 =	vnsel vm9, $0x4B800000, v58;
	v39 =	vperm.xlane v18, v7  }
0x3bd: {  	v63 =	vld [tilespmem:$0x1AFE0];
	v21 =	vsel vm4, v21, v24;
	v40 =	vperm.xlane v19, v7;
	v28 =	vmin.f32 v62, v33  }
0x3be: {  	v27 =	vmin.f32 v61, v31;
	v41 =	vperm.xlane v28, v9;
	v32 =	vmax.f32 v18, v39  }
0x3bf: {  	vm12 =	veq.f32 v42, v27;
	v19 =	vmin.f32 v19, v40;
	v42 =	vperm.xlane v32, v8  }
0x3c0: {  	v21 =	vsel vm5, v21, v25;
	v34 =	vperm.xlane v19, v8;
	v28 =	vmin.f32 v28, v41  }
0x3c1: {  	vm10 =	vmand vm10, vm12;
	v32 =	vmax.f32 v32, v42;
	v46 =	vperm.xlane v28, v10  }
0x3c2: {  	v43 =	vnsel vm10, $0x4B800000, v63;
	v19 =	vmin.f32 v19, v34;
	v47 =	vperm.xlane v32, v9  }
0x3c3: {  	v45 =	vld [tilespmem:$0x1AFF0];
	v44 =	vperm.xlane v43, v7;
	v48 =	vperm.xlane v19, v9;
	v28 =	vmin.f32 v28, v46  }
0x3c4: {  	v21 =	vsel vm6, v21, v27;
	vm12 =	veq.f32 v20, v28;
	v20 =	vmax.f32 v32, v47  }
0x3c5: {  	v31 =	vmin.f32 v43, v44;
	v50 =	vmin.f32 v19, v48;
	v19 =	vperm.xlane v20, v10  }
0x3c6: {  	vm13 =	veq.f32 v26, v22;
	v22 =	vsel vm4, v23, v22;
	v49 =	vperm.xlane v31, v8  }
0x3c7: {  	vm11 =	vmand vm11, vm12;
	v53 =	vperm.xlane v50, v10;
	v20 =	vmax.f32 v20, v19  }
0x3c8: {  	v51 =	vnsel vm11, $0x4B800000, v45;
	v19 =	vsel vm7, v21, v28;
	vm12 =	veq.f32 v18, v20  }
0x3c9: {  	vm8 =	vmand vm8, vm13;
	v52 =	vperm.xlane v51, v7;
	v54 =	vnsel vm12, $0x7F800000, v19  }
0x3ca: {  	v24 =	vmin.f32 v31, v49;
	v57 =	vmin.f32 v50, v53;
	v56 =	vperm.xlane v54, v7  }
0x3cb: {  	v20 =	vperm.xlane v24, v9;
	vm13 =	veq.f32 v58, v57;
	v21 =	vmin.f32 v51, v52  }
0x3cc: {  	v58 =	vnsel vm8, $0x4B800000, v11;
	v55 =	vperm.xlane v21, v8;
	v25 =	vmin.f32 v54, v56  }
0x3cd: {  	vm9 =	vmand vm9, vm13;
	v59 =	vperm.xlane v58, v7;
	v27 =	vperm.xlane v25, v8  }
0x3ce: {  	v20 =	vmin.f32 v24, v20;
	v60 =	vnsel vm9, $0x4B800000, v11;
	v21 =	vmin.f32 v21, v55  }
0x3cf: {  	v24 =	vperm.xlane v20, v10;
	v26 =	vperm.xlane v21, v9;
	v25 =	vmin.f32 v25, v27  }
0x3d0: {  	v22 =	vsel vm5, v22, v57;
	v33 =	vperm.xlane v60, v7;
	v27 =	vperm.xlane v25, v9  }
0x3d1: {  	v20 =	vmin.f32 v20, v24;
	v24 =	vmin.f32 v58, v59;
	v21 =	vmin.f32 v21, v26  }
0x3d2: {  	vm15 =	veq.f32 v63, v20;
	v26 =	vperm.xlane v21, v10;
	v25 =	vmin.f32 v25, v27  }
0x3d3: {  	v61 =	vperm.xlane v24, v8;
	vm8 =	vmand vm10, vm15;
	v63 =	vperm.xlane v25, v10  }
0x3d4: {  	v20 =	vsel vm6, v22, v20;
	v62 =	vnsel vm8, $0x4B800000, v11;
	v21 =	vmin.f32 v21, v26  }
0x3d5: {  	v24 =	vmin.f32 v24, v61;
	vm13 =	veq.f32 v45, v21;
	v25 =	vmin.f32 v25, v63  }
0x3d6: {  	v23 =	vperm.xlane v24, v9;
	vm8 =	vmand vm11, vm13;
	vm14 =	veq.f32 v19, v25  }
0x3d7: {  	v20 =	vsel vm7, v20, v21;
	v22 =	vnsel vm8, $0x4B800000, v11;
	vm8 =	vmand vm12, vm14  }
0x3d8: {  	v21 =	vmin.f32 v24, v23;
	v23 =	vperm.xlane v62, v7;
	v34 =	vnsel vm8, $0x4B800000, v20  }
0x3d9: {  	v25 =	vmin.f32 v60, v33;
	v35 =	vperm.xlane v22, v7;
	v36 =	vperm.xlane v34, v7  }
0x3da: {  	v37 =	vperm.xlane v21, v10;
	v23 =	vmin.f32 v62, v23;
	v38 =	vperm.xlane v25, v8  }
0x3db: {  	v39 =	vperm.xlane v23, v8;
	v22 =	vmin.f32 v22, v35;
	v24 =	vmin.f32 v34, v36  }
0x3dc: {  	v25 =	vmin.f32 v25, v38;
	v40 =	vperm.xlane v22, v8;
	v28 =	vperm.xlane v24, v8  }
0x3dd: {  	v21 =	vmin.f32 v21, v37;
	v23 =	vmin.f32 v23, v39;
	v41 =	vperm.xlane v25, v9  }
0x3de: {  	v42 =	vperm.xlane v23, v9;
	v22 =	vmin.f32 v22, v40;
	v24 =	vmin.f32 v24, v28  }
0x3df: {  	v25 =	vmin.f32 v25, v41;
	v43 =	vperm.xlane v22, v9;
	v28 =	vperm.xlane v24, v9  }
0x3e0: {  	v17 =	vsel vm4, v17, v21;
	v21 =	vmin.f32 v23, v42;
	v23 =	vperm.xlane v25, v10  }
0x3e1: {  	v44 =	vperm.xlane v21, v10;
	v22 =	vmin.f32 v22, v43;
	v24 =	vmin.f32 v24, v28  }
0x3e2: {  	v23 =	vmin.f32 v25, v23;
	v45 =	vperm.xlane v22, v10;
	v46 =	vperm.xlane v24, v10  }
0x3e3: {  	v21 =	vmin.f32 v21, v44;
	v17 =	vsel vm5, v17, v23  }
0x3e4: {  	v17 =	vsel vm6, v17, v21;
	v21 =	vmin.f32 v22, v45;
	v22 =	vmin.f32 v24, v46  }
0x3e5: {  	v17 =	vsel vm7, v17, v21;
	vm4 =	veq.f32 v20, v22  }
0x3e6: {  	v17 =	vadd.f32 v12, v17;
	vm4 =	vmand vm8, vm4  }
0x3e7: {  	v21 =	vnsel vm4, $0x4B800000, v11  }
0x3e8: {  	v47 =	vnsel vm4, $0x4B800000, v17;
	v23 =	vperm.xlane v21, v7  }
0x3e9: {  	v48 =	vperm.xlane v47, v7  }
0x3ea: {  	v21 =	vmin.f32 v21, v23  }
0x3eb: {  	v24 =	vmin.f32 v47, v48;
	v23 =	vperm.xlane v21, v8  }
0x3ec: {  	v25 =	vperm.xlane v24, v8  }
0x3ed: {  	v21 =	vmin.f32 v21, v23  }
0x3ee: {  	v24 =	vmin.f32 v24, v25;
	v23 =	vperm.xlane v21, v9  }
0x3ef: {  	v25 =	vperm.xlane v24, v9  }
0x3f0: {  	v21 =	vmin.f32 v21, v23  }
0x3f1: {  	v24 =	vmin.f32 v24, v25;
	v23 =	vperm.xlane v21, v10  }
0x3f2: {  	v25 =	vperm.xlane v24, v10  }
0x3f3: {  	v21 =	vmin.f32 v21, v23  }
0x3f4: {  	v23 =	vmin.f32 v24, v25;
	v49 =	vtrunc.f32 v21  }
0x3f5: {  	s26 =	simm.s32 $0x0;
	v23 =	vtrunc.f32 v23;
	v24 =	vcvt.f32.s32 v49  }
0x3f6: {  	v50 =	vmov s26;
	v23 =	vcvt.f32.s32 v23  }
0x3f7: {  	v51 =	vshll.u32 v24, $0x4  }
0x3f8: {  	v22 =	vtrunc.f32 v22;
	v26 =	vor.u32 v0, v51  }
0x3f9: {  	v22 =	vcvt.f32.s32 v22;
	_ =	sdelay $0x1  }
0x3fa: {  	[tilespmem:v50+s31+$0x0] =	vst.idx.msk $0x1, v22  }
0x3fb: {  	[tilespmem:v23+s0+$0x0] =	vst.idx.msk $0x1, v13  }
0x3fc: {  	v22 =	vld.idx.msk [tilespmem:v26+s0+$0x0], $0xffff;
	_ =	sdelay $0x4  }
0x3fd: {  	v23 =	vperm.xlane v22, v7;
	_ =	sdelay $0x1  }
0x3fe: {  	v23 =	vmax.f32 v22, v23  }
0x3ff: {  	v52 =	vperm.xlane v23, v8;
	_ =	sdelay $0x1  }
0x400: {  	v23 =	vmax.f32 v23, v52  }
0x401: {  	v25 =	vperm.xlane v23, v9;
	_ =	sdelay $0x1  }
0x402: {  	v53 =	vld.idx.msk [tilespmem:v26+s3+$0x0], $0xffff;
	v23 =	vmax.f32 v23, v25  }
0x403: {  	v25 =	vperm.xlane v23, v10;
	_ =	sdelay $0x1  }
0x404: {  	v23 =	vmax.f32 v23, v25  }
0x405: {  	vm5 =	veq.f32 v22, v23  }
0x406: {  	vm4 =	veq.s32 v24, v0;
	v22 =	vnsel vm5, $0x7F800000, v53  }
0x407: {  	v18 =	vsel vm4, v23, v18;
	v23 =	vperm.xlane v22, v7  }
0x408: {  	v54 =	vperm.xlane v18, v7  }
0x409: {  	v22 =	vmin.f32 v22, v23  }
0x40a: {  	v23 =	vmax.f32 v18, v54;
	v55 =	vperm.xlane v22, v8  }
0x40b: {  	v56 =	vperm.xlane v23, v8  }
0x40c: {  	v22 =	vmin.f32 v22, v55  }
0x40d: {  	v23 =	vmax.f32 v23, v56;
	v24 =	vperm.xlane v22, v9  }
0x40e: {  	v25 =	vperm.xlane v23, v9  }
0x40f: {  	v22 =	vmin.f32 v22, v24  }
0x410: {  	v57 =	vld.idx.msk [tilespmem:v26+s21+$0x0], $0xffff;
	v23 =	vmax.f32 v23, v25;
	v58 =	vperm.xlane v22, v10  }
0x411: {  	v59 =	vperm.xlane v23, v10  }
0x412: {  	v22 =	vmin.f32 v22, v58  }
0x413: {  	v23 =	vmax.f32 v23, v59;
	vm6 =	veq.f32 v53, v22  }
0x414: {  	v19 =	vsel vm4, v22, v19;
	vm7 =	veq.f32 v18, v23;
	vm5 =	vmand vm5, vm6  }
0x415: {  	v22 =	vnsel vm7, $0x7F800000, v19;
	v23 =	vnsel vm5, $0x4B800000, v57  }
0x416: {  	v60 =	vperm.xlane v22, v7;
	v61 =	vperm.xlane v23, v7;
	_ =	sdelay $0x1  }
0x417: {  	v22 =	vmin.f32 v22, v60;
	v23 =	vmin.f32 v23, v61  }
0x418: {  	v25 =	vperm.xlane v22, v8;
	v26 =	vperm.xlane v23, v8;
	_ =	sdelay $0x1  }
0x419: {  	v22 =	vmin.f32 v22, v25;
	v23 =	vmin.f32 v23, v26  }
0x41a: {  	v25 =	vperm.xlane v22, v9;
	v26 =	vperm.xlane v23, v9;
	_ =	sdelay $0x1  }
0x41b: {  	v22 =	vmin.f32 v22, v25;
	v23 =	vmin.f32 v23, v26  }
0x41c: {  	v25 =	vperm.xlane v22, v10;
	v26 =	vperm.xlane v23, v10;
	_ =	sdelay $0x1  }
0x41d: {  	v22 =	vmin.f32 v22, v25;
	v23 =	vmin.f32 v23, v26  }
0x41e: {  	vm6 =	veq.f32 v19, v22;
	vm15 =	veq.f32 v57, v23  }
0x41f: {  	v20 =	vsel vm4, v23, v20;
	vm6 =	vmand vm7, vm6;
	vm5 =	vmand vm5, vm15  }
0x420: {  	v22 =	vnsel vm6, $0x4B800000, v20;
	v23 =	vnsel vm5, $0x4B800000, v11  }
0x421: {  	v62 =	vperm.xlane v22, v7;
	v63 =	vperm.xlane v23, v7;
	_ =	sdelay $0x1  }
0x422: {  	v22 =	vmin.f32 v22, v62;
	v23 =	vmin.f32 v23, v63  }
0x423: {  	v24 =	vperm.xlane v22, v8;
	v25 =	vperm.xlane v23, v8;
	_ =	sdelay $0x1  }
0x424: {  	v22 =	vmin.f32 v22, v24;
	v23 =	vmin.f32 v23, v25  }
0x425: {  	v24 =	vperm.xlane v22, v9;
	v25 =	vperm.xlane v23, v9;
	_ =	sdelay $0x1  }
0x426: {  	v22 =	vmin.f32 v22, v24;
	v23 =	vmin.f32 v23, v25  }
0x427: {  	v24 =	vperm.xlane v22, v10;
	v25 =	vperm.xlane v23, v10  }
0x428: {  	v21 =	vmul.f32 $1.600000000e+01, v21  }
0x429: {  	v22 =	vmin.f32 v22, v24;
	v23 =	vmin.f32 v23, v25  }
0x42a: {  	s22 =	sshll.u32 s13, $0x7;
	s14 =	sadd.s32 $0x1, s13;
	vm5 =	veq.f32 v20, v22;
	v22 =	vtrunc.f32 v22;
	v21 =	vadd.f32 v23, v21  }
0x42b: {  	s10 =	simm.s32 $0x1;
	s11 =	simm.s32 $0x2;
	s6 =	sand.u32 $0x380, s22;
	vm5 =	vmand vm6, vm5;
	v22 =	vcvt.f32.s32 v22  }
.LBB2_52:
0x42c: {  	p0 =	sne.s32 s11, $0x3F;
	v23 =	vnsel vm5, $0x4B800000, v11;
	v17 =	vsel vm4, v21, v17;
	s1 =	smov.u32 s11;
	s11 =	sadd.s32 $0x1, s11  }
0x42d: {  	v21 =	vperm.xlane v23, v7;
	v24 =	vnsel vm5, $0x4B800000, v17  }
0x42e: {  	v25 =	vperm.xlane v24, v7  }
0x42f: {  	v21 =	vmin.f32 v23, v21  }
0x430: {  	v23 =	vperm.xlane v21, v8;
	v24 =	vmin.f32 v24, v25  }
0x431: {  	v25 =	vperm.xlane v24, v8  }
0x432: {  	v21 =	vmin.f32 v21, v23  }
0x433: {  	v23 =	vperm.xlane v21, v9;
	v24 =	vmin.f32 v24, v25  }
0x434: {  	v25 =	vperm.xlane v24, v9  }
0x435: {  	v21 =	vmin.f32 v21, v23  }
0x436: {  	v23 =	vperm.xlane v21, v10;
	v24 =	vmin.f32 v24, v25  }
0x437: {  	v25 =	vperm.xlane v24, v10  }
0x438: {  	v21 =	vmin.f32 v21, v23  }
0x439: {  	v23 =	vmin.f32 v24, v25;
	v24 =	vtrunc.f32 v21  }
0x43a: {  	v24 =	vcvt.f32.s32 v24;
	v23 =	vtrunc.f32 v23  }
0x43b: {  	v25 =	vmov s10;
	s10 =	smov.u32 s1;
	v23 =	vcvt.f32.s32 v23  }
0x43c: {  	v26 =	vshll.u32 v24, $0x4  }
0x43d: {  	v26 =	vor.u32 v0, v26;
	_ =	sdelay $0x2  }
0x43e: {  	[tilespmem:v25+s31+$0x0] =	vst.idx.msk $0x1, v22  }
0x43f: {  	[tilespmem:v23+s0+$0x0] =	vst.idx.msk $0x1, v13  }
0x440: {  	v22 =	vld.idx.msk [tilespmem:v26+s0+$0x0], $0xffff  }
0x441: {  	v23 =	vld.idx.msk [tilespmem:v26+s21+$0x0], $0xffff;
	_ =	sdelay $0x4  }
0x442: {  	v25 =	vperm.xlane v22, v7;
	_ =	sdelay $0x1  }
0x443: {  	v25 =	vmax.f32 v22, v25  }
0x444: {  	v27 =	vperm.xlane v25, v8;
	_ =	sdelay $0x1  }
0x445: {  	v25 =	vmax.f32 v25, v27  }
0x446: {  	v27 =	vperm.xlane v25, v9  }
0x447: {  	v26 =	vld.idx.msk [tilespmem:v26+s3+$0x0], $0xffff  }
0x448: {  	v25 =	vmax.f32 v25, v27  }
0x449: {  	v27 =	vperm.xlane v25, v10;
	_ =	sdelay $0x1  }
0x44a: {  	vm4 =	veq.s32 v24, v0;
	v25 =	vmax.f32 v25, v27  }
0x44b: {  	vm6 =	veq.f32 v22, v25;
	v18 =	vsel vm4, v25, v18  }
0x44c: {  	v22 =	vnsel vm6, $0x7F800000, v26  }
0x44d: {  	v24 =	vperm.xlane v22, v7  }
0x44e: {  	v25 =	vperm.xlane v18, v7  }
0x44f: {  	v22 =	vmin.f32 v22, v24  }
0x450: {  	v24 =	vmax.f32 v18, v25;
	v25 =	vperm.xlane v22, v8  }
0x451: {  	v27 =	vperm.xlane v24, v8  }
0x452: {  	v22 =	vmin.f32 v22, v25  }
0x453: {  	v24 =	vmax.f32 v24, v27;
	v25 =	vperm.xlane v22, v9  }
0x454: {  	v27 =	vperm.xlane v24, v9  }
0x455: {  	v22 =	vmin.f32 v22, v25  }
0x456: {  	v24 =	vmax.f32 v24, v27;
	v25 =	vperm.xlane v22, v10  }
0x457: {  	v27 =	vperm.xlane v24, v10  }
0x458: {  	v22 =	vmin.f32 v22, v25  }
0x459: {  	v24 =	vmax.f32 v24, v27;
	vm7 =	veq.f32 v26, v22;
	v19 =	vsel vm4, v22, v19  }
0x45a: {  	vm5 =	veq.f32 v18, v24;
	vm6 =	vmand vm6, vm7  }
0x45b: {  	v22 =	vnsel vm5, $0x7F800000, v19;
	v24 =	vnsel vm6, $0x4B800000, v23  }
0x45c: {  	v25 =	vperm.xlane v22, v7;
	v26 =	vperm.xlane v24, v7;
	_ =	sdelay $0x1  }
0x45d: {  	v22 =	vmin.f32 v22, v25;
	v24 =	vmin.f32 v24, v26  }
0x45e: {  	v25 =	vperm.xlane v22, v8;
	v26 =	vperm.xlane v24, v8;
	_ =	sdelay $0x1  }
0x45f: {  	v22 =	vmin.f32 v22, v25;
	v24 =	vmin.f32 v24, v26  }
0x460: {  	v25 =	vperm.xlane v22, v9;
	v26 =	vperm.xlane v24, v9;
	_ =	sdelay $0x1  }
0x461: {  	v22 =	vmin.f32 v22, v25;
	v24 =	vmin.f32 v24, v26  }
0x462: {  	v25 =	vperm.xlane v22, v10;
	v26 =	vperm.xlane v24, v10;
	_ =	sdelay $0x1  }
0x463: {  	v22 =	vmin.f32 v22, v25;
	v24 =	vmin.f32 v24, v26  }
0x464: {  	vm7 =	veq.f32 v19, v22;
	vm8 =	veq.f32 v23, v24;
	v20 =	vsel vm4, v24, v20  }
0x465: {  	vm5 =	vmand vm5, vm7;
	vm6 =	vmand vm6, vm8  }
0x466: {  	v22 =	vnsel vm5, $0x4B800000, v20;
	v23 =	vnsel vm6, $0x4B800000, v11  }
0x467: {  	v24 =	vperm.xlane v22, v7;
	v25 =	vperm.xlane v23, v7;
	_ =	sdelay $0x1  }
0x468: {  	v22 =	vmin.f32 v22, v24;
	v23 =	vmin.f32 v23, v25  }
0x469: {  	v24 =	vperm.xlane v22, v8;
	v25 =	vperm.xlane v23, v8;
	_ =	sdelay $0x1  }
0x46a: {  	v22 =	vmin.f32 v22, v24;
	v23 =	vmin.f32 v23, v25  }
0x46b: {  	v24 =	vperm.xlane v22, v9;
	v25 =	vperm.xlane v23, v9;
	_ =	sdelay $0x1  }
0x46c: {  	v22 =	vmin.f32 v22, v24;
	v23 =	vmin.f32 v23, v25  }
.Ltmp34:
0x46d: {  	v24 =	vperm.xlane v22, v10;
	v25 =	vperm.xlane v23, v10;
	(pc) =	sbr.rel @p0 .LBB2_52-.Ltmp34, $4  }
0x46e: {  	v21 =	vmul.f32 $1.600000000e+01, v21  }
0x46f: {  	v22 =	vmin.f32 v22, v24;
	v23 =	vmin.f32 v23, v25  }
0x470: {  	vm6 =	veq.f32 v20, v22;
	v22 =	vtrunc.f32 v22;
	v21 =	vadd.f32 v23, v21  }
0x471: {  	vm5 =	vmand vm5, vm6;
	v22 =	vcvt.f32.s32 v22  }
0x472: {  	v17 =	vsel vm4, v21, v17  }
0x473: {  	v17 =	vnsel vm5, $0x4B800000, v17  }
0x474: {  	v18 =	vperm.xlane v17, v7;
	_ =	sdelay $0x1  }
0x475: {  	v17 =	vmin.f32 v17, v18  }
0x476: {  	v18 =	vperm.xlane v17, v8;
	_ =	sdelay $0x1  }
0x477: {  	v17 =	vmin.f32 v17, v18  }
0x478: {  	v18 =	vperm.xlane v17, v9;
	_ =	sdelay $0x1  }
0x479: {  	v17 =	vmin.f32 v17, v18  }
0x47a: {  	v18 =	vperm.xlane v17, v10;
	_ =	sdelay $0x1  }
0x47b: {  	v17 =	vmin.f32 v17, v18  }
0x47c: {  	v17 =	vtrunc.f32 v17  }
0x47d: {  	v46 =	vmov s10;
	v17 =	vcvt.f32.s32 v17;
	_ =	sdelay $0x4  }
0x47e: {  	p0 =	seq.s32 s13, $0x0;
	[tilespmem:v46+s31+$0x0] =	vst.idx.msk $0x1, v22  }
0x47f: {  	s1 =	simm.s32 @!p0 $0x2;
	[tilespmem:v17+s0+$0x0] =	vst.idx.msk $0x1, v13  }
0x480: {  	_ =	swait.ge @!p0 [sflag:s1], $0x100  }
0x481: {  	[sflag:s1] =	ssyncset.done @!p0 $0x0  }
0x482: {  	[sflag:s1] =	ssyncadd.s32 @!p0 $0xFFFFFF00  }
0x483: {  	v47 =	vld [tilespmem:$0x1B380];
	_ =	sdelay $0x7  }
0x484: {  	v48 =	vld.idx.msk [tilespmem:v47+s2+$0x0], $0xffff  }
0x485: {  	v20 =	vmul.u32 $0x4, v0;
	v19 =	vld.idx.msk [tilespmem:v47+s18+$0x0], $0xffff  }
0x486: {  	v49 =	vld.idx.msk [tilespmem:v47+s19+$0x0], $0xffff  }
0x487: {  	v16 =	vbroadcast v16, $0xF;
	v50 =	vor.u32 $0x1, v20  }
0x488: {  	v15 =	vbroadcast v15, $0xF;
	v23 =	vor.u32 $0x2, v20  }
0x489: {  	v14 =	vbroadcast v14, $0xF;
	v24 =	vor.u32 $0x3, v20;
	v17 =	vld.idx.msk [tilespmem:v47+s20+$0x0], $0xffff;
	v18 =	vsub.f32 v48, v16  }
0x48a: {  	v19 =	vsub.f32 v19, v15  }
0x48b: {  	v21 =	vsub.f32 v49, v14;
	[tilespmem:v20+s8+$0x0] =	vst.idx.msk $0xffff, v18  }
0x48c: {  	[tilespmem:v50+s8+$0x0] =	vst.idx.msk $0xffff, v19  }
0x48d: {  	[tilespmem:v23+s8+$0x0] =	vst.idx.msk $0xffff, v21  }
0x48e: {  	[tilespmem:v24+s8+$0x0] =	vst.idx.msk $0xffff, v17  }
0x48f: {  	v17 =	vld [tilespmem:$0x1B390];
	_ =	sdelay $0x7  }
0x490: {  	v18 =	vld.idx.msk [tilespmem:v17+s2+$0x0], $0xffff  }
0x491: {  	v19 =	vld.idx.msk [tilespmem:v17+s18+$0x0], $0xffff  }
0x492: {  	v51 =	vor.u32 $0x40, v20;
	v21 =	vld.idx.msk [tilespmem:v17+s19+$0x0], $0xffff  }
0x493: {  	v52 =	vor.u32 $0x41, v20  }
0x494: {  	v53 =	vor.u32 $0x42, v20  }
0x495: {  	v25 =	vor.u32 $0x43, v20;
	v17 =	vld.idx.msk [tilespmem:v17+s20+$0x0], $0xffff;
	v18 =	vsub.f32 v18, v16  }
0x496: {  	v19 =	vsub.f32 v19, v15  }
0x497: {  	v21 =	vsub.f32 v21, v14;
	[tilespmem:v51+s8+$0x0] =	vst.idx.msk $0xffff, v18  }
0x498: {  	[tilespmem:v52+s8+$0x0] =	vst.idx.msk $0xffff, v19  }
0x499: {  	[tilespmem:v53+s8+$0x0] =	vst.idx.msk $0xffff, v21  }
0x49a: {  	[tilespmem:v25+s8+$0x0] =	vst.idx.msk $0xffff, v17  }
0x49b: {  	v17 =	vld [tilespmem:$0x1B3A0];
	_ =	sdelay $0x7  }
0x49c: {  	v18 =	vld.idx.msk [tilespmem:v17+s2+$0x0], $0xffff  }
0x49d: {  	v19 =	vld.idx.msk [tilespmem:v17+s18+$0x0], $0xffff  }
0x49e: {  	v54 =	vor.u32 $0x80, v20;
	v21 =	vld.idx.msk [tilespmem:v17+s19+$0x0], $0xffff  }
0x49f: {  	v55 =	vor.u32 $0x81, v20  }
0x4a0: {  	v56 =	vor.u32 $0x82, v20  }
0x4a1: {  	v57 =	vor.u32 $0x83, v20;
	v17 =	vld.idx.msk [tilespmem:v17+s20+$0x0], $0xffff;
	v18 =	vsub.f32 v18, v16  }
0x4a2: {  	v19 =	vsub.f32 v19, v15  }
0x4a3: {  	v58 =	vsub.f32 v21, v14;
	[tilespmem:v54+s8+$0x0] =	vst.idx.msk $0xffff, v18  }
0x4a4: {  	[tilespmem:v55+s8+$0x0] =	vst.idx.msk $0xffff, v19  }
0x4a5: {  	[tilespmem:v56+s8+$0x0] =	vst.idx.msk $0xffff, v58  }
0x4a6: {  	[tilespmem:v57+s8+$0x0] =	vst.idx.msk $0xffff, v17  }
0x4a7: {  	v17 =	vld [tilespmem:$0x1B3B0];
	_ =	sdelay $0x7  }
0x4a8: {  	v18 =	vld.idx.msk [tilespmem:v17+s2+$0x0], $0xffff  }
0x4a9: {  	v19 =	vld.idx.msk [tilespmem:v17+s18+$0x0], $0xffff  }
0x4aa: {  	v60 =	vor.u32 $0xC0, v20;
	v59 =	vld.idx.msk [tilespmem:v17+s19+$0x0], $0xffff  }
0x4ab: {  	v61 =	vor.u32 $0xC1, v20  }
0x4ac: {  	v62 =	vor.u32 $0xC2, v20  }
0x4ad: {  	s17 =	sshll.u32 s12, $0x8;
	v63 =	vor.u32 $0xC3, v20;
	v17 =	vld.idx.msk [tilespmem:v17+s20+$0x0], $0xffff;
	v16 =	vsub.f32 v18, v16  }
0x4ae: {  	s4 =	rddreg [dreg:$0x5];
	s1 =	sand.u32 $0xFFFFF800, s17;
	p0 =	sne.s32 s14, $0x20;
	v15 =	vsub.f32 v19, v15  }
.Ltmp35:
0x4af: {  	s1 =	sadd.s32 s4, s1;
	v14 =	vsub.f32 v59, v14;
	[tilespmem:v60+s8+$0x0] =	vst.idx.msk $0xffff, v16;
	(pc) =	sbr.rel @p0 .LBB2_2-.Ltmp35, $4  }
.Ltmp36:
0x4b0: {  	s1 =	sor.u32 s6, s1;
	[tilespmem:v61+s8+$0x0] =	vst.idx.msk $0xffff, v15;
	(pc) =	sbr.rel @!p0 .LBB2_54-.Ltmp36, $4  }
0x4b1: {  	s26 =	simm.s32 $0x80;
	s22 =	rddreg [dreg:$0x3];
	s1 =	sshrl.u32 s1, $0x3;
	[tilespmem:v62+s8+$0x0] =	vst.idx.msk $0xffff, v14  }
0x4b2: {  	s5 =	simm.s32 $0x400;
	s13 =	smov.u32 s14;
	s1 =	sadd.s32 s22, s1;
	[tilespmem:v63+s8+$0x0] =	vst.idx.msk $0xffff, v17  }
0x4b3: {  	[hbm4b:s1+s26] =	stream.strided.scatter [tilespmem:s8], [sflag:$0x2], $0x100, s5, s26, $0x38;
	[tilespmem:$0x1B500] =	vst v63  }
0x4b4: {  	_ = 	snop  }
.LBB2_7:
.Ltmp37:
0x4b5: {  	(pc) =	sbr.rel .LBB2_12-.Ltmp37, $2  }
0x4b6: {  	_ =	sdelay $0x2  }
0x4b7: {  	s17 =	simm.s32 $0x18010;
	v42 =	vimm.s32 $0x0;
	vm4 =	vmmov vm0;
	v40 =	vimm.s32 $0x0  }
.LBB2_9:
.Ltmp38:
0x4b8: {  	(pc) =	sbr.rel .LBB2_12-.Ltmp38, $2  }
0x4b9: {  	_ =	sdelay $0x2  }
0x4ba: {  	s15 =	smov.u32 s11;
	s17 =	simm.s32 $0x18010;
	v53 =	vmov v38;
	v47 =	vmov v43;
	v40 =	vmov v42;
	s1 =	simm.s32 $0x2  }
.LBB2_23:
.Ltmp39:
0x4bb: {  	(pc) =	sbr.rel .LBB2_42-.Ltmp39, $2  }
0x4bc: {  	_ =	sdelay $0x2  }
0x4bd: {  	s4 =	simm.s32 $0x1A500;
	p2 =	por $0x0, $0x0;
	v23 =	vmov v19  }
.LBB2_43:
.Ltmp40:
0x4be: {  	(pc) =	sbr.rel .LBB2_50-.Ltmp40, $2  }
0x4bf: {  	_ =	sdelay $0x2  }
0x4c0: {  	s1 =	simm.s32 $0x1A500;
	v25 =	vmov v19;
	v27 =	vmov v20;
	p1 =	por $0x0, $0x0;
	p2 =	por $0x0, $0x0  }
.LBB2_38:
.Ltmp41:
0x4c1: {  	(pc) =	sbr.rel .LBB2_42-.Ltmp41, $2  }
0x4c2: {  	_ =	sdelay $0x2  }
0x4c3: {  	v23 =	vmov v19;
	s4 =	simm.s32 $0x1A500;
	p2 =	por $0x0, $0x0  }
.LBB2_45:
.Ltmp42:
0x4c4: {  	(pc) =	sbr.rel .LBB2_50-.Ltmp42, $2  }
0x4c5: {  	_ =	sdelay $0x2  }
0x4c6: {  	s1 =	simm.s32 $0x1A500;
	v25 =	vmov v19;
	v27 =	vmov v20;
	p2 =	por $0x0, $0x0  }
.LBB2_40:
.Ltmp43:
0x4c7: {  	(pc) =	sbr.rel .LBB2_42-.Ltmp43, $2  }
0x4c8: {  	_ =	sdelay $0x2  }
0x4c9: {  	v23 =	vmov v19;
	s4 =	simm.s32 $0x1A500  }
.LBB2_47:
.Ltmp44:
0x4ca: {  	(pc) =	sbr.rel .LBB2_50-.Ltmp44, $2  }
0x4cb: {  	_ =	sdelay $0x2  }
0x4cc: {  	v26 =	vmovc v23;
	s1 =	simm.s32 $0x1A500;
	vm8 =	vmmov vm6;
	v25 =	vmov v19;
	v27 =	vmov v20  }
.LBB2_55:
0x4cd: {  	_ =	sfence.sel $0x180000  }
0x4ce: {  	[bflag:$0x0] =	sbarrier.arrive $0xFFFF  }
0x4cf: {  	_ =	strace $0x90000047  }
0x4d0: {  	s0 =	stileid.u32;
	[bflag:$0x2] =	sbarrier.arrive $0xFFFF  }
0x4d1: {  	p0 =	sne.s32 s0, $0x0;
	s0 =	rddreg [dreg:$0x4]  }
0x4d2: {  	s0 =	sadd.s32 @!p0 $0x100000, s0  }
0x4d3: {  	[sflag:s0] =	ssyncadd.tile.s32 @!p0 $0x1;
	_ =	shalt  }
.Lfunc_end2:
_tile_overlayer_lowered:
.L_overlay_start_2:
0x4d4: {  	(tag) =	ssettag $0x2  }
0x4d5: {  	s0 =	rddreg [dreg:$0x0];
	s2 =	stileid.u32  }
0x4d6: {  	s1 =	rddreg [dreg:$0x1];
	p0 =	sne.s32 s2, $0x0  }
0x4d7: {  	s3 =	rddreg [dreg:$0x2];
	[bflag:$0x3] =	sbarrier.arrive $0xFFFF;
	s2 =	simm.s32 @!p0 $0x1C03  }
0x4d8: {  	[timem:s3], [sflag:s2] =	dma.local @!p0 [hbm:s0], s1  }
0x4d9: {  	s0 =	simm.s32 @!p0 $0x3  }
0x4da: {  	_ =	swait.ge @!p0 [sflag:s0], s1  }
0x4db: {  	s1 =	ssub.s32 @!p0 $0x0, s1;
	[sflag:s0] =	ssyncset.done @!p0 $0x0  }
0x4dc: {  	[sflag:s0] =	ssyncadd.s32 @!p0 s1  }
0x4dd: {  	[bflag:$0x3] =	sbarrier.arrive $0xFFFF  }
0x4de: {  	_ =	shalt  }

</sc_bundles>
